<compile_context>
chip_gen: v7x
topology: tpu7x:2x2x1
jax: 0.10.2.dev20260603
libtpu: 0.0.44.dev20260713+nightly
codegen_flags: <defaults>
</compile_context>

<pallas_src>
import functools

import jax
import jax.numpy as jnp
from jax import lax
from jax.experimental import pallas as pl
from jax.experimental.pallas import tpu as pltpu
from jax.experimental.pallas import tpu_sc as plsc

N = 10000
E = 320000
G = 64
D_IN = 128
D_H = 64
HEADS = 2
D_OUT = 64

RB = 400
NBLK = N // RB
NCORES = 2
NSUB = 16
K = 128
EV = E + N
EP = 335872
NCHT = EP // K
RPT = N // NSUB

D = 64
W = 80


def _proj_body(x_ref, wl_ref, bl_ref, wr_ref, br_ref, xl_ref, xr_ref):
    xb = x_ref[...]
    xl_ref[...] = jnp.dot(xb, wl_ref[...], preferred_element_type=jnp.float32) + bl_ref[...]
    xr_ref[...] = jnp.dot(xb, wr_ref[...], preferred_element_type=jnp.float32) + br_ref[...]


def _proj_call(xp, Wl, bl, Wr, br, d_in, d_out):
    return pl.pallas_call(
        _proj_body,
        grid=(NBLK,),
        in_specs=[
            pl.BlockSpec((RB, d_in), lambda i: (i, 0)),
            pl.BlockSpec((d_in, d_out), lambda i: (0, 0)),
            pl.BlockSpec((1, d_out), lambda i: (0, 0)),
            pl.BlockSpec((d_in, d_out), lambda i: (0, 0)),
            pl.BlockSpec((1, d_out), lambda i: (0, 0)),
        ],
        out_specs=[
            pl.BlockSpec((RB, d_out), lambda i: (i, 0)),
            pl.BlockSpec((RB, d_out), lambda i: (i, 0)),
        ],
        out_shape=[
            jax.ShapeDtypeStruct((N, d_out), jnp.float32),
            jax.ShapeDtypeStruct((N, d_out), jnp.float32),
        ],
    )(xp, Wl, bl, Wr, br)


def _mid_body(a0_ref, a1_ref, b1_ref, wl_ref, bl_ref, wr_ref, br_ref,
              xl_ref, xr_ref):
    s0 = a0_ref[...]
    s1 = a1_ref[...]
    h0 = s0[:, 0:64] / (s0[:, 64:65] + 1e-16)
    h1 = s1[:, 0:64] / (s1[:, 64:65] + 1e-16)
    h = jnp.concatenate([h0, h1], axis=1) + b1_ref[...]
    h = jnp.where(h > 0, h, jnp.exp(h) - 1.0)
    xl_ref[...] = jnp.dot(h, wl_ref[...], preferred_element_type=jnp.float32) + bl_ref[...]
    xr_ref[...] = jnp.dot(h, wr_ref[...], preferred_element_type=jnp.float32) + br_ref[...]


def _mid_call(accA, accB, b1, Wl2, bl2, Wr2, br2):
    return pl.pallas_call(
        _mid_body,
        grid=(NBLK,),
        in_specs=[
            pl.BlockSpec((RB, W), lambda i: (i, 0)),
            pl.BlockSpec((RB, W), lambda i: (i, 0)),
            pl.BlockSpec((1, 128), lambda i: (0, 0)),
            pl.BlockSpec((128, 64), lambda i: (0, 0)),
            pl.BlockSpec((1, 64), lambda i: (0, 0)),
            pl.BlockSpec((128, 64), lambda i: (0, 0)),
            pl.BlockSpec((1, 64), lambda i: (0, 0)),
        ],
        out_specs=[
            pl.BlockSpec((RB, 64), lambda i: (i, 0)),
            pl.BlockSpec((RB, 64), lambda i: (i, 0)),
        ],
        out_shape=[
            jax.ShapeDtypeStruct((N, 64), jnp.float32),
            jax.ShapeDtypeStruct((N, 64), jnp.float32),
        ],
    )(accA, accB, b1, Wl2, bl2, Wr2, br2)


def _pool_body(a_ref, b_ref, b2_ref, bat_ref, wlin_ref, blin_ref,
               out_ref, sums_ref, cnt_ref):
    i = pl.program_id(0)
    s = a_ref[...] + b_ref[...]
    h = s[:, 0:64] / (s[:, 64:65] + 1e-16) + b2_ref[...]
    h = jnp.where(h > 0, h, jnp.exp(h) - 1.0)
    gid = lax.broadcasted_iota(jnp.int32, (1, G), 1)
    oh = (bat_ref[...] == gid).astype(jnp.float32)

    @pl.when(i == 0)
    def _():
        sums_ref[...] = jnp.zeros_like(sums_ref)
        cnt_ref[...] = jnp.zeros_like(cnt_ref)

    dn = (((0,), (0,)), ((), ()))
    sums_ref[...] += lax.dot_general(oh, h, dn, preferred_element_type=jnp.float32)
    cnt_ref[...] += lax.dot_general(oh, jnp.ones((RB, 1), jnp.float32), dn,
                                    preferred_element_type=jnp.float32)

    @pl.when(i == NBLK - 1)
    def _():
        pooled = sums_ref[...] / jnp.maximum(cnt_ref[...], 1.0)
        out_ref[...] = jnp.dot(pooled, wlin_ref[...],
                               preferred_element_type=jnp.float32) + blin_ref[...]


def _pool_call(accA, accB, b2, batp, Wlin, blin):
    return pl.pallas_call(
        _pool_body,
        grid=(NBLK,),
        in_specs=[
            pl.BlockSpec((RB, W), lambda i: (i, 0)),
            pl.BlockSpec((RB, W), lambda i: (i, 0)),
            pl.BlockSpec((1, 64), lambda i: (0, 0)),
            pl.BlockSpec((RB, 1), lambda i: (i, 0)),
            pl.BlockSpec((64, 2), lambda i: (0, 0)),
            pl.BlockSpec((1, 2), lambda i: (0, 0)),
        ],
        out_specs=pl.BlockSpec((G, 2), lambda i: (0, 0)),
        out_shape=jax.ShapeDtypeStruct((G, 2), jnp.float32),
        scratch_shapes=[
            pltpu.VMEM((G, 64), jnp.float32),
            pltpu.VMEM((G, 1), jnp.float32),
        ],
    )(accA, accB, b2, batp, Wlin, blin)


def _make_edge_kernel(split):
    NJ = D // 16
    ept = EP // NSUB if split else EP // (NCORES * NSUB)
    nch = ept // K
    mesh = plsc.VectorSubcoreMesh(core_axis_name="c", subcore_axis_name="s")

    @functools.partial(
        pl.kernel,
        mesh=mesh,
        compiler_params=pltpu.CompilerParams(
            needs_layout_passes=False, use_tc_tiling_on_sc=False),
        out_type=jax.ShapeDtypeStruct((NCORES, N, W), jnp.float32),
        scratch_types=[
            pltpu.VMEM((2, K), jnp.int32),
            pltpu.VMEM((2, K), jnp.int32),
            pltpu.VMEM((K,), jnp.int32),
            pltpu.VMEM((K,), jnp.int32),
            pltpu.VMEM((K,), jnp.int32),
            pltpu.VMEM((K,), jnp.int32),
            pltpu.VMEM((K, D), jnp.float32),
            pltpu.VMEM((K, D), jnp.float32),
            pltpu.VMEM((K, D), jnp.float32),
            pltpu.VMEM((K, D), jnp.float32),
            pltpu.VMEM((K,), jnp.int32),
            pltpu.VMEM((K,), jnp.int32),
            pltpu.VMEM((K, W), jnp.float32),
            pltpu.VMEM((K, W), jnp.float32),
            pltpu.VMEM((D * (2 if split else 1),), jnp.float32),
            pltpu.VMEM_SHARED((N, W), jnp.float32),
            pltpu.SemaphoreType.DMA,
            pltpu.SemaphoreType.DMA,
            pltpu.SemaphoreType.DMA,
            pltpu.SemaphoreType.DMA,
            pltpu.SemaphoreType.DMA,
            pltpu.SemaphoreType.DMA,
        ],
    )
    def edge_kernel(xl_hbm, xr_hbm, sd_hbm, att_hbm, out_hbm,
                    sdA, sdB, sgA, dgA, sgB, dgB, xlA, xrA, xlB, xrB,
                    sciA, sciB, conA, conB, att_v, acc_sh,
                    semA1, semA2, semB1, semB2, semSA, semSB):
        cid = lax.axis_index("c")
        sid = lax.axis_index("s")

        zeros16 = jnp.zeros((16,), jnp.float32)

        zi16 = jnp.zeros((16,), jnp.int32)

        def _zrow(r, carry):
            for off in list(range(0, W - 16, 16)) + [W - 16]:
                conA[r, pl.ds(off, 16)] = zeros16
                conB[r, pl.ds(off, 16)] = zeros16
            return carry
        lax.fori_loop(0, K, _zrow, 0)
        for j in range(K // 16):
            sciA[pl.ds(16 * j, 16)] = zi16
            sciB[pl.ds(16 * j, 16)] = zi16
        for t in range(4):
            pltpu.sync_copy(conA, acc_sh.at[pl.ds(sid * RPT + t * K, K)])
        pltpu.sync_copy(conA.at[pl.ds(0, RPT - 4 * K)],
                        acc_sh.at[pl.ds(sid * RPT + 4 * K, RPT - 4 * K)])
        plsc.subcore_barrier()
        pltpu.async_copy(conA, acc_sh.at[sciA], semSA, add=True)
        pltpu.async_copy(conB, acc_sh.at[sciB], semSB, add=True)

        pltpu.sync_copy(att_hbm, att_v)
        aoff = cid * D if split else 0
        attv = [att_v[pl.ds(aoff + 16 * j, 16)] for j in range(NJ)]
        lane = lax.iota(jnp.int32, 16)

        wchunk = (sid if split else cid * NSUB + sid) * nch

        bufs = (
            (sdA, sgA, dgA, xlA, xrA, sciA, conA, semA1, semA2, semSA),
            (sdB, sgB, dgB, xlB, xrB, sciB, conB, semB1, semB2, semSB),
        )

        def _fetch(gch, p):
            sd, sg, dg, xlr, xrr, sci, con, s1, s2, ss = bufs[p]
            pltpu.sync_copy(sd_hbm.at[gch], sd)
            if split:
                for j in range(K // 16):
                    sv = sd[0, pl.ds(16 * j, 16)]
                    dv = sd[1, pl.ds(16 * j, 16)]
                    sg[pl.ds(16 * j, 16)] = sv + sv + cid
                    dg[pl.ds(16 * j, 16)] = dv + dv + cid
                pltpu.async_copy(xl_hbm.at[sg], xlr, s1)
                pltpu.async_copy(xr_hbm.at[dg], xrr, s2)
            else:
                pltpu.async_copy(xl_hbm.at[sd.at[0]], xlr, s1)
                pltpu.async_copy(xr_hbm.at[sd.at[1]], xrr, s2)

        def _wait(p):
            sd, sg, dg, xlr, xrr, sci, con, s1, s2, ss = bufs[p]
            src_ref = xl_hbm.at[sg] if split else xl_hbm.at[sd.at[0]]
            pltpu.make_async_copy(src_ref, xlr, s1).wait()
            src_ref = xr_hbm.at[dg] if split else xr_hbm.at[sd.at[1]]
            pltpu.make_async_copy(src_ref, xrr, s2).wait()

        def _make_edge(xlr, xrr, con):
            def _edge(e, base):
                valid = jnp.full((16,), base + e < EV)
                xlv = [xlr[e, pl.ds(16 * j, 16)] for j in range(NJ)]
                xrv = [xrr[e, pl.ds(16 * j, 16)] for j in range(NJ)]
                pr = []
                for j in range(NJ):
                    z = xlv[j] + xrv[j]
                    pr.append(jnp.maximum(z, 0.2 * z) * attv[j])
                sacc = pr[0]
                for j in range(1, NJ):
                    sacc = sacc + pr[j]
                a = plsc.cumsum(sacc)[15]
                wv = jnp.exp(jnp.full((16,), a, jnp.float32))
                wv = jnp.where(valid, wv, zeros16)
                for j in range(NJ):
                    con[e, pl.ds(16 * j, 16)] = xlv[j] * wv
                con[e, pl.ds(D, 16)] = jnp.where(lane == 0, wv, zeros16)
                return base
            return _edge

        ebase = wchunk * K
        _fetch(wchunk, 0)

        def _pair(g, carry):
            for p in (0, 1):
                ch = 2 * g + p
                _fetch(wchunk + ch + 1, 1 - p)
                _wait(p)
                sd, sg, dg, xlr, xrr, sci, con, s1, s2, ss = bufs[p]
                pltpu.make_async_copy(con, acc_sh.at[sci], ss).wait()
                for j in range(K // 16):
                    sci[pl.ds(16 * j, 16)] = sd[1, pl.ds(16 * j, 16)]
                lax.fori_loop(0, K, _make_edge(xlr, xrr, con),
                              ebase + ch * K, unroll=4)
                pltpu.async_copy(con, acc_sh.at[sci], ss, add=True)
            return carry

        lax.fori_loop(0, nch // 2, _pair, 0)
        _wait(0)
        pltpu.make_async_copy(conA, acc_sh.at[sciA], semSA).wait()
        pltpu.make_async_copy(conB, acc_sh.at[sciB], semSB).wait()

        plsc.subcore_barrier()
        pltpu.sync_copy(acc_sh.at[pl.ds(sid * RPT, RPT)],
                        out_hbm.at[cid, pl.ds(sid * RPT, RPT)])

    return edge_kernel


_edge1 = _make_edge_kernel(split=True)
_edge2 = _make_edge_kernel(split=False)


def kernel(x, edge_index, batch, Wl1, bl1, Wr1, br1, att1, b1,
           Wl2, bl2, Wr2, br2, att2, b2, Wlin, blin):
    loop = jnp.arange(N, dtype=edge_index.dtype)
    pad_e = EP - EV
    zpad = jnp.zeros((pad_e,), edge_index.dtype)
    src = jnp.concatenate([edge_index[0], loop, zpad]).reshape(NCHT, 1, K)
    dst = jnp.concatenate([edge_index[1], loop, zpad]).reshape(NCHT, 1, K)
    sd = jnp.concatenate([src, dst], axis=1)
    sd = jnp.pad(sd, ((0, 1), (0, 0), (0, 0)))

    xl1, xr1 = _proj_call(x, Wl1, bl1.reshape(1, -1), Wr1, br1.reshape(1, -1),
                          D_IN, HEADS * D_H)
    acc1 = _edge1(xl1.reshape(2 * N, D_H), xr1.reshape(2 * N, D_H),
                  sd, att1.reshape(-1))
    xl2, xr2 = _mid_call(acc1[0], acc1[1], b1.reshape(1, -1),
                         Wl2, bl2.reshape(1, -1), Wr2, br2.reshape(1, -1))
    acc2 = _edge2(xl2, xr2, sd, att2.reshape(-1))
    batp = batch.reshape(N, 1)
    out = _pool_call(acc2[0], acc2[1], b2.reshape(1, -1), batp,
                     Wlin, blin.reshape(1, -1))
    return out

# --- scband reference (transcript-rebuilt; emitter-appended) ---
"""Pipeline reference for scband-gatv2-55267639165049 (READ-ONLY COPY).

The authoritative reference and input builder live on the scoring server;
editing this copy changes nothing except your own understanding.
"""

import jax, jax.numpy as jnp
import numpy as np

N = 10000
E = 320000
G = 64
D_IN = 128
D_H = 64
HEADS = 2
D_OUT = 64


def gatv2_conv(x, src, dst, Wl, bl, Wr, br, att, bias, H, C, n):
    xl = (x @ Wl + bl).reshape(n, H, C)
    xr = (x @ Wr + br).reshape(n, H, C)
    e = jax.nn.leaky_relu(xl[src] + xr[dst], negative_slope=0.2)
    alpha = jnp.einsum('ehc,hc->eh', e, att)
    amax = jax.ops.segment_max(alpha, dst, num_segments=n)
    amax = jnp.where(jnp.isneginf(amax), 0.0, amax)
    alpha = jnp.exp(alpha - jax.lax.stop_gradient(amax)[dst])
    denom = jax.ops.segment_sum(alpha, dst, num_segments=n)
    alpha = alpha / (denom[dst] + 1e-16)
    out = jax.ops.segment_sum(xl[src] * alpha[:, :, None], dst, num_segments=n)
    return out.reshape(n, H * C) + bias


def setup_inputs(seed: int = 0) -> dict:
    key = jax.random.key(seed)
    ks = jax.random.split(key, 16)
    x = jax.random.normal(ks[0], (N, D_IN), dtype=jnp.float32)
    edge_index = jax.random.randint(ks[1], (2, E), 0, N, dtype=jnp.int32)
    batch = jnp.sort(jax.random.randint(ks[2], (N,), 0, G, dtype=jnp.int32))
    s1 = 1.0 / np.sqrt(D_IN)
    Wl1 = jax.random.normal(ks[3], (D_IN, HEADS * D_H), dtype=jnp.float32) * s1
    bl1 = jnp.zeros((HEADS * D_H,), jnp.float32)
    Wr1 = jax.random.normal(ks[4], (D_IN, HEADS * D_H), dtype=jnp.float32) * s1
    br1 = jnp.zeros((HEADS * D_H,), jnp.float32)
    att1 = jax.random.normal(ks[5], (HEADS, D_H), dtype=jnp.float32) * 0.1
    b1 = jnp.zeros((HEADS * D_H,), jnp.float32)
    s2 = 1.0 / np.sqrt(HEADS * D_H)
    Wl2 = jax.random.normal(ks[6], (HEADS * D_H, D_OUT), dtype=jnp.float32) * s2
    bl2 = jnp.zeros((D_OUT,), jnp.float32)
    Wr2 = jax.random.normal(ks[7], (HEADS * D_H, D_OUT), dtype=jnp.float32) * s2
    br2 = jnp.zeros((D_OUT,), jnp.float32)
    att2 = jax.random.normal(ks[8], (1, D_OUT), dtype=jnp.float32) * 0.1
    b2 = jnp.zeros((D_OUT,), jnp.float32)
    Wlin = jax.random.normal(ks[9], (D_OUT, 2), dtype=jnp.float32) * (1.0 / np.sqrt(D_OUT))
    blin = jnp.zeros((2,), jnp.float32)
    return {"x": x, "edge_index": edge_index, "batch": batch,
            "Wl1": Wl1, "bl1": bl1, "Wr1": Wr1, "br1": br1, "att1": att1, "b1": b1,
            "Wl2": Wl2, "bl2": bl2, "Wr2": Wr2, "br2": br2, "att2": att2, "b2": b2,
            "Wlin": Wlin, "blin": blin}


def reference(x, edge_index, batch, Wl1, bl1, Wr1, br1, att1, b1,
              Wl2, bl2, Wr2, br2, att2, b2, Wlin, blin):
    # eval mode: F.dropout(p=0.6, training=False) is identity
    loop = jnp.arange(N, dtype=edge_index.dtype)
    src = jnp.concatenate([edge_index[0], loop])  # add_self_loops=True (PyG default)
    dst = jnp.concatenate([edge_index[1], loop])
    h = gatv2_conv(x, src, dst, Wl1, bl1, Wr1, br1, att1, b1, HEADS, D_H, N)
    h = jax.nn.elu(h)
    h = gatv2_conv(h, src, dst, Wl2, bl2, Wr2, br2, att2, b2, 1, D_OUT, N)
    h = jax.nn.elu(h)
    sums = jax.ops.segment_sum(h, batch, num_segments=G)
    cnt = jax.ops.segment_sum(jnp.ones((N,), h.dtype), batch, num_segments=G)
    pooled = sums / jnp.maximum(cnt, 1.0)[:, None]
    return pooled @ Wlin + blin

if __name__ == "__main__":
    import jax
    _d = setup_inputs()
    print(jax.jit(kernel)(*tuple(_d.values())))

</pallas_src>

<mosaic_0001>
#map = affine_map<(d0, d1) -> (0, 0)>
#map1 = affine_map<(d0, d1) -> (0, 0, 0)>
#map2 = affine_map<(d0, d1) -> (0)>
module attributes {stable_mosaic.version = 14 : i64} {
  func.func @edge_kernel(%arg0: i32, %arg1: i32, %arg2: memref<20000x64xf32, #tpu.memory_space<hbm>>, %arg3: memref<20000x64xf32, #tpu.memory_space<hbm>>, %arg4: memref<2625x2x128xi32, #tpu.memory_space<hbm>>, %arg5: memref<128xf32, #tpu.memory_space<hbm>>, %arg6: memref<2x10000x80xf32, #tpu.memory_space<hbm>>, %arg7: memref<2x128xi32, #tpu.memory_space<vmem>>, %arg8: memref<2x128xi32, #tpu.memory_space<vmem>>, %arg9: memref<128xi32, #tpu.memory_space<vmem>>, %arg10: memref<128xi32, #tpu.memory_space<vmem>>, %arg11: memref<128xi32, #tpu.memory_space<vmem>>, %arg12: memref<128xi32, #tpu.memory_space<vmem>>, %arg13: memref<128x64xf32, #tpu.memory_space<vmem>>, %arg14: memref<128x64xf32, #tpu.memory_space<vmem>>, %arg15: memref<128x64xf32, #tpu.memory_space<vmem>>, %arg16: memref<128x64xf32, #tpu.memory_space<vmem>>, %arg17: memref<128xi32, #tpu.memory_space<vmem>>, %arg18: memref<128xi32, #tpu.memory_space<vmem>>, %arg19: memref<128x80xf32, #tpu.memory_space<vmem>>, %arg20: memref<128x80xf32, #tpu.memory_space<vmem>>, %arg21: memref<128xf32, #tpu.memory_space<vmem>>, %arg22: memref<10000x80xf32, #tpu.memory_space<vmem_shared>>, %arg23: memref<!tpu.dma_semaphore, #tpu.memory_space<semaphore_mem>>, %arg24: memref<!tpu.dma_semaphore, #tpu.memory_space<semaphore_mem>>, %arg25: memref<!tpu.dma_semaphore, #tpu.memory_space<semaphore_mem>>, %arg26: memref<!tpu.dma_semaphore, #tpu.memory_space<semaphore_mem>>, %arg27: memref<!tpu.dma_semaphore, #tpu.memory_space<semaphore_mem>>, %arg28: memref<!tpu.dma_semaphore, #tpu.memory_space<semaphore_mem>>) attributes {dimension_semantics = [#tpu.dimension_semantics<core_parallel>, #tpu.dimension_semantics<subcore_parallel>], iteration_bounds = array<i64: 2, 16>, scalar_prefetch = 0 : i64, scratch_operands = 22 : i64, tpu.core_type = #tpu.core_type<sc_vector_subcore>, window_params = [{transform_indices = #map}, {transform_indices = #map}, {transform_indices = #map1}, {transform_indices = #map2}, {transform_indices = #map1}]} {
    %broadcast_in_dim3A = arith.constant 0.000000e+00 : f32
    %broadcast_in_dim3A_0 = vector.broadcast %broadcast_in_dim3A : f32 to vector<16xf32>
    %broadcast_in_dim3A_1 = arith.constant 0 : i32
    %broadcast_in_dim3A_2 = vector.broadcast %broadcast_in_dim3A_1 : i32 to vector<16xi32>
    %scan3A = arith.constant 0 : i32
    %scan3A_3 = arith.constant 0 : i32
    %scan3A_4 = arith.constant 128 : i32
    %scan3A_5 = arith.addi %scan3A_3, %scan3A_4 : i32
    %scan3A_6 = arith.constant 1 : i32
    scf.for %scan3A_255 = %scan3A_3 to %scan3A_5 step %scan3A_6  : i32 {
      %swap3A_256 = arith.index_cast %scan3A_255 : i32 to index
      %swap3A_257 = arith.constant 0 : index
      %swap3A_258 = tpu.vector_load %arg19[%swap3A_256, %swap3A_257] {strides = array<i32>} : memref<128x80xf32, #tpu.memory_space<vmem>>, vector<16xf32>,
      tpu.vector_store %arg19[%swap3A_256, %swap3A_257], %broadcast_in_dim3A_0 {strides = array<i32>} : memref<128x80xf32, #tpu.memory_space<vmem>>, vector<16xf32>,
      %swap3A_259 = arith.index_cast %scan3A_255 : i32 to index
      %swap3A_260 = arith.constant 0 : index
      %swap3A_261 = tpu.vector_load %arg20[%swap3A_259, %swap3A_260] {strides = array<i32>} : memref<128x80xf32, #tpu.memory_space<vmem>>, vector<16xf32>,
      tpu.vector_store %arg20[%swap3A_259, %swap3A_260], %broadcast_in_dim3A_0 {strides = array<i32>} : memref<128x80xf32, #tpu.memory_space<vmem>>, vector<16xf32>,
      %swap3A_262 = arith.index_cast %scan3A_255 : i32 to index
      %swap3A_263 = arith.constant 16 : index
      %swap3A_264 = tpu.vector_load %arg19[%swap3A_262, %swap3A_263] {strides = array<i32>} : memref<128x80xf32, #tpu.memory_space<vmem>>, vector<16xf32>,
      tpu.vector_store %arg19[%swap3A_262, %swap3A_263], %broadcast_in_dim3A_0 {strides = array<i32>} : memref<128x80xf32, #tpu.memory_space<vmem>>, vector<16xf32>,
      %swap3A_265 = arith.index_cast %scan3A_255 : i32 to index
      %swap3A_266 = arith.constant 16 : index
      %swap3A_267 = tpu.vector_load %arg20[%swap3A_265, %swap3A_266] {strides = array<i32>} : memref<128x80xf32, #tpu.memory_space<vmem>>, vector<16xf32>,
      tpu.vector_store %arg20[%swap3A_265, %swap3A_266], %broadcast_in_dim3A_0 {strides = array<i32>} : memref<128x80xf32, #tpu.memory_space<vmem>>, vector<16xf32>,
      %swap3A_268 = arith.index_cast %scan3A_255 : i32 to index
      %swap3A_269 = arith.constant 32 : index
      %swap3A_270 = tpu.vector_load %arg19[%swap3A_268, %swap3A_269] {strides = array<i32>} : memref<128x80xf32, #tpu.memory_space<vmem>>, vector<16xf32>,
      tpu.vector_store %arg19[%swap3A_268, %swap3A_269], %broadcast_in_dim3A_0 {strides = array<i32>} : memref<128x80xf32, #tpu.memory_space<vmem>>, vector<16xf32>,
      %swap3A_271 = arith.index_cast %scan3A_255 : i32 to index
      %swap3A_272 = arith.constant 32 : index
      %swap3A_273 = tpu.vector_load %arg20[%swap3A_271, %swap3A_272] {strides = array<i32>} : memref<128x80xf32, #tpu.memory_space<vmem>>, vector<16xf32>,
      tpu.vector_store %arg20[%swap3A_271, %swap3A_272], %broadcast_in_dim3A_0 {strides = array<i32>} : memref<128x80xf32, #tpu.memory_space<vmem>>, vector<16xf32>,
      %swap3A_274 = arith.index_cast %scan3A_255 : i32 to index
      %swap3A_275 = arith.constant 48 : index
      %swap3A_276 = tpu.vector_load %arg19[%swap3A_274, %swap3A_275] {strides = array<i32>} : memref<128x80xf32, #tpu.memory_space<vmem>>, vector<16xf32>,
      tpu.vector_store %arg19[%swap3A_274, %swap3A_275], %broadcast_in_dim3A_0 {strides = array<i32>} : memref<128x80xf32, #tpu.memory_space<vmem>>, vector<16xf32>,
      %swap3A_277 = arith.index_cast %scan3A_255 : i32 to index
      %swap3A_278 = arith.constant 48 : index
      %swap3A_279 = tpu.vector_load %arg20[%swap3A_277, %swap3A_278] {strides = array<i32>} : memref<128x80xf32, #tpu.memory_space<vmem>>, vector<16xf32>,
      tpu.vector_store %arg20[%swap3A_277, %swap3A_278], %broadcast_in_dim3A_0 {strides = array<i32>} : memref<128x80xf32, #tpu.memory_space<vmem>>, vector<16xf32>,
      %swap3A_280 = arith.index_cast %scan3A_255 : i32 to index
      %swap3A_281 = arith.constant 64 : index
      %swap3A_282 = tpu.vector_load %arg19[%swap3A_280, %swap3A_281] {strides = array<i32>} : memref<128x80xf32, #tpu.memory_space<vmem>>, vector<16xf32>,
      tpu.vector_store %arg19[%swap3A_280, %swap3A_281], %broadcast_in_dim3A_0 {strides = array<i32>} : memref<128x80xf32, #tpu.memory_space<vmem>>, vector<16xf32>,
      %swap3A_283 = arith.index_cast %scan3A_255 : i32 to index
      %swap3A_284 = arith.constant 64 : index
      %swap3A_285 = tpu.vector_load %arg20[%swap3A_283, %swap3A_284] {strides = array<i32>} : memref<128x80xf32, #tpu.memory_space<vmem>>, vector<16xf32>,
      tpu.vector_store %arg20[%swap3A_283, %swap3A_284], %broadcast_in_dim3A_0 {strides = array<i32>} : memref<128x80xf32, #tpu.memory_space<vmem>>, vector<16xf32>,
    }
    %scan3A_7 = arith.constant 128 : i32
    %swap3A = arith.constant 0 : index
    %swap3A_8 = tpu.vector_load %arg17[%swap3A] {strides = array<i32>} : memref<128xi32, #tpu.memory_space<vmem>>, vector<16xi32>,
    tpu.vector_store %arg17[%swap3A], %broadcast_in_dim3A_2 {strides = array<i32>} : memref<128xi32, #tpu.memory_space<vmem>>, vector<16xi32>,
    %swap3A_9 = arith.constant 0 : index
    %swap3A_10 = tpu.vector_load %arg18[%swap3A_9] {strides = array<i32>} : memref<128xi32, #tpu.memory_space<vmem>>, vector<16xi32>,
    tpu.vector_store %arg18[%swap3A_9], %broadcast_in_dim3A_2 {strides = array<i32>} : memref<128xi32, #tpu.memory_space<vmem>>, vector<16xi32>,
    %swap3A_11 = arith.constant 16 : index
    %swap3A_12 = tpu.vector_load %arg17[%swap3A_11] {strides = array<i32>} : memref<128xi32, #tpu.memory_space<vmem>>, vector<16xi32>,
    tpu.vector_store %arg17[%swap3A_11], %broadcast_in_dim3A_2 {strides = array<i32>} : memref<128xi32, #tpu.memory_space<vmem>>, vector<16xi32>,
    %swap3A_13 = arith.constant 16 : index
    %swap3A_14 = tpu.vector_load %arg18[%swap3A_13] {strides = array<i32>} : memref<128xi32, #tpu.memory_space<vmem>>, vector<16xi32>,
    tpu.vector_store %arg18[%swap3A_13], %broadcast_in_dim3A_2 {strides = array<i32>} : memref<128xi32, #tpu.memory_space<vmem>>, vector<16xi32>,
    %swap3A_15 = arith.constant 32 : index
    %swap3A_16 = tpu.vector_load %arg17[%swap3A_15] {strides = array<i32>} : memref<128xi32, #tpu.memory_space<vmem>>, vector<16xi32>,
    tpu.vector_store %arg17[%swap3A_15], %broadcast_in_dim3A_2 {strides = array<i32>} : memref<128xi32, #tpu.memory_space<vmem>>, vector<16xi32>,
    %swap3A_17 = arith.constant 32 : index
    %swap3A_18 = tpu.vector_load %arg18[%swap3A_17] {strides = array<i32>} : memref<128xi32, #tpu.memory_space<vmem>>, vector<16xi32>,
    tpu.vector_store %arg18[%swap3A_17], %broadcast_in_dim3A_2 {strides = array<i32>} : memref<128xi32, #tpu.memory_space<vmem>>, vector<16xi32>,
    %swap3A_19 = arith.constant 48 : index
    %swap3A_20 = tpu.vector_load %arg17[%swap3A_19] {strides = array<i32>} : memref<128xi32, #tpu.memory_space<vmem>>, vector<16xi32>,
    tpu.vector_store %arg17[%swap3A_19], %broadcast_in_dim3A_2 {strides = array<i32>} : memref<128xi32, #tpu.memory_space<vmem>>, vector<16xi32>,
    %swap3A_21 = arith.constant 48 : index
    %swap3A_22 = tpu.vector_load %arg18[%swap3A_21] {strides = array<i32>} : memref<128xi32, #tpu.memory_space<vmem>>, vector<16xi32>,
    tpu.vector_store %arg18[%swap3A_21], %broadcast_in_dim3A_2 {strides = array<i32>} : memref<128xi32, #tpu.memory_space<vmem>>, vector<16xi32>,
    %swap3A_23 = arith.constant 64 : index
    %swap3A_24 = tpu.vector_load %arg17[%swap3A_23] {strides = array<i32>} : memref<128xi32, #tpu.memory_space<vmem>>, vector<16xi32>,
    tpu.vector_store %arg17[%swap3A_23], %broadcast_in_dim3A_2 {strides = array<i32>} : memref<128xi32, #tpu.memory_space<vmem>>, vector<16xi32>,
    %swap3A_25 = arith.constant 64 : index
    %swap3A_26 = tpu.vector_load %arg18[%swap3A_25] {strides = array<i32>} : memref<128xi32, #tpu.memory_space<vmem>>, vector<16xi32>,
    tpu.vector_store %arg18[%swap3A_25], %broadcast_in_dim3A_2 {strides = array<i32>} : memref<128xi32, #tpu.memory_space<vmem>>, vector<16xi32>,
    %swap3A_27 = arith.constant 80 : index
    %swap3A_28 = tpu.vector_load %arg17[%swap3A_27] {strides = array<i32>} : memref<128xi32, #tpu.memory_space<vmem>>, vector<16xi32>,
    tpu.vector_store %arg17[%swap3A_27], %broadcast_in_dim3A_2 {strides = array<i32>} : memref<128xi32, #tpu.memory_space<vmem>>, vector<16xi32>,
    %swap3A_29 = arith.constant 80 : index
    %swap3A_30 = tpu.vector_load %arg18[%swap3A_29] {strides = array<i32>} : memref<128xi32, #tpu.memory_space<vmem>>, vector<16xi32>,
    tpu.vector_store %arg18[%swap3A_29], %broadcast_in_dim3A_2 {strides = array<i32>} : memref<128xi32, #tpu.memory_space<vmem>>, vector<16xi32>,
    %swap3A_31 = arith.constant 96 : index
    %swap3A_32 = tpu.vector_load %arg17[%swap3A_31] {strides = array<i32>} : memref<128xi32, #tpu.memory_space<vmem>>, vector<16xi32>,
    tpu.vector_store %arg17[%swap3A_31], %broadcast_in_dim3A_2 {strides = array<i32>} : memref<128xi32, #tpu.memory_space<vmem>>, vector<16xi32>,
    %swap3A_33 = arith.constant 96 : index
    %swap3A_34 = tpu.vector_load %arg18[%swap3A_33] {strides = array<i32>} : memref<128xi32, #tpu.memory_space<vmem>>, vector<16xi32>,
    tpu.vector_store %arg18[%swap3A_33], %broadcast_in_dim3A_2 {strides = array<i32>} : memref<128xi32, #tpu.memory_space<vmem>>, vector<16xi32>,
    %swap3A_35 = arith.constant 112 : index
    %swap3A_36 = tpu.vector_load %arg17[%swap3A_35] {strides = array<i32>} : memref<128xi32, #tpu.memory_space<vmem>>, vector<16xi32>,
    tpu.vector_store %arg17[%swap3A_35], %broadcast_in_dim3A_2 {strides = array<i32>} : memref<128xi32, #tpu.memory_space<vmem>>, vector<16xi32>,
    %swap3A_37 = arith.constant 112 : index
    %swap3A_38 = tpu.vector_load %arg18[%swap3A_37] {strides = array<i32>} : memref<128xi32, #tpu.memory_space<vmem>>, vector<16xi32>,
    tpu.vector_store %arg18[%swap3A_37], %broadcast_in_dim3A_2 {strides = array<i32>} : memref<128xi32, #tpu.memory_space<vmem>>, vector<16xi32>,
    %mul3A = arith.constant 625 : i32
    %mul3A_39 = arith.muli %arg1, %mul3A : i32
    %add3A = arith.constant 0 : i32
    %add3A_40 = arith.addi %mul3A_39, %add3A : i32
    "tpu.region"() ({
      %run_scoped3A = tpu.sem_alloc : memref<!tpu.dma_semaphore, #tpu.memory_space<semaphore_mem>>
      %dma_start3A_255 = arith.constant 0 : i32
      %dma_start3A_256 = tpu.memref_slice %arg22[%add3A_40, %dma_start3A_255] : memref<10000x80xf32, #tpu.memory_space<vmem_shared>> -> memref<128x80xf32, #tpu.memory_space<vmem_shared>>
      %dma_start3A_257 = arith.constant 0 : i32
      %dma_start3A_258 = tpu.memref_slice %arg22[%add3A_40, %dma_start3A_257] : memref<10000x80xf32, #tpu.memory_space<vmem_shared>> -> memref<128x80xf32, #tpu.memory_space<vmem_shared>>
      tpu.enqueue_dma source(%arg19 : memref<128x80xf32, #tpu.memory_space<vmem>>) target(%dma_start3A_258 : memref<128x80xf32, #tpu.memory_space<vmem_shared>>) target_semaphore(%run_scoped3A : memref<!tpu.dma_semaphore, #tpu.memory_space<semaphore_mem>>)
      %dma_wait3A_259 = arith.constant 0 : i32
      %dma_wait3A_260 = tpu.memref_slice %arg22[%add3A_40, %dma_wait3A_259] : memref<10000x80xf32, #tpu.memory_space<vmem_shared>> -> memref<128x80xf32, #tpu.memory_space<vmem_shared>>
      %dma_wait3A_261 = arith.constant 0 : i32
      %dma_wait3A_262 = tpu.memref_slice %arg22[%add3A_40, %dma_wait3A_261] : memref<10000x80xf32, #tpu.memory_space<vmem_shared>> -> memref<128x80xf32, #tpu.memory_space<vmem_shared>>
      tpu.wait_dma2 semaphore(%run_scoped3A : memref<!tpu.dma_semaphore, #tpu.memory_space<semaphore_mem>>) src(%arg19 : memref<128x80xf32, #tpu.memory_space<vmem>>) dst(%dma_wait3A_262 : memref<128x80xf32, #tpu.memory_space<vmem_shared>>)
      tpu.yield
    }) : () -> ()
    %mul3A_41 = arith.constant 625 : i32
    %mul3A_42 = arith.muli %arg1, %mul3A_41 : i32
    %add3A_43 = arith.constant 128 : i32
    %add3A_44 = arith.addi %mul3A_42, %add3A_43 : i32
    "tpu.region"() ({
      %run_scoped3A = tpu.sem_alloc : memref<!tpu.dma_semaphore, #tpu.memory_space<semaphore_mem>>
      %dma_start3A_255 = arith.constant 0 : i32
      %dma_start3A_256 = tpu.memref_slice %arg22[%add3A_44, %dma_start3A_255] : memref<10000x80xf32, #tpu.memory_space<vmem_shared>> -> memref<128x80xf32, #tpu.memory_space<vmem_shared>>
      %dma_start3A_257 = arith.constant 0 : i32
      %dma_start3A_258 = tpu.memref_slice %arg22[%add3A_44, %dma_start3A_257] : memref<10000x80xf32, #tpu.memory_space<vmem_shared>> -> memref<128x80xf32, #tpu.memory_space<vmem_shared>>
      tpu.enqueue_dma source(%arg19 : memref<128x80xf32, #tpu.memory_space<vmem>>) target(%dma_start3A_258 : memref<128x80xf32, #tpu.memory_space<vmem_shared>>) target_semaphore(%run_scoped3A : memref<!tpu.dma_semaphore, #tpu.memory_space<semaphore_mem>>)
      %dma_wait3A_259 = arith.constant 0 : i32
      %dma_wait3A_260 = tpu.memref_slice %arg22[%add3A_44, %dma_wait3A_259] : memref<10000x80xf32, #tpu.memory_space<vmem_shared>> -> memref<128x80xf32, #tpu.memory_space<vmem_shared>>
      %dma_wait3A_261 = arith.constant 0 : i32
      %dma_wait3A_262 = tpu.memref_slice %arg22[%add3A_44, %dma_wait3A_261] : memref<10000x80xf32, #tpu.memory_space<vmem_shared>> -> memref<128x80xf32, #tpu.memory_space<vmem_shared>>
      tpu.wait_dma2 semaphore(%run_scoped3A : memref<!tpu.dma_semaphore, #tpu.memory_space<semaphore_mem>>) src(%arg19 : memref<128x80xf32, #tpu.memory_space<vmem>>) dst(%dma_wait3A_262 : memref<128x80xf32, #tpu.memory_space<vmem_shared>>)
      tpu.yield
    }) : () -> ()
    %mul3A_45 = arith.constant 625 : i32
    %mul3A_46 = arith.muli %arg1, %mul3A_45 : i32
    %add3A_47 = arith.constant 256 : i32
    %add3A_48 = arith.addi %mul3A_46, %add3A_47 : i32
    "tpu.region"() ({
      %run_scoped3A = tpu.sem_alloc : memref<!tpu.dma_semaphore, #tpu.memory_space<semaphore_mem>>
      %dma_start3A_255 = arith.constant 0 : i32
      %dma_start3A_256 = tpu.memref_slice %arg22[%add3A_48, %dma_start3A_255] : memref<10000x80xf32, #tpu.memory_space<vmem_shared>> -> memref<128x80xf32, #tpu.memory_space<vmem_shared>>
      %dma_start3A_257 = arith.constant 0 : i32
      %dma_start3A_258 = tpu.memref_slice %arg22[%add3A_48, %dma_start3A_257] : memref<10000x80xf32, #tpu.memory_space<vmem_shared>> -> memref<128x80xf32, #tpu.memory_space<vmem_shared>>
      tpu.enqueue_dma source(%arg19 : memref<128x80xf32, #tpu.memory_space<vmem>>) target(%dma_start3A_258 : memref<128x80xf32, #tpu.memory_space<vmem_shared>>) target_semaphore(%run_scoped3A : memref<!tpu.dma_semaphore, #tpu.memory_space<semaphore_mem>>)
      %dma_wait3A_259 = arith.constant 0 : i32
      %dma_wait3A_260 = tpu.memref_slice %arg22[%add3A_48, %dma_wait3A_259] : memref<10000x80xf32, #tpu.memory_space<vmem_shared>> -> memref<128x80xf32, #tpu.memory_space<vmem_shared>>
      %dma_wait3A_261 = arith.constant 0 : i32
      %dma_wait3A_262 = tpu.memref_slice %arg22[%add3A_48, %dma_wait3A_261] : memref<10000x80xf32, #tpu.memory_space<vmem_shared>> -> memref<128x80xf32, #tpu.memory_space<vmem_shared>>
      tpu.wait_dma2 semaphore(%run_scoped3A : memref<!tpu.dma_semaphore, #tpu.memory_space<semaphore_mem>>) src(%arg19 : memref<128x80xf32, #tpu.memory_space<vmem>>) dst(%dma_wait3A_262 : memref<128x80xf32, #tpu.memory_space<vmem_shared>>)
      tpu.yield
    }) : () -> ()
    %mul3A_49 = arith.constant 625 : i32
    %mul3A_50 = arith.muli %arg1, %mul3A_49 : i32
    %add3A_51 = arith.constant 384 : i32
    %add3A_52 = arith.addi %mul3A_50, %add3A_51 : i32
    "tpu.region"() ({
      %run_scoped3A = tpu.sem_alloc : memref<!tpu.dma_semaphore, #tpu.memory_space<semaphore_mem>>
      %dma_start3A_255 = arith.constant 0 : i32
      %dma_start3A_256 = tpu.memref_slice %arg22[%add3A_52, %dma_start3A_255] : memref<10000x80xf32, #tpu.memory_space<vmem_shared>> -> memref<128x80xf32, #tpu.memory_space<vmem_shared>>
      %dma_start3A_257 = arith.constant 0 : i32
      %dma_start3A_258 = tpu.memref_slice %arg22[%add3A_52, %dma_start3A_257] : memref<10000x80xf32, #tpu.memory_space<vmem_shared>> -> memref<128x80xf32, #tpu.memory_space<vmem_shared>>
      tpu.enqueue_dma source(%arg19 : memref<128x80xf32, #tpu.memory_space<vmem>>) target(%dma_start3A_258 : memref<128x80xf32, #tpu.memory_space<vmem_shared>>) target_semaphore(%run_scoped3A : memref<!tpu.dma_semaphore, #tpu.memory_space<semaphore_mem>>)
      %dma_wait3A_259 = arith.constant 0 : i32
      %dma_wait3A_260 = tpu.memref_slice %arg22[%add3A_52, %dma_wait3A_259] : memref<10000x80xf32, #tpu.memory_space<vmem_shared>> -> memref<128x80xf32, #tpu.memory_space<vmem_shared>>
      %dma_wait3A_261 = arith.constant 0 : i32
      %dma_wait3A_262 = tpu.memref_slice %arg22[%add3A_52, %dma_wait3A_261] : memref<10000x80xf32, #tpu.memory_space<vmem_shared>> -> memref<128x80xf32, #tpu.memory_space<vmem_shared>>
      tpu.wait_dma2 semaphore(%run_scoped3A : memref<!tpu.dma_semaphore, #tpu.memory_space<semaphore_mem>>) src(%arg19 : memref<128x80xf32, #tpu.memory_space<vmem>>) dst(%dma_wait3A_262 : memref<128x80xf32, #tpu.memory_space<vmem_shared>>)
      tpu.yield
    }) : () -> ()
    %mul3A_53 = arith.constant 625 : i32
    %mul3A_54 = arith.muli %arg1, %mul3A_53 : i32
    %add3A_55 = arith.constant 512 : i32
    %add3A_56 = arith.addi %mul3A_54, %add3A_55 : i32
    "tpu.region"() ({
      %run_scoped3A = tpu.sem_alloc : memref<!tpu.dma_semaphore, #tpu.memory_space<semaphore_mem>>
      %dma_start3A_255 = arith.constant 0 : i32
      %dma_start3A_256 = arith.constant 0 : i32
      %dma_start3A_257 = tpu.memref_slice %arg19[%dma_start3A_255, %dma_start3A_256] : memref<128x80xf32, #tpu.memory_space<vmem>> -> memref<113x80xf32, #tpu.memory_space<vmem>>
      %dma_start3A_258 = arith.constant 0 : i32
      %dma_start3A_259 = tpu.memref_slice %arg22[%add3A_56, %dma_start3A_258] : memref<10000x80xf32, #tpu.memory_space<vmem_shared>> -> memref<113x80xf32, #tpu.memory_space<vmem_shared>>
      %dma_start3A_260 = arith.constant 0 : i32
      %dma_start3A_261 = tpu.memref_slice %arg22[%add3A_56, %dma_start3A_260] : memref<10000x80xf32, #tpu.memory_space<vmem_shared>> -> memref<113x80xf32, #tpu.memory_space<vmem_shared>>
      %dma_start3A_262 = arith.constant 0 : i32
      %dma_start3A_263 = arith.constant 0 : i32
      %dma_start3A_264 = tpu.memref_slice %arg19[%dma_start3A_262, %dma_start3A_263] : memref<128x80xf32, #tpu.memory_space<vmem>> -> memref<113x80xf32, #tpu.memory_space<vmem>>
      tpu.enqueue_dma source(%dma_start3A_264 : memref<113x80xf32, #tpu.memory_space<vmem>>) target(%dma_start3A_261 : memref<113x80xf32, #tpu.memory_space<vmem_shared>>) target_semaphore(%run_scoped3A : memref<!tpu.dma_semaphore, #tpu.memory_space<semaphore_mem>>)
      %dma_wait3A_265 = arith.constant 0 : i32
      %dma_wait3A_266 = arith.constant 0 : i32
      %dma_wait3A_267 = tpu.memref_slice %arg19[%dma_wait3A_265, %dma_wait3A_266] : memref<128x80xf32, #tpu.memory_space<vmem>> -> memref<113x80xf32, #tpu.memory_space<vmem>>
      %dma_wait3A_268 = arith.constant 0 : i32
      %dma_wait3A_269 = tpu.memref_slice %arg22[%add3A_56, %dma_wait3A_268] : memref<10000x80xf32, #tpu.memory_space<vmem_shared>> -> memref<113x80xf32, #tpu.memory_space<vmem_shared>>
      %dma_wait3A_270 = arith.constant 0 : i32
      %dma_wait3A_271 = tpu.memref_slice %arg22[%add3A_56, %dma_wait3A_270] : memref<10000x80xf32, #tpu.memory_space<vmem_shared>> -> memref<113x80xf32, #tpu.memory_space<vmem_shared>>
      %dma_wait3A_272 = arith.constant 0 : i32
      %dma_wait3A_273 = arith.constant 0 : i32
      %dma_wait3A_274 = tpu.memref_slice %arg19[%dma_wait3A_272, %dma_wait3A_273] : memref<128x80xf32, #tpu.memory_space<vmem>> -> memref<113x80xf32, #tpu.memory_space<vmem>>
      tpu.wait_dma2 semaphore(%run_scoped3A : memref<!tpu.dma_semaphore, #tpu.memory_space<semaphore_mem>>) src(%dma_wait3A_274 : memref<113x80xf32, #tpu.memory_space<vmem>>) dst(%dma_wait3A_271 : memref<113x80xf32, #tpu.memory_space<vmem_shared>>)
      tpu.yield
    }) : () -> ()
    %barrier3A = arith.constant 0 : index
    tpu.barrier barrier_id(%barrier3A)
    %dma_start3A = arith.constant 0 : i32
    %dma_start3A_57 = arith.constant 0 : i32
    %dma_start3A_58 = tpu.memref_slice %arg22[%dma_start3A, %dma_start3A_57] : memref<10000x80xf32, #tpu.memory_space<vmem_shared>> -> memref<10000x80xf32, #tpu.memory_space<vmem_shared>>
    tpu.enqueue_indirect_dma source(%arg19 : memref<128x80xf32, #tpu.memory_space<vmem>>) target(%dma_start3A_58 : memref<10000x80xf32, #tpu.memory_space<vmem_shared>>) offsets(%arg17 : memref<128xi32, #tpu.memory_space<vmem>>) semaphore(%arg27 : memref<!tpu.dma_semaphore, #tpu.memory_space<semaphore_mem>>) {add = true}
    %dma_start3A_59 = arith.constant 0 : i32
    %dma_start3A_60 = arith.constant 0 : i32
    %dma_start3A_61 = tpu.memref_slice %arg22[%dma_start3A_59, %dma_start3A_60] : memref<10000x80xf32, #tpu.memory_space<vmem_shared>> -> memref<10000x80xf32, #tpu.memory_space<vmem_shared>>
    tpu.enqueue_indirect_dma source(%arg20 : memref<128x80xf32, #tpu.memory_space<vmem>>) target(%dma_start3A_61 : memref<10000x80xf32, #tpu.memory_space<vmem_shared>>) offsets(%arg18 : memref<128xi32, #tpu.memory_space<vmem>>) semaphore(%arg28 : memref<!tpu.dma_semaphore, #tpu.memory_space<semaphore_mem>>) {add = true}
    "tpu.region"() ({
      %run_scoped3A = tpu.sem_alloc : memref<!tpu.dma_semaphore, #tpu.memory_space<semaphore_mem>>
      tpu.enqueue_dma source(%arg5 : memref<128xf32, #tpu.memory_space<hbm>>) target(%arg21 : memref<128xf32, #tpu.memory_space<vmem>>) target_semaphore(%run_scoped3A : memref<!tpu.dma_semaphore, #tpu.memory_space<semaphore_mem>>)
      tpu.wait_dma2 semaphore(%run_scoped3A : memref<!tpu.dma_semaphore, #tpu.memory_space<semaphore_mem>>) src(%arg5 : memref<128xf32, #tpu.memory_space<hbm>>) dst(%arg21 : memref<128xf32, #tpu.memory_space<vmem>>)
      tpu.yield
    }) : () -> ()
    %mul3A_62 = arith.constant 64 : i32
    %mul3A_63 = arith.muli %arg0, %mul3A_62 : i32
    %add3A_64 = arith.constant 0 : i32
    %add3A_65 = arith.addi %mul3A_63, %add3A_64 : i32
    %get3A = arith.index_cast %add3A_65 : i32 to index
    %get3A_66 = tpu.vector_load %arg21[%get3A] {strides = array<i32>} : memref<128xf32, #tpu.memory_space<vmem>>, vector<16xf32>,
    %add3A_67 = arith.constant 16 : i32
    %add3A_68 = arith.addi %mul3A_63, %add3A_67 : i32
    %get3A_69 = arith.index_cast %add3A_68 : i32 to index
    %get3A_70 = tpu.vector_load %arg21[%get3A_69] {strides = array<i32>} : memref<128xf32, #tpu.memory_space<vmem>>, vector<16xf32>,
    %add3A_71 = arith.constant 32 : i32
    %add3A_72 = arith.addi %mul3A_63, %add3A_71 : i32
    %get3A_73 = arith.index_cast %add3A_72 : i32 to index
    %get3A_74 = tpu.vector_load %arg21[%get3A_73] {strides = array<i32>} : memref<128xf32, #tpu.memory_space<vmem>>, vector<16xf32>,
    %add3A_75 = arith.constant 48 : i32
    %add3A_76 = arith.addi %mul3A_63, %add3A_75 : i32
    %get3A_77 = arith.index_cast %add3A_76 : i32 to index
    %get3A_78 = tpu.vector_load %arg21[%get3A_77] {strides = array<i32>} : memref<128xf32, #tpu.memory_space<vmem>>, vector<16xf32>,
    %iota3A = tpu.iota {dimensions = array<i32: 0>} : vector<16xi32>
    %mul3A_79 = arith.constant 164 : i32
    %mul3A_80 = arith.muli %arg1, %mul3A_79 : i32
    %mul3A_81 = arith.constant 128 : i32
    %mul3A_82 = arith.muli %mul3A_80, %mul3A_81 : i32
    "tpu.region"() ({
      %run_scoped3A = tpu.sem_alloc : memref<!tpu.dma_semaphore, #tpu.memory_space<semaphore_mem>>
      %dma_start3A_255 = arith.constant 0 : i32
      %dma_start3A_256 = arith.constant 0 : i32
      %dma_start3A_257 = tpu.memref_slice %arg4[%mul3A_80, %dma_start3A_255, %dma_start3A_256] : memref<2625x2x128xi32, #tpu.memory_space<hbm>> -> memref<1x2x128xi32, #tpu.memory_space<hbm>>
      %dma_start3A_258 = tpu.memref_squeeze %dma_start3A_257 : memref<1x2x128xi32, #tpu.memory_space<hbm>> -> memref<2x128xi32, #tpu.memory_space<hbm>>
      %dma_start3A_259 = arith.constant 0 : i32
      %dma_start3A_260 = arith.constant 0 : i32
      %dma_start3A_261 = tpu.memref_slice %arg4[%mul3A_80, %dma_start3A_259, %dma_start3A_260] : memref<2625x2x128xi32, #tpu.memory_space<hbm>> -> memref<1x2x128xi32, #tpu.memory_space<hbm>>
      %dma_start3A_262 = tpu.memref_squeeze %dma_start3A_261 : memref<1x2x128xi32, #tpu.memory_space<hbm>> -> memref<2x128xi32, #tpu.memory_space<hbm>>
      tpu.enqueue_dma source(%dma_start3A_262 : memref<2x128xi32, #tpu.memory_space<hbm>>) target(%arg7 : memref<2x128xi32, #tpu.memory_space<vmem>>) target_semaphore(%run_scoped3A : memref<!tpu.dma_semaphore, #tpu.memory_space<semaphore_mem>>)
      %dma_wait3A_263 = arith.constant 0 : i32
      %dma_wait3A_264 = arith.constant 0 : i32
      %dma_wait3A_265 = tpu.memref_slice %arg4[%mul3A_80, %dma_wait3A_263, %dma_wait3A_264] : memref<2625x2x128xi32, #tpu.memory_space<hbm>> -> memref<1x2x128xi32, #tpu.memory_space<hbm>>
      %dma_wait3A_266 = tpu.memref_squeeze %dma_wait3A_265 : memref<1x2x128xi32, #tpu.memory_space<hbm>> -> memref<2x128xi32, #tpu.memory_space<hbm>>
      %dma_wait3A_267 = arith.constant 0 : i32
      %dma_wait3A_268 = arith.constant 0 : i32
      %dma_wait3A_269 = tpu.memref_slice %arg4[%mul3A_80, %dma_wait3A_267, %dma_wait3A_268] : memref<2625x2x128xi32, #tpu.memory_space<hbm>> -> memref<1x2x128xi32, #tpu.memory_space<hbm>>
      %dma_wait3A_270 = tpu.memref_squeeze %dma_wait3A_269 : memref<1x2x128xi32, #tpu.memory_space<hbm>> -> memref<2x128xi32, #tpu.memory_space<hbm>>
      tpu.wait_dma2 semaphore(%run_scoped3A : memref<!tpu.dma_semaphore, #tpu.memory_space<semaphore_mem>>) src(%dma_wait3A_270 : memref<2x128xi32, #tpu.memory_space<hbm>>) dst(%arg7 : memref<2x128xi32, #tpu.memory_space<vmem>>)
      tpu.yield
    }) : () -> ()
    %get3A_83 = arith.constant 0 : i32
    %get3A_84 = arith.index_cast %get3A_83 : i32 to index
    %get3A_85 = arith.constant 0 : index
    %get3A_86 = tpu.vector_load %arg7[%get3A_84, %get3A_85] {strides = array<i32>} : memref<2x128xi32, #tpu.memory_space<vmem>>, vector<16xi32>,
    %get3A_87 = arith.constant 1 : i32
    %get3A_88 = arith.index_cast %get3A_87 : i32 to index
    %get3A_89 = arith.constant 0 : index
    %get3A_90 = tpu.vector_load %arg7[%get3A_88, %get3A_89] {strides = array<i32>} : memref<2x128xi32, #tpu.memory_space<vmem>>, vector<16xi32>,
    %add3A_91 = arith.addi %get3A_86, %get3A_86 : vector<16xi32>
    %add3A_92 = vector.broadcast %arg0 : i32 to vector<16xi32>
    %add3A_93 = arith.addi %add3A_91, %add3A_92 : vector<16xi32>
    %swap3A_94 = arith.constant 0 : index
    %swap3A_95 = tpu.vector_load %arg9[%swap3A_94] {strides = array<i32>} : memref<128xi32, #tpu.memory_space<vmem>>, vector<16xi32>,
    tpu.vector_store %arg9[%swap3A_94], %add3A_93 {strides = array<i32>} : memref<128xi32, #tpu.memory_space<vmem>>, vector<16xi32>,
    %add3A_96 = arith.addi %get3A_90, %get3A_90 : vector<16xi32>
    %add3A_97 = vector.broadcast %arg0 : i32 to vector<16xi32>
    %add3A_98 = arith.addi %add3A_96, %add3A_97 : vector<16xi32>
    %swap3A_99 = arith.constant 0 : index
    %swap3A_100 = tpu.vector_load %arg10[%swap3A_99] {strides = array<i32>} : memref<128xi32, #tpu.memory_space<vmem>>, vector<16xi32>,
    tpu.vector_store %arg10[%swap3A_99], %add3A_98 {strides = array<i32>} : memref<128xi32, #tpu.memory_space<vmem>>, vector<16xi32>,
    %get3A_101 = arith.constant 0 : i32
    %get3A_102 = arith.index_cast %get3A_101 : i32 to index
    %get3A_103 = arith.constant 16 : index
    %get3A_104 = tpu.vector_load %arg7[%get3A_102, %get3A_103] {strides = array<i32>} : memref<2x128xi32, #tpu.memory_space<vmem>>, vector<16xi32>,
    %get3A_105 = arith.constant 1 : i32
    %get3A_106 = arith.index_cast %get3A_105 : i32 to index
    %get3A_107 = arith.constant 16 : index
    %get3A_108 = tpu.vector_load %arg7[%get3A_106, %get3A_107] {strides = array<i32>} : memref<2x128xi32, #tpu.memory_space<vmem>>, vector<16xi32>,
    %add3A_109 = arith.addi %get3A_104, %get3A_104 : vector<16xi32>
    %add3A_110 = vector.broadcast %arg0 : i32 to vector<16xi32>
    %add3A_111 = arith.addi %add3A_109, %add3A_110 : vector<16xi32>
    %swap3A_112 = arith.constant 16 : index
    %swap3A_113 = tpu.vector_load %arg9[%swap3A_112] {strides = array<i32>} : memref<128xi32, #tpu.memory_space<vmem>>, vector<16xi32>,
    tpu.vector_store %arg9[%swap3A_112], %add3A_111 {strides = array<i32>} : memref<128xi32, #tpu.memory_space<vmem>>, vector<16xi32>,
    %add3A_114 = arith.addi %get3A_108, %get3A_108 : vector<16xi32>
    %add3A_115 = vector.broadcast %arg0 : i32 to vector<16xi32>
    %add3A_116 = arith.addi %add3A_114, %add3A_115 : vector<16xi32>
    %swap3A_117 = arith.constant 16 : index
    %swap3A_118 = tpu.vector_load %arg10[%swap3A_117] {strides = array<i32>} : memref<128xi32, #tpu.memory_space<vmem>>, vector<16xi32>,
    tpu.vector_store %arg10[%swap3A_117], %add3A_116 {strides = array<i32>} : memref<128xi32, #tpu.memory_space<vmem>>, vector<16xi32>,
    %get3A_119 = arith.constant 0 : i32
    %get3A_120 = arith.index_cast %get3A_119 : i32 to index
    %get3A_121 = arith.constant 32 : index
    %get3A_122 = tpu.vector_load %arg7[%get3A_120, %get3A_121] {strides = array<i32>} : memref<2x128xi32, #tpu.memory_space<vmem>>, vector<16xi32>,
    %get3A_123 = arith.constant 1 : i32
    %get3A_124 = arith.index_cast %get3A_123 : i32 to index
    %get3A_125 = arith.constant 32 : index
    %get3A_126 = tpu.vector_load %arg7[%get3A_124, %get3A_125] {strides = array<i32>} : memref<2x128xi32, #tpu.memory_space<vmem>>, vector<16xi32>,
    %add3A_127 = arith.addi %get3A_122, %get3A_122 : vector<16xi32>
    %add3A_128 = vector.broadcast %arg0 : i32 to vector<16xi32>
    %add3A_129 = arith.addi %add3A_127, %add3A_128 : vector<16xi32>
    %swap3A_130 = arith.constant 32 : index
    %swap3A_131 = tpu.vector_load %arg9[%swap3A_130] {strides = array<i32>} : memref<128xi32, #tpu.memory_space<vmem>>, vector<16xi32>,
    tpu.vector_store %arg9[%swap3A_130], %add3A_129 {strides = array<i32>} : memref<128xi32, #tpu.memory_space<vmem>>, vector<16xi32>,
    %add3A_132 = arith.addi %get3A_126, %get3A_126 : vector<16xi32>
    %add3A_133 = vector.broadcast %arg0 : i32 to vector<16xi32>
    %add3A_134 = arith.addi %add3A_132, %add3A_133 : vector<16xi32>
    %swap3A_135 = arith.constant 32 : index
    %swap3A_136 = tpu.vector_load %arg10[%swap3A_135] {strides = array<i32>} : memref<128xi32, #tpu.memory_space<vmem>>, vector<16xi32>,
    tpu.vector_store %arg10[%swap3A_135], %add3A_134 {strides = array<i32>} : memref<128xi32, #tpu.memory_space<vmem>>, vector<16xi32>,
    %get3A_137 = arith.constant 0 : i32
    %get3A_138 = arith.index_cast %get3A_137 : i32 to index
    %get3A_139 = arith.constant 48 : index
    %get3A_140 = tpu.vector_load %arg7[%get3A_138, %get3A_139] {strides = array<i32>} : memref<2x128xi32, #tpu.memory_space<vmem>>, vector<16xi32>,
    %get3A_141 = arith.constant 1 : i32
    %get3A_142 = arith.index_cast %get3A_141 : i32 to index
    %get3A_143 = arith.constant 48 : index
    %get3A_144 = tpu.vector_load %arg7[%get3A_142, %get3A_143] {strides = array<i32>} : memref<2x128xi32, #tpu.memory_space<vmem>>, vector<16xi32>,
    %add3A_145 = arith.addi %get3A_140, %get3A_140 : vector<16xi32>
    %add3A_146 = vector.broadcast %arg0 : i32 to vector<16xi32>
    %add3A_147 = arith.addi %add3A_145, %add3A_146 : vector<16xi32>
    %swap3A_148 = arith.constant 48 : index
    %swap3A_149 = tpu.vector_load %arg9[%swap3A_148] {strides = array<i32>} : memref<128xi32, #tpu.memory_space<vmem>>, vector<16xi32>,
    tpu.vector_store %arg9[%swap3A_148], %add3A_147 {strides = array<i32>} : memref<128xi32, #tpu.memory_space<vmem>>, vector<16xi32>,
    %add3A_150 = arith.addi %get3A_144, %get3A_144 : vector<16xi32>
    %add3A_151 = vector.broadcast %arg0 : i32 to vector<16xi32>
    %add3A_152 = arith.addi %add3A_150, %add3A_151 : vector<16xi32>
    %swap3A_153 = arith.constant 48 : index
    %swap3A_154 = tpu.vector_load %arg10[%swap3A_153] {strides = array<i32>} : memref<128xi32, #tpu.memory_space<vmem>>, vector<16xi32>,
    tpu.vector_store %arg10[%swap3A_153], %add3A_152 {strides = array<i32>} : memref<128xi32, #tpu.memory_space<vmem>>, vector<16xi32>,
    %get3A_155 = arith.constant 0 : i32
    %get3A_156 = arith.index_cast %get3A_155 : i32 to index
    %get3A_157 = arith.constant 64 : index
    %get3A_158 = tpu.vector_load %arg7[%get3A_156, %get3A_157] {strides = array<i32>} : memref<2x128xi32, #tpu.memory_space<vmem>>, vector<16xi32>,
    %get3A_159 = arith.constant 1 : i32
    %get3A_160 = arith.index_cast %get3A_159 : i32 to index
    %get3A_161 = arith.constant 64 : index
    %get3A_162 = tpu.vector_load %arg7[%get3A_160, %get3A_161] {strides = array<i32>} : memref<2x128xi32, #tpu.memory_space<vmem>>, vector<16xi32>,
    %add3A_163 = arith.addi %get3A_158, %get3A_158 : vector<16xi32>
    %add3A_164 = vector.broadcast %arg0 : i32 to vector<16xi32>
    %add3A_165 = arith.addi %add3A_163, %add3A_164 : vector<16xi32>
    %swap3A_166 = arith.constant 64 : index
    %swap3A_167 = tpu.vector_load %arg9[%swap3A_166] {strides = array<i32>} : memref<128xi32, #tpu.memory_space<vmem>>, vector<16xi32>,
    tpu.vector_store %arg9[%swap3A_166], %add3A_165 {strides = array<i32>} : memref<128xi32, #tpu.memory_space<vmem>>, vector<16xi32>,
    %add3A_168 = arith.addi %get3A_162, %get3A_162 : vector<16xi32>
    %add3A_169 = vector.broadcast %arg0 : i32 to vector<16xi32>
    %add3A_170 = arith.addi %add3A_168, %add3A_169 : vector<16xi32>
    %swap3A_171 = arith.constant 64 : index
    %swap3A_172 = tpu.vector_load %arg10[%swap3A_171] {strides = array<i32>} : memref<128xi32, #tpu.memory_space<vmem>>, vector<16xi32>,
    tpu.vector_store %arg10[%swap3A_171], %add3A_170 {strides = array<i32>} : memref<128xi32, #tpu.memory_space<vmem>>, vector<16xi32>,
    %get3A_173 = arith.constant 0 : i32
    %get3A_174 = arith.index_cast %get3A_173 : i32 to index
    %get3A_175 = arith.constant 80 : index
    %get3A_176 = tpu.vector_load %arg7[%get3A_174, %get3A_175] {strides = array<i32>} : memref<2x128xi32, #tpu.memory_space<vmem>>, vector<16xi32>,
    %get3A_177 = arith.constant 1 : i32
    %get3A_178 = arith.index_cast %get3A_177 : i32 to index
    %get3A_179 = arith.constant 80 : index
    %get3A_180 = tpu.vector_load %arg7[%get3A_178, %get3A_179] {strides = array<i32>} : memref<2x128xi32, #tpu.memory_space<vmem>>, vector<16xi32>,
    %add3A_181 = arith.addi %get3A_176, %get3A_176 : vector<16xi32>
    %add3A_182 = vector.broadcast %arg0 : i32 to vector<16xi32>
    %add3A_183 = arith.addi %add3A_181, %add3A_182 : vector<16xi32>
    %swap3A_184 = arith.constant 80 : index
    %swap3A_185 = tpu.vector_load %arg9[%swap3A_184] {strides = array<i32>} : memref<128xi32, #tpu.memory_space<vmem>>, vector<16xi32>,
    tpu.vector_store %arg9[%swap3A_184], %add3A_183 {strides = array<i32>} : memref<128xi32, #tpu.memory_space<vmem>>, vector<16xi32>,
    %add3A_186 = arith.addi %get3A_180, %get3A_180 : vector<16xi32>
    %add3A_187 = vector.broadcast %arg0 : i32 to vector<16xi32>
    %add3A_188 = arith.addi %add3A_186, %add3A_187 : vector<16xi32>
    %swap3A_189 = arith.constant 80 : index
    %swap3A_190 = tpu.vector_load %arg10[%swap3A_189] {strides = array<i32>} : memref<128xi32, #tpu.memory_space<vmem>>, vector<16xi32>,
    tpu.vector_store %arg10[%swap3A_189], %add3A_188 {strides = array<i32>} : memref<128xi32, #tpu.memory_space<vmem>>, vector<16xi32>,
    %get3A_191 = arith.constant 0 : i32
    %get3A_192 = arith.index_cast %get3A_191 : i32 to index
    %get3A_193 = arith.constant 96 : index
    %get3A_194 = tpu.vector_load %arg7[%get3A_192, %get3A_193] {strides = array<i32>} : memref<2x128xi32, #tpu.memory_space<vmem>>, vector<16xi32>,
    %get3A_195 = arith.constant 1 : i32
    %get3A_196 = arith.index_cast %get3A_195 : i32 to index
    %get3A_197 = arith.constant 96 : index
    %get3A_198 = tpu.vector_load %arg7[%get3A_196, %get3A_197] {strides = array<i32>} : memref<2x128xi32, #tpu.memory_space<vmem>>, vector<16xi32>,
    %add3A_199 = arith.addi %get3A_194, %get3A_194 : vector<16xi32>
    %add3A_200 = vector.broadcast %arg0 : i32 to vector<16xi32>
    %add3A_201 = arith.addi %add3A_199, %add3A_200 : vector<16xi32>
    %swap3A_202 = arith.constant 96 : index
    %swap3A_203 = tpu.vector_load %arg9[%swap3A_202] {strides = array<i32>} : memref<128xi32, #tpu.memory_space<vmem>>, vector<16xi32>,
    tpu.vector_store %arg9[%swap3A_202], %add3A_201 {strides = array<i32>} : memref<128xi32, #tpu.memory_space<vmem>>, vector<16xi32>,
    %add3A_204 = arith.addi %get3A_198, %get3A_198 : vector<16xi32>
    %add3A_205 = vector.broadcast %arg0 : i32 to vector<16xi32>
    %add3A_206 = arith.addi %add3A_204, %add3A_205 : vector<16xi32>
    %swap3A_207 = arith.constant 96 : index
    %swap3A_208 = tpu.vector_load %arg10[%swap3A_207] {strides = array<i32>} : memref<128xi32, #tpu.memory_space<vmem>>, vector<16xi32>,
    tpu.vector_store %arg10[%swap3A_207], %add3A_206 {strides = array<i32>} : memref<128xi32, #tpu.memory_space<vmem>>, vector<16xi32>,
    %get3A_209 = arith.constant 0 : i32
    %get3A_210 = arith.index_cast %get3A_209 : i32 to index
    %get3A_211 = arith.constant 112 : index
    %get3A_212 = tpu.vector_load %arg7[%get3A_210, %get3A_211] {strides = array<i32>} : memref<2x128xi32, #tpu.memory_space<vmem>>, vector<16xi32>,
    %get3A_213 = arith.constant 1 : i32
    %get3A_214 = arith.index_cast %get3A_213 : i32 to index
    %get3A_215 = arith.constant 112 : index
    %get3A_216 = tpu.vector_load %arg7[%get3A_214, %get3A_215] {strides = array<i32>} : memref<2x128xi32, #tpu.memory_space<vmem>>, vector<16xi32>,
    %add3A_217 = arith.addi %get3A_212, %get3A_212 : vector<16xi32>
    %add3A_218 = vector.broadcast %arg0 : i32 to vector<16xi32>
    %add3A_219 = arith.addi %add3A_217, %add3A_218 : vector<16xi32>
    %swap3A_220 = arith.constant 112 : index
    %swap3A_221 = tpu.vector_load %arg9[%swap3A_220] {strides = array<i32>} : memref<128xi32, #tpu.memory_space<vmem>>, vector<16xi32>,
    tpu.vector_store %arg9[%swap3A_220], %add3A_219 {strides = array<i32>} : memref<128xi32, #tpu.memory_space<vmem>>, vector<16xi32>,
    %add3A_222 = arith.addi %get3A_216, %get3A_216 : vector<16xi32>
    %add3A_223 = vector.broadcast %arg0 : i32 to vector<16xi32>
    %add3A_224 = arith.addi %add3A_222, %add3A_223 : vector<16xi32>
    %swap3A_225 = arith.constant 112 : index
    %swap3A_226 = tpu.vector_load %arg10[%swap3A_225] {strides = array<i32>} : memref<128xi32, #tpu.memory_space<vmem>>, vector<16xi32>,
    tpu.vector_store %arg10[%swap3A_225], %add3A_224 {strides = array<i32>} : memref<128xi32, #tpu.memory_space<vmem>>, vector<16xi32>,
    %dma_start3A_227 = arith.constant 0 : i32
    %dma_start3A_228 = arith.constant 0 : i32
    %dma_start3A_229 = tpu.memref_slice %arg2[%dma_start3A_227, %dma_start3A_228] : memref<20000x64xf32, #tpu.memory_space<hbm>> -> memref<20000x64xf32, #tpu.memory_space<hbm>>
    tpu.enqueue_indirect_dma source(%dma_start3A_229 : memref<20000x64xf32, #tpu.memory_space<hbm>>) target(%arg13 : memref<128x64xf32, #tpu.memory_space<vmem>>) offsets(%arg9 : memref<128xi32, #tpu.memory_space<vmem>>) semaphore(%arg23 : memref<!tpu.dma_semaphore, #tpu.memory_space<semaphore_mem>>)
    %dma_start3A_230 = arith.constant 0 : i32
    %dma_start3A_231 = arith.constant 0 : i32
    %dma_start3A_232 = tpu.memref_slice %arg3[%dma_start3A_230, %dma_start3A_231] : memref<20000x64xf32, #tpu.memory_space<hbm>> -> memref<20000x64xf32, #tpu.memory_space<hbm>>
    tpu.enqueue_indirect_dma source(%dma_start3A_232 : memref<20000x64xf32, #tpu.memory_space<hbm>>) target(%arg14 : memref<128x64xf32, #tpu.memory_space<vmem>>) offsets(%arg10 : memref<128xi32, #tpu.memory_space<vmem>>) semaphore(%arg24 : memref<!tpu.dma_semaphore, #tpu.memory_space<semaphore_mem>>)
    %scan3A_233 = arith.constant 0 : i32
    %scan3A_234 = arith.constant 0 : i32
    %scan3A_235 = arith.constant 82 : i32
    %scan3A_236 = arith.addi %scan3A_234, %scan3A_235 : i32
    %scan3A_237 = arith.constant 1 : i32
    scf.for %scan3A_255 = %scan3A_234 to %scan3A_236 step %scan3A_237  : i32 {
      %mul3A_256 = arith.constant 2 : i32
      %mul3A_257 = arith.muli %mul3A_256, %scan3A_255 : i32
      %add3A_258 = arith.constant 0 : i32
      %add3A_259 = arith.addi %mul3A_257, %add3A_258 : i32
      %add3A_260 = arith.addi %mul3A_80, %add3A_259 : i32
      %add3A_261 = arith.constant 1 : i32
      %add3A_262 = arith.addi %add3A_260, %add3A_261 : i32
      "tpu.region"() ({
        %run_scoped3A = tpu.sem_alloc : memref<!tpu.dma_semaphore, #tpu.memory_space<semaphore_mem>>
        %dma_start3A_706 = arith.constant 0 : i32
        %dma_start3A_707 = arith.constant 0 : i32
        %dma_start3A_708 = tpu.memref_slice %arg4[%add3A_262, %dma_start3A_706, %dma_start3A_707] : memref<2625x2x128xi32, #tpu.memory_space<hbm>> -> memref<1x2x128xi32, #tpu.memory_space<hbm>>
        %dma_start3A_709 = tpu.memref_squeeze %dma_start3A_708 : memref<1x2x128xi32, #tpu.memory_space<hbm>> -> memref<2x128xi32, #tpu.memory_space<hbm>>
        %dma_start3A_710 = arith.constant 0 : i32
        %dma_start3A_711 = arith.constant 0 : i32
        %dma_start3A_712 = tpu.memref_slice %arg4[%add3A_262, %dma_start3A_710, %dma_start3A_711] : memref<2625x2x128xi32, #tpu.memory_space<hbm>> -> memref<1x2x128xi32, #tpu.memory_space<hbm>>
        %dma_start3A_713 = tpu.memref_squeeze %dma_start3A_712 : memref<1x2x128xi32, #tpu.memory_space<hbm>> -> memref<2x128xi32, #tpu.memory_space<hbm>>
        tpu.enqueue_dma source(%dma_start3A_713 : memref<2x128xi32, #tpu.memory_space<hbm>>) target(%arg8 : memref<2x128xi32, #tpu.memory_space<vmem>>) target_semaphore(%run_scoped3A : memref<!tpu.dma_semaphore, #tpu.memory_space<semaphore_mem>>)
        %dma_wait3A_714 = arith.constant 0 : i32
        %dma_wait3A_715 = arith.constant 0 : i32
        %dma_wait3A_716 = tpu.memref_slice %arg4[%add3A_262, %dma_wait3A_714, %dma_wait3A_715] : memref<2625x2x128xi32, #tpu.memory_space<hbm>> -> memref<1x2x128xi32, #tpu.memory_space<hbm>>
        %dma_wait3A_717 = tpu.memref_squeeze %dma_wait3A_716 : memref<1x2x128xi32, #tpu.memory_space<hbm>> -> memref<2x128xi32, #tpu.memory_space<hbm>>
        %dma_wait3A_718 = arith.constant 0 : i32
        %dma_wait3A_719 = arith.constant 0 : i32
        %dma_wait3A_720 = tpu.memref_slice %arg4[%add3A_262, %dma_wait3A_718, %dma_wait3A_719] : memref<2625x2x128xi32, #tpu.memory_space<hbm>> -> memref<1x2x128xi32, #tpu.memory_space<hbm>>
        %dma_wait3A_721 = tpu.memref_squeeze %dma_wait3A_720 : memref<1x2x128xi32, #tpu.memory_space<hbm>> -> memref<2x128xi32, #tpu.memory_space<hbm>>
        tpu.wait_dma2 semaphore(%run_scoped3A : memref<!tpu.dma_semaphore, #tpu.memory_space<semaphore_mem>>) src(%dma_wait3A_721 : memref<2x128xi32, #tpu.memory_space<hbm>>) dst(%arg8 : memref<2x128xi32, #tpu.memory_space<vmem>>)
        tpu.yield
      }) : () -> ()
      %get3A_263 = arith.constant 0 : i32
      %get3A_264 = arith.index_cast %get3A_263 : i32 to index
      %get3A_265 = arith.constant 0 : index
      %get3A_266 = tpu.vector_load %arg8[%get3A_264, %get3A_265] {strides = array<i32>} : memref<2x128xi32, #tpu.memory_space<vmem>>, vector<16xi32>,
      %get3A_267 = arith.constant 1 : i32
      %get3A_268 = arith.index_cast %get3A_267 : i32 to index
      %get3A_269 = arith.constant 0 : index
      %get3A_270 = tpu.vector_load %arg8[%get3A_268, %get3A_269] {strides = array<i32>} : memref<2x128xi32, #tpu.memory_space<vmem>>, vector<16xi32>,
      %add3A_271 = arith.addi %get3A_266, %get3A_266 : vector<16xi32>
      %add3A_272 = vector.broadcast %arg0 : i32 to vector<16xi32>
      %add3A_273 = arith.addi %add3A_271, %add3A_272 : vector<16xi32>
      %swap3A_274 = arith.constant 0 : index
      %swap3A_275 = tpu.vector_load %arg11[%swap3A_274] {strides = array<i32>} : memref<128xi32, #tpu.memory_space<vmem>>, vector<16xi32>,
      tpu.vector_store %arg11[%swap3A_274], %add3A_273 {strides = array<i32>} : memref<128xi32, #tpu.memory_space<vmem>>, vector<16xi32>,
      %add3A_276 = arith.addi %get3A_270, %get3A_270 : vector<16xi32>
      %add3A_277 = vector.broadcast %arg0 : i32 to vector<16xi32>
      %add3A_278 = arith.addi %add3A_276, %add3A_277 : vector<16xi32>
      %swap3A_279 = arith.constant 0 : index
      %swap3A_280 = tpu.vector_load %arg12[%swap3A_279] {strides = array<i32>} : memref<128xi32, #tpu.memory_space<vmem>>, vector<16xi32>,
      tpu.vector_store %arg12[%swap3A_279], %add3A_278 {strides = array<i32>} : memref<128xi32, #tpu.memory_space<vmem>>, vector<16xi32>,
      %get3A_281 = arith.constant 0 : i32
      %get3A_282 = arith.index_cast %get3A_281 : i32 to index
      %get3A_283 = arith.constant 16 : index
      %get3A_284 = tpu.vector_load %arg8[%get3A_282, %get3A_283] {strides = array<i32>} : memref<2x128xi32, #tpu.memory_space<vmem>>, vector<16xi32>,
      %get3A_285 = arith.constant 1 : i32
      %get3A_286 = arith.index_cast %get3A_285 : i32 to index
      %get3A_287 = arith.constant 16 : index
      %get3A_288 = tpu.vector_load %arg8[%get3A_286, %get3A_287] {strides = array<i32>} : memref<2x128xi32, #tpu.memory_space<vmem>>, vector<16xi32>,
      %add3A_289 = arith.addi %get3A_284, %get3A_284 : vector<16xi32>
      %add3A_290 = vector.broadcast %arg0 : i32 to vector<16xi32>
      %add3A_291 = arith.addi %add3A_289, %add3A_290 : vector<16xi32>
      %swap3A_292 = arith.constant 16 : index
      %swap3A_293 = tpu.vector_load %arg11[%swap3A_292] {strides = array<i32>} : memref<128xi32, #tpu.memory_space<vmem>>, vector<16xi32>,
      tpu.vector_store %arg11[%swap3A_292], %add3A_291 {strides = array<i32>} : memref<128xi32, #tpu.memory_space<vmem>>, vector<16xi32>,
      %add3A_294 = arith.addi %get3A_288, %get3A_288 : vector<16xi32>
      %add3A_295 = vector.broadcast %arg0 : i32 to vector<16xi32>
      %add3A_296 = arith.addi %add3A_294, %add3A_295 : vector<16xi32>
      %swap3A_297 = arith.constant 16 : index
      %swap3A_298 = tpu.vector_load %arg12[%swap3A_297] {strides = array<i32>} : memref<128xi32, #tpu.memory_space<vmem>>, vector<16xi32>,
      tpu.vector_store %arg12[%swap3A_297], %add3A_296 {strides = array<i32>} : memref<128xi32, #tpu.memory_space<vmem>>, vector<16xi32>,
      %get3A_299 = arith.constant 0 : i32
      %get3A_300 = arith.index_cast %get3A_299 : i32 to index
      %get3A_301 = arith.constant 32 : index
      %get3A_302 = tpu.vector_load %arg8[%get3A_300, %get3A_301] {strides = array<i32>} : memref<2x128xi32, #tpu.memory_space<vmem>>, vector<16xi32>,
      %get3A_303 = arith.constant 1 : i32
      %get3A_304 = arith.index_cast %get3A_303 : i32 to index
      %get3A_305 = arith.constant 32 : index
      %get3A_306 = tpu.vector_load %arg8[%get3A_304, %get3A_305] {strides = array<i32>} : memref<2x128xi32, #tpu.memory_space<vmem>>, vector<16xi32>,
      %add3A_307 = arith.addi %get3A_302, %get3A_302 : vector<16xi32>
      %add3A_308 = vector.broadcast %arg0 : i32 to vector<16xi32>
      %add3A_309 = arith.addi %add3A_307, %add3A_308 : vector<16xi32>
      %swap3A_310 = arith.constant 32 : index
      %swap3A_311 = tpu.vector_load %arg11[%swap3A_310] {strides = array<i32>} : memref<128xi32, #tpu.memory_space<vmem>>, vector<16xi32>,
      tpu.vector_store %arg11[%swap3A_310], %add3A_309 {strides = array<i32>} : memref<128xi32, #tpu.memory_space<vmem>>, vector<16xi32>,
      %add3A_312 = arith.addi %get3A_306, %get3A_306 : vector<16xi32>
      %add3A_313 = vector.broadcast %arg0 : i32 to vector<16xi32>
      %add3A_314 = arith.addi %add3A_312, %add3A_313 : vector<16xi32>
      %swap3A_315 = arith.constant 32 : index
      %swap3A_316 = tpu.vector_load %arg12[%swap3A_315] {strides = array<i32>} : memref<128xi32, #tpu.memory_space<vmem>>, vector<16xi32>,
      tpu.vector_store %arg12[%swap3A_315], %add3A_314 {strides = array<i32>} : memref<128xi32, #tpu.memory_space<vmem>>, vector<16xi32>,
      %get3A_317 = arith.constant 0 : i32
      %get3A_318 = arith.index_cast %get3A_317 : i32 to index
      %get3A_319 = arith.constant 48 : index
      %get3A_320 = tpu.vector_load %arg8[%get3A_318, %get3A_319] {strides = array<i32>} : memref<2x128xi32, #tpu.memory_space<vmem>>, vector<16xi32>,
      %get3A_321 = arith.constant 1 : i32
      %get3A_322 = arith.index_cast %get3A_321 : i32 to index
      %get3A_323 = arith.constant 48 : index
      %get3A_324 = tpu.vector_load %arg8[%get3A_322, %get3A_323] {strides = array<i32>} : memref<2x128xi32, #tpu.memory_space<vmem>>, vector<16xi32>,
      %add3A_325 = arith.addi %get3A_320, %get3A_320 : vector<16xi32>
      %add3A_326 = vector.broadcast %arg0 : i32 to vector<16xi32>
      %add3A_327 = arith.addi %add3A_325, %add3A_326 : vector<16xi32>
      %swap3A_328 = arith.constant 48 : index
      %swap3A_329 = tpu.vector_load %arg11[%swap3A_328] {strides = array<i32>} : memref<128xi32, #tpu.memory_space<vmem>>, vector<16xi32>,
      tpu.vector_store %arg11[%swap3A_328], %add3A_327 {strides = array<i32>} : memref<128xi32, #tpu.memory_space<vmem>>, vector<16xi32>,
      %add3A_330 = arith.addi %get3A_324, %get3A_324 : vector<16xi32>
      %add3A_331 = vector.broadcast %arg0 : i32 to vector<16xi32>
      %add3A_332 = arith.addi %add3A_330, %add3A_331 : vector<16xi32>
      %swap3A_333 = arith.constant 48 : index
      %swap3A_334 = tpu.vector_load %arg12[%swap3A_333] {strides = array<i32>} : memref<128xi32, #tpu.memory_space<vmem>>, vector<16xi32>,
      tpu.vector_store %arg12[%swap3A_333], %add3A_332 {strides = array<i32>} : memref<128xi32, #tpu.memory_space<vmem>>, vector<16xi32>,
      %get3A_335 = arith.constant 0 : i32
      %get3A_336 = arith.index_cast %get3A_335 : i32 to index
      %get3A_337 = arith.constant 64 : index
      %get3A_338 = tpu.vector_load %arg8[%get3A_336, %get3A_337] {strides = array<i32>} : memref<2x128xi32, #tpu.memory_space<vmem>>, vector<16xi32>,
      %get3A_339 = arith.constant 1 : i32
      %get3A_340 = arith.index_cast %get3A_339 : i32 to index
      %get3A_341 = arith.constant 64 : index
      %get3A_342 = tpu.vector_load %arg8[%get3A_340, %get3A_341] {strides = array<i32>} : memref<2x128xi32, #tpu.memory_space<vmem>>, vector<16xi32>,
      %add3A_343 = arith.addi %get3A_338, %get3A_338 : vector<16xi32>
      %add3A_344 = vector.broadcast %arg0 : i32 to vector<16xi32>
      %add3A_345 = arith.addi %add3A_343, %add3A_344 : vector<16xi32>
      %swap3A_346 = arith.constant 64 : index
      %swap3A_347 = tpu.vector_load %arg11[%swap3A_346] {strides = array<i32>} : memref<128xi32, #tpu.memory_space<vmem>>, vector<16xi32>,
      tpu.vector_store %arg11[%swap3A_346], %add3A_345 {strides = array<i32>} : memref<128xi32, #tpu.memory_space<vmem>>, vector<16xi32>,
      %add3A_348 = arith.addi %get3A_342, %get3A_342 : vector<16xi32>
      %add3A_349 = vector.broadcast %arg0 : i32 to vector<16xi32>
      %add3A_350 = arith.addi %add3A_348, %add3A_349 : vector<16xi32>
      %swap3A_351 = arith.constant 64 : index
      %swap3A_352 = tpu.vector_load %arg12[%swap3A_351] {strides = array<i32>} : memref<128xi32, #tpu.memory_space<vmem>>, vector<16xi32>,
      tpu.vector_store %arg12[%swap3A_351], %add3A_350 {strides = array<i32>} : memref<128xi32, #tpu.memory_space<vmem>>, vector<16xi32>,
      %get3A_353 = arith.constant 0 : i32
      %get3A_354 = arith.index_cast %get3A_353 : i32 to index
      %get3A_355 = arith.constant 80 : index
      %get3A_356 = tpu.vector_load %arg8[%get3A_354, %get3A_355] {strides = array<i32>} : memref<2x128xi32, #tpu.memory_space<vmem>>, vector<16xi32>,
      %get3A_357 = arith.constant 1 : i32
      %get3A_358 = arith.index_cast %get3A_357 : i32 to index
      %get3A_359 = arith.constant 80 : index
      %get3A_360 = tpu.vector_load %arg8[%get3A_358, %get3A_359] {strides = array<i32>} : memref<2x128xi32, #tpu.memory_space<vmem>>, vector<16xi32>,
      %add3A_361 = arith.addi %get3A_356, %get3A_356 : vector<16xi32>
      %add3A_362 = vector.broadcast %arg0 : i32 to vector<16xi32>
      %add3A_363 = arith.addi %add3A_361, %add3A_362 : vector<16xi32>
      %swap3A_364 = arith.constant 80 : index
      %swap3A_365 = tpu.vector_load %arg11[%swap3A_364] {strides = array<i32>} : memref<128xi32, #tpu.memory_space<vmem>>, vector<16xi32>,
      tpu.vector_store %arg11[%swap3A_364], %add3A_363 {strides = array<i32>} : memref<128xi32, #tpu.memory_space<vmem>>, vector<16xi32>,
      %add3A_366 = arith.addi %get3A_360, %get3A_360 : vector<16xi32>
      %add3A_367 = vector.broadcast %arg0 : i32 to vector<16xi32>
      %add3A_368 = arith.addi %add3A_366, %add3A_367 : vector<16xi32>
      %swap3A_369 = arith.constant 80 : index
      %swap3A_370 = tpu.vector_load %arg12[%swap3A_369] {strides = array<i32>} : memref<128xi32, #tpu.memory_space<vmem>>, vector<16xi32>,
      tpu.vector_store %arg12[%swap3A_369], %add3A_368 {strides = array<i32>} : memref<128xi32, #tpu.memory_space<vmem>>, vector<16xi32>,
      %get3A_371 = arith.constant 0 : i32
      %get3A_372 = arith.index_cast %get3A_371 : i32 to index
      %get3A_373 = arith.constant 96 : index
      %get3A_374 = tpu.vector_load %arg8[%get3A_372, %get3A_373] {strides = array<i32>} : memref<2x128xi32, #tpu.memory_space<vmem>>, vector<16xi32>,
      %get3A_375 = arith.constant 1 : i32
      %get3A_376 = arith.index_cast %get3A_375 : i32 to index
      %get3A_377 = arith.constant 96 : index
      %get3A_378 = tpu.vector_load %arg8[%get3A_376, %get3A_377] {strides = array<i32>} : memref<2x128xi32, #tpu.memory_space<vmem>>, vector<16xi32>,
      %add3A_379 = arith.addi %get3A_374, %get3A_374 : vector<16xi32>
      %add3A_380 = vector.broadcast %arg0 : i32 to vector<16xi32>
      %add3A_381 = arith.addi %add3A_379, %add3A_380 : vector<16xi32>
      %swap3A_382 = arith.constant 96 : index
      %swap3A_383 = tpu.vector_load %arg11[%swap3A_382] {strides = array<i32>} : memref<128xi32, #tpu.memory_space<vmem>>, vector<16xi32>,
      tpu.vector_store %arg11[%swap3A_382], %add3A_381 {strides = array<i32>} : memref<128xi32, #tpu.memory_space<vmem>>, vector<16xi32>,
      %add3A_384 = arith.addi %get3A_378, %get3A_378 : vector<16xi32>
      %add3A_385 = vector.broadcast %arg0 : i32 to vector<16xi32>
      %add3A_386 = arith.addi %add3A_384, %add3A_385 : vector<16xi32>
      %swap3A_387 = arith.constant 96 : index
      %swap3A_388 = tpu.vector_load %arg12[%swap3A_387] {strides = array<i32>} : memref<128xi32, #tpu.memory_space<vmem>>, vector<16xi32>,
      tpu.vector_store %arg12[%swap3A_387], %add3A_386 {strides = array<i32>} : memref<128xi32, #tpu.memory_space<vmem>>, vector<16xi32>,
      %get3A_389 = arith.constant 0 : i32
      %get3A_390 = arith.index_cast %get3A_389 : i32 to index
      %get3A_391 = arith.constant 112 : index
      %get3A_392 = tpu.vector_load %arg8[%get3A_390, %get3A_391] {strides = array<i32>} : memref<2x128xi32, #tpu.memory_space<vmem>>, vector<16xi32>,
      %get3A_393 = arith.constant 1 : i32
      %get3A_394 = arith.index_cast %get3A_393 : i32 to index
      %get3A_395 = arith.constant 112 : index
      %get3A_396 = tpu.vector_load %arg8[%get3A_394, %get3A_395] {strides = array<i32>} : memref<2x128xi32, #tpu.memory_space<vmem>>, vector<16xi32>,
      %add3A_397 = arith.addi %get3A_392, %get3A_392 : vector<16xi32>
      %add3A_398 = vector.broadcast %arg0 : i32 to vector<16xi32>
      %add3A_399 = arith.addi %add3A_397, %add3A_398 : vector<16xi32>
      %swap3A_400 = arith.constant 112 : index
      %swap3A_401 = tpu.vector_load %arg11[%swap3A_400] {strides = array<i32>} : memref<128xi32, #tpu.memory_space<vmem>>, vector<16xi32>,
      tpu.vector_store %arg11[%swap3A_400], %add3A_399 {strides = array<i32>} : memref<128xi32, #tpu.memory_space<vmem>>, vector<16xi32>,
      %add3A_402 = arith.addi %get3A_396, %get3A_396 : vector<16xi32>
      %add3A_403 = vector.broadcast %arg0 : i32 to vector<16xi32>
      %add3A_404 = arith.addi %add3A_402, %add3A_403 : vector<16xi32>
      %swap3A_405 = arith.constant 112 : index
      %swap3A_406 = tpu.vector_load %arg12[%swap3A_405] {strides = array<i32>} : memref<128xi32, #tpu.memory_space<vmem>>, vector<16xi32>,
      tpu.vector_store %arg12[%swap3A_405], %add3A_404 {strides = array<i32>} : memref<128xi32, #tpu.memory_space<vmem>>, vector<16xi32>,
      %dma_start3A_407 = arith.constant 0 : i32
      %dma_start3A_408 = arith.constant 0 : i32
      %dma_start3A_409 = tpu.memref_slice %arg2[%dma_start3A_407, %dma_start3A_408] : memref<20000x64xf32, #tpu.memory_space<hbm>> -> memref<20000x64xf32, #tpu.memory_space<hbm>>
      tpu.enqueue_indirect_dma source(%dma_start3A_409 : memref<20000x64xf32, #tpu.memory_space<hbm>>) target(%arg15 : memref<128x64xf32, #tpu.memory_space<vmem>>) offsets(%arg11 : memref<128xi32, #tpu.memory_space<vmem>>) semaphore(%arg25 : memref<!tpu.dma_semaphore, #tpu.memory_space<semaphore_mem>>)
      %dma_start3A_410 = arith.constant 0 : i32
      %dma_start3A_411 = arith.constant 0 : i32
      %dma_start3A_412 = tpu.memref_slice %arg3[%dma_start3A_410, %dma_start3A_411] : memref<20000x64xf32, #tpu.memory_space<hbm>> -> memref<20000x64xf32, #tpu.memory_space<hbm>>
      tpu.enqueue_indirect_dma source(%dma_start3A_412 : memref<20000x64xf32, #tpu.memory_space<hbm>>) target(%arg16 : memref<128x64xf32, #tpu.memory_space<vmem>>) offsets(%arg12 : memref<128xi32, #tpu.memory_space<vmem>>) semaphore(%arg26 : memref<!tpu.dma_semaphore, #tpu.memory_space<semaphore_mem>>)
      %dma_wait3A_413 = arith.constant 0 : i32
      %dma_wait3A_414 = arith.constant 0 : i32
      %dma_wait3A_415 = tpu.memref_slice %arg2[%dma_wait3A_413, %dma_wait3A_414] : memref<20000x64xf32, #tpu.memory_space<hbm>> -> memref<20000x64xf32, #tpu.memory_space<hbm>>
      tpu.wait_indirect_dma semaphore(%arg23 : memref<!tpu.dma_semaphore, #tpu.memory_space<semaphore_mem>>) src(%dma_wait3A_415 : memref<20000x64xf32, #tpu.memory_space<hbm>>) dst(%arg13 : memref<128x64xf32, #tpu.memory_space<vmem>>)
      %dma_wait3A_416 = arith.constant 0 : i32
      %dma_wait3A_417 = arith.constant 0 : i32
      %dma_wait3A_418 = tpu.memref_slice %arg3[%dma_wait3A_416, %dma_wait3A_417] : memref<20000x64xf32, #tpu.memory_space<hbm>> -> memref<20000x64xf32, #tpu.memory_space<hbm>>
      tpu.wait_indirect_dma semaphore(%arg24 : memref<!tpu.dma_semaphore, #tpu.memory_space<semaphore_mem>>) src(%dma_wait3A_418 : memref<20000x64xf32, #tpu.memory_space<hbm>>) dst(%arg14 : memref<128x64xf32, #tpu.memory_space<vmem>>)
      %dma_wait3A_419 = arith.constant 0 : i32
      %dma_wait3A_420 = arith.constant 0 : i32
      %dma_wait3A_421 = tpu.memref_slice %arg22[%dma_wait3A_419, %dma_wait3A_420] : memref<10000x80xf32, #tpu.memory_space<vmem_shared>> -> memref<10000x80xf32, #tpu.memory_space<vmem_shared>>
      tpu.wait_indirect_dma semaphore(%arg27 : memref<!tpu.dma_semaphore, #tpu.memory_space<semaphore_mem>>) src(%arg19 : memref<128x80xf32, #tpu.memory_space<vmem>>) dst(%dma_wait3A_421 : memref<10000x80xf32, #tpu.memory_space<vmem_shared>>)
      %get3A_422 = arith.constant 1 : i32
      %get3A_423 = arith.index_cast %get3A_422 : i32 to index
      %get3A_424 = arith.constant 0 : index
      %get3A_425 = tpu.vector_load %arg7[%get3A_423, %get3A_424] {strides = array<i32>} : memref<2x128xi32, #tpu.memory_space<vmem>>, vector<16xi32>,
      %swap3A_426 = arith.constant 0 : index
      %swap3A_427 = tpu.vector_load %arg17[%swap3A_426] {strides = array<i32>} : memref<128xi32, #tpu.memory_space<vmem>>, vector<16xi32>,
      tpu.vector_store %arg17[%swap3A_426], %get3A_425 {strides = array<i32>} : memref<128xi32, #tpu.memory_space<vmem>>, vector<16xi32>,
      %get3A_428 = arith.constant 1 : i32
      %get3A_429 = arith.index_cast %get3A_428 : i32 to index
      %get3A_430 = arith.constant 16 : index
      %get3A_431 = tpu.vector_load %arg7[%get3A_429, %get3A_430] {strides = array<i32>} : memref<2x128xi32, #tpu.memory_space<vmem>>, vector<16xi32>,
      %swap3A_432 = arith.constant 16 : index
      %swap3A_433 = tpu.vector_load %arg17[%swap3A_432] {strides = array<i32>} : memref<128xi32, #tpu.memory_space<vmem>>, vector<16xi32>,
      tpu.vector_store %arg17[%swap3A_432], %get3A_431 {strides = array<i32>} : memref<128xi32, #tpu.memory_space<vmem>>, vector<16xi32>,
      %get3A_434 = arith.constant 1 : i32
      %get3A_435 = arith.index_cast %get3A_434 : i32 to index
      %get3A_436 = arith.constant 32 : index
      %get3A_437 = tpu.vector_load %arg7[%get3A_435, %get3A_436] {strides = array<i32>} : memref<2x128xi32, #tpu.memory_space<vmem>>, vector<16xi32>,
      %swap3A_438 = arith.constant 32 : index
      %swap3A_439 = tpu.vector_load %arg17[%swap3A_438] {strides = array<i32>} : memref<128xi32, #tpu.memory_space<vmem>>, vector<16xi32>,
      tpu.vector_store %arg17[%swap3A_438], %get3A_437 {strides = array<i32>} : memref<128xi32, #tpu.memory_space<vmem>>, vector<16xi32>,
      %get3A_440 = arith.constant 1 : i32
      %get3A_441 = arith.index_cast %get3A_440 : i32 to index
      %get3A_442 = arith.constant 48 : index
      %get3A_443 = tpu.vector_load %arg7[%get3A_441, %get3A_442] {strides = array<i32>} : memref<2x128xi32, #tpu.memory_space<vmem>>, vector<16xi32>,
      %swap3A_444 = arith.constant 48 : index
      %swap3A_445 = tpu.vector_load %arg17[%swap3A_444] {strides = array<i32>} : memref<128xi32, #tpu.memory_space<vmem>>, vector<16xi32>,
      tpu.vector_store %arg17[%swap3A_444], %get3A_443 {strides = array<i32>} : memref<128xi32, #tpu.memory_space<vmem>>, vector<16xi32>,
      %get3A_446 = arith.constant 1 : i32
      %get3A_447 = arith.index_cast %get3A_446 : i32 to index
      %get3A_448 = arith.constant 64 : index
      %get3A_449 = tpu.vector_load %arg7[%get3A_447, %get3A_448] {strides = array<i32>} : memref<2x128xi32, #tpu.memory_space<vmem>>, vector<16xi32>,
      %swap3A_450 = arith.constant 64 : index
      %swap3A_451 = tpu.vector_load %arg17[%swap3A_450] {strides = array<i32>} : memref<128xi32, #tpu.memory_space<vmem>>, vector<16xi32>,
      tpu.vector_store %arg17[%swap3A_450], %get3A_449 {strides = array<i32>} : memref<128xi32, #tpu.memory_space<vmem>>, vector<16xi32>,
      %get3A_452 = arith.constant 1 : i32
      %get3A_453 = arith.index_cast %get3A_452 : i32 to index
      %get3A_454 = arith.constant 80 : index
      %get3A_455 = tpu.vector_load %arg7[%get3A_453, %get3A_454] {strides = array<i32>} : memref<2x128xi32, #tpu.memory_space<vmem>>, vector<16xi32>,
      %swap3A_456 = arith.constant 80 : index
      %swap3A_457 = tpu.vector_load %arg17[%swap3A_456] {strides = array<i32>} : memref<128xi32, #tpu.memory_space<vmem>>, vector<16xi32>,
      tpu.vector_store %arg17[%swap3A_456], %get3A_455 {strides = array<i32>} : memref<128xi32, #tpu.memory_space<vmem>>, vector<16xi32>,
      %get3A_458 = arith.constant 1 : i32
      %get3A_459 = arith.index_cast %get3A_458 : i32 to index
      %get3A_460 = arith.constant 96 : index
      %get3A_461 = tpu.vector_load %arg7[%get3A_459, %get3A_460] {strides = array<i32>} : memref<2x128xi32, #tpu.memory_space<vmem>>, vector<16xi32>,
      %swap3A_462 = arith.constant 96 : index
      %swap3A_463 = tpu.vector_load %arg17[%swap3A_462] {strides = array<i32>} : memref<128xi32, #tpu.memory_space<vmem>>, vector<16xi32>,
      tpu.vector_store %arg17[%swap3A_462], %get3A_461 {strides = array<i32>} : memref<128xi32, #tpu.memory_space<vmem>>, vector<16xi32>,
      %get3A_464 = arith.constant 1 : i32
      %get3A_465 = arith.index_cast %get3A_464 : i32 to index
      %get3A_466 = arith.constant 112 : index
      %get3A_467 = tpu.vector_load %arg7[%get3A_465, %get3A_466] {strides = array<i32>} : memref<2x128xi32, #tpu.memory_space<vmem>>, vector<16xi32>,
      %swap3A_468 = arith.constant 112 : index
      %swap3A_469 = tpu.vector_load %arg17[%swap3A_468] {strides = array<i32>} : memref<128xi32, #tpu.memory_space<vmem>>, vector<16xi32>,
      tpu.vector_store %arg17[%swap3A_468], %get3A_467 {strides = array<i32>} : memref<128xi32, #tpu.memory_space<vmem>>, vector<16xi32>,
      %mul3A_470 = arith.constant 128 : i32
      %mul3A_471 = arith.muli %add3A_259, %mul3A_470 : i32
      %add3A_472 = arith.addi %mul3A_82, %mul3A_471 : i32
      %scan3A_473 = arith.constant 0 : i32
      %scan3A_474 = arith.constant 128 : i32
      %scan3A_475 = arith.addi %scan3A_473, %scan3A_474 : i32
      %scan3A_476 = arith.constant 4 : i32
      scf.for %scan3A_706 = %scan3A_473 to %scan3A_475 step %scan3A_476  : i32 {
        %add3A_707 = arith.addi %add3A_472, %scan3A_706 : i32
        %lt3A = arith.constant 330000 : i32
        %lt3A_708 = arith.cmpi slt, %add3A_707, %lt3A : i32
        %broadcast_in_dim3A_709 = vector.broadcast %lt3A_708 : i1 to vector<16xi1>
        %get3A_710 = arith.index_cast %scan3A_706 : i32 to index
        %get3A_711 = arith.constant 0 : index
        %get3A_712 = tpu.vector_load %arg13[%get3A_710, %get3A_711] {strides = array<i32>} : memref<128x64xf32, #tpu.memory_space<vmem>>, vector<16xf32>,
        %get3A_713 = arith.index_cast %scan3A_706 : i32 to index
        %get3A_714 = arith.constant 16 : index
        %get3A_715 = tpu.vector_load %arg13[%get3A_713, %get3A_714] {strides = array<i32>} : memref<128x64xf32, #tpu.memory_space<vmem>>, vector<16xf32>,
        %get3A_716 = arith.index_cast %scan3A_706 : i32 to index
        %get3A_717 = arith.constant 32 : index
        %get3A_718 = tpu.vector_load %arg13[%get3A_716, %get3A_717] {strides = array<i32>} : memref<128x64xf32, #tpu.memory_space<vmem>>, vector<16xf32>,
        %get3A_719 = arith.index_cast %scan3A_706 : i32 to index
        %get3A_720 = arith.constant 48 : index
        %get3A_721 = tpu.vector_load %arg13[%get3A_719, %get3A_720] {strides = array<i32>} : memref<128x64xf32, #tpu.memory_space<vmem>>, vector<16xf32>,
        %get3A_722 = arith.index_cast %scan3A_706 : i32 to index
        %get3A_723 = arith.constant 0 : index
        %get3A_724 = tpu.vector_load %arg14[%get3A_722, %get3A_723] {strides = array<i32>} : memref<128x64xf32, #tpu.memory_space<vmem>>, vector<16xf32>,
        %get3A_725 = arith.index_cast %scan3A_706 : i32 to index
        %get3A_726 = arith.constant 16 : index
        %get3A_727 = tpu.vector_load %arg14[%get3A_725, %get3A_726] {strides = array<i32>} : memref<128x64xf32, #tpu.memory_space<vmem>>, vector<16xf32>,
        %get3A_728 = arith.index_cast %scan3A_706 : i32 to index
        %get3A_729 = arith.constant 32 : index
        %get3A_730 = tpu.vector_load %arg14[%get3A_728, %get3A_729] {strides = array<i32>} : memref<128x64xf32, #tpu.memory_space<vmem>>, vector<16xf32>,
        %get3A_731 = arith.index_cast %scan3A_706 : i32 to index
        %get3A_732 = arith.constant 48 : index
        %get3A_733 = tpu.vector_load %arg14[%get3A_731, %get3A_732] {strides = array<i32>} : memref<128x64xf32, #tpu.memory_space<vmem>>, vector<16xf32>,
        %add3A_734 = arith.addf %get3A_712, %get3A_724 : vector<16xf32>
        %mul3A_735 = arith.constant 2.000000e-01 : f32
        %mul3A_736 = vector.broadcast %mul3A_735 : f32 to vector<16xf32>
        %mul3A_737 = arith.mulf %mul3A_736, %add3A_734 : vector<16xf32>
        %max3A = arith.maximumf %add3A_734, %mul3A_737 : vector<16xf32>
        %mul3A_738 = arith.mulf %max3A, %get3A_66 : vector<16xf32>
        %add3A_739 = arith.addf %get3A_715, %get3A_727 : vector<16xf32>
        %mul3A_740 = arith.constant 2.000000e-01 : f32
        %mul3A_741 = vector.broadcast %mul3A_740 : f32 to vector<16xf32>
        %mul3A_742 = arith.mulf %mul3A_741, %add3A_739 : vector<16xf32>
        %max3A_743 = arith.maximumf %add3A_739, %mul3A_742 : vector<16xf32>
        %mul3A_744 = arith.mulf %max3A_743, %get3A_70 : vector<16xf32>
        %add3A_745 = arith.addf %get3A_718, %get3A_730 : vector<16xf32>
        %mul3A_746 = arith.constant 2.000000e-01 : f32
        %mul3A_747 = vector.broadcast %mul3A_746 : f32 to vector<16xf32>
        %mul3A_748 = arith.mulf %mul3A_747, %add3A_745 : vector<16xf32>
        %max3A_749 = arith.maximumf %add3A_745, %mul3A_748 : vector<16xf32>
        %mul3A_750 = arith.mulf %max3A_749, %get3A_74 : vector<16xf32>
        %add3A_751 = arith.addf %get3A_721, %get3A_733 : vector<16xf32>
        %mul3A_752 = arith.constant 2.000000e-01 : f32
        %mul3A_753 = vector.broadcast %mul3A_752 : f32 to vector<16xf32>
        %mul3A_754 = arith.mulf %mul3A_753, %add3A_751 : vector<16xf32>
        %max3A_755 = arith.maximumf %add3A_751, %mul3A_754 : vector<16xf32>
        %mul3A_756 = arith.mulf %max3A_755, %get3A_78 : vector<16xf32>
        %add3A_757 = arith.addf %mul3A_738, %mul3A_744 : vector<16xf32>
        %add3A_758 = arith.addf %add3A_757, %mul3A_750 : vector<16xf32>
        %add3A_759 = arith.addf %add3A_758, %mul3A_756 : vector<16xf32>
        %broadcast_in_dim3A_760 = arith.constant true
        %broadcast_in_dim3A_761 = vector.broadcast %broadcast_in_dim3A_760 : i1 to vector<16xi1>
        %masked_cumsum3A = tpu.scan <sum>, %add3A_759 masked %broadcast_in_dim3A_761 : vector<16xf32>, vector<16xi1> -> vector<16xf32>
        %slice3A = vector.extract_strided_slice %masked_cumsum3A {offsets = [15], sizes = [1], strides = [1]} : vector<16xf32> to vector<1xf32>
        %squeeze3A = vector.extract %slice3A[0] : f32 from vector<1xf32>
        %broadcast_in_dim3A_762 = vector.broadcast %squeeze3A : f32 to vector<16xf32>
        %exp3A = math.exp %broadcast_in_dim3A_762 : vector<16xf32>
        %select_n3A = arith.select %broadcast_in_dim3A_709, %exp3A, %broadcast_in_dim3A_0 : vector<16xi1>, vector<16xf32>
        %mul3A_763 = arith.mulf %get3A_712, %select_n3A : vector<16xf32>
        %swap3A_764 = arith.index_cast %scan3A_706 : i32 to index
        %swap3A_765 = arith.constant 0 : index
        %swap3A_766 = tpu.vector_load %arg19[%swap3A_764, %swap3A_765] {strides = array<i32>} : memref<128x80xf32, #tpu.memory_space<vmem>>, vector<16xf32>,
        tpu.vector_store %arg19[%swap3A_764, %swap3A_765], %mul3A_763 {strides = array<i32>} : memref<128x80xf32, #tpu.memory_space<vmem>>, vector<16xf32>,
        %mul3A_767 = arith.mulf %get3A_715, %select_n3A : vector<16xf32>
        %swap3A_768 = arith.index_cast %scan3A_706 : i32 to index
        %swap3A_769 = arith.constant 16 : index
        %swap3A_770 = tpu.vector_load %arg19[%swap3A_768, %swap3A_769] {strides = array<i32>} : memref<128x80xf32, #tpu.memory_space<vmem>>, vector<16xf32>,
        tpu.vector_store %arg19[%swap3A_768, %swap3A_769], %mul3A_767 {strides = array<i32>} : memref<128x80xf32, #tpu.memory_space<vmem>>, vector<16xf32>,
        %mul3A_771 = arith.mulf %get3A_718, %select_n3A : vector<16xf32>
        %swap3A_772 = arith.index_cast %scan3A_706 : i32 to index
        %swap3A_773 = arith.constant 32 : index
        %swap3A_774 = tpu.vector_load %arg19[%swap3A_772, %swap3A_773] {strides = array<i32>} : memref<128x80xf32, #tpu.memory_space<vmem>>, vector<16xf32>,
        tpu.vector_store %arg19[%swap3A_772, %swap3A_773], %mul3A_771 {strides = array<i32>} : memref<128x80xf32, #tpu.memory_space<vmem>>, vector<16xf32>,
        %mul3A_775 = arith.mulf %get3A_721, %select_n3A : vector<16xf32>
        %swap3A_776 = arith.index_cast %scan3A_706 : i32 to index
        %swap3A_777 = arith.constant 48 : index
        %swap3A_778 = tpu.vector_load %arg19[%swap3A_776, %swap3A_777] {strides = array<i32>} : memref<128x80xf32, #tpu.memory_space<vmem>>, vector<16xf32>,
        tpu.vector_store %arg19[%swap3A_776, %swap3A_777], %mul3A_775 {strides = array<i32>} : memref<128x80xf32, #tpu.memory_space<vmem>>, vector<16xf32>,
        %eq3A = arith.constant 0 : i32
        %eq3A_779 = vector.broadcast %eq3A : i32 to vector<16xi32>
        %eq3A_780 = arith.cmpi eq, %iota3A, %eq3A_779 : vector<16xi32>
        %select_n3A_781 = arith.select %eq3A_780, %select_n3A, %broadcast_in_dim3A_0 : vector<16xi1>, vector<16xf32>
        %swap3A_782 = arith.index_cast %scan3A_706 : i32 to index
        %swap3A_783 = arith.constant 64 : index
        %swap3A_784 = tpu.vector_load %arg19[%swap3A_782, %swap3A_783] {strides = array<i32>} : memref<128x80xf32, #tpu.memory_space<vmem>>, vector<16xf32>,
        tpu.vector_store %arg19[%swap3A_782, %swap3A_783], %select_n3A_781 {strides = array<i32>} : memref<128x80xf32, #tpu.memory_space<vmem>>, vector<16xf32>,
        %scan3A_785 = arith.constant 1 : i32
        %scan3A_786 = arith.addi %scan3A_706, %scan3A_785 : i32
        %add3A_787 = arith.addi %add3A_472, %scan3A_786 : i32
        %lt3A_788 = arith.constant 330000 : i32
        %lt3A_789 = arith.cmpi slt, %add3A_787, %lt3A_788 : i32
        %broadcast_in_dim3A_790 = vector.broadcast %lt3A_789 : i1 to vector<16xi1>
        %get3A_791 = arith.index_cast %scan3A_786 : i32 to index
        %get3A_792 = arith.constant 0 : index
        %get3A_793 = tpu.vector_load %arg13[%get3A_791, %get3A_792] {strides = array<i32>} : memref<128x64xf32, #tpu.memory_space<vmem>>, vector<16xf32>,
        %get3A_794 = arith.index_cast %scan3A_786 : i32 to index
        %get3A_795 = arith.constant 16 : index
        %get3A_796 = tpu.vector_load %arg13[%get3A_794, %get3A_795] {strides = array<i32>} : memref<128x64xf32, #tpu.memory_space<vmem>>, vector<16xf32>,
        %get3A_797 = arith.index_cast %scan3A_786 : i32 to index
        %get3A_798 = arith.constant 32 : index
        %get3A_799 = tpu.vector_load %arg13[%get3A_797, %get3A_798] {strides = array<i32>} : memref<128x64xf32, #tpu.memory_space<vmem>>, vector<16xf32>,
        %get3A_800 = arith.index_cast %scan3A_786 : i32 to index
        %get3A_801 = arith.constant 48 : index
        %get3A_802 = tpu.vector_load %arg13[%get3A_800, %get3A_801] {strides = array<i32>} : memref<128x64xf32, #tpu.memory_space<vmem>>, vector<16xf32>,
        %get3A_803 = arith.index_cast %scan3A_786 : i32 to index
        %get3A_804 = arith.constant 0 : index
        %get3A_805 = tpu.vector_load %arg14[%get3A_803, %get3A_804] {strides = array<i32>} : memref<128x64xf32, #tpu.memory_space<vmem>>, vector<16xf32>,
        %get3A_806 = arith.index_cast %scan3A_786 : i32 to index
        %get3A_807 = arith.constant 16 : index
        %get3A_808 = tpu.vector_load %arg14[%get3A_806, %get3A_807] {strides = array<i32>} : memref<128x64xf32, #tpu.memory_space<vmem>>, vector<16xf32>,
        %get3A_809 = arith.index_cast %scan3A_786 : i32 to index
        %get3A_810 = arith.constant 32 : index
        %get3A_811 = tpu.vector_load %arg14[%get3A_809, %get3A_810] {strides = array<i32>} : memref<128x64xf32, #tpu.memory_space<vmem>>, vector<16xf32>,
        %get3A_812 = arith.index_cast %scan3A_786 : i32 to index
        %get3A_813 = arith.constant 48 : index
        %get3A_814 = tpu.vector_load %arg14[%get3A_812, %get3A_813] {strides = array<i32>} : memref<128x64xf32, #tpu.memory_space<vmem>>, vector<16xf32>,
        %add3A_815 = arith.addf %get3A_793, %get3A_805 : vector<16xf32>
        %mul3A_816 = arith.constant 2.000000e-01 : f32
        %mul3A_817 = vector.broadcast %mul3A_816 : f32 to vector<16xf32>
        %mul3A_818 = arith.mulf %mul3A_817, %add3A_815 : vector<16xf32>
        %max3A_819 = arith.maximumf %add3A_815, %mul3A_818 : vector<16xf32>
        %mul3A_820 = arith.mulf %max3A_819, %get3A_66 : vector<16xf32>
        %add3A_821 = arith.addf %get3A_796, %get3A_808 : vector<16xf32>
        %mul3A_822 = arith.constant 2.000000e-01 : f32
        %mul3A_823 = vector.broadcast %mul3A_822 : f32 to vector<16xf32>
        %mul3A_824 = arith.mulf %mul3A_823, %add3A_821 : vector<16xf32>
        %max3A_825 = arith.maximumf %add3A_821, %mul3A_824 : vector<16xf32>
        %mul3A_826 = arith.mulf %max3A_825, %get3A_70 : vector<16xf32>
        %add3A_827 = arith.addf %get3A_799, %get3A_811 : vector<16xf32>
        %mul3A_828 = arith.constant 2.000000e-01 : f32
        %mul3A_829 = vector.broadcast %mul3A_828 : f32 to vector<16xf32>
        %mul3A_830 = arith.mulf %mul3A_829, %add3A_827 : vector<16xf32>
        %max3A_831 = arith.maximumf %add3A_827, %mul3A_830 : vector<16xf32>
        %mul3A_832 = arith.mulf %max3A_831, %get3A_74 : vector<16xf32>
        %add3A_833 = arith.addf %get3A_802, %get3A_814 : vector<16xf32>
        %mul3A_834 = arith.constant 2.000000e-01 : f32
        %mul3A_835 = vector.broadcast %mul3A_834 : f32 to vector<16xf32>
        %mul3A_836 = arith.mulf %mul3A_835, %add3A_833 : vector<16xf32>
        %max3A_837 = arith.maximumf %add3A_833, %mul3A_836 : vector<16xf32>
        %mul3A_838 = arith.mulf %max3A_837, %get3A_78 : vector<16xf32>
        %add3A_839 = arith.addf %mul3A_820, %mul3A_826 : vector<16xf32>
        %add3A_840 = arith.addf %add3A_839, %mul3A_832 : vector<16xf32>
        %add3A_841 = arith.addf %add3A_840, %mul3A_838 : vector<16xf32>
        %broadcast_in_dim3A_842 = arith.constant true
        %broadcast_in_dim3A_843 = vector.broadcast %broadcast_in_dim3A_842 : i1 to vector<16xi1>
        %masked_cumsum3A_844 = tpu.scan <sum>, %add3A_841 masked %broadcast_in_dim3A_843 : vector<16xf32>, vector<16xi1> -> vector<16xf32>
        %slice3A_845 = vector.extract_strided_slice %masked_cumsum3A_844 {offsets = [15], sizes = [1], strides = [1]} : vector<16xf32> to vector<1xf32>
        %squeeze3A_846 = vector.extract %slice3A_845[0] : f32 from vector<1xf32>
        %broadcast_in_dim3A_847 = vector.broadcast %squeeze3A_846 : f32 to vector<16xf32>
        %exp3A_848 = math.exp %broadcast_in_dim3A_847 : vector<16xf32>
        %select_n3A_849 = arith.select %broadcast_in_dim3A_790, %exp3A_848, %broadcast_in_dim3A_0 : vector<16xi1>, vector<16xf32>
        %mul3A_850 = arith.mulf %get3A_793, %select_n3A_849 : vector<16xf32>
        %swap3A_851 = arith.index_cast %scan3A_786 : i32 to index
        %swap3A_852 = arith.constant 0 : index
        %swap3A_853 = tpu.vector_load %arg19[%swap3A_851, %swap3A_852] {strides = array<i32>} : memref<128x80xf32, #tpu.memory_space<vmem>>, vector<16xf32>,
        tpu.vector_store %arg19[%swap3A_851, %swap3A_852], %mul3A_850 {strides = array<i32>} : memref<128x80xf32, #tpu.memory_space<vmem>>, vector<16xf32>,
        %mul3A_854 = arith.mulf %get3A_796, %select_n3A_849 : vector<16xf32>
        %swap3A_855 = arith.index_cast %scan3A_786 : i32 to index
        %swap3A_856 = arith.constant 16 : index
        %swap3A_857 = tpu.vector_load %arg19[%swap3A_855, %swap3A_856] {strides = array<i32>} : memref<128x80xf32, #tpu.memory_space<vmem>>, vector<16xf32>,
        tpu.vector_store %arg19[%swap3A_855, %swap3A_856], %mul3A_854 {strides = array<i32>} : memref<128x80xf32, #tpu.memory_space<vmem>>, vector<16xf32>,
        %mul3A_858 = arith.mulf %get3A_799, %select_n3A_849 : vector<16xf32>
        %swap3A_859 = arith.index_cast %scan3A_786 : i32 to index
        %swap3A_860 = arith.constant 32 : index
        %swap3A_861 = tpu.vector_load %arg19[%swap3A_859, %swap3A_860] {strides = array<i32>} : memref<128x80xf32, #tpu.memory_space<vmem>>, vector<16xf32>,
        tpu.vector_store %arg19[%swap3A_859, %swap3A_860], %mul3A_858 {strides = array<i32>} : memref<128x80xf32, #tpu.memory_space<vmem>>, vector<16xf32>,
        %mul3A_862 = arith.mulf %get3A_802, %select_n3A_849 : vector<16xf32>
        %swap3A_863 = arith.index_cast %scan3A_786 : i32 to index
        %swap3A_864 = arith.constant 48 : index
        %swap3A_865 = tpu.vector_load %arg19[%swap3A_863, %swap3A_864] {strides = array<i32>} : memref<128x80xf32, #tpu.memory_space<vmem>>, vector<16xf32>,
        tpu.vector_store %arg19[%swap3A_863, %swap3A_864], %mul3A_862 {strides = array<i32>} : memref<128x80xf32, #tpu.memory_space<vmem>>, vector<16xf32>,
        %eq3A_866 = arith.constant 0 : i32
        %eq3A_867 = vector.broadcast %eq3A_866 : i32 to vector<16xi32>
        %eq3A_868 = arith.cmpi eq, %iota3A, %eq3A_867 : vector<16xi32>
        %select_n3A_869 = arith.select %eq3A_868, %select_n3A_849, %broadcast_in_dim3A_0 : vector<16xi1>, vector<16xf32>
        %swap3A_870 = arith.index_cast %scan3A_786 : i32 to index
        %swap3A_871 = arith.constant 64 : index
        %swap3A_872 = tpu.vector_load %arg19[%swap3A_870, %swap3A_871] {strides = array<i32>} : memref<128x80xf32, #tpu.memory_space<vmem>>, vector<16xf32>,
        tpu.vector_store %arg19[%swap3A_870, %swap3A_871], %select_n3A_869 {strides = array<i32>} : memref<128x80xf32, #tpu.memory_space<vmem>>, vector<16xf32>,
        %scan3A_873 = arith.constant 2 : i32
        %scan3A_874 = arith.addi %scan3A_706, %scan3A_873 : i32
        %add3A_875 = arith.addi %add3A_472, %scan3A_874 : i32
        %lt3A_876 = arith.constant 330000 : i32
        %lt3A_877 = arith.cmpi slt, %add3A_875, %lt3A_876 : i32
        %broadcast_in_dim3A_878 = vector.broadcast %lt3A_877 : i1 to vector<16xi1>
        %get3A_879 = arith.index_cast %scan3A_874 : i32 to index
        %get3A_880 = arith.constant 0 : index
        %get3A_881 = tpu.vector_load %arg13[%get3A_879, %get3A_880] {strides = array<i32>} : memref<128x64xf32, #tpu.memory_space<vmem>>, vector<16xf32>,
        %get3A_882 = arith.index_cast %scan3A_874 : i32 to index
        %get3A_883 = arith.constant 16 : index
        %get3A_884 = tpu.vector_load %arg13[%get3A_882, %get3A_883] {strides = array<i32>} : memref<128x64xf32, #tpu.memory_space<vmem>>, vector<16xf32>,
        %get3A_885 = arith.index_cast %scan3A_874 : i32 to index
        %get3A_886 = arith.constant 32 : index
        %get3A_887 = tpu.vector_load %arg13[%get3A_885, %get3A_886] {strides = array<i32>} : memref<128x64xf32, #tpu.memory_space<vmem>>, vector<16xf32>,
        %get3A_888 = arith.index_cast %scan3A_874 : i32 to index
        %get3A_889 = arith.constant 48 : index
        %get3A_890 = tpu.vector_load %arg13[%get3A_888, %get3A_889] {strides = array<i32>} : memref<128x64xf32, #tpu.memory_space<vmem>>, vector<16xf32>,
        %get3A_891 = arith.index_cast %scan3A_874 : i32 to index
        %get3A_892 = arith.constant 0 : index
        %get3A_893 = tpu.vector_load %arg14[%get3A_891, %get3A_892] {strides = array<i32>} : memref<128x64xf32, #tpu.memory_space<vmem>>, vector<16xf32>,
        %get3A_894 = arith.index_cast %scan3A_874 : i32 to index
        %get3A_895 = arith.constant 16 : index
        %get3A_896 = tpu.vector_load %arg14[%get3A_894, %get3A_895] {strides = array<i32>} : memref<128x64xf32, #tpu.memory_space<vmem>>, vector<16xf32>,
        %get3A_897 = arith.index_cast %scan3A_874 : i32 to index
        %get3A_898 = arith.constant 32 : index
        %get3A_899 = tpu.vector_load %arg14[%get3A_897, %get3A_898] {strides = array<i32>} : memref<128x64xf32, #tpu.memory_space<vmem>>, vector<16xf32>,
        %get3A_900 = arith.index_cast %scan3A_874 : i32 to index
        %get3A_901 = arith.constant 48 : index
        %get3A_902 = tpu.vector_load %arg14[%get3A_900, %get3A_901] {strides = array<i32>} : memref<128x64xf32, #tpu.memory_space<vmem>>, vector<16xf32>,
        %add3A_903 = arith.addf %get3A_881, %get3A_893 : vector<16xf32>
        %mul3A_904 = arith.constant 2.000000e-01 : f32
        %mul3A_905 = vector.broadcast %mul3A_904 : f32 to vector<16xf32>
        %mul3A_906 = arith.mulf %mul3A_905, %add3A_903 : vector<16xf32>
        %max3A_907 = arith.maximumf %add3A_903, %mul3A_906 : vector<16xf32>
        %mul3A_908 = arith.mulf %max3A_907, %get3A_66 : vector<16xf32>
        %add3A_909 = arith.addf %get3A_884, %get3A_896 : vector<16xf32>
        %mul3A_910 = arith.constant 2.000000e-01 : f32
        %mul3A_911 = vector.broadcast %mul3A_910 : f32 to vector<16xf32>
        %mul3A_912 = arith.mulf %mul3A_911, %add3A_909 : vector<16xf32>
        %max3A_913 = arith.maximumf %add3A_909, %mul3A_912 : vector<16xf32>
        %mul3A_914 = arith.mulf %max3A_913, %get3A_70 : vector<16xf32>
        %add3A_915 = arith.addf %get3A_887, %get3A_899 : vector<16xf32>
        %mul3A_916 = arith.constant 2.000000e-01 : f32
        %mul3A_917 = vector.broadcast %mul3A_916 : f32 to vector<16xf32>
        %mul3A_918 = arith.mulf %mul3A_917, %add3A_915 : vector<16xf32>
        %max3A_919 = arith.maximumf %add3A_915, %mul3A_918 : vector<16xf32>
        %mul3A_920 = arith.mulf %max3A_919, %get3A_74 : vector<16xf32>
        %add3A_921 = arith.addf %get3A_890, %get3A_902 : vector<16xf32>
        %mul3A_922 = arith.constant 2.000000e-01 : f32
        %mul3A_923 = vector.broadcast %mul3A_922 : f32 to vector<16xf32>
        %mul3A_924 = arith.mulf %mul3A_923, %add3A_921 : vector<16xf32>
        %max3A_925 = arith.maximumf %add3A_921, %mul3A_924 : vector<16xf32>
        %mul3A_926 = arith.mulf %max3A_925, %get3A_78 : vector<16xf32>
        %add3A_927 = arith.addf %mul3A_908, %mul3A_914 : vector<16xf32>
        %add3A_928 = arith.addf %add3A_927, %mul3A_920 : vector<16xf32>
        %add3A_929 = arith.addf %add3A_928, %mul3A_926 : vector<16xf32>
        %broadcast_in_dim3A_930 = arith.constant true
        %broadcast_in_dim3A_931 = vector.broadcast %broadcast_in_dim3A_930 : i1 to vector<16xi1>
        %masked_cumsum3A_932 = tpu.scan <sum>, %add3A_929 masked %broadcast_in_dim3A_931 : vector<16xf32>, vector<16xi1> -> vector<16xf32>
        %slice3A_933 = vector.extract_strided_slice %masked_cumsum3A_932 {offsets = [15], sizes = [1], strides = [1]} : vector<16xf32> to vector<1xf32>
        %squeeze3A_934 = vector.extract %slice3A_933[0] : f32 from vector<1xf32>
        %broadcast_in_dim3A_935 = vector.broadcast %squeeze3A_934 : f32 to vector<16xf32>
        %exp3A_936 = math.exp %broadcast_in_dim3A_935 : vector<16xf32>
        %select_n3A_937 = arith.select %broadcast_in_dim3A_878, %exp3A_936, %broadcast_in_dim3A_0 : vector<16xi1>, vector<16xf32>
        %mul3A_938 = arith.mulf %get3A_881, %select_n3A_937 : vector<16xf32>
        %swap3A_939 = arith.index_cast %scan3A_874 : i32 to index
        %swap3A_940 = arith.constant 0 : index
        %swap3A_941 = tpu.vector_load %arg19[%swap3A_939, %swap3A_940] {strides = array<i32>} : memref<128x80xf32, #tpu.memory_space<vmem>>, vector<16xf32>,
        tpu.vector_store %arg19[%swap3A_939, %swap3A_940], %mul3A_938 {strides = array<i32>} : memref<128x80xf32, #tpu.memory_space<vmem>>, vector<16xf32>,
        %mul3A_942 = arith.mulf %get3A_884, %select_n3A_937 : vector<16xf32>
        %swap3A_943 = arith.index_cast %scan3A_874 : i32 to index
        %swap3A_944 = arith.constant 16 : index
        %swap3A_945 = tpu.vector_load %arg19[%swap3A_943, %swap3A_944] {strides = array<i32>} : memref<128x80xf32, #tpu.memory_space<vmem>>, vector<16xf32>,
        tpu.vector_store %arg19[%swap3A_943, %swap3A_944], %mul3A_942 {strides = array<i32>} : memref<128x80xf32, #tpu.memory_space<vmem>>, vector<16xf32>,
        %mul3A_946 = arith.mulf %get3A_887, %select_n3A_937 : vector<16xf32>
        %swap3A_947 = arith.index_cast %scan3A_874 : i32 to index
        %swap3A_948 = arith.constant 32 : index
        %swap3A_949 = tpu.vector_load %arg19[%swap3A_947, %swap3A_948] {strides = array<i32>} : memref<128x80xf32, #tpu.memory_space<vmem>>, vector<16xf32>,
        tpu.vector_store %arg19[%swap3A_947, %swap3A_948], %mul3A_946 {strides = array<i32>} : memref<128x80xf32, #tpu.memory_space<vmem>>, vector<16xf32>,
        %mul3A_950 = arith.mulf %get3A_890, %select_n3A_937 : vector<16xf32>
        %swap3A_951 = arith.index_cast %scan3A_874 : i32 to index
        %swap3A_952 = arith.constant 48 : index
        %swap3A_953 = tpu.vector_load %arg19[%swap3A_951, %swap3A_952] {strides = array<i32>} : memref<128x80xf32, #tpu.memory_space<vmem>>, vector<16xf32>,
        tpu.vector_store %arg19[%swap3A_951, %swap3A_952], %mul3A_950 {strides = array<i32>} : memref<128x80xf32, #tpu.memory_space<vmem>>, vector<16xf32>,
        %eq3A_954 = arith.constant 0 : i32
        %eq3A_955 = vector.broadcast %eq3A_954 : i32 to vector<16xi32>
        %eq3A_956 = arith.cmpi eq, %iota3A, %eq3A_955 : vector<16xi32>
        %select_n3A_957 = arith.select %eq3A_956, %select_n3A_937, %broadcast_in_dim3A_0 : vector<16xi1>, vector<16xf32>
        %swap3A_958 = arith.index_cast %scan3A_874 : i32 to index
        %swap3A_959 = arith.constant 64 : index
        %swap3A_960 = tpu.vector_load %arg19[%swap3A_958, %swap3A_959] {strides = array<i32>} : memref<128x80xf32, #tpu.memory_space<vmem>>, vector<16xf32>,
        tpu.vector_store %arg19[%swap3A_958, %swap3A_959], %select_n3A_957 {strides = array<i32>} : memref<128x80xf32, #tpu.memory_space<vmem>>, vector<16xf32>,
        %scan3A_961 = arith.constant 3 : i32
        %scan3A_962 = arith.addi %scan3A_706, %scan3A_961 : i32
        %add3A_963 = arith.addi %add3A_472, %scan3A_962 : i32
        %lt3A_964 = arith.constant 330000 : i32
        %lt3A_965 = arith.cmpi slt, %add3A_963, %lt3A_964 : i32
        %broadcast_in_dim3A_966 = vector.broadcast %lt3A_965 : i1 to vector<16xi1>
        %get3A_967 = arith.index_cast %scan3A_962 : i32 to index
        %get3A_968 = arith.constant 0 : index
        %get3A_969 = tpu.vector_load %arg13[%get3A_967, %get3A_968] {strides = array<i32>} : memref<128x64xf32, #tpu.memory_space<vmem>>, vector<16xf32>,
        %get3A_970 = arith.index_cast %scan3A_962 : i32 to index
        %get3A_971 = arith.constant 16 : index
        %get3A_972 = tpu.vector_load %arg13[%get3A_970, %get3A_971] {strides = array<i32>} : memref<128x64xf32, #tpu.memory_space<vmem>>, vector<16xf32>,
        %get3A_973 = arith.index_cast %scan3A_962 : i32 to index
        %get3A_974 = arith.constant 32 : index
        %get3A_975 = tpu.vector_load %arg13[%get3A_973, %get3A_974] {strides = array<i32>} : memref<128x64xf32, #tpu.memory_space<vmem>>, vector<16xf32>,
        %get3A_976 = arith.index_cast %scan3A_962 : i32 to index
        %get3A_977 = arith.constant 48 : index
        %get3A_978 = tpu.vector_load %arg13[%get3A_976, %get3A_977] {strides = array<i32>} : memref<128x64xf32, #tpu.memory_space<vmem>>, vector<16xf32>,
        %get3A_979 = arith.index_cast %scan3A_962 : i32 to index
        %get3A_980 = arith.constant 0 : index
        %get3A_981 = tpu.vector_load %arg14[%get3A_979, %get3A_980] {strides = array<i32>} : memref<128x64xf32, #tpu.memory_space<vmem>>, vector<16xf32>,
        %get3A_982 = arith.index_cast %scan3A_962 : i32 to index
        %get3A_983 = arith.constant 16 : index
        %get3A_984 = tpu.vector_load %arg14[%get3A_982, %get3A_983] {strides = array<i32>} : memref<128x64xf32, #tpu.memory_space<vmem>>, vector<16xf32>,
        %get3A_985 = arith.index_cast %scan3A_962 : i32 to index
        %get3A_986 = arith.constant 32 : index
        %get3A_987 = tpu.vector_load %arg14[%get3A_985, %get3A_986] {strides = array<i32>} : memref<128x64xf32, #tpu.memory_space<vmem>>, vector<16xf32>,
        %get3A_988 = arith.index_cast %scan3A_962 : i32 to index
        %get3A_989 = arith.constant 48 : index
        %get3A_990 = tpu.vector_load %arg14[%get3A_988, %get3A_989] {strides = array<i32>} : memref<128x64xf32, #tpu.memory_space<vmem>>, vector<16xf32>,
        %add3A_991 = arith.addf %get3A_969, %get3A_981 : vector<16xf32>
        %mul3A_992 = arith.constant 2.000000e-01 : f32
        %mul3A_993 = vector.broadcast %mul3A_992 : f32 to vector<16xf32>
        %mul3A_994 = arith.mulf %mul3A_993, %add3A_991 : vector<16xf32>
        %max3A_995 = arith.maximumf %add3A_991, %mul3A_994 : vector<16xf32>
        %mul3A_996 = arith.mulf %max3A_995, %get3A_66 : vector<16xf32>
        %add3A_997 = arith.addf %get3A_972, %get3A_984 : vector<16xf32>
        %mul3A_998 = arith.constant 2.000000e-01 : f32
        %mul3A_999 = vector.broadcast %mul3A_998 : f32 to vector<16xf32>
        %mul3A_1000 = arith.mulf %mul3A_999, %add3A_997 : vector<16xf32>
        %max3A_1001 = arith.maximumf %add3A_997, %mul3A_1000 : vector<16xf32>
        %mul3A_1002 = arith.mulf %max3A_1001, %get3A_70 : vector<16xf32>
        %add3A_1003 = arith.addf %get3A_975, %get3A_987 : vector<16xf32>
        %mul3A_1004 = arith.constant 2.000000e-01 : f32
        %mul3A_1005 = vector.broadcast %mul3A_1004 : f32 to vector<16xf32>
        %mul3A_1006 = arith.mulf %mul3A_1005, %add3A_1003 : vector<16xf32>
        %max3A_1007 = arith.maximumf %add3A_1003, %mul3A_1006 : vector<16xf32>
        %mul3A_1008 = arith.mulf %max3A_1007, %get3A_74 : vector<16xf32>
        %add3A_1009 = arith.addf %get3A_978, %get3A_990 : vector<16xf32>
        %mul3A_1010 = arith.constant 2.000000e-01 : f32
        %mul3A_1011 = vector.broadcast %mul3A_1010 : f32 to vector<16xf32>
        %mul3A_1012 = arith.mulf %mul3A_1011, %add3A_1009 : vector<16xf32>
        %max3A_1013 = arith.maximumf %add3A_1009, %mul3A_1012 : vector<16xf32>
        %mul3A_1014 = arith.mulf %max3A_1013, %get3A_78 : vector<16xf32>
        %add3A_1015 = arith.addf %mul3A_996, %mul3A_1002 : vector<16xf32>
        %add3A_1016 = arith.addf %add3A_1015, %mul3A_1008 : vector<16xf32>
        %add3A_1017 = arith.addf %add3A_1016, %mul3A_1014 : vector<16xf32>
        %broadcast_in_dim3A_1018 = arith.constant true
        %broadcast_in_dim3A_1019 = vector.broadcast %broadcast_in_dim3A_1018 : i1 to vector<16xi1>
        %masked_cumsum3A_1020 = tpu.scan <sum>, %add3A_1017 masked %broadcast_in_dim3A_1019 : vector<16xf32>, vector<16xi1> -> vector<16xf32>
        %slice3A_1021 = vector.extract_strided_slice %masked_cumsum3A_1020 {offsets = [15], sizes = [1], strides = [1]} : vector<16xf32> to vector<1xf32>
        %squeeze3A_1022 = vector.extract %slice3A_1021[0] : f32 from vector<1xf32>
        %broadcast_in_dim3A_1023 = vector.broadcast %squeeze3A_1022 : f32 to vector<16xf32>
        %exp3A_1024 = math.exp %broadcast_in_dim3A_1023 : vector<16xf32>
        %select_n3A_1025 = arith.select %broadcast_in_dim3A_966, %exp3A_1024, %broadcast_in_dim3A_0 : vector<16xi1>, vector<16xf32>
        %mul3A_1026 = arith.mulf %get3A_969, %select_n3A_1025 : vector<16xf32>
        %swap3A_1027 = arith.index_cast %scan3A_962 : i32 to index
        %swap3A_1028 = arith.constant 0 : index
        %swap3A_1029 = tpu.vector_load %arg19[%swap3A_1027, %swap3A_1028] {strides = array<i32>} : memref<128x80xf32, #tpu.memory_space<vmem>>, vector<16xf32>,
        tpu.vector_store %arg19[%swap3A_1027, %swap3A_1028], %mul3A_1026 {strides = array<i32>} : memref<128x80xf32, #tpu.memory_space<vmem>>, vector<16xf32>,
        %mul3A_1030 = arith.mulf %get3A_972, %select_n3A_1025 : vector<16xf32>
        %swap3A_1031 = arith.index_cast %scan3A_962 : i32 to index
        %swap3A_1032 = arith.constant 16 : index
        %swap3A_1033 = tpu.vector_load %arg19[%swap3A_1031, %swap3A_1032] {strides = array<i32>} : memref<128x80xf32, #tpu.memory_space<vmem>>, vector<16xf32>,
        tpu.vector_store %arg19[%swap3A_1031, %swap3A_1032], %mul3A_1030 {strides = array<i32>} : memref<128x80xf32, #tpu.memory_space<vmem>>, vector<16xf32>,
        %mul3A_1034 = arith.mulf %get3A_975, %select_n3A_1025 : vector<16xf32>
        %swap3A_1035 = arith.index_cast %scan3A_962 : i32 to index
        %swap3A_1036 = arith.constant 32 : index
        %swap3A_1037 = tpu.vector_load %arg19[%swap3A_1035, %swap3A_1036] {strides = array<i32>} : memref<128x80xf32, #tpu.memory_space<vmem>>, vector<16xf32>,
        tpu.vector_store %arg19[%swap3A_1035, %swap3A_1036], %mul3A_1034 {strides = array<i32>} : memref<128x80xf32, #tpu.memory_space<vmem>>, vector<16xf32>,
        %mul3A_1038 = arith.mulf %get3A_978, %select_n3A_1025 : vector<16xf32>
        %swap3A_1039 = arith.index_cast %scan3A_962 : i32 to index
        %swap3A_1040 = arith.constant 48 : index
        %swap3A_1041 = tpu.vector_load %arg19[%swap3A_1039, %swap3A_1040] {strides = array<i32>} : memref<128x80xf32, #tpu.memory_space<vmem>>, vector<16xf32>,
        tpu.vector_store %arg19[%swap3A_1039, %swap3A_1040], %mul3A_1038 {strides = array<i32>} : memref<128x80xf32, #tpu.memory_space<vmem>>, vector<16xf32>,
        %eq3A_1042 = arith.constant 0 : i32
        %eq3A_1043 = vector.broadcast %eq3A_1042 : i32 to vector<16xi32>
        %eq3A_1044 = arith.cmpi eq, %iota3A, %eq3A_1043 : vector<16xi32>
        %select_n3A_1045 = arith.select %eq3A_1044, %select_n3A_1025, %broadcast_in_dim3A_0 : vector<16xi1>, vector<16xf32>
        %swap3A_1046 = arith.index_cast %scan3A_962 : i32 to index
        %swap3A_1047 = arith.constant 64 : index
        %swap3A_1048 = tpu.vector_load %arg19[%swap3A_1046, %swap3A_1047] {strides = array<i32>} : memref<128x80xf32, #tpu.memory_space<vmem>>, vector<16xf32>,
        tpu.vector_store %arg19[%swap3A_1046, %swap3A_1047], %select_n3A_1045 {strides = array<i32>} : memref<128x80xf32, #tpu.memory_space<vmem>>, vector<16xf32>,
      }
      %scan3A_477 = arith.constant 128 : i32
      %dma_start3A_478 = arith.constant 0 : i32
      %dma_start3A_479 = arith.constant 0 : i32
      %dma_start3A_480 = tpu.memref_slice %arg22[%dma_start3A_478, %dma_start3A_479] : memref<10000x80xf32, #tpu.memory_space<vmem_shared>> -> memref<10000x80xf32, #tpu.memory_space<vmem_shared>>
      tpu.enqueue_indirect_dma source(%arg19 : memref<128x80xf32, #tpu.memory_space<vmem>>) target(%dma_start3A_480 : memref<10000x80xf32, #tpu.memory_space<vmem_shared>>) offsets(%arg17 : memref<128xi32, #tpu.memory_space<vmem>>) semaphore(%arg27 : memref<!tpu.dma_semaphore, #tpu.memory_space<semaphore_mem>>) {add = true}
      %mul3A_481 = arith.constant 2 : i32
      %mul3A_482 = arith.muli %mul3A_481, %scan3A_255 : i32
      %add3A_483 = arith.constant 1 : i32
      %add3A_484 = arith.addi %mul3A_482, %add3A_483 : i32
      %add3A_485 = arith.addi %mul3A_80, %add3A_484 : i32
      %add3A_486 = arith.constant 1 : i32
      %add3A_487 = arith.addi %add3A_485, %add3A_486 : i32
      "tpu.region"() ({
        %run_scoped3A = tpu.sem_alloc : memref<!tpu.dma_semaphore, #tpu.memory_space<semaphore_mem>>
        %dma_start3A_706 = arith.constant 0 : i32
        %dma_start3A_707 = arith.constant 0 : i32
        %dma_start3A_708 = tpu.memref_slice %arg4[%add3A_487, %dma_start3A_706, %dma_start3A_707] : memref<2625x2x128xi32, #tpu.memory_space<hbm>> -> memref<1x2x128xi32, #tpu.memory_space<hbm>>
        %dma_start3A_709 = tpu.memref_squeeze %dma_start3A_708 : memref<1x2x128xi32, #tpu.memory_space<hbm>> -> memref<2x128xi32, #tpu.memory_space<hbm>>
        %dma_start3A_710 = arith.constant 0 : i32
        %dma_start3A_711 = arith.constant 0 : i32
        %dma_start3A_712 = tpu.memref_slice %arg4[%add3A_487, %dma_start3A_710, %dma_start3A_711] : memref<2625x2x128xi32, #tpu.memory_space<hbm>> -> memref<1x2x128xi32, #tpu.memory_space<hbm>>
        %dma_start3A_713 = tpu.memref_squeeze %dma_start3A_712 : memref<1x2x128xi32, #tpu.memory_space<hbm>> -> memref<2x128xi32, #tpu.memory_space<hbm>>
        tpu.enqueue_dma source(%dma_start3A_713 : memref<2x128xi32, #tpu.memory_space<hbm>>) target(%arg7 : memref<2x128xi32, #tpu.memory_space<vmem>>) target_semaphore(%run_scoped3A : memref<!tpu.dma_semaphore, #tpu.memory_space<semaphore_mem>>)
        %dma_wait3A_714 = arith.constant 0 : i32
        %dma_wait3A_715 = arith.constant 0 : i32
        %dma_wait3A_716 = tpu.memref_slice %arg4[%add3A_487, %dma_wait3A_714, %dma_wait3A_715] : memref<2625x2x128xi32, #tpu.memory_space<hbm>> -> memref<1x2x128xi32, #tpu.memory_space<hbm>>
        %dma_wait3A_717 = tpu.memref_squeeze %dma_wait3A_716 : memref<1x2x128xi32, #tpu.memory_space<hbm>> -> memref<2x128xi32, #tpu.memory_space<hbm>>
        %dma_wait3A_718 = arith.constant 0 : i32
        %dma_wait3A_719 = arith.constant 0 : i32
        %dma_wait3A_720 = tpu.memref_slice %arg4[%add3A_487, %dma_wait3A_718, %dma_wait3A_719] : memref<2625x2x128xi32, #tpu.memory_space<hbm>> -> memref<1x2x128xi32, #tpu.memory_space<hbm>>
        %dma_wait3A_721 = tpu.memref_squeeze %dma_wait3A_720 : memref<1x2x128xi32, #tpu.memory_space<hbm>> -> memref<2x128xi32, #tpu.memory_space<hbm>>
        tpu.wait_dma2 semaphore(%run_scoped3A : memref<!tpu.dma_semaphore, #tpu.memory_space<semaphore_mem>>) src(%dma_wait3A_721 : memref<2x128xi32, #tpu.memory_space<hbm>>) dst(%arg7 : memref<2x128xi32, #tpu.memory_space<vmem>>)
        tpu.yield
      }) : () -> ()
      %get3A_488 = arith.constant 0 : i32
      %get3A_489 = arith.index_cast %get3A_488 : i32 to index
      %get3A_490 = arith.constant 0 : index
      %get3A_491 = tpu.vector_load %arg7[%get3A_489, %get3A_490] {strides = array<i32>} : memref<2x128xi32, #tpu.memory_space<vmem>>, vector<16xi32>,
      %get3A_492 = arith.constant 1 : i32
      %get3A_493 = arith.index_cast %get3A_492 : i32 to index
      %get3A_494 = arith.constant 0 : index
      %get3A_495 = tpu.vector_load %arg7[%get3A_493, %get3A_494] {strides = array<i32>} : memref<2x128xi32, #tpu.memory_space<vmem>>, vector<16xi32>,
      %add3A_496 = arith.addi %get3A_491, %get3A_491 : vector<16xi32>
      %add3A_497 = vector.broadcast %arg0 : i32 to vector<16xi32>
      %add3A_498 = arith.addi %add3A_496, %add3A_497 : vector<16xi32>
      %swap3A_499 = arith.constant 0 : index
      %swap3A_500 = tpu.vector_load %arg9[%swap3A_499] {strides = array<i32>} : memref<128xi32, #tpu.memory_space<vmem>>, vector<16xi32>,
      tpu.vector_store %arg9[%swap3A_499], %add3A_498 {strides = array<i32>} : memref<128xi32, #tpu.memory_space<vmem>>, vector<16xi32>,
      %add3A_501 = arith.addi %get3A_495, %get3A_495 : vector<16xi32>
      %add3A_502 = vector.broadcast %arg0 : i32 to vector<16xi32>
      %add3A_503 = arith.addi %add3A_501, %add3A_502 : vector<16xi32>
      %swap3A_504 = arith.constant 0 : index
      %swap3A_505 = tpu.vector_load %arg10[%swap3A_504] {strides = array<i32>} : memref<128xi32, #tpu.memory_space<vmem>>, vector<16xi32>,
      tpu.vector_store %arg10[%swap3A_504], %add3A_503 {strides = array<i32>} : memref<128xi32, #tpu.memory_space<vmem>>, vector<16xi32>,
      %get3A_506 = arith.constant 0 : i32
      %get3A_507 = arith.index_cast %get3A_506 : i32 to index
      %get3A_508 = arith.constant 16 : index
      %get3A_509 = tpu.vector_load %arg7[%get3A_507, %get3A_508] {strides = array<i32>} : memref<2x128xi32, #tpu.memory_space<vmem>>, vector<16xi32>,
      %get3A_510 = arith.constant 1 : i32
      %get3A_511 = arith.index_cast %get3A_510 : i32 to index
      %get3A_512 = arith.constant 16 : index
      %get3A_513 = tpu.vector_load %arg7[%get3A_511, %get3A_512] {strides = array<i32>} : memref<2x128xi32, #tpu.memory_space<vmem>>, vector<16xi32>,
      %add3A_514 = arith.addi %get3A_509, %get3A_509 : vector<16xi32>
      %add3A_515 = vector.broadcast %arg0 : i32 to vector<16xi32>
      %add3A_516 = arith.addi %add3A_514, %add3A_515 : vector<16xi32>
      %swap3A_517 = arith.constant 16 : index
      %swap3A_518 = tpu.vector_load %arg9[%swap3A_517] {strides = array<i32>} : memref<128xi32, #tpu.memory_space<vmem>>, vector<16xi32>,
      tpu.vector_store %arg9[%swap3A_517], %add3A_516 {strides = array<i32>} : memref<128xi32, #tpu.memory_space<vmem>>, vector<16xi32>,
      %add3A_519 = arith.addi %get3A_513, %get3A_513 : vector<16xi32>
      %add3A_520 = vector.broadcast %arg0 : i32 to vector<16xi32>
      %add3A_521 = arith.addi %add3A_519, %add3A_520 : vector<16xi32>
      %swap3A_522 = arith.constant 16 : index
      %swap3A_523 = tpu.vector_load %arg10[%swap3A_522] {strides = array<i32>} : memref<128xi32, #tpu.memory_space<vmem>>, vector<16xi32>,
      tpu.vector_store %arg10[%swap3A_522], %add3A_521 {strides = array<i32>} : memref<128xi32, #tpu.memory_space<vmem>>, vector<16xi32>,
      %get3A_524 = arith.constant 0 : i32
      %get3A_525 = arith.index_cast %get3A_524 : i32 to index
      %get3A_526 = arith.constant 32 : index
      %get3A_527 = tpu.vector_load %arg7[%get3A_525, %get3A_526] {strides = array<i32>} : memref<2x128xi32, #tpu.memory_space<vmem>>, vector<16xi32>,
      %get3A_528 = arith.constant 1 : i32
      %get3A_529 = arith.index_cast %get3A_528 : i32 to index
      %get3A_530 = arith.constant 32 : index
      %get3A_531 = tpu.vector_load %arg7[%get3A_529, %get3A_530] {strides = array<i32>} : memref<2x128xi32, #tpu.memory_space<vmem>>, vector<16xi32>,
      %add3A_532 = arith.addi %get3A_527, %get3A_527 : vector<16xi32>
      %add3A_533 = vector.broadcast %arg0 : i32 to vector<16xi32>
      %add3A_534 = arith.addi %add3A_532, %add3A_533 : vector<16xi32>
      %swap3A_535 = arith.constant 32 : index
      %swap3A_536 = tpu.vector_load %arg9[%swap3A_535] {strides = array<i32>} : memref<128xi32, #tpu.memory_space<vmem>>, vector<16xi32>,
      tpu.vector_store %arg9[%swap3A_535], %add3A_534 {strides = array<i32>} : memref<128xi32, #tpu.memory_space<vmem>>, vector<16xi32>,
      %add3A_537 = arith.addi %get3A_531, %get3A_531 : vector<16xi32>
      %add3A_538 = vector.broadcast %arg0 : i32 to vector<16xi32>
      %add3A_539 = arith.addi %add3A_537, %add3A_538 : vector<16xi32>
      %swap3A_540 = arith.constant 32 : index
      %swap3A_541 = tpu.vector_load %arg10[%swap3A_540] {strides = array<i32>} : memref<128xi32, #tpu.memory_space<vmem>>, vector<16xi32>,
      tpu.vector_store %arg10[%swap3A_540], %add3A_539 {strides = array<i32>} : memref<128xi32, #tpu.memory_space<vmem>>, vector<16xi32>,
      %get3A_542 = arith.constant 0 : i32
      %get3A_543 = arith.index_cast %get3A_542 : i32 to index
      %get3A_544 = arith.constant 48 : index
      %get3A_545 = tpu.vector_load %arg7[%get3A_543, %get3A_544] {strides = array<i32>} : memref<2x128xi32, #tpu.memory_space<vmem>>, vector<16xi32>,
      %get3A_546 = arith.constant 1 : i32
      %get3A_547 = arith.index_cast %get3A_546 : i32 to index
      %get3A_548 = arith.constant 48 : index
      %get3A_549 = tpu.vector_load %arg7[%get3A_547, %get3A_548] {strides = array<i32>} : memref<2x128xi32, #tpu.memory_space<vmem>>, vector<16xi32>,
      %add3A_550 = arith.addi %get3A_545, %get3A_545 : vector<16xi32>
      %add3A_551 = vector.broadcast %arg0 : i32 to vector<16xi32>
      %add3A_552 = arith.addi %add3A_550, %add3A_551 : vector<16xi32>
      %swap3A_553 = arith.constant 48 : index
      %swap3A_554 = tpu.vector_load %arg9[%swap3A_553] {strides = array<i32>} : memref<128xi32, #tpu.memory_space<vmem>>, vector<16xi32>,
      tpu.vector_store %arg9[%swap3A_553], %add3A_552 {strides = array<i32>} : memref<128xi32, #tpu.memory_space<vmem>>, vector<16xi32>,
      %add3A_555 = arith.addi %get3A_549, %get3A_549 : vector<16xi32>
      %add3A_556 = vector.broadcast %arg0 : i32 to vector<16xi32>
      %add3A_557 = arith.addi %add3A_555, %add3A_556 : vector<16xi32>
      %swap3A_558 = arith.constant 48 : index
      %swap3A_559 = tpu.vector_load %arg10[%swap3A_558] {strides = array<i32>} : memref<128xi32, #tpu.memory_space<vmem>>, vector<16xi32>,
      tpu.vector_store %arg10[%swap3A_558], %add3A_557 {strides = array<i32>} : memref<128xi32, #tpu.memory_space<vmem>>, vector<16xi32>,
      %get3A_560 = arith.constant 0 : i32
      %get3A_561 = arith.index_cast %get3A_560 : i32 to index
      %get3A_562 = arith.constant 64 : index
      %get3A_563 = tpu.vector_load %arg7[%get3A_561, %get3A_562] {strides = array<i32>} : memref<2x128xi32, #tpu.memory_space<vmem>>, vector<16xi32>,
      %get3A_564 = arith.constant 1 : i32
      %get3A_565 = arith.index_cast %get3A_564 : i32 to index
      %get3A_566 = arith.constant 64 : index
      %get3A_567 = tpu.vector_load %arg7[%get3A_565, %get3A_566] {strides = array<i32>} : memref<2x128xi32, #tpu.memory_space<vmem>>, vector<16xi32>,
      %add3A_568 = arith.addi %get3A_563, %get3A_563 : vector<16xi32>
      %add3A_569 = vector.broadcast %arg0 : i32 to vector<16xi32>
      %add3A_570 = arith.addi %add3A_568, %add3A_569 : vector<16xi32>
      %swap3A_571 = arith.constant 64 : index
      %swap3A_572 = tpu.vector_load %arg9[%swap3A_571] {strides = array<i32>} : memref<128xi32, #tpu.memory_space<vmem>>, vector<16xi32>,
      tpu.vector_store %arg9[%swap3A_571], %add3A_570 {strides = array<i32>} : memref<128xi32, #tpu.memory_space<vmem>>, vector<16xi32>,
      %add3A_573 = arith.addi %get3A_567, %get3A_567 : vector<16xi32>
      %add3A_574 = vector.broadcast %arg0 : i32 to vector<16xi32>
      %add3A_575 = arith.addi %add3A_573, %add3A_574 : vector<16xi32>
      %swap3A_576 = arith.constant 64 : index
      %swap3A_577 = tpu.vector_load %arg10[%swap3A_576] {strides = array<i32>} : memref<128xi32, #tpu.memory_space<vmem>>, vector<16xi32>,
      tpu.vector_store %arg10[%swap3A_576], %add3A_575 {strides = array<i32>} : memref<128xi32, #tpu.memory_space<vmem>>, vector<16xi32>,
      %get3A_578 = arith.constant 0 : i32
      %get3A_579 = arith.index_cast %get3A_578 : i32 to index
      %get3A_580 = arith.constant 80 : index
      %get3A_581 = tpu.vector_load %arg7[%get3A_579, %get3A_580] {strides = array<i32>} : memref<2x128xi32, #tpu.memory_space<vmem>>, vector<16xi32>,
      %get3A_582 = arith.constant 1 : i32
      %get3A_583 = arith.index_cast %get3A_582 : i32 to index
      %get3A_584 = arith.constant 80 : index
      %get3A_585 = tpu.vector_load %arg7[%get3A_583, %get3A_584] {strides = array<i32>} : memref<2x128xi32, #tpu.memory_space<vmem>>, vector<16xi32>,
      %add3A_586 = arith.addi %get3A_581, %get3A_581 : vector<16xi32>
      %add3A_587 = vector.broadcast %arg0 : i32 to vector<16xi32>
      %add3A_588 = arith.addi %add3A_586, %add3A_587 : vector<16xi32>
      %swap3A_589 = arith.constant 80 : index
      %swap3A_590 = tpu.vector_load %arg9[%swap3A_589] {strides = array<i32>} : memref<128xi32, #tpu.memory_space<vmem>>, vector<16xi32>,
      tpu.vector_store %arg9[%swap3A_589], %add3A_588 {strides = array<i32>} : memref<128xi32, #tpu.memory_space<vmem>>, vector<16xi32>,
      %add3A_591 = arith.addi %get3A_585, %get3A_585 : vector<16xi32>
      %add3A_592 = vector.broadcast %arg0 : i32 to vector<16xi32>
      %add3A_593 = arith.addi %add3A_591, %add3A_592 : vector<16xi32>
      %swap3A_594 = arith.constant 80 : index
      %swap3A_595 = tpu.vector_load %arg10[%swap3A_594] {strides = array<i32>} : memref<128xi32, #tpu.memory_space<vmem>>, vector<16xi32>,
      tpu.vector_store %arg10[%swap3A_594], %add3A_593 {strides = array<i32>} : memref<128xi32, #tpu.memory_space<vmem>>, vector<16xi32>,
      %get3A_596 = arith.constant 0 : i32
      %get3A_597 = arith.index_cast %get3A_596 : i32 to index
      %get3A_598 = arith.constant 96 : index
      %get3A_599 = tpu.vector_load %arg7[%get3A_597, %get3A_598] {strides = array<i32>} : memref<2x128xi32, #tpu.memory_space<vmem>>, vector<16xi32>,
      %get3A_600 = arith.constant 1 : i32
      %get3A_601 = arith.index_cast %get3A_600 : i32 to index
      %get3A_602 = arith.constant 96 : index
      %get3A_603 = tpu.vector_load %arg7[%get3A_601, %get3A_602] {strides = array<i32>} : memref<2x128xi32, #tpu.memory_space<vmem>>, vector<16xi32>,
      %add3A_604 = arith.addi %get3A_599, %get3A_599 : vector<16xi32>
      %add3A_605 = vector.broadcast %arg0 : i32 to vector<16xi32>
      %add3A_606 = arith.addi %add3A_604, %add3A_605 : vector<16xi32>
      %swap3A_607 = arith.constant 96 : index
      %swap3A_608 = tpu.vector_load %arg9[%swap3A_607] {strides = array<i32>} : memref<128xi32, #tpu.memory_space<vmem>>, vector<16xi32>,
      tpu.vector_store %arg9[%swap3A_607], %add3A_606 {strides = array<i32>} : memref<128xi32, #tpu.memory_space<vmem>>, vector<16xi32>,
      %add3A_609 = arith.addi %get3A_603, %get3A_603 : vector<16xi32>
      %add3A_610 = vector.broadcast %arg0 : i32 to vector<16xi32>
      %add3A_611 = arith.addi %add3A_609, %add3A_610 : vector<16xi32>
      %swap3A_612 = arith.constant 96 : index
      %swap3A_613 = tpu.vector_load %arg10[%swap3A_612] {strides = array<i32>} : memref<128xi32, #tpu.memory_space<vmem>>, vector<16xi32>,
      tpu.vector_store %arg10[%swap3A_612], %add3A_611 {strides = array<i32>} : memref<128xi32, #tpu.memory_space<vmem>>, vector<16xi32>,
      %get3A_614 = arith.constant 0 : i32
      %get3A_615 = arith.index_cast %get3A_614 : i32 to index
      %get3A_616 = arith.constant 112 : index
      %get3A_617 = tpu.vector_load %arg7[%get3A_615, %get3A_616] {strides = array<i32>} : memref<2x128xi32, #tpu.memory_space<vmem>>, vector<16xi32>,
      %get3A_618 = arith.constant 1 : i32
      %get3A_619 = arith.index_cast %get3A_618 : i32 to index
      %get3A_620 = arith.constant 112 : index
      %get3A_621 = tpu.vector_load %arg7[%get3A_619, %get3A_620] {strides = array<i32>} : memref<2x128xi32, #tpu.memory_space<vmem>>, vector<16xi32>,
      %add3A_622 = arith.addi %get3A_617, %get3A_617 : vector<16xi32>
      %add3A_623 = vector.broadcast %arg0 : i32 to vector<16xi32>
      %add3A_624 = arith.addi %add3A_622, %add3A_623 : vector<16xi32>
      %swap3A_625 = arith.constant 112 : index
      %swap3A_626 = tpu.vector_load %arg9[%swap3A_625] {strides = array<i32>} : memref<128xi32, #tpu.memory_space<vmem>>, vector<16xi32>,
      tpu.vector_store %arg9[%swap3A_625], %add3A_624 {strides = array<i32>} : memref<128xi32, #tpu.memory_space<vmem>>, vector<16xi32>,
      %add3A_627 = arith.addi %get3A_621, %get3A_621 : vector<16xi32>
      %add3A_628 = vector.broadcast %arg0 : i32 to vector<16xi32>
      %add3A_629 = arith.addi %add3A_627, %add3A_628 : vector<16xi32>
      %swap3A_630 = arith.constant 112 : index
      %swap3A_631 = tpu.vector_load %arg10[%swap3A_630] {strides = array<i32>} : memref<128xi32, #tpu.memory_space<vmem>>, vector<16xi32>,
      tpu.vector_store %arg10[%swap3A_630], %add3A_629 {strides = array<i32>} : memref<128xi32, #tpu.memory_space<vmem>>, vector<16xi32>,
      %dma_start3A_632 = arith.constant 0 : i32
      %dma_start3A_633 = arith.constant 0 : i32
      %dma_start3A_634 = tpu.memref_slice %arg2[%dma_start3A_632, %dma_start3A_633] : memref<20000x64xf32, #tpu.memory_space<hbm>> -> memref<20000x64xf32, #tpu.memory_space<hbm>>
      tpu.enqueue_indirect_dma source(%dma_start3A_634 : memref<20000x64xf32, #tpu.memory_space<hbm>>) target(%arg13 : memref<128x64xf32, #tpu.memory_space<vmem>>) offsets(%arg9 : memref<128xi32, #tpu.memory_space<vmem>>) semaphore(%arg23 : memref<!tpu.dma_semaphore, #tpu.memory_space<semaphore_mem>>)
      %dma_start3A_635 = arith.constant 0 : i32
      %dma_start3A_636 = arith.constant 0 : i32
      %dma_start3A_637 = tpu.memref_slice %arg3[%dma_start3A_635, %dma_start3A_636] : memref<20000x64xf32, #tpu.memory_space<hbm>> -> memref<20000x64xf32, #tpu.memory_space<hbm>>
      tpu.enqueue_indirect_dma source(%dma_start3A_637 : memref<20000x64xf32, #tpu.memory_space<hbm>>) target(%arg14 : memref<128x64xf32, #tpu.memory_space<vmem>>) offsets(%arg10 : memref<128xi32, #tpu.memory_space<vmem>>) semaphore(%arg24 : memref<!tpu.dma_semaphore, #tpu.memory_space<semaphore_mem>>)
      %dma_wait3A_638 = arith.constant 0 : i32
      %dma_wait3A_639 = arith.constant 0 : i32
      %dma_wait3A_640 = tpu.memref_slice %arg2[%dma_wait3A_638, %dma_wait3A_639] : memref<20000x64xf32, #tpu.memory_space<hbm>> -> memref<20000x64xf32, #tpu.memory_space<hbm>>
      tpu.wait_indirect_dma semaphore(%arg25 : memref<!tpu.dma_semaphore, #tpu.memory_space<semaphore_mem>>) src(%dma_wait3A_640 : memref<20000x64xf32, #tpu.memory_space<hbm>>) dst(%arg15 : memref<128x64xf32, #tpu.memory_space<vmem>>)
      %dma_wait3A_641 = arith.constant 0 : i32
      %dma_wait3A_642 = arith.constant 0 : i32
      %dma_wait3A_643 = tpu.memref_slice %arg3[%dma_wait3A_641, %dma_wait3A_642] : memref<20000x64xf32, #tpu.memory_space<hbm>> -> memref<20000x64xf32, #tpu.memory_space<hbm>>
      tpu.wait_indirect_dma semaphore(%arg26 : memref<!tpu.dma_semaphore, #tpu.memory_space<semaphore_mem>>) src(%dma_wait3A_643 : memref<20000x64xf32, #tpu.memory_space<hbm>>) dst(%arg16 : memref<128x64xf32, #tpu.memory_space<vmem>>)
      %dma_wait3A_644 = arith.constant 0 : i32
      %dma_wait3A_645 = arith.constant 0 : i32
      %dma_wait3A_646 = tpu.memref_slice %arg22[%dma_wait3A_644, %dma_wait3A_645] : memref<10000x80xf32, #tpu.memory_space<vmem_shared>> -> memref<10000x80xf32, #tpu.memory_space<vmem_shared>>
      tpu.wait_indirect_dma semaphore(%arg28 : memref<!tpu.dma_semaphore, #tpu.memory_space<semaphore_mem>>) src(%arg20 : memref<128x80xf32, #tpu.memory_space<vmem>>) dst(%dma_wait3A_646 : memref<10000x80xf32, #tpu.memory_space<vmem_shared>>)
      %get3A_647 = arith.constant 1 : i32
      %get3A_648 = arith.index_cast %get3A_647 : i32 to index
      %get3A_649 = arith.constant 0 : index
      %get3A_650 = tpu.vector_load %arg8[%get3A_648, %get3A_649] {strides = array<i32>} : memref<2x128xi32, #tpu.memory_space<vmem>>, vector<16xi32>,
      %swap3A_651 = arith.constant 0 : index
      %swap3A_652 = tpu.vector_load %arg18[%swap3A_651] {strides = array<i32>} : memref<128xi32, #tpu.memory_space<vmem>>, vector<16xi32>,
      tpu.vector_store %arg18[%swap3A_651], %get3A_650 {strides = array<i32>} : memref<128xi32, #tpu.memory_space<vmem>>, vector<16xi32>,
      %get3A_653 = arith.constant 1 : i32
      %get3A_654 = arith.index_cast %get3A_653 : i32 to index
      %get3A_655 = arith.constant 16 : index
      %get3A_656 = tpu.vector_load %arg8[%get3A_654, %get3A_655] {strides = array<i32>} : memref<2x128xi32, #tpu.memory_space<vmem>>, vector<16xi32>,
      %swap3A_657 = arith.constant 16 : index
      %swap3A_658 = tpu.vector_load %arg18[%swap3A_657] {strides = array<i32>} : memref<128xi32, #tpu.memory_space<vmem>>, vector<16xi32>,
      tpu.vector_store %arg18[%swap3A_657], %get3A_656 {strides = array<i32>} : memref<128xi32, #tpu.memory_space<vmem>>, vector<16xi32>,
      %get3A_659 = arith.constant 1 : i32
      %get3A_660 = arith.index_cast %get3A_659 : i32 to index
      %get3A_661 = arith.constant 32 : index
      %get3A_662 = tpu.vector_load %arg8[%get3A_660, %get3A_661] {strides = array<i32>} : memref<2x128xi32, #tpu.memory_space<vmem>>, vector<16xi32>,
      %swap3A_663 = arith.constant 32 : index
      %swap3A_664 = tpu.vector_load %arg18[%swap3A_663] {strides = array<i32>} : memref<128xi32, #tpu.memory_space<vmem>>, vector<16xi32>,
      tpu.vector_store %arg18[%swap3A_663], %get3A_662 {strides = array<i32>} : memref<128xi32, #tpu.memory_space<vmem>>, vector<16xi32>,
      %get3A_665 = arith.constant 1 : i32
      %get3A_666 = arith.index_cast %get3A_665 : i32 to index
      %get3A_667 = arith.constant 48 : index
      %get3A_668 = tpu.vector_load %arg8[%get3A_666, %get3A_667] {strides = array<i32>} : memref<2x128xi32, #tpu.memory_space<vmem>>, vector<16xi32>,
      %swap3A_669 = arith.constant 48 : index
      %swap3A_670 = tpu.vector_load %arg18[%swap3A_669] {strides = array<i32>} : memref<128xi32, #tpu.memory_space<vmem>>, vector<16xi32>,
      tpu.vector_store %arg18[%swap3A_669], %get3A_668 {strides = array<i32>} : memref<128xi32, #tpu.memory_space<vmem>>, vector<16xi32>,
      %get3A_671 = arith.constant 1 : i32
      %get3A_672 = arith.index_cast %get3A_671 : i32 to index
      %get3A_673 = arith.constant 64 : index
      %get3A_674 = tpu.vector_load %arg8[%get3A_672, %get3A_673] {strides = array<i32>} : memref<2x128xi32, #tpu.memory_space<vmem>>, vector<16xi32>,
      %swap3A_675 = arith.constant 64 : index
      %swap3A_676 = tpu.vector_load %arg18[%swap3A_675] {strides = array<i32>} : memref<128xi32, #tpu.memory_space<vmem>>, vector<16xi32>,
      tpu.vector_store %arg18[%swap3A_675], %get3A_674 {strides = array<i32>} : memref<128xi32, #tpu.memory_space<vmem>>, vector<16xi32>,
      %get3A_677 = arith.constant 1 : i32
      %get3A_678 = arith.index_cast %get3A_677 : i32 to index
      %get3A_679 = arith.constant 80 : index
      %get3A_680 = tpu.vector_load %arg8[%get3A_678, %get3A_679] {strides = array<i32>} : memref<2x128xi32, #tpu.memory_space<vmem>>, vector<16xi32>,
      %swap3A_681 = arith.constant 80 : index
      %swap3A_682 = tpu.vector_load %arg18[%swap3A_681] {strides = array<i32>} : memref<128xi32, #tpu.memory_space<vmem>>, vector<16xi32>,
      tpu.vector_store %arg18[%swap3A_681], %get3A_680 {strides = array<i32>} : memref<128xi32, #tpu.memory_space<vmem>>, vector<16xi32>,
      %get3A_683 = arith.constant 1 : i32
      %get3A_684 = arith.index_cast %get3A_683 : i32 to index
      %get3A_685 = arith.constant 96 : index
      %get3A_686 = tpu.vector_load %arg8[%get3A_684, %get3A_685] {strides = array<i32>} : memref<2x128xi32, #tpu.memory_space<vmem>>, vector<16xi32>,
      %swap3A_687 = arith.constant 96 : index
      %swap3A_688 = tpu.vector_load %arg18[%swap3A_687] {strides = array<i32>} : memref<128xi32, #tpu.memory_space<vmem>>, vector<16xi32>,
      tpu.vector_store %arg18[%swap3A_687], %get3A_686 {strides = array<i32>} : memref<128xi32, #tpu.memory_space<vmem>>, vector<16xi32>,
      %get3A_689 = arith.constant 1 : i32
      %get3A_690 = arith.index_cast %get3A_689 : i32 to index
      %get3A_691 = arith.constant 112 : index
      %get3A_692 = tpu.vector_load %arg8[%get3A_690, %get3A_691] {strides = array<i32>} : memref<2x128xi32, #tpu.memory_space<vmem>>, vector<16xi32>,
      %swap3A_693 = arith.constant 112 : index
      %swap3A_694 = tpu.vector_load %arg18[%swap3A_693] {strides = array<i32>} : memref<128xi32, #tpu.memory_space<vmem>>, vector<16xi32>,
      tpu.vector_store %arg18[%swap3A_693], %get3A_692 {strides = array<i32>} : memref<128xi32, #tpu.memory_space<vmem>>, vector<16xi32>,
      %mul3A_695 = arith.constant 128 : i32
      %mul3A_696 = arith.muli %add3A_484, %mul3A_695 : i32
      %add3A_697 = arith.addi %mul3A_82, %mul3A_696 : i32
      %scan3A_698 = arith.constant 0 : i32
      %scan3A_699 = arith.constant 128 : i32
      %scan3A_700 = arith.addi %scan3A_698, %scan3A_699 : i32
      %scan3A_701 = arith.constant 4 : i32
      scf.for %scan3A_706 = %scan3A_698 to %scan3A_700 step %scan3A_701  : i32 {
        %add3A_707 = arith.addi %add3A_697, %scan3A_706 : i32
        %lt3A = arith.constant 330000 : i32
        %lt3A_708 = arith.cmpi slt, %add3A_707, %lt3A : i32
        %broadcast_in_dim3A_709 = vector.broadcast %lt3A_708 : i1 to vector<16xi1>
        %get3A_710 = arith.index_cast %scan3A_706 : i32 to index
        %get3A_711 = arith.constant 0 : index
        %get3A_712 = tpu.vector_load %arg15[%get3A_710, %get3A_711] {strides = array<i32>} : memref<128x64xf32, #tpu.memory_space<vmem>>, vector<16xf32>,
        %get3A_713 = arith.index_cast %scan3A_706 : i32 to index
        %get3A_714 = arith.constant 16 : index
        %get3A_715 = tpu.vector_load %arg15[%get3A_713, %get3A_714] {strides = array<i32>} : memref<128x64xf32, #tpu.memory_space<vmem>>, vector<16xf32>,
        %get3A_716 = arith.index_cast %scan3A_706 : i32 to index
        %get3A_717 = arith.constant 32 : index
        %get3A_718 = tpu.vector_load %arg15[%get3A_716, %get3A_717] {strides = array<i32>} : memref<128x64xf32, #tpu.memory_space<vmem>>, vector<16xf32>,
        %get3A_719 = arith.index_cast %scan3A_706 : i32 to index
        %get3A_720 = arith.constant 48 : index
        %get3A_721 = tpu.vector_load %arg15[%get3A_719, %get3A_720] {strides = array<i32>} : memref<128x64xf32, #tpu.memory_space<vmem>>, vector<16xf32>,
        %get3A_722 = arith.index_cast %scan3A_706 : i32 to index
        %get3A_723 = arith.constant 0 : index
        %get3A_724 = tpu.vector_load %arg16[%get3A_722, %get3A_723] {strides = array<i32>} : memref<128x64xf32, #tpu.memory_space<vmem>>, vector<16xf32>,
        %get3A_725 = arith.index_cast %scan3A_706 : i32 to index
        %get3A_726 = arith.constant 16 : index
        %get3A_727 = tpu.vector_load %arg16[%get3A_725, %get3A_726] {strides = array<i32>} : memref<128x64xf32, #tpu.memory_space<vmem>>, vector<16xf32>,
        %get3A_728 = arith.index_cast %scan3A_706 : i32 to index
        %get3A_729 = arith.constant 32 : index
        %get3A_730 = tpu.vector_load %arg16[%get3A_728, %get3A_729] {strides = array<i32>} : memref<128x64xf32, #tpu.memory_space<vmem>>, vector<16xf32>,
        %get3A_731 = arith.index_cast %scan3A_706 : i32 to index
        %get3A_732 = arith.constant 48 : index
        %get3A_733 = tpu.vector_load %arg16[%get3A_731, %get3A_732] {strides = array<i32>} : memref<128x64xf32, #tpu.memory_space<vmem>>, vector<16xf32>,
        %add3A_734 = arith.addf %get3A_712, %get3A_724 : vector<16xf32>
        %mul3A_735 = arith.constant 2.000000e-01 : f32
        %mul3A_736 = vector.broadcast %mul3A_735 : f32 to vector<16xf32>
        %mul3A_737 = arith.mulf %mul3A_736, %add3A_734 : vector<16xf32>
        %max3A = arith.maximumf %add3A_734, %mul3A_737 : vector<16xf32>
        %mul3A_738 = arith.mulf %max3A, %get3A_66 : vector<16xf32>
        %add3A_739 = arith.addf %get3A_715, %get3A_727 : vector<16xf32>
        %mul3A_740 = arith.constant 2.000000e-01 : f32
        %mul3A_741 = vector.broadcast %mul3A_740 : f32 to vector<16xf32>
        %mul3A_742 = arith.mulf %mul3A_741, %add3A_739 : vector<16xf32>
        %max3A_743 = arith.maximumf %add3A_739, %mul3A_742 : vector<16xf32>
        %mul3A_744 = arith.mulf %max3A_743, %get3A_70 : vector<16xf32>
        %add3A_745 = arith.addf %get3A_718, %get3A_730 : vector<16xf32>
        %mul3A_746 = arith.constant 2.000000e-01 : f32
        %mul3A_747 = vector.broadcast %mul3A_746 : f32 to vector<16xf32>
        %mul3A_748 = arith.mulf %mul3A_747, %add3A_745 : vector<16xf32>
        %max3A_749 = arith.maximumf %add3A_745, %mul3A_748 : vector<16xf32>
        %mul3A_750 = arith.mulf %max3A_749, %get3A_74 : vector<16xf32>
        %add3A_751 = arith.addf %get3A_721, %get3A_733 : vector<16xf32>
        %mul3A_752 = arith.constant 2.000000e-01 : f32
        %mul3A_753 = vector.broadcast %mul3A_752 : f32 to vector<16xf32>
        %mul3A_754 = arith.mulf %mul3A_753, %add3A_751 : vector<16xf32>
        %max3A_755 = arith.maximumf %add3A_751, %mul3A_754 : vector<16xf32>
        %mul3A_756 = arith.mulf %max3A_755, %get3A_78 : vector<16xf32>
        %add3A_757 = arith.addf %mul3A_738, %mul3A_744 : vector<16xf32>
        %add3A_758 = arith.addf %add3A_757, %mul3A_750 : vector<16xf32>
        %add3A_759 = arith.addf %add3A_758, %mul3A_756 : vector<16xf32>
        %broadcast_in_dim3A_760 = arith.constant true
        %broadcast_in_dim3A_761 = vector.broadcast %broadcast_in_dim3A_760 : i1 to vector<16xi1>
        %masked_cumsum3A = tpu.scan <sum>, %add3A_759 masked %broadcast_in_dim3A_761 : vector<16xf32>, vector<16xi1> -> vector<16xf32>
        %slice3A = vector.extract_strided_slice %masked_cumsum3A {offsets = [15], sizes = [1], strides = [1]} : vector<16xf32> to vector<1xf32>
        %squeeze3A = vector.extract %slice3A[0] : f32 from vector<1xf32>
        %broadcast_in_dim3A_762 = vector.broadcast %squeeze3A : f32 to vector<16xf32>
        %exp3A = math.exp %broadcast_in_dim3A_762 : vector<16xf32>
        %select_n3A = arith.select %broadcast_in_dim3A_709, %exp3A, %broadcast_in_dim3A_0 : vector<16xi1>, vector<16xf32>
        %mul3A_763 = arith.mulf %get3A_712, %select_n3A : vector<16xf32>
        %swap3A_764 = arith.index_cast %scan3A_706 : i32 to index
        %swap3A_765 = arith.constant 0 : index
        %swap3A_766 = tpu.vector_load %arg20[%swap3A_764, %swap3A_765] {strides = array<i32>} : memref<128x80xf32, #tpu.memory_space<vmem>>, vector<16xf32>,
        tpu.vector_store %arg20[%swap3A_764, %swap3A_765], %mul3A_763 {strides = array<i32>} : memref<128x80xf32, #tpu.memory_space<vmem>>, vector<16xf32>,
        %mul3A_767 = arith.mulf %get3A_715, %select_n3A : vector<16xf32>
        %swap3A_768 = arith.index_cast %scan3A_706 : i32 to index
        %swap3A_769 = arith.constant 16 : index
        %swap3A_770 = tpu.vector_load %arg20[%swap3A_768, %swap3A_769] {strides = array<i32>} : memref<128x80xf32, #tpu.memory_space<vmem>>, vector<16xf32>,
        tpu.vector_store %arg20[%swap3A_768, %swap3A_769], %mul3A_767 {strides = array<i32>} : memref<128x80xf32, #tpu.memory_space<vmem>>, vector<16xf32>,
        %mul3A_771 = arith.mulf %get3A_718, %select_n3A : vector<16xf32>
        %swap3A_772 = arith.index_cast %scan3A_706 : i32 to index
        %swap3A_773 = arith.constant 32 : index
        %swap3A_774 = tpu.vector_load %arg20[%swap3A_772, %swap3A_773] {strides = array<i32>} : memref<128x80xf32, #tpu.memory_space<vmem>>, vector<16xf32>,
        tpu.vector_store %arg20[%swap3A_772, %swap3A_773], %mul3A_771 {strides = array<i32>} : memref<128x80xf32, #tpu.memory_space<vmem>>, vector<16xf32>,
        %mul3A_775 = arith.mulf %get3A_721, %select_n3A : vector<16xf32>
        %swap3A_776 = arith.index_cast %scan3A_706 : i32 to index
        %swap3A_777 = arith.constant 48 : index
        %swap3A_778 = tpu.vector_load %arg20[%swap3A_776, %swap3A_777] {strides = array<i32>} : memref<128x80xf32, #tpu.memory_space<vmem>>, vector<16xf32>,
        tpu.vector_store %arg20[%swap3A_776, %swap3A_777], %mul3A_775 {strides = array<i32>} : memref<128x80xf32, #tpu.memory_space<vmem>>, vector<16xf32>,
        %eq3A = arith.constant 0 : i32
        %eq3A_779 = vector.broadcast %eq3A : i32 to vector<16xi32>
        %eq3A_780 = arith.cmpi eq, %iota3A, %eq3A_779 : vector<16xi32>
        %select_n3A_781 = arith.select %eq3A_780, %select_n3A, %broadcast_in_dim3A_0 : vector<16xi1>, vector<16xf32>
        %swap3A_782 = arith.index_cast %scan3A_706 : i32 to index
        %swap3A_783 = arith.constant 64 : index
        %swap3A_784 = tpu.vector_load %arg20[%swap3A_782, %swap3A_783] {strides = array<i32>} : memref<128x80xf32, #tpu.memory_space<vmem>>, vector<16xf32>,
        tpu.vector_store %arg20[%swap3A_782, %swap3A_783], %select_n3A_781 {strides = array<i32>} : memref<128x80xf32, #tpu.memory_space<vmem>>, vector<16xf32>,
        %scan3A_785 = arith.constant 1 : i32
        %scan3A_786 = arith.addi %scan3A_706, %scan3A_785 : i32
        %add3A_787 = arith.addi %add3A_697, %scan3A_786 : i32
        %lt3A_788 = arith.constant 330000 : i32
        %lt3A_789 = arith.cmpi slt, %add3A_787, %lt3A_788 : i32
        %broadcast_in_dim3A_790 = vector.broadcast %lt3A_789 : i1 to vector<16xi1>
        %get3A_791 = arith.index_cast %scan3A_786 : i32 to index
        %get3A_792 = arith.constant 0 : index
        %get3A_793 = tpu.vector_load %arg15[%get3A_791, %get3A_792] {strides = array<i32>} : memref<128x64xf32, #tpu.memory_space<vmem>>, vector<16xf32>,
        %get3A_794 = arith.index_cast %scan3A_786 : i32 to index
        %get3A_795 = arith.constant 16 : index
        %get3A_796 = tpu.vector_load %arg15[%get3A_794, %get3A_795] {strides = array<i32>} : memref<128x64xf32, #tpu.memory_space<vmem>>, vector<16xf32>,
        %get3A_797 = arith.index_cast %scan3A_786 : i32 to index
        %get3A_798 = arith.constant 32 : index
        %get3A_799 = tpu.vector_load %arg15[%get3A_797, %get3A_798] {strides = array<i32>} : memref<128x64xf32, #tpu.memory_space<vmem>>, vector<16xf32>,
        %get3A_800 = arith.index_cast %scan3A_786 : i32 to index
        %get3A_801 = arith.constant 48 : index
        %get3A_802 = tpu.vector_load %arg15[%get3A_800, %get3A_801] {strides = array<i32>} : memref<128x64xf32, #tpu.memory_space<vmem>>, vector<16xf32>,
        %get3A_803 = arith.index_cast %scan3A_786 : i32 to index
        %get3A_804 = arith.constant 0 : index
        %get3A_805 = tpu.vector_load %arg16[%get3A_803, %get3A_804] {strides = array<i32>} : memref<128x64xf32, #tpu.memory_space<vmem>>, vector<16xf32>,
        %get3A_806 = arith.index_cast %scan3A_786 : i32 to index
        %get3A_807 = arith.constant 16 : index
        %get3A_808 = tpu.vector_load %arg16[%get3A_806, %get3A_807] {strides = array<i32>} : memref<128x64xf32, #tpu.memory_space<vmem>>, vector<16xf32>,
        %get3A_809 = arith.index_cast %scan3A_786 : i32 to index
        %get3A_810 = arith.constant 32 : index
        %get3A_811 = tpu.vector_load %arg16[%get3A_809, %get3A_810] {strides = array<i32>} : memref<128x64xf32, #tpu.memory_space<vmem>>, vector<16xf32>,
        %get3A_812 = arith.index_cast %scan3A_786 : i32 to index
        %get3A_813 = arith.constant 48 : index
        %get3A_814 = tpu.vector_load %arg16[%get3A_812, %get3A_813] {strides = array<i32>} : memref<128x64xf32, #tpu.memory_space<vmem>>, vector<16xf32>,
        %add3A_815 = arith.addf %get3A_793, %get3A_805 : vector<16xf32>
        %mul3A_816 = arith.constant 2.000000e-01 : f32
        %mul3A_817 = vector.broadcast %mul3A_816 : f32 to vector<16xf32>
        %mul3A_818 = arith.mulf %mul3A_817, %add3A_815 : vector<16xf32>
        %max3A_819 = arith.maximumf %add3A_815, %mul3A_818 : vector<16xf32>
        %mul3A_820 = arith.mulf %max3A_819, %get3A_66 : vector<16xf32>
        %add3A_821 = arith.addf %get3A_796, %get3A_808 : vector<16xf32>
        %mul3A_822 = arith.constant 2.000000e-01 : f32
        %mul3A_823 = vector.broadcast %mul3A_822 : f32 to vector<16xf32>
        %mul3A_824 = arith.mulf %mul3A_823, %add3A_821 : vector<16xf32>
        %max3A_825 = arith.maximumf %add3A_821, %mul3A_824 : vector<16xf32>
        %mul3A_826 = arith.mulf %max3A_825, %get3A_70 : vector<16xf32>
        %add3A_827 = arith.addf %get3A_799, %get3A_811 : vector<16xf32>
        %mul3A_828 = arith.constant 2.000000e-01 : f32
        %mul3A_829 = vector.broadcast %mul3A_828 : f32 to vector<16xf32>
        %mul3A_830 = arith.mulf %mul3A_829, %add3A_827 : vector<16xf32>
        %max3A_831 = arith.maximumf %add3A_827, %mul3A_830 : vector<16xf32>
        %mul3A_832 = arith.mulf %max3A_831, %get3A_74 : vector<16xf32>
        %add3A_833 = arith.addf %get3A_802, %get3A_814 : vector<16xf32>
        %mul3A_834 = arith.constant 2.000000e-01 : f32
        %mul3A_835 = vector.broadcast %mul3A_834 : f32 to vector<16xf32>
        %mul3A_836 = arith.mulf %mul3A_835, %add3A_833 : vector<16xf32>
        %max3A_837 = arith.maximumf %add3A_833, %mul3A_836 : vector<16xf32>
        %mul3A_838 = arith.mulf %max3A_837, %get3A_78 : vector<16xf32>
        %add3A_839 = arith.addf %mul3A_820, %mul3A_826 : vector<16xf32>
        %add3A_840 = arith.addf %add3A_839, %mul3A_832 : vector<16xf32>
        %add3A_841 = arith.addf %add3A_840, %mul3A_838 : vector<16xf32>
        %broadcast_in_dim3A_842 = arith.constant true
        %broadcast_in_dim3A_843 = vector.broadcast %broadcast_in_dim3A_842 : i1 to vector<16xi1>
        %masked_cumsum3A_844 = tpu.scan <sum>, %add3A_841 masked %broadcast_in_dim3A_843 : vector<16xf32>, vector<16xi1> -> vector<16xf32>
        %slice3A_845 = vector.extract_strided_slice %masked_cumsum3A_844 {offsets = [15], sizes = [1], strides = [1]} : vector<16xf32> to vector<1xf32>
        %squeeze3A_846 = vector.extract %slice3A_845[0] : f32 from vector<1xf32>
        %broadcast_in_dim3A_847 = vector.broadcast %squeeze3A_846 : f32 to vector<16xf32>
        %exp3A_848 = math.exp %broadcast_in_dim3A_847 : vector<16xf32>
        %select_n3A_849 = arith.select %broadcast_in_dim3A_790, %exp3A_848, %broadcast_in_dim3A_0 : vector<16xi1>, vector<16xf32>
        %mul3A_850 = arith.mulf %get3A_793, %select_n3A_849 : vector<16xf32>
        %swap3A_851 = arith.index_cast %scan3A_786 : i32 to index
        %swap3A_852 = arith.constant 0 : index
        %swap3A_853 = tpu.vector_load %arg20[%swap3A_851, %swap3A_852] {strides = array<i32>} : memref<128x80xf32, #tpu.memory_space<vmem>>, vector<16xf32>,
        tpu.vector_store %arg20[%swap3A_851, %swap3A_852], %mul3A_850 {strides = array<i32>} : memref<128x80xf32, #tpu.memory_space<vmem>>, vector<16xf32>,
        %mul3A_854 = arith.mulf %get3A_796, %select_n3A_849 : vector<16xf32>
        %swap3A_855 = arith.index_cast %scan3A_786 : i32 to index
        %swap3A_856 = arith.constant 16 : index
        %swap3A_857 = tpu.vector_load %arg20[%swap3A_855, %swap3A_856] {strides = array<i32>} : memref<128x80xf32, #tpu.memory_space<vmem>>, vector<16xf32>,
        tpu.vector_store %arg20[%swap3A_855, %swap3A_856], %mul3A_854 {strides = array<i32>} : memref<128x80xf32, #tpu.memory_space<vmem>>, vector<16xf32>,
        %mul3A_858 = arith.mulf %get3A_799, %select_n3A_849 : vector<16xf32>
        %swap3A_859 = arith.index_cast %scan3A_786 : i32 to index
        %swap3A_860 = arith.constant 32 : index
        %swap3A_861 = tpu.vector_load %arg20[%swap3A_859, %swap3A_860] {strides = array<i32>} : memref<128x80xf32, #tpu.memory_space<vmem>>, vector<16xf32>,
        tpu.vector_store %arg20[%swap3A_859, %swap3A_860], %mul3A_858 {strides = array<i32>} : memref<128x80xf32, #tpu.memory_space<vmem>>, vector<16xf32>,
        %mul3A_862 = arith.mulf %get3A_802, %select_n3A_849 : vector<16xf32>
        %swap3A_863 = arith.index_cast %scan3A_786 : i32 to index
        %swap3A_864 = arith.constant 48 : index
        %swap3A_865 = tpu.vector_load %arg20[%swap3A_863, %swap3A_864] {strides = array<i32>} : memref<128x80xf32, #tpu.memory_space<vmem>>, vector<16xf32>,
        tpu.vector_store %arg20[%swap3A_863, %swap3A_864], %mul3A_862 {strides = array<i32>} : memref<128x80xf32, #tpu.memory_space<vmem>>, vector<16xf32>,
        %eq3A_866 = arith.constant 0 : i32
        %eq3A_867 = vector.broadcast %eq3A_866 : i32 to vector<16xi32>
        %eq3A_868 = arith.cmpi eq, %iota3A, %eq3A_867 : vector<16xi32>
        %select_n3A_869 = arith.select %eq3A_868, %select_n3A_849, %broadcast_in_dim3A_0 : vector<16xi1>, vector<16xf32>
        %swap3A_870 = arith.index_cast %scan3A_786 : i32 to index
        %swap3A_871 = arith.constant 64 : index
        %swap3A_872 = tpu.vector_load %arg20[%swap3A_870, %swap3A_871] {strides = array<i32>} : memref<128x80xf32, #tpu.memory_space<vmem>>, vector<16xf32>,
        tpu.vector_store %arg20[%swap3A_870, %swap3A_871], %select_n3A_869 {strides = array<i32>} : memref<128x80xf32, #tpu.memory_space<vmem>>, vector<16xf32>,
        %scan3A_873 = arith.constant 2 : i32
        %scan3A_874 = arith.addi %scan3A_706, %scan3A_873 : i32
        %add3A_875 = arith.addi %add3A_697, %scan3A_874 : i32
        %lt3A_876 = arith.constant 330000 : i32
        %lt3A_877 = arith.cmpi slt, %add3A_875, %lt3A_876 : i32
        %broadcast_in_dim3A_878 = vector.broadcast %lt3A_877 : i1 to vector<16xi1>
        %get3A_879 = arith.index_cast %scan3A_874 : i32 to index
        %get3A_880 = arith.constant 0 : index
        %get3A_881 = tpu.vector_load %arg15[%get3A_879, %get3A_880] {strides = array<i32>} : memref<128x64xf32, #tpu.memory_space<vmem>>, vector<16xf32>,
        %get3A_882 = arith.index_cast %scan3A_874 : i32 to index
        %get3A_883 = arith.constant 16 : index
        %get3A_884 = tpu.vector_load %arg15[%get3A_882, %get3A_883] {strides = array<i32>} : memref<128x64xf32, #tpu.memory_space<vmem>>, vector<16xf32>,
        %get3A_885 = arith.index_cast %scan3A_874 : i32 to index
        %get3A_886 = arith.constant 32 : index
        %get3A_887 = tpu.vector_load %arg15[%get3A_885, %get3A_886] {strides = array<i32>} : memref<128x64xf32, #tpu.memory_space<vmem>>, vector<16xf32>,
        %get3A_888 = arith.index_cast %scan3A_874 : i32 to index
        %get3A_889 = arith.constant 48 : index
        %get3A_890 = tpu.vector_load %arg15[%get3A_888, %get3A_889] {strides = array<i32>} : memref<128x64xf32, #tpu.memory_space<vmem>>, vector<16xf32>,
        %get3A_891 = arith.index_cast %scan3A_874 : i32 to index
        %get3A_892 = arith.constant 0 : index
        %get3A_893 = tpu.vector_load %arg16[%get3A_891, %get3A_892] {strides = array<i32>} : memref<128x64xf32, #tpu.memory_space<vmem>>, vector<16xf32>,
        %get3A_894 = arith.index_cast %scan3A_874 : i32 to index
        %get3A_895 = arith.constant 16 : index
        %get3A_896 = tpu.vector_load %arg16[%get3A_894, %get3A_895] {strides = array<i32>} : memref<128x64xf32, #tpu.memory_space<vmem>>, vector<16xf32>,
        %get3A_897 = arith.index_cast %scan3A_874 : i32 to index
        %get3A_898 = arith.constant 32 : index
        %get3A_899 = tpu.vector_load %arg16[%get3A_897, %get3A_898] {strides = array<i32>} : memref<128x64xf32, #tpu.memory_space<vmem>>, vector<16xf32>,
        %get3A_900 = arith.index_cast %scan3A_874 : i32 to index
        %get3A_901 = arith.constant 48 : index
        %get3A_902 = tpu.vector_load %arg16[%get3A_900, %get3A_901] {strides = array<i32>} : memref<128x64xf32, #tpu.memory_space<vmem>>, vector<16xf32>,
        %add3A_903 = arith.addf %get3A_881, %get3A_893 : vector<16xf32>
        %mul3A_904 = arith.constant 2.000000e-01 : f32
        %mul3A_905 = vector.broadcast %mul3A_904 : f32 to vector<16xf32>
        %mul3A_906 = arith.mulf %mul3A_905, %add3A_903 : vector<16xf32>
        %max3A_907 = arith.maximumf %add3A_903, %mul3A_906 : vector<16xf32>
        %mul3A_908 = arith.mulf %max3A_907, %get3A_66 : vector<16xf32>
        %add3A_909 = arith.addf %get3A_884, %get3A_896 : vector<16xf32>
        %mul3A_910 = arith.constant 2.000000e-01 : f32
        %mul3A_911 = vector.broadcast %mul3A_910 : f32 to vector<16xf32>
        %mul3A_912 = arith.mulf %mul3A_911, %add3A_909 : vector<16xf32>
        %max3A_913 = arith.maximumf %add3A_909, %mul3A_912 : vector<16xf32>
        %mul3A_914 = arith.mulf %max3A_913, %get3A_70 : vector<16xf32>
        %add3A_915 = arith.addf %get3A_887, %get3A_899 : vector<16xf32>
        %mul3A_916 = arith.constant 2.000000e-01 : f32
        %mul3A_917 = vector.broadcast %mul3A_916 : f32 to vector<16xf32>
        %mul3A_918 = arith.mulf %mul3A_917, %add3A_915 : vector<16xf32>
        %max3A_919 = arith.maximumf %add3A_915, %mul3A_918 : vector<16xf32>
        %mul3A_920 = arith.mulf %max3A_919, %get3A_74 : vector<16xf32>
        %add3A_921 = arith.addf %get3A_890, %get3A_902 : vector<16xf32>
        %mul3A_922 = arith.constant 2.000000e-01 : f32
        %mul3A_923 = vector.broadcast %mul3A_922 : f32 to vector<16xf32>
        %mul3A_924 = arith.mulf %mul3A_923, %add3A_921 : vector<16xf32>
        %max3A_925 = arith.maximumf %add3A_921, %mul3A_924 : vector<16xf32>
        %mul3A_926 = arith.mulf %max3A_925, %get3A_78 : vector<16xf32>
        %add3A_927 = arith.addf %mul3A_908, %mul3A_914 : vector<16xf32>
        %add3A_928 = arith.addf %add3A_927, %mul3A_920 : vector<16xf32>
        %add3A_929 = arith.addf %add3A_928, %mul3A_926 : vector<16xf32>
        %broadcast_in_dim3A_930 = arith.constant true
        %broadcast_in_dim3A_931 = vector.broadcast %broadcast_in_dim3A_930 : i1 to vector<16xi1>
        %masked_cumsum3A_932 = tpu.scan <sum>, %add3A_929 masked %broadcast_in_dim3A_931 : vector<16xf32>, vector<16xi1> -> vector<16xf32>
        %slice3A_933 = vector.extract_strided_slice %masked_cumsum3A_932 {offsets = [15], sizes = [1], strides = [1]} : vector<16xf32> to vector<1xf32>
        %squeeze3A_934 = vector.extract %slice3A_933[0] : f32 from vector<1xf32>
        %broadcast_in_dim3A_935 = vector.broadcast %squeeze3A_934 : f32 to vector<16xf32>
        %exp3A_936 = math.exp %broadcast_in_dim3A_935 : vector<16xf32>
        %select_n3A_937 = arith.select %broadcast_in_dim3A_878, %exp3A_936, %broadcast_in_dim3A_0 : vector<16xi1>, vector<16xf32>
        %mul3A_938 = arith.mulf %get3A_881, %select_n3A_937 : vector<16xf32>
        %swap3A_939 = arith.index_cast %scan3A_874 : i32 to index
        %swap3A_940 = arith.constant 0 : index
        %swap3A_941 = tpu.vector_load %arg20[%swap3A_939, %swap3A_940] {strides = array<i32>} : memref<128x80xf32, #tpu.memory_space<vmem>>, vector<16xf32>,
        tpu.vector_store %arg20[%swap3A_939, %swap3A_940], %mul3A_938 {strides = array<i32>} : memref<128x80xf32, #tpu.memory_space<vmem>>, vector<16xf32>,
        %mul3A_942 = arith.mulf %get3A_884, %select_n3A_937 : vector<16xf32>
        %swap3A_943 = arith.index_cast %scan3A_874 : i32 to index
        %swap3A_944 = arith.constant 16 : index
        %swap3A_945 = tpu.vector_load %arg20[%swap3A_943, %swap3A_944] {strides = array<i32>} : memref<128x80xf32, #tpu.memory_space<vmem>>, vector<16xf32>,
        tpu.vector_store %arg20[%swap3A_943, %swap3A_944], %mul3A_942 {strides = array<i32>} : memref<128x80xf32, #tpu.memory_space<vmem>>, vector<16xf32>,
        %mul3A_946 = arith.mulf %get3A_887, %select_n3A_937 : vector<16xf32>
        %swap3A_947 = arith.index_cast %scan3A_874 : i32 to index
        %swap3A_948 = arith.constant 32 : index
        %swap3A_949 = tpu.vector_load %arg20[%swap3A_947, %swap3A_948] {strides = array<i32>} : memref<128x80xf32, #tpu.memory_space<vmem>>, vector<16xf32>,
        tpu.vector_store %arg20[%swap3A_947, %swap3A_948], %mul3A_946 {strides = array<i32>} : memref<128x80xf32, #tpu.memory_space<vmem>>, vector<16xf32>,
        %mul3A_950 = arith.mulf %get3A_890, %select_n3A_937 : vector<16xf32>
        %swap3A_951 = arith.index_cast %scan3A_874 : i32 to index
        %swap3A_952 = arith.constant 48 : index
        %swap3A_953 = tpu.vector_load %arg20[%swap3A_951, %swap3A_952] {strides = array<i32>} : memref<128x80xf32, #tpu.memory_space<vmem>>, vector<16xf32>,
        tpu.vector_store %arg20[%swap3A_951, %swap3A_952], %mul3A_950 {strides = array<i32>} : memref<128x80xf32, #tpu.memory_space<vmem>>, vector<16xf32>,
        %eq3A_954 = arith.constant 0 : i32
        %eq3A_955 = vector.broadcast %eq3A_954 : i32 to vector<16xi32>
        %eq3A_956 = arith.cmpi eq, %iota3A, %eq3A_955 : vector<16xi32>
        %select_n3A_957 = arith.select %eq3A_956, %select_n3A_937, %broadcast_in_dim3A_0 : vector<16xi1>, vector<16xf32>
        %swap3A_958 = arith.index_cast %scan3A_874 : i32 to index
        %swap3A_959 = arith.constant 64 : index
        %swap3A_960 = tpu.vector_load %arg20[%swap3A_958, %swap3A_959] {strides = array<i32>} : memref<128x80xf32, #tpu.memory_space<vmem>>, vector<16xf32>,
        tpu.vector_store %arg20[%swap3A_958, %swap3A_959], %select_n3A_957 {strides = array<i32>} : memref<128x80xf32, #tpu.memory_space<vmem>>, vector<16xf32>,
        %scan3A_961 = arith.constant 3 : i32
        %scan3A_962 = arith.addi %scan3A_706, %scan3A_961 : i32
        %add3A_963 = arith.addi %add3A_697, %scan3A_962 : i32
        %lt3A_964 = arith.constant 330000 : i32
        %lt3A_965 = arith.cmpi slt, %add3A_963, %lt3A_964 : i32
        %broadcast_in_dim3A_966 = vector.broadcast %lt3A_965 : i1 to vector<16xi1>
        %get3A_967 = arith.index_cast %scan3A_962 : i32 to index
        %get3A_968 = arith.constant 0 : index
        %get3A_969 = tpu.vector_load %arg15[%get3A_967, %get3A_968] {strides = array<i32>} : memref<128x64xf32, #tpu.memory_space<vmem>>, vector<16xf32>,
        %get3A_970 = arith.index_cast %scan3A_962 : i32 to index
        %get3A_971 = arith.constant 16 : index
        %get3A_972 = tpu.vector_load %arg15[%get3A_970, %get3A_971] {strides = array<i32>} : memref<128x64xf32, #tpu.memory_space<vmem>>, vector<16xf32>,
        %get3A_973 = arith.index_cast %scan3A_962 : i32 to index
        %get3A_974 = arith.constant 32 : index
        %get3A_975 = tpu.vector_load %arg15[%get3A_973, %get3A_974] {strides = array<i32>} : memref<128x64xf32, #tpu.memory_space<vmem>>, vector<16xf32>,
        %get3A_976 = arith.index_cast %scan3A_962 : i32 to index
        %get3A_977 = arith.constant 48 : index
        %get3A_978 = tpu.vector_load %arg15[%get3A_976, %get3A_977] {strides = array<i32>} : memref<128x64xf32, #tpu.memory_space<vmem>>, vector<16xf32>,
        %get3A_979 = arith.index_cast %scan3A_962 : i32 to index
        %get3A_980 = arith.constant 0 : index
        %get3A_981 = tpu.vector_load %arg16[%get3A_979, %get3A_980] {strides = array<i32>} : memref<128x64xf32, #tpu.memory_space<vmem>>, vector<16xf32>,
        %get3A_982 = arith.index_cast %scan3A_962 : i32 to index
        %get3A_983 = arith.constant 16 : index
        %get3A_984 = tpu.vector_load %arg16[%get3A_982, %get3A_983] {strides = array<i32>} : memref<128x64xf32, #tpu.memory_space<vmem>>, vector<16xf32>,
        %get3A_985 = arith.index_cast %scan3A_962 : i32 to index
        %get3A_986 = arith.constant 32 : index
        %get3A_987 = tpu.vector_load %arg16[%get3A_985, %get3A_986] {strides = array<i32>} : memref<128x64xf32, #tpu.memory_space<vmem>>, vector<16xf32>,
        %get3A_988 = arith.index_cast %scan3A_962 : i32 to index
        %get3A_989 = arith.constant 48 : index
        %get3A_990 = tpu.vector_load %arg16[%get3A_988, %get3A_989] {strides = array<i32>} : memref<128x64xf32, #tpu.memory_space<vmem>>, vector<16xf32>,
        %add3A_991 = arith.addf %get3A_969, %get3A_981 : vector<16xf32>
        %mul3A_992 = arith.constant 2.000000e-01 : f32
        %mul3A_993 = vector.broadcast %mul3A_992 : f32 to vector<16xf32>
        %mul3A_994 = arith.mulf %mul3A_993, %add3A_991 : vector<16xf32>
        %max3A_995 = arith.maximumf %add3A_991, %mul3A_994 : vector<16xf32>
        %mul3A_996 = arith.mulf %max3A_995, %get3A_66 : vector<16xf32>
        %add3A_997 = arith.addf %get3A_972, %get3A_984 : vector<16xf32>
        %mul3A_998 = arith.constant 2.000000e-01 : f32
        %mul3A_999 = vector.broadcast %mul3A_998 : f32 to vector<16xf32>
        %mul3A_1000 = arith.mulf %mul3A_999, %add3A_997 : vector<16xf32>
        %max3A_1001 = arith.maximumf %add3A_997, %mul3A_1000 : vector<16xf32>
        %mul3A_1002 = arith.mulf %max3A_1001, %get3A_70 : vector<16xf32>
        %add3A_1003 = arith.addf %get3A_975, %get3A_987 : vector<16xf32>
        %mul3A_1004 = arith.constant 2.000000e-01 : f32
        %mul3A_1005 = vector.broadcast %mul3A_1004 : f32 to vector<16xf32>
        %mul3A_1006 = arith.mulf %mul3A_1005, %add3A_1003 : vector<16xf32>
        %max3A_1007 = arith.maximumf %add3A_1003, %mul3A_1006 : vector<16xf32>
        %mul3A_1008 = arith.mulf %max3A_1007, %get3A_74 : vector<16xf32>
        %add3A_1009 = arith.addf %get3A_978, %get3A_990 : vector<16xf32>
        %mul3A_1010 = arith.constant 2.000000e-01 : f32
        %mul3A_1011 = vector.broadcast %mul3A_1010 : f32 to vector<16xf32>
        %mul3A_1012 = arith.mulf %mul3A_1011, %add3A_1009 : vector<16xf32>
        %max3A_1013 = arith.maximumf %add3A_1009, %mul3A_1012 : vector<16xf32>
        %mul3A_1014 = arith.mulf %max3A_1013, %get3A_78 : vector<16xf32>
        %add3A_1015 = arith.addf %mul3A_996, %mul3A_1002 : vector<16xf32>
        %add3A_1016 = arith.addf %add3A_1015, %mul3A_1008 : vector<16xf32>
        %add3A_1017 = arith.addf %add3A_1016, %mul3A_1014 : vector<16xf32>
        %broadcast_in_dim3A_1018 = arith.constant true
        %broadcast_in_dim3A_1019 = vector.broadcast %broadcast_in_dim3A_1018 : i1 to vector<16xi1>
        %masked_cumsum3A_1020 = tpu.scan <sum>, %add3A_1017 masked %broadcast_in_dim3A_1019 : vector<16xf32>, vector<16xi1> -> vector<16xf32>
        %slice3A_1021 = vector.extract_strided_slice %masked_cumsum3A_1020 {offsets = [15], sizes = [1], strides = [1]} : vector<16xf32> to vector<1xf32>
        %squeeze3A_1022 = vector.extract %slice3A_1021[0] : f32 from vector<1xf32>
        %broadcast_in_dim3A_1023 = vector.broadcast %squeeze3A_1022 : f32 to vector<16xf32>
        %exp3A_1024 = math.exp %broadcast_in_dim3A_1023 : vector<16xf32>
        %select_n3A_1025 = arith.select %broadcast_in_dim3A_966, %exp3A_1024, %broadcast_in_dim3A_0 : vector<16xi1>, vector<16xf32>
        %mul3A_1026 = arith.mulf %get3A_969, %select_n3A_1025 : vector<16xf32>
        %swap3A_1027 = arith.index_cast %scan3A_962 : i32 to index
        %swap3A_1028 = arith.constant 0 : index
        %swap3A_1029 = tpu.vector_load %arg20[%swap3A_1027, %swap3A_1028] {strides = array<i32>} : memref<128x80xf32, #tpu.memory_space<vmem>>, vector<16xf32>,
        tpu.vector_store %arg20[%swap3A_1027, %swap3A_1028], %mul3A_1026 {strides = array<i32>} : memref<128x80xf32, #tpu.memory_space<vmem>>, vector<16xf32>,
        %mul3A_1030 = arith.mulf %get3A_972, %select_n3A_1025 : vector<16xf32>
        %swap3A_1031 = arith.index_cast %scan3A_962 : i32 to index
        %swap3A_1032 = arith.constant 16 : index
        %swap3A_1033 = tpu.vector_load %arg20[%swap3A_1031, %swap3A_1032] {strides = array<i32>} : memref<128x80xf32, #tpu.memory_space<vmem>>, vector<16xf32>,
        tpu.vector_store %arg20[%swap3A_1031, %swap3A_1032], %mul3A_1030 {strides = array<i32>} : memref<128x80xf32, #tpu.memory_space<vmem>>, vector<16xf32>,
        %mul3A_1034 = arith.mulf %get3A_975, %select_n3A_1025 : vector<16xf32>
        %swap3A_1035 = arith.index_cast %scan3A_962 : i32 to index
        %swap3A_1036 = arith.constant 32 : index
        %swap3A_1037 = tpu.vector_load %arg20[%swap3A_1035, %swap3A_1036] {strides = array<i32>} : memref<128x80xf32, #tpu.memory_space<vmem>>, vector<16xf32>,
        tpu.vector_store %arg20[%swap3A_1035, %swap3A_1036], %mul3A_1034 {strides = array<i32>} : memref<128x80xf32, #tpu.memory_space<vmem>>, vector<16xf32>,
        %mul3A_1038 = arith.mulf %get3A_978, %select_n3A_1025 : vector<16xf32>
        %swap3A_1039 = arith.index_cast %scan3A_962 : i32 to index
        %swap3A_1040 = arith.constant 48 : index
        %swap3A_1041 = tpu.vector_load %arg20[%swap3A_1039, %swap3A_1040] {strides = array<i32>} : memref<128x80xf32, #tpu.memory_space<vmem>>, vector<16xf32>,
        tpu.vector_store %arg20[%swap3A_1039, %swap3A_1040], %mul3A_1038 {strides = array<i32>} : memref<128x80xf32, #tpu.memory_space<vmem>>, vector<16xf32>,
        %eq3A_1042 = arith.constant 0 : i32
        %eq3A_1043 = vector.broadcast %eq3A_1042 : i32 to vector<16xi32>
        %eq3A_1044 = arith.cmpi eq, %iota3A, %eq3A_1043 : vector<16xi32>
        %select_n3A_1045 = arith.select %eq3A_1044, %select_n3A_1025, %broadcast_in_dim3A_0 : vector<16xi1>, vector<16xf32>
        %swap3A_1046 = arith.index_cast %scan3A_962 : i32 to index
        %swap3A_1047 = arith.constant 64 : index
        %swap3A_1048 = tpu.vector_load %arg20[%swap3A_1046, %swap3A_1047] {strides = array<i32>} : memref<128x80xf32, #tpu.memory_space<vmem>>, vector<16xf32>,
        tpu.vector_store %arg20[%swap3A_1046, %swap3A_1047], %select_n3A_1045 {strides = array<i32>} : memref<128x80xf32, #tpu.memory_space<vmem>>, vector<16xf32>,
      }
      %scan3A_702 = arith.constant 128 : i32
      %dma_start3A_703 = arith.constant 0 : i32
      %dma_start3A_704 = arith.constant 0 : i32
      %dma_start3A_705 = tpu.memref_slice %arg22[%dma_start3A_703, %dma_start3A_704] : memref<10000x80xf32, #tpu.memory_space<vmem_shared>> -> memref<10000x80xf32, #tpu.memory_space<vmem_shared>>
      tpu.enqueue_indirect_dma source(%arg20 : memref<128x80xf32, #tpu.memory_space<vmem>>) target(%dma_start3A_705 : memref<10000x80xf32, #tpu.memory_space<vmem_shared>>) offsets(%arg18 : memref<128xi32, #tpu.memory_space<vmem>>) semaphore(%arg28 : memref<!tpu.dma_semaphore, #tpu.memory_space<semaphore_mem>>) {add = true}
    }
    %scan3A_238 = arith.constant 82 : i32
    %dma_wait3A = arith.constant 0 : i32
    %dma_wait3A_239 = arith.constant 0 : i32
    %dma_wait3A_240 = tpu.memref_slice %arg2[%dma_wait3A, %dma_wait3A_239] : memref<20000x64xf32, #tpu.memory_space<hbm>> -> memref<20000x64xf32, #tpu.memory_space<hbm>>
    tpu.wait_indirect_dma semaphore(%arg23 : memref<!tpu.dma_semaphore, #tpu.memory_space<semaphore_mem>>) src(%dma_wait3A_240 : memref<20000x64xf32, #tpu.memory_space<hbm>>) dst(%arg13 : memref<128x64xf32, #tpu.memory_space<vmem>>)
    %dma_wait3A_241 = arith.constant 0 : i32
    %dma_wait3A_242 = arith.constant 0 : i32
    %dma_wait3A_243 = tpu.memref_slice %arg3[%dma_wait3A_241, %dma_wait3A_242] : memref<20000x64xf32, #tpu.memory_space<hbm>> -> memref<20000x64xf32, #tpu.memory_space<hbm>>
    tpu.wait_indirect_dma semaphore(%arg24 : memref<!tpu.dma_semaphore, #tpu.memory_space<semaphore_mem>>) src(%dma_wait3A_243 : memref<20000x64xf32, #tpu.memory_space<hbm>>) dst(%arg14 : memref<128x64xf32, #tpu.memory_space<vmem>>)
    %dma_wait3A_244 = arith.constant 0 : i32
    %dma_wait3A_245 = arith.constant 0 : i32
    %dma_wait3A_246 = tpu.memref_slice %arg22[%dma_wait3A_244, %dma_wait3A_245] : memref<10000x80xf32, #tpu.memory_space<vmem_shared>> -> memref<10000x80xf32, #tpu.memory_space<vmem_shared>>
    tpu.wait_indirect_dma semaphore(%arg27 : memref<!tpu.dma_semaphore, #tpu.memory_space<semaphore_mem>>) src(%arg19 : memref<128x80xf32, #tpu.memory_space<vmem>>) dst(%dma_wait3A_246 : memref<10000x80xf32, #tpu.memory_space<vmem_shared>>)
    %dma_wait3A_247 = arith.constant 0 : i32
    %dma_wait3A_248 = arith.constant 0 : i32
    %dma_wait3A_249 = tpu.memref_slice %arg22[%dma_wait3A_247, %dma_wait3A_248] : memref<10000x80xf32, #tpu.memory_space<vmem_shared>> -> memref<10000x80xf32, #tpu.memory_space<vmem_shared>>
    tpu.wait_indirect_dma semaphore(%arg28 : memref<!tpu.dma_semaphore, #tpu.memory_space<semaphore_mem>>) src(%arg20 : memref<128x80xf32, #tpu.memory_space<vmem>>) dst(%dma_wait3A_249 : memref<10000x80xf32, #tpu.memory_space<vmem_shared>>)
    %barrier3A_250 = arith.constant 0 : index
    tpu.barrier barrier_id(%barrier3A_250)
    %mul3A_251 = arith.constant 625 : i32
    %mul3A_252 = arith.muli %arg1, %mul3A_251 : i32
    %mul3A_253 = arith.constant 625 : i32
    %mul3A_254 = arith.muli %arg1, %mul3A_253 : i32
    "tpu.region"() ({
      %run_scoped3A = tpu.sem_alloc : memref<!tpu.dma_semaphore, #tpu.memory_space<semaphore_mem>>
      %dma_start3A_255 = arith.constant 0 : i32
      %dma_start3A_256 = tpu.memref_slice %arg6[%arg0, %mul3A_254, %dma_start3A_255] : memref<2x10000x80xf32, #tpu.memory_space<hbm>> -> memref<1x625x80xf32, #tpu.memory_space<hbm>>
      %dma_start3A_257 = tpu.memref_squeeze %dma_start3A_256 : memref<1x625x80xf32, #tpu.memory_space<hbm>> -> memref<625x80xf32, #tpu.memory_space<hbm>>
      %dma_start3A_258 = arith.constant 0 : i32
      %dma_start3A_259 = tpu.memref_slice %arg22[%mul3A_252, %dma_start3A_258] : memref<10000x80xf32, #tpu.memory_space<vmem_shared>> -> memref<625x80xf32, #tpu.memory_space<vmem_shared>>
      tpu.enqueue_dma source(%dma_start3A_259 : memref<625x80xf32, #tpu.memory_space<vmem_shared>>) target(%dma_start3A_257 : memref<625x80xf32, #tpu.memory_space<hbm>>) target_semaphore(%run_scoped3A : memref<!tpu.dma_semaphore, #tpu.memory_space<semaphore_mem>>)
      %dma_wait3A_260 = arith.constant 0 : i32
      %dma_wait3A_261 = tpu.memref_slice %arg6[%arg0, %mul3A_254, %dma_wait3A_260] : memref<2x10000x80xf32, #tpu.memory_space<hbm>> -> memref<1x625x80xf32, #tpu.memory_space<hbm>>
      %dma_wait3A_262 = tpu.memref_squeeze %dma_wait3A_261 : memref<1x625x80xf32, #tpu.memory_space<hbm>> -> memref<625x80xf32, #tpu.memory_space<hbm>>
      %dma_wait3A_263 = arith.constant 0 : i32
      %dma_wait3A_264 = tpu.memref_slice %arg22[%mul3A_252, %dma_wait3A_263] : memref<10000x80xf32, #tpu.memory_space<vmem_shared>> -> memref<625x80xf32, #tpu.memory_space<vmem_shared>>
      tpu.wait_dma2 semaphore(%run_scoped3A : memref<!tpu.dma_semaphore, #tpu.memory_space<semaphore_mem>>) src(%dma_wait3A_264 : memref<625x80xf32, #tpu.memory_space<vmem_shared>>) dst(%dma_wait3A_262 : memref<625x80xf32, #tpu.memory_space<hbm>>)
      tpu.yield
    }) : () -> ()
    return
  }
}

#map = affine_map<(d0, d1) -> (0, 0)>
#map1 = affine_map<(d0, d1) -> (0, 0, 0)>
#map2 = affine_map<(d0, d1) -> (0)>
module attributes {stable_mosaic.version = 14 : i64} {
  func.func @edge_kernel(%arg0: i32, %arg1: i32, %arg2: memref<10000x64xf32, #tpu.memory_space<hbm>>, %arg3: memref<10000x64xf32, #tpu.memory_space<hbm>>, %arg4: memref<2625x2x128xi32, #tpu.memory_space<hbm>>, %arg5: memref<64xf32, #tpu.memory_space<hbm>>, %arg6: memref<2x10000x80xf32, #tpu.memory_space<hbm>>, %arg7: memref<2x128xi32, #tpu.memory_space<vmem>>, %arg8: memref<2x128xi32, #tpu.memory_space<vmem>>, %arg9: memref<128xi32, #tpu.memory_space<vmem>>, %arg10: memref<128xi32, #tpu.memory_space<vmem>>, %arg11: memref<128xi32, #tpu.memory_space<vmem>>, %arg12: memref<128xi32, #tpu.memory_space<vmem>>, %arg13: memref<128x64xf32, #tpu.memory_space<vmem>>, %arg14: memref<128x64xf32, #tpu.memory_space<vmem>>, %arg15: memref<128x64xf32, #tpu.memory_space<vmem>>, %arg16: memref<128x64xf32, #tpu.memory_space<vmem>>, %arg17: memref<128xi32, #tpu.memory_space<vmem>>, %arg18: memref<128xi32, #tpu.memory_space<vmem>>, %arg19: memref<128x80xf32, #tpu.memory_space<vmem>>, %arg20: memref<128x80xf32, #tpu.memory_space<vmem>>, %arg21: memref<64xf32, #tpu.memory_space<vmem>>, %arg22: memref<10000x80xf32, #tpu.memory_space<vmem_shared>>, %arg23: memref<!tpu.dma_semaphore, #tpu.memory_space<semaphore_mem>>, %arg24: memref<!tpu.dma_semaphore, #tpu.memory_space<semaphore_mem>>, %arg25: memref<!tpu.dma_semaphore, #tpu.memory_space<semaphore_mem>>, %arg26: memref<!tpu.dma_semaphore, #tpu.memory_space<semaphore_mem>>, %arg27: memref<!tpu.dma_semaphore, #tpu.memory_space<semaphore_mem>>, %arg28: memref<!tpu.dma_semaphore, #tpu.memory_space<semaphore_mem>>) attributes {dimension_semantics = [#tpu.dimension_semantics<core_parallel>, #tpu.dimension_semantics<subcore_parallel>], iteration_bounds = array<i64: 2, 16>, scalar_prefetch = 0 : i64, scratch_operands = 22 : i64, tpu.core_type = #tpu.core_type<sc_vector_subcore>, window_params = [{transform_indices = #map}, {transform_indices = #map}, {transform_indices = #map1}, {transform_indices = #map2}, {transform_indices = #map1}]} {
    %broadcast_in_dim3A = arith.constant 0.000000e+00 : f32
    %broadcast_in_dim3A_0 = vector.broadcast %broadcast_in_dim3A : f32 to vector<16xf32>
    %broadcast_in_dim3A_1 = arith.constant 0 : i32
    %broadcast_in_dim3A_2 = vector.broadcast %broadcast_in_dim3A_1 : i32 to vector<16xi32>
    %scan3A = arith.constant 0 : i32
    %scan3A_3 = arith.constant 0 : i32
    %scan3A_4 = arith.constant 128 : i32
    %scan3A_5 = arith.addi %scan3A_3, %scan3A_4 : i32
    %scan3A_6 = arith.constant 1 : i32
    scf.for %scan3A_120 = %scan3A_3 to %scan3A_5 step %scan3A_6  : i32 {
      %swap3A_121 = arith.index_cast %scan3A_120 : i32 to index
      %swap3A_122 = arith.constant 0 : index
      %swap3A_123 = tpu.vector_load %arg19[%swap3A_121, %swap3A_122] {strides = array<i32>} : memref<128x80xf32, #tpu.memory_space<vmem>>, vector<16xf32>,
      tpu.vector_store %arg19[%swap3A_121, %swap3A_122], %broadcast_in_dim3A_0 {strides = array<i32>} : memref<128x80xf32, #tpu.memory_space<vmem>>, vector<16xf32>,
      %swap3A_124 = arith.index_cast %scan3A_120 : i32 to index
      %swap3A_125 = arith.constant 0 : index
      %swap3A_126 = tpu.vector_load %arg20[%swap3A_124, %swap3A_125] {strides = array<i32>} : memref<128x80xf32, #tpu.memory_space<vmem>>, vector<16xf32>,
      tpu.vector_store %arg20[%swap3A_124, %swap3A_125], %broadcast_in_dim3A_0 {strides = array<i32>} : memref<128x80xf32, #tpu.memory_space<vmem>>, vector<16xf32>,
      %swap3A_127 = arith.index_cast %scan3A_120 : i32 to index
      %swap3A_128 = arith.constant 16 : index
      %swap3A_129 = tpu.vector_load %arg19[%swap3A_127, %swap3A_128] {strides = array<i32>} : memref<128x80xf32, #tpu.memory_space<vmem>>, vector<16xf32>,
      tpu.vector_store %arg19[%swap3A_127, %swap3A_128], %broadcast_in_dim3A_0 {strides = array<i32>} : memref<128x80xf32, #tpu.memory_space<vmem>>, vector<16xf32>,
      %swap3A_130 = arith.index_cast %scan3A_120 : i32 to index
      %swap3A_131 = arith.constant 16 : index
      %swap3A_132 = tpu.vector_load %arg20[%swap3A_130, %swap3A_131] {strides = array<i32>} : memref<128x80xf32, #tpu.memory_space<vmem>>, vector<16xf32>,
      tpu.vector_store %arg20[%swap3A_130, %swap3A_131], %broadcast_in_dim3A_0 {strides = array<i32>} : memref<128x80xf32, #tpu.memory_space<vmem>>, vector<16xf32>,
      %swap3A_133 = arith.index_cast %scan3A_120 : i32 to index
      %swap3A_134 = arith.constant 32 : index
      %swap3A_135 = tpu.vector_load %arg19[%swap3A_133, %swap3A_134] {strides = array<i32>} : memref<128x80xf32, #tpu.memory_space<vmem>>, vector<16xf32>,
      tpu.vector_store %arg19[%swap3A_133, %swap3A_134], %broadcast_in_dim3A_0 {strides = array<i32>} : memref<128x80xf32, #tpu.memory_space<vmem>>, vector<16xf32>,
      %swap3A_136 = arith.index_cast %scan3A_120 : i32 to index
      %swap3A_137 = arith.constant 32 : index
      %swap3A_138 = tpu.vector_load %arg20[%swap3A_136, %swap3A_137] {strides = array<i32>} : memref<128x80xf32, #tpu.memory_space<vmem>>, vector<16xf32>,
      tpu.vector_store %arg20[%swap3A_136, %swap3A_137], %broadcast_in_dim3A_0 {strides = array<i32>} : memref<128x80xf32, #tpu.memory_space<vmem>>, vector<16xf32>,
      %swap3A_139 = arith.index_cast %scan3A_120 : i32 to index
      %swap3A_140 = arith.constant 48 : index
      %swap3A_141 = tpu.vector_load %arg19[%swap3A_139, %swap3A_140] {strides = array<i32>} : memref<128x80xf32, #tpu.memory_space<vmem>>, vector<16xf32>,
      tpu.vector_store %arg19[%swap3A_139, %swap3A_140], %broadcast_in_dim3A_0 {strides = array<i32>} : memref<128x80xf32, #tpu.memory_space<vmem>>, vector<16xf32>,
      %swap3A_142 = arith.index_cast %scan3A_120 : i32 to index
      %swap3A_143 = arith.constant 48 : index
      %swap3A_144 = tpu.vector_load %arg20[%swap3A_142, %swap3A_143] {strides = array<i32>} : memref<128x80xf32, #tpu.memory_space<vmem>>, vector<16xf32>,
      tpu.vector_store %arg20[%swap3A_142, %swap3A_143], %broadcast_in_dim3A_0 {strides = array<i32>} : memref<128x80xf32, #tpu.memory_space<vmem>>, vector<16xf32>,
      %swap3A_145 = arith.index_cast %scan3A_120 : i32 to index
      %swap3A_146 = arith.constant 64 : index
      %swap3A_147 = tpu.vector_load %arg19[%swap3A_145, %swap3A_146] {strides = array<i32>} : memref<128x80xf32, #tpu.memory_space<vmem>>, vector<16xf32>,
      tpu.vector_store %arg19[%swap3A_145, %swap3A_146], %broadcast_in_dim3A_0 {strides = array<i32>} : memref<128x80xf32, #tpu.memory_space<vmem>>, vector<16xf32>,
      %swap3A_148 = arith.index_cast %scan3A_120 : i32 to index
      %swap3A_149 = arith.constant 64 : index
      %swap3A_150 = tpu.vector_load %arg20[%swap3A_148, %swap3A_149] {strides = array<i32>} : memref<128x80xf32, #tpu.memory_space<vmem>>, vector<16xf32>,
      tpu.vector_store %arg20[%swap3A_148, %swap3A_149], %broadcast_in_dim3A_0 {strides = array<i32>} : memref<128x80xf32, #tpu.memory_space<vmem>>, vector<16xf32>,
    }
    %scan3A_7 = arith.constant 128 : i32
    %swap3A = arith.constant 0 : index
    %swap3A_8 = tpu.vector_load %arg17[%swap3A] {strides = array<i32>} : memref<128xi32, #tpu.memory_space<vmem>>, vector<16xi32>,
    tpu.vector_store %arg17[%swap3A], %broadcast_in_dim3A_2 {strides = array<i32>} : memref<128xi32, #tpu.memory_space<vmem>>, vector<16xi32>,
    %swap3A_9 = arith.constant 0 : index
    %swap3A_10 = tpu.vector_load %arg18[%swap3A_9] {strides = array<i32>} : memref<128xi32, #tpu.memory_space<vmem>>, vector<16xi32>,
    tpu.vector_store %arg18[%swap3A_9], %broadcast_in_dim3A_2 {strides = array<i32>} : memref<128xi32, #tpu.memory_space<vmem>>, vector<16xi32>,
    %swap3A_11 = arith.constant 16 : index
    %swap3A_12 = tpu.vector_load %arg17[%swap3A_11] {strides = array<i32>} : memref<128xi32, #tpu.memory_space<vmem>>, vector<16xi32>,
    tpu.vector_store %arg17[%swap3A_11], %broadcast_in_dim3A_2 {strides = array<i32>} : memref<128xi32, #tpu.memory_space<vmem>>, vector<16xi32>,
    %swap3A_13 = arith.constant 16 : index
    %swap3A_14 = tpu.vector_load %arg18[%swap3A_13] {strides = array<i32>} : memref<128xi32, #tpu.memory_space<vmem>>, vector<16xi32>,
    tpu.vector_store %arg18[%swap3A_13], %broadcast_in_dim3A_2 {strides = array<i32>} : memref<128xi32, #tpu.memory_space<vmem>>, vector<16xi32>,
    %swap3A_15 = arith.constant 32 : index
    %swap3A_16 = tpu.vector_load %arg17[%swap3A_15] {strides = array<i32>} : memref<128xi32, #tpu.memory_space<vmem>>, vector<16xi32>,
    tpu.vector_store %arg17[%swap3A_15], %broadcast_in_dim3A_2 {strides = array<i32>} : memref<128xi32, #tpu.memory_space<vmem>>, vector<16xi32>,
    %swap3A_17 = arith.constant 32 : index
    %swap3A_18 = tpu.vector_load %arg18[%swap3A_17] {strides = array<i32>} : memref<128xi32, #tpu.memory_space<vmem>>, vector<16xi32>,
    tpu.vector_store %arg18[%swap3A_17], %broadcast_in_dim3A_2 {strides = array<i32>} : memref<128xi32, #tpu.memory_space<vmem>>, vector<16xi32>,
    %swap3A_19 = arith.constant 48 : index
    %swap3A_20 = tpu.vector_load %arg17[%swap3A_19] {strides = array<i32>} : memref<128xi32, #tpu.memory_space<vmem>>, vector<16xi32>,
    tpu.vector_store %arg17[%swap3A_19], %broadcast_in_dim3A_2 {strides = array<i32>} : memref<128xi32, #tpu.memory_space<vmem>>, vector<16xi32>,
    %swap3A_21 = arith.constant 48 : index
    %swap3A_22 = tpu.vector_load %arg18[%swap3A_21] {strides = array<i32>} : memref<128xi32, #tpu.memory_space<vmem>>, vector<16xi32>,
    tpu.vector_store %arg18[%swap3A_21], %broadcast_in_dim3A_2 {strides = array<i32>} : memref<128xi32, #tpu.memory_space<vmem>>, vector<16xi32>,
    %swap3A_23 = arith.constant 64 : index
    %swap3A_24 = tpu.vector_load %arg17[%swap3A_23] {strides = array<i32>} : memref<128xi32, #tpu.memory_space<vmem>>, vector<16xi32>,
    tpu.vector_store %arg17[%swap3A_23], %broadcast_in_dim3A_2 {strides = array<i32>} : memref<128xi32, #tpu.memory_space<vmem>>, vector<16xi32>,
    %swap3A_25 = arith.constant 64 : index
    %swap3A_26 = tpu.vector_load %arg18[%swap3A_25] {strides = array<i32>} : memref<128xi32, #tpu.memory_space<vmem>>, vector<16xi32>,
    tpu.vector_store %arg18[%swap3A_25], %broadcast_in_dim3A_2 {strides = array<i32>} : memref<128xi32, #tpu.memory_space<vmem>>, vector<16xi32>,
    %swap3A_27 = arith.constant 80 : index
    %swap3A_28 = tpu.vector_load %arg17[%swap3A_27] {strides = array<i32>} : memref<128xi32, #tpu.memory_space<vmem>>, vector<16xi32>,
    tpu.vector_store %arg17[%swap3A_27], %broadcast_in_dim3A_2 {strides = array<i32>} : memref<128xi32, #tpu.memory_space<vmem>>, vector<16xi32>,
    %swap3A_29 = arith.constant 80 : index
    %swap3A_30 = tpu.vector_load %arg18[%swap3A_29] {strides = array<i32>} : memref<128xi32, #tpu.memory_space<vmem>>, vector<16xi32>,
    tpu.vector_store %arg18[%swap3A_29], %broadcast_in_dim3A_2 {strides = array<i32>} : memref<128xi32, #tpu.memory_space<vmem>>, vector<16xi32>,
    %swap3A_31 = arith.constant 96 : index
    %swap3A_32 = tpu.vector_load %arg17[%swap3A_31] {strides = array<i32>} : memref<128xi32, #tpu.memory_space<vmem>>, vector<16xi32>,
    tpu.vector_store %arg17[%swap3A_31], %broadcast_in_dim3A_2 {strides = array<i32>} : memref<128xi32, #tpu.memory_space<vmem>>, vector<16xi32>,
    %swap3A_33 = arith.constant 96 : index
    %swap3A_34 = tpu.vector_load %arg18[%swap3A_33] {strides = array<i32>} : memref<128xi32, #tpu.memory_space<vmem>>, vector<16xi32>,
    tpu.vector_store %arg18[%swap3A_33], %broadcast_in_dim3A_2 {strides = array<i32>} : memref<128xi32, #tpu.memory_space<vmem>>, vector<16xi32>,
    %swap3A_35 = arith.constant 112 : index
    %swap3A_36 = tpu.vector_load %arg17[%swap3A_35] {strides = array<i32>} : memref<128xi32, #tpu.memory_space<vmem>>, vector<16xi32>,
    tpu.vector_store %arg17[%swap3A_35], %broadcast_in_dim3A_2 {strides = array<i32>} : memref<128xi32, #tpu.memory_space<vmem>>, vector<16xi32>,
    %swap3A_37 = arith.constant 112 : index
    %swap3A_38 = tpu.vector_load %arg18[%swap3A_37] {strides = array<i32>} : memref<128xi32, #tpu.memory_space<vmem>>, vector<16xi32>,
    tpu.vector_store %arg18[%swap3A_37], %broadcast_in_dim3A_2 {strides = array<i32>} : memref<128xi32, #tpu.memory_space<vmem>>, vector<16xi32>,
    %mul3A = arith.constant 625 : i32
    %mul3A_39 = arith.muli %arg1, %mul3A : i32
    %add3A = arith.constant 0 : i32
    %add3A_40 = arith.addi %mul3A_39, %add3A : i32
    "tpu.region"() ({
      %run_scoped3A = tpu.sem_alloc : memref<!tpu.dma_semaphore, #tpu.memory_space<semaphore_mem>>
      %dma_start3A_120 = arith.constant 0 : i32
      %dma_start3A_121 = tpu.memref_slice %arg22[%add3A_40, %dma_start3A_120] : memref<10000x80xf32, #tpu.memory_space<vmem_shared>> -> memref<128x80xf32, #tpu.memory_space<vmem_shared>>
      %dma_start3A_122 = arith.constant 0 : i32
      %dma_start3A_123 = tpu.memref_slice %arg22[%add3A_40, %dma_start3A_122] : memref<10000x80xf32, #tpu.memory_space<vmem_shared>> -> memref<128x80xf32, #tpu.memory_space<vmem_shared>>
      tpu.enqueue_dma source(%arg19 : memref<128x80xf32, #tpu.memory_space<vmem>>) target(%dma_start3A_123 : memref<128x80xf32, #tpu.memory_space<vmem_shared>>) target_semaphore(%run_scoped3A : memref<!tpu.dma_semaphore, #tpu.memory_space<semaphore_mem>>)
      %dma_wait3A_124 = arith.constant 0 : i32
      %dma_wait3A_125 = tpu.memref_slice %arg22[%add3A_40, %dma_wait3A_124] : memref<10000x80xf32, #tpu.memory_space<vmem_shared>> -> memref<128x80xf32, #tpu.memory_space<vmem_shared>>
      %dma_wait3A_126 = arith.constant 0 : i32
      %dma_wait3A_127 = tpu.memref_slice %arg22[%add3A_40, %dma_wait3A_126] : memref<10000x80xf32, #tpu.memory_space<vmem_shared>> -> memref<128x80xf32, #tpu.memory_space<vmem_shared>>
      tpu.wait_dma2 semaphore(%run_scoped3A : memref<!tpu.dma_semaphore, #tpu.memory_space<semaphore_mem>>) src(%arg19 : memref<128x80xf32, #tpu.memory_space<vmem>>) dst(%dma_wait3A_127 : memref<128x80xf32, #tpu.memory_space<vmem_shared>>)
      tpu.yield
    }) : () -> ()
    %mul3A_41 = arith.constant 625 : i32
    %mul3A_42 = arith.muli %arg1, %mul3A_41 : i32
    %add3A_43 = arith.constant 128 : i32
    %add3A_44 = arith.addi %mul3A_42, %add3A_43 : i32
    "tpu.region"() ({
      %run_scoped3A = tpu.sem_alloc : memref<!tpu.dma_semaphore, #tpu.memory_space<semaphore_mem>>
      %dma_start3A_120 = arith.constant 0 : i32
      %dma_start3A_121 = tpu.memref_slice %arg22[%add3A_44, %dma_start3A_120] : memref<10000x80xf32, #tpu.memory_space<vmem_shared>> -> memref<128x80xf32, #tpu.memory_space<vmem_shared>>
      %dma_start3A_122 = arith.constant 0 : i32
      %dma_start3A_123 = tpu.memref_slice %arg22[%add3A_44, %dma_start3A_122] : memref<10000x80xf32, #tpu.memory_space<vmem_shared>> -> memref<128x80xf32, #tpu.memory_space<vmem_shared>>
      tpu.enqueue_dma source(%arg19 : memref<128x80xf32, #tpu.memory_space<vmem>>) target(%dma_start3A_123 : memref<128x80xf32, #tpu.memory_space<vmem_shared>>) target_semaphore(%run_scoped3A : memref<!tpu.dma_semaphore, #tpu.memory_space<semaphore_mem>>)
      %dma_wait3A_124 = arith.constant 0 : i32
      %dma_wait3A_125 = tpu.memref_slice %arg22[%add3A_44, %dma_wait3A_124] : memref<10000x80xf32, #tpu.memory_space<vmem_shared>> -> memref<128x80xf32, #tpu.memory_space<vmem_shared>>
      %dma_wait3A_126 = arith.constant 0 : i32
      %dma_wait3A_127 = tpu.memref_slice %arg22[%add3A_44, %dma_wait3A_126] : memref<10000x80xf32, #tpu.memory_space<vmem_shared>> -> memref<128x80xf32, #tpu.memory_space<vmem_shared>>
      tpu.wait_dma2 semaphore(%run_scoped3A : memref<!tpu.dma_semaphore, #tpu.memory_space<semaphore_mem>>) src(%arg19 : memref<128x80xf32, #tpu.memory_space<vmem>>) dst(%dma_wait3A_127 : memref<128x80xf32, #tpu.memory_space<vmem_shared>>)
      tpu.yield
    }) : () -> ()
    %mul3A_45 = arith.constant 625 : i32
    %mul3A_46 = arith.muli %arg1, %mul3A_45 : i32
    %add3A_47 = arith.constant 256 : i32
    %add3A_48 = arith.addi %mul3A_46, %add3A_47 : i32
    "tpu.region"() ({
      %run_scoped3A = tpu.sem_alloc : memref<!tpu.dma_semaphore, #tpu.memory_space<semaphore_mem>>
      %dma_start3A_120 = arith.constant 0 : i32
      %dma_start3A_121 = tpu.memref_slice %arg22[%add3A_48, %dma_start3A_120] : memref<10000x80xf32, #tpu.memory_space<vmem_shared>> -> memref<128x80xf32, #tpu.memory_space<vmem_shared>>
      %dma_start3A_122 = arith.constant 0 : i32
      %dma_start3A_123 = tpu.memref_slice %arg22[%add3A_48, %dma_start3A_122] : memref<10000x80xf32, #tpu.memory_space<vmem_shared>> -> memref<128x80xf32, #tpu.memory_space<vmem_shared>>
      tpu.enqueue_dma source(%arg19 : memref<128x80xf32, #tpu.memory_space<vmem>>) target(%dma_start3A_123 : memref<128x80xf32, #tpu.memory_space<vmem_shared>>) target_semaphore(%run_scoped3A : memref<!tpu.dma_semaphore, #tpu.memory_space<semaphore_mem>>)
      %dma_wait3A_124 = arith.constant 0 : i32
      %dma_wait3A_125 = tpu.memref_slice %arg22[%add3A_48, %dma_wait3A_124] : memref<10000x80xf32, #tpu.memory_space<vmem_shared>> -> memref<128x80xf32, #tpu.memory_space<vmem_shared>>
      %dma_wait3A_126 = arith.constant 0 : i32
      %dma_wait3A_127 = tpu.memref_slice %arg22[%add3A_48, %dma_wait3A_126] : memref<10000x80xf32, #tpu.memory_space<vmem_shared>> -> memref<128x80xf32, #tpu.memory_space<vmem_shared>>
      tpu.wait_dma2 semaphore(%run_scoped3A : memref<!tpu.dma_semaphore, #tpu.memory_space<semaphore_mem>>) src(%arg19 : memref<128x80xf32, #tpu.memory_space<vmem>>) dst(%dma_wait3A_127 : memref<128x80xf32, #tpu.memory_space<vmem_shared>>)
      tpu.yield
    }) : () -> ()
    %mul3A_49 = arith.constant 625 : i32
    %mul3A_50 = arith.muli %arg1, %mul3A_49 : i32
    %add3A_51 = arith.constant 384 : i32
    %add3A_52 = arith.addi %mul3A_50, %add3A_51 : i32
    "tpu.region"() ({
      %run_scoped3A = tpu.sem_alloc : memref<!tpu.dma_semaphore, #tpu.memory_space<semaphore_mem>>
      %dma_start3A_120 = arith.constant 0 : i32
      %dma_start3A_121 = tpu.memref_slice %arg22[%add3A_52, %dma_start3A_120] : memref<10000x80xf32, #tpu.memory_space<vmem_shared>> -> memref<128x80xf32, #tpu.memory_space<vmem_shared>>
      %dma_start3A_122 = arith.constant 0 : i32
      %dma_start3A_123 = tpu.memref_slice %arg22[%add3A_52, %dma_start3A_122] : memref<10000x80xf32, #tpu.memory_space<vmem_shared>> -> memref<128x80xf32, #tpu.memory_space<vmem_shared>>
      tpu.enqueue_dma source(%arg19 : memref<128x80xf32, #tpu.memory_space<vmem>>) target(%dma_start3A_123 : memref<128x80xf32, #tpu.memory_space<vmem_shared>>) target_semaphore(%run_scoped3A : memref<!tpu.dma_semaphore, #tpu.memory_space<semaphore_mem>>)
      %dma_wait3A_124 = arith.constant 0 : i32
      %dma_wait3A_125 = tpu.memref_slice %arg22[%add3A_52, %dma_wait3A_124] : memref<10000x80xf32, #tpu.memory_space<vmem_shared>> -> memref<128x80xf32, #tpu.memory_space<vmem_shared>>
      %dma_wait3A_126 = arith.constant 0 : i32
      %dma_wait3A_127 = tpu.memref_slice %arg22[%add3A_52, %dma_wait3A_126] : memref<10000x80xf32, #tpu.memory_space<vmem_shared>> -> memref<128x80xf32, #tpu.memory_space<vmem_shared>>
      tpu.wait_dma2 semaphore(%run_scoped3A : memref<!tpu.dma_semaphore, #tpu.memory_space<semaphore_mem>>) src(%arg19 : memref<128x80xf32, #tpu.memory_space<vmem>>) dst(%dma_wait3A_127 : memref<128x80xf32, #tpu.memory_space<vmem_shared>>)
      tpu.yield
    }) : () -> ()
    %mul3A_53 = arith.constant 625 : i32
    %mul3A_54 = arith.muli %arg1, %mul3A_53 : i32
    %add3A_55 = arith.constant 512 : i32
    %add3A_56 = arith.addi %mul3A_54, %add3A_55 : i32
    "tpu.region"() ({
      %run_scoped3A = tpu.sem_alloc : memref<!tpu.dma_semaphore, #tpu.memory_space<semaphore_mem>>
      %dma_start3A_120 = arith.constant 0 : i32
      %dma_start3A_121 = arith.constant 0 : i32
      %dma_start3A_122 = tpu.memref_slice %arg19[%dma_start3A_120, %dma_start3A_121] : memref<128x80xf32, #tpu.memory_space<vmem>> -> memref<113x80xf32, #tpu.memory_space<vmem>>
      %dma_start3A_123 = arith.constant 0 : i32
      %dma_start3A_124 = tpu.memref_slice %arg22[%add3A_56, %dma_start3A_123] : memref<10000x80xf32, #tpu.memory_space<vmem_shared>> -> memref<113x80xf32, #tpu.memory_space<vmem_shared>>
      %dma_start3A_125 = arith.constant 0 : i32
      %dma_start3A_126 = tpu.memref_slice %arg22[%add3A_56, %dma_start3A_125] : memref<10000x80xf32, #tpu.memory_space<vmem_shared>> -> memref<113x80xf32, #tpu.memory_space<vmem_shared>>
      %dma_start3A_127 = arith.constant 0 : i32
      %dma_start3A_128 = arith.constant 0 : i32
      %dma_start3A_129 = tpu.memref_slice %arg19[%dma_start3A_127, %dma_start3A_128] : memref<128x80xf32, #tpu.memory_space<vmem>> -> memref<113x80xf32, #tpu.memory_space<vmem>>
      tpu.enqueue_dma source(%dma_start3A_129 : memref<113x80xf32, #tpu.memory_space<vmem>>) target(%dma_start3A_126 : memref<113x80xf32, #tpu.memory_space<vmem_shared>>) target_semaphore(%run_scoped3A : memref<!tpu.dma_semaphore, #tpu.memory_space<semaphore_mem>>)
      %dma_wait3A_130 = arith.constant 0 : i32
      %dma_wait3A_131 = arith.constant 0 : i32
      %dma_wait3A_132 = tpu.memref_slice %arg19[%dma_wait3A_130, %dma_wait3A_131] : memref<128x80xf32, #tpu.memory_space<vmem>> -> memref<113x80xf32, #tpu.memory_space<vmem>>
      %dma_wait3A_133 = arith.constant 0 : i32
      %dma_wait3A_134 = tpu.memref_slice %arg22[%add3A_56, %dma_wait3A_133] : memref<10000x80xf32, #tpu.memory_space<vmem_shared>> -> memref<113x80xf32, #tpu.memory_space<vmem_shared>>
      %dma_wait3A_135 = arith.constant 0 : i32
      %dma_wait3A_136 = tpu.memref_slice %arg22[%add3A_56, %dma_wait3A_135] : memref<10000x80xf32, #tpu.memory_space<vmem_shared>> -> memref<113x80xf32, #tpu.memory_space<vmem_shared>>
      %dma_wait3A_137 = arith.constant 0 : i32
      %dma_wait3A_138 = arith.constant 0 : i32
      %dma_wait3A_139 = tpu.memref_slice %arg19[%dma_wait3A_137, %dma_wait3A_138] : memref<128x80xf32, #tpu.memory_space<vmem>> -> memref<113x80xf32, #tpu.memory_space<vmem>>
      tpu.wait_dma2 semaphore(%run_scoped3A : memref<!tpu.dma_semaphore, #tpu.memory_space<semaphore_mem>>) src(%dma_wait3A_139 : memref<113x80xf32, #tpu.memory_space<vmem>>) dst(%dma_wait3A_136 : memref<113x80xf32, #tpu.memory_space<vmem_shared>>)
      tpu.yield
    }) : () -> ()
    %barrier3A = arith.constant 0 : index
    tpu.barrier barrier_id(%barrier3A)
    %dma_start3A = arith.constant 0 : i32
    %dma_start3A_57 = arith.constant 0 : i32
    %dma_start3A_58 = tpu.memref_slice %arg22[%dma_start3A, %dma_start3A_57] : memref<10000x80xf32, #tpu.memory_space<vmem_shared>> -> memref<10000x80xf32, #tpu.memory_space<vmem_shared>>
    tpu.enqueue_indirect_dma source(%arg19 : memref<128x80xf32, #tpu.memory_space<vmem>>) target(%dma_start3A_58 : memref<10000x80xf32, #tpu.memory_space<vmem_shared>>) offsets(%arg17 : memref<128xi32, #tpu.memory_space<vmem>>) semaphore(%arg27 : memref<!tpu.dma_semaphore, #tpu.memory_space<semaphore_mem>>) {add = true}
    %dma_start3A_59 = arith.constant 0 : i32
    %dma_start3A_60 = arith.constant 0 : i32
    %dma_start3A_61 = tpu.memref_slice %arg22[%dma_start3A_59, %dma_start3A_60] : memref<10000x80xf32, #tpu.memory_space<vmem_shared>> -> memref<10000x80xf32, #tpu.memory_space<vmem_shared>>
    tpu.enqueue_indirect_dma source(%arg20 : memref<128x80xf32, #tpu.memory_space<vmem>>) target(%dma_start3A_61 : memref<10000x80xf32, #tpu.memory_space<vmem_shared>>) offsets(%arg18 : memref<128xi32, #tpu.memory_space<vmem>>) semaphore(%arg28 : memref<!tpu.dma_semaphore, #tpu.memory_space<semaphore_mem>>) {add = true}
    "tpu.region"() ({
      %run_scoped3A = tpu.sem_alloc : memref<!tpu.dma_semaphore, #tpu.memory_space<semaphore_mem>>
      tpu.enqueue_dma source(%arg5 : memref<64xf32, #tpu.memory_space<hbm>>) target(%arg21 : memref<64xf32, #tpu.memory_space<vmem>>) target_semaphore(%run_scoped3A : memref<!tpu.dma_semaphore, #tpu.memory_space<semaphore_mem>>)
      tpu.wait_dma2 semaphore(%run_scoped3A : memref<!tpu.dma_semaphore, #tpu.memory_space<semaphore_mem>>) src(%arg5 : memref<64xf32, #tpu.memory_space<hbm>>) dst(%arg21 : memref<64xf32, #tpu.memory_space<vmem>>)
      tpu.yield
    }) : () -> ()
    %get3A = arith.constant 0 : index
    %get3A_62 = tpu.vector_load %arg21[%get3A] {strides = array<i32>} : memref<64xf32, #tpu.memory_space<vmem>>, vector<16xf32>,
    %get3A_63 = arith.constant 16 : index
    %get3A_64 = tpu.vector_load %arg21[%get3A_63] {strides = array<i32>} : memref<64xf32, #tpu.memory_space<vmem>>, vector<16xf32>,
    %get3A_65 = arith.constant 32 : index
    %get3A_66 = tpu.vector_load %arg21[%get3A_65] {strides = array<i32>} : memref<64xf32, #tpu.memory_space<vmem>>, vector<16xf32>,
    %get3A_67 = arith.constant 48 : index
    %get3A_68 = tpu.vector_load %arg21[%get3A_67] {strides = array<i32>} : memref<64xf32, #tpu.memory_space<vmem>>, vector<16xf32>,
    %iota3A = tpu.iota {dimensions = array<i32: 0>} : vector<16xi32>
    %mul3A_69 = arith.constant 16 : i32
    %mul3A_70 = arith.muli %arg0, %mul3A_69 : i32
    %add3A_71 = arith.addi %mul3A_70, %arg1 : i32
    %mul3A_72 = arith.constant 82 : i32
    %mul3A_73 = arith.muli %add3A_71, %mul3A_72 : i32
    %mul3A_74 = arith.constant 128 : i32
    %mul3A_75 = arith.muli %mul3A_73, %mul3A_74 : i32
    "tpu.region"() ({
      %run_scoped3A = tpu.sem_alloc : memref<!tpu.dma_semaphore, #tpu.memory_space<semaphore_mem>>
      %dma_start3A_120 = arith.constant 0 : i32
      %dma_start3A_121 = arith.constant 0 : i32
      %dma_start3A_122 = tpu.memref_slice %arg4[%mul3A_73, %dma_start3A_120, %dma_start3A_121] : memref<2625x2x128xi32, #tpu.memory_space<hbm>> -> memref<1x2x128xi32, #tpu.memory_space<hbm>>
      %dma_start3A_123 = tpu.memref_squeeze %dma_start3A_122 : memref<1x2x128xi32, #tpu.memory_space<hbm>> -> memref<2x128xi32, #tpu.memory_space<hbm>>
      %dma_start3A_124 = arith.constant 0 : i32
      %dma_start3A_125 = arith.constant 0 : i32
      %dma_start3A_126 = tpu.memref_slice %arg4[%mul3A_73, %dma_start3A_124, %dma_start3A_125] : memref<2625x2x128xi32, #tpu.memory_space<hbm>> -> memref<1x2x128xi32, #tpu.memory_space<hbm>>
      %dma_start3A_127 = tpu.memref_squeeze %dma_start3A_126 : memref<1x2x128xi32, #tpu.memory_space<hbm>> -> memref<2x128xi32, #tpu.memory_space<hbm>>
      tpu.enqueue_dma source(%dma_start3A_127 : memref<2x128xi32, #tpu.memory_space<hbm>>) target(%arg7 : memref<2x128xi32, #tpu.memory_space<vmem>>) target_semaphore(%run_scoped3A : memref<!tpu.dma_semaphore, #tpu.memory_space<semaphore_mem>>)
      %dma_wait3A_128 = arith.constant 0 : i32
      %dma_wait3A_129 = arith.constant 0 : i32
      %dma_wait3A_130 = tpu.memref_slice %arg4[%mul3A_73, %dma_wait3A_128, %dma_wait3A_129] : memref<2625x2x128xi32, #tpu.memory_space<hbm>> -> memref<1x2x128xi32, #tpu.memory_space<hbm>>
      %dma_wait3A_131 = tpu.memref_squeeze %dma_wait3A_130 : memref<1x2x128xi32, #tpu.memory_space<hbm>> -> memref<2x128xi32, #tpu.memory_space<hbm>>
      %dma_wait3A_132 = arith.constant 0 : i32
      %dma_wait3A_133 = arith.constant 0 : i32
      %dma_wait3A_134 = tpu.memref_slice %arg4[%mul3A_73, %dma_wait3A_132, %dma_wait3A_133] : memref<2625x2x128xi32, #tpu.memory_space<hbm>> -> memref<1x2x128xi32, #tpu.memory_space<hbm>>
      %dma_wait3A_135 = tpu.memref_squeeze %dma_wait3A_134 : memref<1x2x128xi32, #tpu.memory_space<hbm>> -> memref<2x128xi32, #tpu.memory_space<hbm>>
      tpu.wait_dma2 semaphore(%run_scoped3A : memref<!tpu.dma_semaphore, #tpu.memory_space<semaphore_mem>>) src(%dma_wait3A_135 : memref<2x128xi32, #tpu.memory_space<hbm>>) dst(%arg7 : memref<2x128xi32, #tpu.memory_space<vmem>>)
      tpu.yield
    }) : () -> ()
    %dma_start3A_76 = arith.constant 0 : i32
    %dma_start3A_77 = arith.constant 0 : i32
    %dma_start3A_78 = tpu.memref_slice %arg7[%dma_start3A_76, %dma_start3A_77] : memref<2x128xi32, #tpu.memory_space<vmem>> -> memref<1x128xi32, #tpu.memory_space<vmem>>
    %dma_start3A_79 = tpu.memref_squeeze %dma_start3A_78 : memref<1x128xi32, #tpu.memory_space<vmem>> -> memref<128xi32, #tpu.memory_space<vmem>>
    %dma_start3A_80 = arith.constant 0 : i32
    %dma_start3A_81 = arith.constant 0 : i32
    %dma_start3A_82 = tpu.memref_slice %arg2[%dma_start3A_80, %dma_start3A_81] : memref<10000x64xf32, #tpu.memory_space<hbm>> -> memref<10000x64xf32, #tpu.memory_space<hbm>>
    tpu.enqueue_indirect_dma source(%dma_start3A_82 : memref<10000x64xf32, #tpu.memory_space<hbm>>) target(%arg13 : memref<128x64xf32, #tpu.memory_space<vmem>>) offsets(%dma_start3A_79 : memref<128xi32, #tpu.memory_space<vmem>>) semaphore(%arg23 : memref<!tpu.dma_semaphore, #tpu.memory_space<semaphore_mem>>)
    %dma_start3A_83 = arith.constant 1 : i32
    %dma_start3A_84 = arith.constant 0 : i32
    %dma_start3A_85 = tpu.memref_slice %arg7[%dma_start3A_83, %dma_start3A_84] : memref<2x128xi32, #tpu.memory_space<vmem>> -> memref<1x128xi32, #tpu.memory_space<vmem>>
    %dma_start3A_86 = tpu.memref_squeeze %dma_start3A_85 : memref<1x128xi32, #tpu.memory_space<vmem>> -> memref<128xi32, #tpu.memory_space<vmem>>
    %dma_start3A_87 = arith.constant 0 : i32
    %dma_start3A_88 = arith.constant 0 : i32
    %dma_start3A_89 = tpu.memref_slice %arg3[%dma_start3A_87, %dma_start3A_88] : memref<10000x64xf32, #tpu.memory_space<hbm>> -> memref<10000x64xf32, #tpu.memory_space<hbm>>
    tpu.enqueue_indirect_dma source(%dma_start3A_89 : memref<10000x64xf32, #tpu.memory_space<hbm>>) target(%arg14 : memref<128x64xf32, #tpu.memory_space<vmem>>) offsets(%dma_start3A_86 : memref<128xi32, #tpu.memory_space<vmem>>) semaphore(%arg24 : memref<!tpu.dma_semaphore, #tpu.memory_space<semaphore_mem>>)
    %scan3A_90 = arith.constant 0 : i32
    %scan3A_91 = arith.constant 0 : i32
    %scan3A_92 = arith.constant 41 : i32
    %scan3A_93 = arith.addi %scan3A_91, %scan3A_92 : i32
    %scan3A_94 = arith.constant 1 : i32
    scf.for %scan3A_120 = %scan3A_91 to %scan3A_93 step %scan3A_94  : i32 {
      %mul3A_121 = arith.constant 2 : i32
      %mul3A_122 = arith.muli %mul3A_121, %scan3A_120 : i32
      %add3A_123 = arith.constant 0 : i32
      %add3A_124 = arith.addi %mul3A_122, %add3A_123 : i32
      %add3A_125 = arith.addi %mul3A_73, %add3A_124 : i32
      %add3A_126 = arith.constant 1 : i32
      %add3A_127 = arith.addi %add3A_125, %add3A_126 : i32
      "tpu.region"() ({
        %run_scoped3A = tpu.sem_alloc : memref<!tpu.dma_semaphore, #tpu.memory_space<semaphore_mem>>
        %dma_start3A_315 = arith.constant 0 : i32
        %dma_start3A_316 = arith.constant 0 : i32
        %dma_start3A_317 = tpu.memref_slice %arg4[%add3A_127, %dma_start3A_315, %dma_start3A_316] : memref<2625x2x128xi32, #tpu.memory_space<hbm>> -> memref<1x2x128xi32, #tpu.memory_space<hbm>>
        %dma_start3A_318 = tpu.memref_squeeze %dma_start3A_317 : memref<1x2x128xi32, #tpu.memory_space<hbm>> -> memref<2x128xi32, #tpu.memory_space<hbm>>
        %dma_start3A_319 = arith.constant 0 : i32
        %dma_start3A_320 = arith.constant 0 : i32
        %dma_start3A_321 = tpu.memref_slice %arg4[%add3A_127, %dma_start3A_319, %dma_start3A_320] : memref<2625x2x128xi32, #tpu.memory_space<hbm>> -> memref<1x2x128xi32, #tpu.memory_space<hbm>>
        %dma_start3A_322 = tpu.memref_squeeze %dma_start3A_321 : memref<1x2x128xi32, #tpu.memory_space<hbm>> -> memref<2x128xi32, #tpu.memory_space<hbm>>
        tpu.enqueue_dma source(%dma_start3A_322 : memref<2x128xi32, #tpu.memory_space<hbm>>) target(%arg8 : memref<2x128xi32, #tpu.memory_space<vmem>>) target_semaphore(%run_scoped3A : memref<!tpu.dma_semaphore, #tpu.memory_space<semaphore_mem>>)
        %dma_wait3A_323 = arith.constant 0 : i32
        %dma_wait3A_324 = arith.constant 0 : i32
        %dma_wait3A_325 = tpu.memref_slice %arg4[%add3A_127, %dma_wait3A_323, %dma_wait3A_324] : memref<2625x2x128xi32, #tpu.memory_space<hbm>> -> memref<1x2x128xi32, #tpu.memory_space<hbm>>
        %dma_wait3A_326 = tpu.memref_squeeze %dma_wait3A_325 : memref<1x2x128xi32, #tpu.memory_space<hbm>> -> memref<2x128xi32, #tpu.memory_space<hbm>>
        %dma_wait3A_327 = arith.constant 0 : i32
        %dma_wait3A_328 = arith.constant 0 : i32
        %dma_wait3A_329 = tpu.memref_slice %arg4[%add3A_127, %dma_wait3A_327, %dma_wait3A_328] : memref<2625x2x128xi32, #tpu.memory_space<hbm>> -> memref<1x2x128xi32, #tpu.memory_space<hbm>>
        %dma_wait3A_330 = tpu.memref_squeeze %dma_wait3A_329 : memref<1x2x128xi32, #tpu.memory_space<hbm>> -> memref<2x128xi32, #tpu.memory_space<hbm>>
        tpu.wait_dma2 semaphore(%run_scoped3A : memref<!tpu.dma_semaphore, #tpu.memory_space<semaphore_mem>>) src(%dma_wait3A_330 : memref<2x128xi32, #tpu.memory_space<hbm>>) dst(%arg8 : memref<2x128xi32, #tpu.memory_space<vmem>>)
        tpu.yield
      }) : () -> ()
      %dma_start3A_128 = arith.constant 0 : i32
      %dma_start3A_129 = arith.constant 0 : i32
      %dma_start3A_130 = tpu.memref_slice %arg8[%dma_start3A_128, %dma_start3A_129] : memref<2x128xi32, #tpu.memory_space<vmem>> -> memref<1x128xi32, #tpu.memory_space<vmem>>
      %dma_start3A_131 = tpu.memref_squeeze %dma_start3A_130 : memref<1x128xi32, #tpu.memory_space<vmem>> -> memref<128xi32, #tpu.memory_space<vmem>>
      %dma_start3A_132 = arith.constant 0 : i32
      %dma_start3A_133 = arith.constant 0 : i32
      %dma_start3A_134 = tpu.memref_slice %arg2[%dma_start3A_132, %dma_start3A_133] : memref<10000x64xf32, #tpu.memory_space<hbm>> -> memref<10000x64xf32, #tpu.memory_space<hbm>>
      tpu.enqueue_indirect_dma source(%dma_start3A_134 : memref<10000x64xf32, #tpu.memory_space<hbm>>) target(%arg15 : memref<128x64xf32, #tpu.memory_space<vmem>>) offsets(%dma_start3A_131 : memref<128xi32, #tpu.memory_space<vmem>>) semaphore(%arg25 : memref<!tpu.dma_semaphore, #tpu.memory_space<semaphore_mem>>)
      %dma_start3A_135 = arith.constant 1 : i32
      %dma_start3A_136 = arith.constant 0 : i32
      %dma_start3A_137 = tpu.memref_slice %arg8[%dma_start3A_135, %dma_start3A_136] : memref<2x128xi32, #tpu.memory_space<vmem>> -> memref<1x128xi32, #tpu.memory_space<vmem>>
      %dma_start3A_138 = tpu.memref_squeeze %dma_start3A_137 : memref<1x128xi32, #tpu.memory_space<vmem>> -> memref<128xi32, #tpu.memory_space<vmem>>
      %dma_start3A_139 = arith.constant 0 : i32
      %dma_start3A_140 = arith.constant 0 : i32
      %dma_start3A_141 = tpu.memref_slice %arg3[%dma_start3A_139, %dma_start3A_140] : memref<10000x64xf32, #tpu.memory_space<hbm>> -> memref<10000x64xf32, #tpu.memory_space<hbm>>
      tpu.enqueue_indirect_dma source(%dma_start3A_141 : memref<10000x64xf32, #tpu.memory_space<hbm>>) target(%arg16 : memref<128x64xf32, #tpu.memory_space<vmem>>) offsets(%dma_start3A_138 : memref<128xi32, #tpu.memory_space<vmem>>) semaphore(%arg26 : memref<!tpu.dma_semaphore, #tpu.memory_space<semaphore_mem>>)
      %dma_wait3A_142 = arith.constant 0 : i32
      %dma_wait3A_143 = arith.constant 0 : i32
      %dma_wait3A_144 = tpu.memref_slice %arg7[%dma_wait3A_142, %dma_wait3A_143] : memref<2x128xi32, #tpu.memory_space<vmem>> -> memref<1x128xi32, #tpu.memory_space<vmem>>
      %dma_wait3A_145 = tpu.memref_squeeze %dma_wait3A_144 : memref<1x128xi32, #tpu.memory_space<vmem>> -> memref<128xi32, #tpu.memory_space<vmem>>
      %dma_wait3A_146 = arith.constant 0 : i32
      %dma_wait3A_147 = arith.constant 0 : i32
      %dma_wait3A_148 = tpu.memref_slice %arg2[%dma_wait3A_146, %dma_wait3A_147] : memref<10000x64xf32, #tpu.memory_space<hbm>> -> memref<10000x64xf32, #tpu.memory_space<hbm>>
      tpu.wait_indirect_dma semaphore(%arg23 : memref<!tpu.dma_semaphore, #tpu.memory_space<semaphore_mem>>) src(%dma_wait3A_148 : memref<10000x64xf32, #tpu.memory_space<hbm>>) dst(%arg13 : memref<128x64xf32, #tpu.memory_space<vmem>>)
      %dma_wait3A_149 = arith.constant 1 : i32
      %dma_wait3A_150 = arith.constant 0 : i32
      %dma_wait3A_151 = tpu.memref_slice %arg7[%dma_wait3A_149, %dma_wait3A_150] : memref<2x128xi32, #tpu.memory_space<vmem>> -> memref<1x128xi32, #tpu.memory_space<vmem>>
      %dma_wait3A_152 = tpu.memref_squeeze %dma_wait3A_151 : memref<1x128xi32, #tpu.memory_space<vmem>> -> memref<128xi32, #tpu.memory_space<vmem>>
      %dma_wait3A_153 = arith.constant 0 : i32
      %dma_wait3A_154 = arith.constant 0 : i32
      %dma_wait3A_155 = tpu.memref_slice %arg3[%dma_wait3A_153, %dma_wait3A_154] : memref<10000x64xf32, #tpu.memory_space<hbm>> -> memref<10000x64xf32, #tpu.memory_space<hbm>>
      tpu.wait_indirect_dma semaphore(%arg24 : memref<!tpu.dma_semaphore, #tpu.memory_space<semaphore_mem>>) src(%dma_wait3A_155 : memref<10000x64xf32, #tpu.memory_space<hbm>>) dst(%arg14 : memref<128x64xf32, #tpu.memory_space<vmem>>)
      %dma_wait3A_156 = arith.constant 0 : i32
      %dma_wait3A_157 = arith.constant 0 : i32
      %dma_wait3A_158 = tpu.memref_slice %arg22[%dma_wait3A_156, %dma_wait3A_157] : memref<10000x80xf32, #tpu.memory_space<vmem_shared>> -> memref<10000x80xf32, #tpu.memory_space<vmem_shared>>
      tpu.wait_indirect_dma semaphore(%arg27 : memref<!tpu.dma_semaphore, #tpu.memory_space<semaphore_mem>>) src(%arg19 : memref<128x80xf32, #tpu.memory_space<vmem>>) dst(%dma_wait3A_158 : memref<10000x80xf32, #tpu.memory_space<vmem_shared>>)
      %get3A_159 = arith.constant 1 : i32
      %get3A_160 = arith.index_cast %get3A_159 : i32 to index
      %get3A_161 = arith.constant 0 : index
      %get3A_162 = tpu.vector_load %arg7[%get3A_160, %get3A_161] {strides = array<i32>} : memref<2x128xi32, #tpu.memory_space<vmem>>, vector<16xi32>,
      %swap3A_163 = arith.constant 0 : index
      %swap3A_164 = tpu.vector_load %arg17[%swap3A_163] {strides = array<i32>} : memref<128xi32, #tpu.memory_space<vmem>>, vector<16xi32>,
      tpu.vector_store %arg17[%swap3A_163], %get3A_162 {strides = array<i32>} : memref<128xi32, #tpu.memory_space<vmem>>, vector<16xi32>,
      %get3A_165 = arith.constant 1 : i32
      %get3A_166 = arith.index_cast %get3A_165 : i32 to index
      %get3A_167 = arith.constant 16 : index
      %get3A_168 = tpu.vector_load %arg7[%get3A_166, %get3A_167] {strides = array<i32>} : memref<2x128xi32, #tpu.memory_space<vmem>>, vector<16xi32>,
      %swap3A_169 = arith.constant 16 : index
      %swap3A_170 = tpu.vector_load %arg17[%swap3A_169] {strides = array<i32>} : memref<128xi32, #tpu.memory_space<vmem>>, vector<16xi32>,
      tpu.vector_store %arg17[%swap3A_169], %get3A_168 {strides = array<i32>} : memref<128xi32, #tpu.memory_space<vmem>>, vector<16xi32>,
      %get3A_171 = arith.constant 1 : i32
      %get3A_172 = arith.index_cast %get3A_171 : i32 to index
      %get3A_173 = arith.constant 32 : index
      %get3A_174 = tpu.vector_load %arg7[%get3A_172, %get3A_173] {strides = array<i32>} : memref<2x128xi32, #tpu.memory_space<vmem>>, vector<16xi32>,
      %swap3A_175 = arith.constant 32 : index
      %swap3A_176 = tpu.vector_load %arg17[%swap3A_175] {strides = array<i32>} : memref<128xi32, #tpu.memory_space<vmem>>, vector<16xi32>,
      tpu.vector_store %arg17[%swap3A_175], %get3A_174 {strides = array<i32>} : memref<128xi32, #tpu.memory_space<vmem>>, vector<16xi32>,
      %get3A_177 = arith.constant 1 : i32
      %get3A_178 = arith.index_cast %get3A_177 : i32 to index
      %get3A_179 = arith.constant 48 : index
      %get3A_180 = tpu.vector_load %arg7[%get3A_178, %get3A_179] {strides = array<i32>} : memref<2x128xi32, #tpu.memory_space<vmem>>, vector<16xi32>,
      %swap3A_181 = arith.constant 48 : index
      %swap3A_182 = tpu.vector_load %arg17[%swap3A_181] {strides = array<i32>} : memref<128xi32, #tpu.memory_space<vmem>>, vector<16xi32>,
      tpu.vector_store %arg17[%swap3A_181], %get3A_180 {strides = array<i32>} : memref<128xi32, #tpu.memory_space<vmem>>, vector<16xi32>,
      %get3A_183 = arith.constant 1 : i32
      %get3A_184 = arith.index_cast %get3A_183 : i32 to index
      %get3A_185 = arith.constant 64 : index
      %get3A_186 = tpu.vector_load %arg7[%get3A_184, %get3A_185] {strides = array<i32>} : memref<2x128xi32, #tpu.memory_space<vmem>>, vector<16xi32>,
      %swap3A_187 = arith.constant 64 : index
      %swap3A_188 = tpu.vector_load %arg17[%swap3A_187] {strides = array<i32>} : memref<128xi32, #tpu.memory_space<vmem>>, vector<16xi32>,
      tpu.vector_store %arg17[%swap3A_187], %get3A_186 {strides = array<i32>} : memref<128xi32, #tpu.memory_space<vmem>>, vector<16xi32>,
      %get3A_189 = arith.constant 1 : i32
      %get3A_190 = arith.index_cast %get3A_189 : i32 to index
      %get3A_191 = arith.constant 80 : index
      %get3A_192 = tpu.vector_load %arg7[%get3A_190, %get3A_191] {strides = array<i32>} : memref<2x128xi32, #tpu.memory_space<vmem>>, vector<16xi32>,
      %swap3A_193 = arith.constant 80 : index
      %swap3A_194 = tpu.vector_load %arg17[%swap3A_193] {strides = array<i32>} : memref<128xi32, #tpu.memory_space<vmem>>, vector<16xi32>,
      tpu.vector_store %arg17[%swap3A_193], %get3A_192 {strides = array<i32>} : memref<128xi32, #tpu.memory_space<vmem>>, vector<16xi32>,
      %get3A_195 = arith.constant 1 : i32
      %get3A_196 = arith.index_cast %get3A_195 : i32 to index
      %get3A_197 = arith.constant 96 : index
      %get3A_198 = tpu.vector_load %arg7[%get3A_196, %get3A_197] {strides = array<i32>} : memref<2x128xi32, #tpu.memory_space<vmem>>, vector<16xi32>,
      %swap3A_199 = arith.constant 96 : index
      %swap3A_200 = tpu.vector_load %arg17[%swap3A_199] {strides = array<i32>} : memref<128xi32, #tpu.memory_space<vmem>>, vector<16xi32>,
      tpu.vector_store %arg17[%swap3A_199], %get3A_198 {strides = array<i32>} : memref<128xi32, #tpu.memory_space<vmem>>, vector<16xi32>,
      %get3A_201 = arith.constant 1 : i32
      %get3A_202 = arith.index_cast %get3A_201 : i32 to index
      %get3A_203 = arith.constant 112 : index
      %get3A_204 = tpu.vector_load %arg7[%get3A_202, %get3A_203] {strides = array<i32>} : memref<2x128xi32, #tpu.memory_space<vmem>>, vector<16xi32>,
      %swap3A_205 = arith.constant 112 : index
      %swap3A_206 = tpu.vector_load %arg17[%swap3A_205] {strides = array<i32>} : memref<128xi32, #tpu.memory_space<vmem>>, vector<16xi32>,
      tpu.vector_store %arg17[%swap3A_205], %get3A_204 {strides = array<i32>} : memref<128xi32, #tpu.memory_space<vmem>>, vector<16xi32>,
      %mul3A_207 = arith.constant 128 : i32
      %mul3A_208 = arith.muli %add3A_124, %mul3A_207 : i32
      %add3A_209 = arith.addi %mul3A_75, %mul3A_208 : i32
      %scan3A_210 = arith.constant 0 : i32
      %scan3A_211 = arith.constant 128 : i32
      %scan3A_212 = arith.addi %scan3A_210, %scan3A_211 : i32
      %scan3A_213 = arith.constant 4 : i32
      scf.for %scan3A_315 = %scan3A_210 to %scan3A_212 step %scan3A_213  : i32 {
        %add3A_316 = arith.addi %add3A_209, %scan3A_315 : i32
        %lt3A = arith.constant 330000 : i32
        %lt3A_317 = arith.cmpi slt, %add3A_316, %lt3A : i32
        %broadcast_in_dim3A_318 = vector.broadcast %lt3A_317 : i1 to vector<16xi1>
        %get3A_319 = arith.index_cast %scan3A_315 : i32 to index
        %get3A_320 = arith.constant 0 : index
        %get3A_321 = tpu.vector_load %arg13[%get3A_319, %get3A_320] {strides = array<i32>} : memref<128x64xf32, #tpu.memory_space<vmem>>, vector<16xf32>,
        %get3A_322 = arith.index_cast %scan3A_315 : i32 to index
        %get3A_323 = arith.constant 16 : index
        %get3A_324 = tpu.vector_load %arg13[%get3A_322, %get3A_323] {strides = array<i32>} : memref<128x64xf32, #tpu.memory_space<vmem>>, vector<16xf32>,
        %get3A_325 = arith.index_cast %scan3A_315 : i32 to index
        %get3A_326 = arith.constant 32 : index
        %get3A_327 = tpu.vector_load %arg13[%get3A_325, %get3A_326] {strides = array<i32>} : memref<128x64xf32, #tpu.memory_space<vmem>>, vector<16xf32>,
        %get3A_328 = arith.index_cast %scan3A_315 : i32 to index
        %get3A_329 = arith.constant 48 : index
        %get3A_330 = tpu.vector_load %arg13[%get3A_328, %get3A_329] {strides = array<i32>} : memref<128x64xf32, #tpu.memory_space<vmem>>, vector<16xf32>,
        %get3A_331 = arith.index_cast %scan3A_315 : i32 to index
        %get3A_332 = arith.constant 0 : index
        %get3A_333 = tpu.vector_load %arg14[%get3A_331, %get3A_332] {strides = array<i32>} : memref<128x64xf32, #tpu.memory_space<vmem>>, vector<16xf32>,
        %get3A_334 = arith.index_cast %scan3A_315 : i32 to index
        %get3A_335 = arith.constant 16 : index
        %get3A_336 = tpu.vector_load %arg14[%get3A_334, %get3A_335] {strides = array<i32>} : memref<128x64xf32, #tpu.memory_space<vmem>>, vector<16xf32>,
        %get3A_337 = arith.index_cast %scan3A_315 : i32 to index
        %get3A_338 = arith.constant 32 : index
        %get3A_339 = tpu.vector_load %arg14[%get3A_337, %get3A_338] {strides = array<i32>} : memref<128x64xf32, #tpu.memory_space<vmem>>, vector<16xf32>,
        %get3A_340 = arith.index_cast %scan3A_315 : i32 to index
        %get3A_341 = arith.constant 48 : index
        %get3A_342 = tpu.vector_load %arg14[%get3A_340, %get3A_341] {strides = array<i32>} : memref<128x64xf32, #tpu.memory_space<vmem>>, vector<16xf32>,
        %add3A_343 = arith.addf %get3A_321, %get3A_333 : vector<16xf32>
        %mul3A_344 = arith.constant 2.000000e-01 : f32
        %mul3A_345 = vector.broadcast %mul3A_344 : f32 to vector<16xf32>
        %mul3A_346 = arith.mulf %mul3A_345, %add3A_343 : vector<16xf32>
        %max3A = arith.maximumf %add3A_343, %mul3A_346 : vector<16xf32>
        %mul3A_347 = arith.mulf %max3A, %get3A_62 : vector<16xf32>
        %add3A_348 = arith.addf %get3A_324, %get3A_336 : vector<16xf32>
        %mul3A_349 = arith.constant 2.000000e-01 : f32
        %mul3A_350 = vector.broadcast %mul3A_349 : f32 to vector<16xf32>
        %mul3A_351 = arith.mulf %mul3A_350, %add3A_348 : vector<16xf32>
        %max3A_352 = arith.maximumf %add3A_348, %mul3A_351 : vector<16xf32>
        %mul3A_353 = arith.mulf %max3A_352, %get3A_64 : vector<16xf32>
        %add3A_354 = arith.addf %get3A_327, %get3A_339 : vector<16xf32>
        %mul3A_355 = arith.constant 2.000000e-01 : f32
        %mul3A_356 = vector.broadcast %mul3A_355 : f32 to vector<16xf32>
        %mul3A_357 = arith.mulf %mul3A_356, %add3A_354 : vector<16xf32>
        %max3A_358 = arith.maximumf %add3A_354, %mul3A_357 : vector<16xf32>
        %mul3A_359 = arith.mulf %max3A_358, %get3A_66 : vector<16xf32>
        %add3A_360 = arith.addf %get3A_330, %get3A_342 : vector<16xf32>
        %mul3A_361 = arith.constant 2.000000e-01 : f32
        %mul3A_362 = vector.broadcast %mul3A_361 : f32 to vector<16xf32>
        %mul3A_363 = arith.mulf %mul3A_362, %add3A_360 : vector<16xf32>
        %max3A_364 = arith.maximumf %add3A_360, %mul3A_363 : vector<16xf32>
        %mul3A_365 = arith.mulf %max3A_364, %get3A_68 : vector<16xf32>
        %add3A_366 = arith.addf %mul3A_347, %mul3A_353 : vector<16xf32>
        %add3A_367 = arith.addf %add3A_366, %mul3A_359 : vector<16xf32>
        %add3A_368 = arith.addf %add3A_367, %mul3A_365 : vector<16xf32>
        %broadcast_in_dim3A_369 = arith.constant true
        %broadcast_in_dim3A_370 = vector.broadcast %broadcast_in_dim3A_369 : i1 to vector<16xi1>
        %masked_cumsum3A = tpu.scan <sum>, %add3A_368 masked %broadcast_in_dim3A_370 : vector<16xf32>, vector<16xi1> -> vector<16xf32>
        %slice3A = vector.extract_strided_slice %masked_cumsum3A {offsets = [15], sizes = [1], strides = [1]} : vector<16xf32> to vector<1xf32>
        %squeeze3A = vector.extract %slice3A[0] : f32 from vector<1xf32>
        %broadcast_in_dim3A_371 = vector.broadcast %squeeze3A : f32 to vector<16xf32>
        %exp3A = math.exp %broadcast_in_dim3A_371 : vector<16xf32>
        %select_n3A = arith.select %broadcast_in_dim3A_318, %exp3A, %broadcast_in_dim3A_0 : vector<16xi1>, vector<16xf32>
        %mul3A_372 = arith.mulf %get3A_321, %select_n3A : vector<16xf32>
        %swap3A_373 = arith.index_cast %scan3A_315 : i32 to index
        %swap3A_374 = arith.constant 0 : index
        %swap3A_375 = tpu.vector_load %arg19[%swap3A_373, %swap3A_374] {strides = array<i32>} : memref<128x80xf32, #tpu.memory_space<vmem>>, vector<16xf32>,
        tpu.vector_store %arg19[%swap3A_373, %swap3A_374], %mul3A_372 {strides = array<i32>} : memref<128x80xf32, #tpu.memory_space<vmem>>, vector<16xf32>,
        %mul3A_376 = arith.mulf %get3A_324, %select_n3A : vector<16xf32>
        %swap3A_377 = arith.index_cast %scan3A_315 : i32 to index
        %swap3A_378 = arith.constant 16 : index
        %swap3A_379 = tpu.vector_load %arg19[%swap3A_377, %swap3A_378] {strides = array<i32>} : memref<128x80xf32, #tpu.memory_space<vmem>>, vector<16xf32>,
        tpu.vector_store %arg19[%swap3A_377, %swap3A_378], %mul3A_376 {strides = array<i32>} : memref<128x80xf32, #tpu.memory_space<vmem>>, vector<16xf32>,
        %mul3A_380 = arith.mulf %get3A_327, %select_n3A : vector<16xf32>
        %swap3A_381 = arith.index_cast %scan3A_315 : i32 to index
        %swap3A_382 = arith.constant 32 : index
        %swap3A_383 = tpu.vector_load %arg19[%swap3A_381, %swap3A_382] {strides = array<i32>} : memref<128x80xf32, #tpu.memory_space<vmem>>, vector<16xf32>,
        tpu.vector_store %arg19[%swap3A_381, %swap3A_382], %mul3A_380 {strides = array<i32>} : memref<128x80xf32, #tpu.memory_space<vmem>>, vector<16xf32>,
        %mul3A_384 = arith.mulf %get3A_330, %select_n3A : vector<16xf32>
        %swap3A_385 = arith.index_cast %scan3A_315 : i32 to index
        %swap3A_386 = arith.constant 48 : index
        %swap3A_387 = tpu.vector_load %arg19[%swap3A_385, %swap3A_386] {strides = array<i32>} : memref<128x80xf32, #tpu.memory_space<vmem>>, vector<16xf32>,
        tpu.vector_store %arg19[%swap3A_385, %swap3A_386], %mul3A_384 {strides = array<i32>} : memref<128x80xf32, #tpu.memory_space<vmem>>, vector<16xf32>,
        %eq3A = arith.constant 0 : i32
        %eq3A_388 = vector.broadcast %eq3A : i32 to vector<16xi32>
        %eq3A_389 = arith.cmpi eq, %iota3A, %eq3A_388 : vector<16xi32>
        %select_n3A_390 = arith.select %eq3A_389, %select_n3A, %broadcast_in_dim3A_0 : vector<16xi1>, vector<16xf32>
        %swap3A_391 = arith.index_cast %scan3A_315 : i32 to index
        %swap3A_392 = arith.constant 64 : index
        %swap3A_393 = tpu.vector_load %arg19[%swap3A_391, %swap3A_392] {strides = array<i32>} : memref<128x80xf32, #tpu.memory_space<vmem>>, vector<16xf32>,
        tpu.vector_store %arg19[%swap3A_391, %swap3A_392], %select_n3A_390 {strides = array<i32>} : memref<128x80xf32, #tpu.memory_space<vmem>>, vector<16xf32>,
        %scan3A_394 = arith.constant 1 : i32
        %scan3A_395 = arith.addi %scan3A_315, %scan3A_394 : i32
        %add3A_396 = arith.addi %add3A_209, %scan3A_395 : i32
        %lt3A_397 = arith.constant 330000 : i32
        %lt3A_398 = arith.cmpi slt, %add3A_396, %lt3A_397 : i32
        %broadcast_in_dim3A_399 = vector.broadcast %lt3A_398 : i1 to vector<16xi1>
        %get3A_400 = arith.index_cast %scan3A_395 : i32 to index
        %get3A_401 = arith.constant 0 : index
        %get3A_402 = tpu.vector_load %arg13[%get3A_400, %get3A_401] {strides = array<i32>} : memref<128x64xf32, #tpu.memory_space<vmem>>, vector<16xf32>,
        %get3A_403 = arith.index_cast %scan3A_395 : i32 to index
        %get3A_404 = arith.constant 16 : index
        %get3A_405 = tpu.vector_load %arg13[%get3A_403, %get3A_404] {strides = array<i32>} : memref<128x64xf32, #tpu.memory_space<vmem>>, vector<16xf32>,
        %get3A_406 = arith.index_cast %scan3A_395 : i32 to index
        %get3A_407 = arith.constant 32 : index
        %get3A_408 = tpu.vector_load %arg13[%get3A_406, %get3A_407] {strides = array<i32>} : memref<128x64xf32, #tpu.memory_space<vmem>>, vector<16xf32>,
        %get3A_409 = arith.index_cast %scan3A_395 : i32 to index
        %get3A_410 = arith.constant 48 : index
        %get3A_411 = tpu.vector_load %arg13[%get3A_409, %get3A_410] {strides = array<i32>} : memref<128x64xf32, #tpu.memory_space<vmem>>, vector<16xf32>,
        %get3A_412 = arith.index_cast %scan3A_395 : i32 to index
        %get3A_413 = arith.constant 0 : index
        %get3A_414 = tpu.vector_load %arg14[%get3A_412, %get3A_413] {strides = array<i32>} : memref<128x64xf32, #tpu.memory_space<vmem>>, vector<16xf32>,
        %get3A_415 = arith.index_cast %scan3A_395 : i32 to index
        %get3A_416 = arith.constant 16 : index
        %get3A_417 = tpu.vector_load %arg14[%get3A_415, %get3A_416] {strides = array<i32>} : memref<128x64xf32, #tpu.memory_space<vmem>>, vector<16xf32>,
        %get3A_418 = arith.index_cast %scan3A_395 : i32 to index
        %get3A_419 = arith.constant 32 : index
        %get3A_420 = tpu.vector_load %arg14[%get3A_418, %get3A_419] {strides = array<i32>} : memref<128x64xf32, #tpu.memory_space<vmem>>, vector<16xf32>,
        %get3A_421 = arith.index_cast %scan3A_395 : i32 to index
        %get3A_422 = arith.constant 48 : index
        %get3A_423 = tpu.vector_load %arg14[%get3A_421, %get3A_422] {strides = array<i32>} : memref<128x64xf32, #tpu.memory_space<vmem>>, vector<16xf32>,
        %add3A_424 = arith.addf %get3A_402, %get3A_414 : vector<16xf32>
        %mul3A_425 = arith.constant 2.000000e-01 : f32
        %mul3A_426 = vector.broadcast %mul3A_425 : f32 to vector<16xf32>
        %mul3A_427 = arith.mulf %mul3A_426, %add3A_424 : vector<16xf32>
        %max3A_428 = arith.maximumf %add3A_424, %mul3A_427 : vector<16xf32>
        %mul3A_429 = arith.mulf %max3A_428, %get3A_62 : vector<16xf32>
        %add3A_430 = arith.addf %get3A_405, %get3A_417 : vector<16xf32>
        %mul3A_431 = arith.constant 2.000000e-01 : f32
        %mul3A_432 = vector.broadcast %mul3A_431 : f32 to vector<16xf32>
        %mul3A_433 = arith.mulf %mul3A_432, %add3A_430 : vector<16xf32>
        %max3A_434 = arith.maximumf %add3A_430, %mul3A_433 : vector<16xf32>
        %mul3A_435 = arith.mulf %max3A_434, %get3A_64 : vector<16xf32>
        %add3A_436 = arith.addf %get3A_408, %get3A_420 : vector<16xf32>
        %mul3A_437 = arith.constant 2.000000e-01 : f32
        %mul3A_438 = vector.broadcast %mul3A_437 : f32 to vector<16xf32>
        %mul3A_439 = arith.mulf %mul3A_438, %add3A_436 : vector<16xf32>
        %max3A_440 = arith.maximumf %add3A_436, %mul3A_439 : vector<16xf32>
        %mul3A_441 = arith.mulf %max3A_440, %get3A_66 : vector<16xf32>
        %add3A_442 = arith.addf %get3A_411, %get3A_423 : vector<16xf32>
        %mul3A_443 = arith.constant 2.000000e-01 : f32
        %mul3A_444 = vector.broadcast %mul3A_443 : f32 to vector<16xf32>
        %mul3A_445 = arith.mulf %mul3A_444, %add3A_442 : vector<16xf32>
        %max3A_446 = arith.maximumf %add3A_442, %mul3A_445 : vector<16xf32>
        %mul3A_447 = arith.mulf %max3A_446, %get3A_68 : vector<16xf32>
        %add3A_448 = arith.addf %mul3A_429, %mul3A_435 : vector<16xf32>
        %add3A_449 = arith.addf %add3A_448, %mul3A_441 : vector<16xf32>
        %add3A_450 = arith.addf %add3A_449, %mul3A_447 : vector<16xf32>
        %broadcast_in_dim3A_451 = arith.constant true
        %broadcast_in_dim3A_452 = vector.broadcast %broadcast_in_dim3A_451 : i1 to vector<16xi1>
        %masked_cumsum3A_453 = tpu.scan <sum>, %add3A_450 masked %broadcast_in_dim3A_452 : vector<16xf32>, vector<16xi1> -> vector<16xf32>
        %slice3A_454 = vector.extract_strided_slice %masked_cumsum3A_453 {offsets = [15], sizes = [1], strides = [1]} : vector<16xf32> to vector<1xf32>
        %squeeze3A_455 = vector.extract %slice3A_454[0] : f32 from vector<1xf32>
        %broadcast_in_dim3A_456 = vector.broadcast %squeeze3A_455 : f32 to vector<16xf32>
        %exp3A_457 = math.exp %broadcast_in_dim3A_456 : vector<16xf32>
        %select_n3A_458 = arith.select %broadcast_in_dim3A_399, %exp3A_457, %broadcast_in_dim3A_0 : vector<16xi1>, vector<16xf32>
        %mul3A_459 = arith.mulf %get3A_402, %select_n3A_458 : vector<16xf32>
        %swap3A_460 = arith.index_cast %scan3A_395 : i32 to index
        %swap3A_461 = arith.constant 0 : index
        %swap3A_462 = tpu.vector_load %arg19[%swap3A_460, %swap3A_461] {strides = array<i32>} : memref<128x80xf32, #tpu.memory_space<vmem>>, vector<16xf32>,
        tpu.vector_store %arg19[%swap3A_460, %swap3A_461], %mul3A_459 {strides = array<i32>} : memref<128x80xf32, #tpu.memory_space<vmem>>, vector<16xf32>,
        %mul3A_463 = arith.mulf %get3A_405, %select_n3A_458 : vector<16xf32>
        %swap3A_464 = arith.index_cast %scan3A_395 : i32 to index
        %swap3A_465 = arith.constant 16 : index
        %swap3A_466 = tpu.vector_load %arg19[%swap3A_464, %swap3A_465] {strides = array<i32>} : memref<128x80xf32, #tpu.memory_space<vmem>>, vector<16xf32>,
        tpu.vector_store %arg19[%swap3A_464, %swap3A_465], %mul3A_463 {strides = array<i32>} : memref<128x80xf32, #tpu.memory_space<vmem>>, vector<16xf32>,
        %mul3A_467 = arith.mulf %get3A_408, %select_n3A_458 : vector<16xf32>
        %swap3A_468 = arith.index_cast %scan3A_395 : i32 to index
        %swap3A_469 = arith.constant 32 : index
        %swap3A_470 = tpu.vector_load %arg19[%swap3A_468, %swap3A_469] {strides = array<i32>} : memref<128x80xf32, #tpu.memory_space<vmem>>, vector<16xf32>,
        tpu.vector_store %arg19[%swap3A_468, %swap3A_469], %mul3A_467 {strides = array<i32>} : memref<128x80xf32, #tpu.memory_space<vmem>>, vector<16xf32>,
        %mul3A_471 = arith.mulf %get3A_411, %select_n3A_458 : vector<16xf32>
        %swap3A_472 = arith.index_cast %scan3A_395 : i32 to index
        %swap3A_473 = arith.constant 48 : index
        %swap3A_474 = tpu.vector_load %arg19[%swap3A_472, %swap3A_473] {strides = array<i32>} : memref<128x80xf32, #tpu.memory_space<vmem>>, vector<16xf32>,
        tpu.vector_store %arg19[%swap3A_472, %swap3A_473], %mul3A_471 {strides = array<i32>} : memref<128x80xf32, #tpu.memory_space<vmem>>, vector<16xf32>,
        %eq3A_475 = arith.constant 0 : i32
        %eq3A_476 = vector.broadcast %eq3A_475 : i32 to vector<16xi32>
        %eq3A_477 = arith.cmpi eq, %iota3A, %eq3A_476 : vector<16xi32>
        %select_n3A_478 = arith.select %eq3A_477, %select_n3A_458, %broadcast_in_dim3A_0 : vector<16xi1>, vector<16xf32>
        %swap3A_479 = arith.index_cast %scan3A_395 : i32 to index
        %swap3A_480 = arith.constant 64 : index
        %swap3A_481 = tpu.vector_load %arg19[%swap3A_479, %swap3A_480] {strides = array<i32>} : memref<128x80xf32, #tpu.memory_space<vmem>>, vector<16xf32>,
        tpu.vector_store %arg19[%swap3A_479, %swap3A_480], %select_n3A_478 {strides = array<i32>} : memref<128x80xf32, #tpu.memory_space<vmem>>, vector<16xf32>,
        %scan3A_482 = arith.constant 2 : i32
        %scan3A_483 = arith.addi %scan3A_315, %scan3A_482 : i32
        %add3A_484 = arith.addi %add3A_209, %scan3A_483 : i32
        %lt3A_485 = arith.constant 330000 : i32
        %lt3A_486 = arith.cmpi slt, %add3A_484, %lt3A_485 : i32
        %broadcast_in_dim3A_487 = vector.broadcast %lt3A_486 : i1 to vector<16xi1>
        %get3A_488 = arith.index_cast %scan3A_483 : i32 to index
        %get3A_489 = arith.constant 0 : index
        %get3A_490 = tpu.vector_load %arg13[%get3A_488, %get3A_489] {strides = array<i32>} : memref<128x64xf32, #tpu.memory_space<vmem>>, vector<16xf32>,
        %get3A_491 = arith.index_cast %scan3A_483 : i32 to index
        %get3A_492 = arith.constant 16 : index
        %get3A_493 = tpu.vector_load %arg13[%get3A_491, %get3A_492] {strides = array<i32>} : memref<128x64xf32, #tpu.memory_space<vmem>>, vector<16xf32>,
        %get3A_494 = arith.index_cast %scan3A_483 : i32 to index
        %get3A_495 = arith.constant 32 : index
        %get3A_496 = tpu.vector_load %arg13[%get3A_494, %get3A_495] {strides = array<i32>} : memref<128x64xf32, #tpu.memory_space<vmem>>, vector<16xf32>,
        %get3A_497 = arith.index_cast %scan3A_483 : i32 to index
        %get3A_498 = arith.constant 48 : index
        %get3A_499 = tpu.vector_load %arg13[%get3A_497, %get3A_498] {strides = array<i32>} : memref<128x64xf32, #tpu.memory_space<vmem>>, vector<16xf32>,
        %get3A_500 = arith.index_cast %scan3A_483 : i32 to index
        %get3A_501 = arith.constant 0 : index
        %get3A_502 = tpu.vector_load %arg14[%get3A_500, %get3A_501] {strides = array<i32>} : memref<128x64xf32, #tpu.memory_space<vmem>>, vector<16xf32>,
        %get3A_503 = arith.index_cast %scan3A_483 : i32 to index
        %get3A_504 = arith.constant 16 : index
        %get3A_505 = tpu.vector_load %arg14[%get3A_503, %get3A_504] {strides = array<i32>} : memref<128x64xf32, #tpu.memory_space<vmem>>, vector<16xf32>,
        %get3A_506 = arith.index_cast %scan3A_483 : i32 to index
        %get3A_507 = arith.constant 32 : index
        %get3A_508 = tpu.vector_load %arg14[%get3A_506, %get3A_507] {strides = array<i32>} : memref<128x64xf32, #tpu.memory_space<vmem>>, vector<16xf32>,
        %get3A_509 = arith.index_cast %scan3A_483 : i32 to index
        %get3A_510 = arith.constant 48 : index
        %get3A_511 = tpu.vector_load %arg14[%get3A_509, %get3A_510] {strides = array<i32>} : memref<128x64xf32, #tpu.memory_space<vmem>>, vector<16xf32>,
        %add3A_512 = arith.addf %get3A_490, %get3A_502 : vector<16xf32>
        %mul3A_513 = arith.constant 2.000000e-01 : f32
        %mul3A_514 = vector.broadcast %mul3A_513 : f32 to vector<16xf32>
        %mul3A_515 = arith.mulf %mul3A_514, %add3A_512 : vector<16xf32>
        %max3A_516 = arith.maximumf %add3A_512, %mul3A_515 : vector<16xf32>
        %mul3A_517 = arith.mulf %max3A_516, %get3A_62 : vector<16xf32>
        %add3A_518 = arith.addf %get3A_493, %get3A_505 : vector<16xf32>
        %mul3A_519 = arith.constant 2.000000e-01 : f32
        %mul3A_520 = vector.broadcast %mul3A_519 : f32 to vector<16xf32>
        %mul3A_521 = arith.mulf %mul3A_520, %add3A_518 : vector<16xf32>
        %max3A_522 = arith.maximumf %add3A_518, %mul3A_521 : vector<16xf32>
        %mul3A_523 = arith.mulf %max3A_522, %get3A_64 : vector<16xf32>
        %add3A_524 = arith.addf %get3A_496, %get3A_508 : vector<16xf32>
        %mul3A_525 = arith.constant 2.000000e-01 : f32
        %mul3A_526 = vector.broadcast %mul3A_525 : f32 to vector<16xf32>
        %mul3A_527 = arith.mulf %mul3A_526, %add3A_524 : vector<16xf32>
        %max3A_528 = arith.maximumf %add3A_524, %mul3A_527 : vector<16xf32>
        %mul3A_529 = arith.mulf %max3A_528, %get3A_66 : vector<16xf32>
        %add3A_530 = arith.addf %get3A_499, %get3A_511 : vector<16xf32>
        %mul3A_531 = arith.constant 2.000000e-01 : f32
        %mul3A_532 = vector.broadcast %mul3A_531 : f32 to vector<16xf32>
        %mul3A_533 = arith.mulf %mul3A_532, %add3A_530 : vector<16xf32>
        %max3A_534 = arith.maximumf %add3A_530, %mul3A_533 : vector<16xf32>
        %mul3A_535 = arith.mulf %max3A_534, %get3A_68 : vector<16xf32>
        %add3A_536 = arith.addf %mul3A_517, %mul3A_523 : vector<16xf32>
        %add3A_537 = arith.addf %add3A_536, %mul3A_529 : vector<16xf32>
        %add3A_538 = arith.addf %add3A_537, %mul3A_535 : vector<16xf32>
        %broadcast_in_dim3A_539 = arith.constant true
        %broadcast_in_dim3A_540 = vector.broadcast %broadcast_in_dim3A_539 : i1 to vector<16xi1>
        %masked_cumsum3A_541 = tpu.scan <sum>, %add3A_538 masked %broadcast_in_dim3A_540 : vector<16xf32>, vector<16xi1> -> vector<16xf32>
        %slice3A_542 = vector.extract_strided_slice %masked_cumsum3A_541 {offsets = [15], sizes = [1], strides = [1]} : vector<16xf32> to vector<1xf32>
        %squeeze3A_543 = vector.extract %slice3A_542[0] : f32 from vector<1xf32>
        %broadcast_in_dim3A_544 = vector.broadcast %squeeze3A_543 : f32 to vector<16xf32>
        %exp3A_545 = math.exp %broadcast_in_dim3A_544 : vector<16xf32>
        %select_n3A_546 = arith.select %broadcast_in_dim3A_487, %exp3A_545, %broadcast_in_dim3A_0 : vector<16xi1>, vector<16xf32>
        %mul3A_547 = arith.mulf %get3A_490, %select_n3A_546 : vector<16xf32>
        %swap3A_548 = arith.index_cast %scan3A_483 : i32 to index
        %swap3A_549 = arith.constant 0 : index
        %swap3A_550 = tpu.vector_load %arg19[%swap3A_548, %swap3A_549] {strides = array<i32>} : memref<128x80xf32, #tpu.memory_space<vmem>>, vector<16xf32>,
        tpu.vector_store %arg19[%swap3A_548, %swap3A_549], %mul3A_547 {strides = array<i32>} : memref<128x80xf32, #tpu.memory_space<vmem>>, vector<16xf32>,
        %mul3A_551 = arith.mulf %get3A_493, %select_n3A_546 : vector<16xf32>
        %swap3A_552 = arith.index_cast %scan3A_483 : i32 to index
        %swap3A_553 = arith.constant 16 : index
        %swap3A_554 = tpu.vector_load %arg19[%swap3A_552, %swap3A_553] {strides = array<i32>} : memref<128x80xf32, #tpu.memory_space<vmem>>, vector<16xf32>,
        tpu.vector_store %arg19[%swap3A_552, %swap3A_553], %mul3A_551 {strides = array<i32>} : memref<128x80xf32, #tpu.memory_space<vmem>>, vector<16xf32>,
        %mul3A_555 = arith.mulf %get3A_496, %select_n3A_546 : vector<16xf32>
        %swap3A_556 = arith.index_cast %scan3A_483 : i32 to index
        %swap3A_557 = arith.constant 32 : index
        %swap3A_558 = tpu.vector_load %arg19[%swap3A_556, %swap3A_557] {strides = array<i32>} : memref<128x80xf32, #tpu.memory_space<vmem>>, vector<16xf32>,
        tpu.vector_store %arg19[%swap3A_556, %swap3A_557], %mul3A_555 {strides = array<i32>} : memref<128x80xf32, #tpu.memory_space<vmem>>, vector<16xf32>,
        %mul3A_559 = arith.mulf %get3A_499, %select_n3A_546 : vector<16xf32>
        %swap3A_560 = arith.index_cast %scan3A_483 : i32 to index
        %swap3A_561 = arith.constant 48 : index
        %swap3A_562 = tpu.vector_load %arg19[%swap3A_560, %swap3A_561] {strides = array<i32>} : memref<128x80xf32, #tpu.memory_space<vmem>>, vector<16xf32>,
        tpu.vector_store %arg19[%swap3A_560, %swap3A_561], %mul3A_559 {strides = array<i32>} : memref<128x80xf32, #tpu.memory_space<vmem>>, vector<16xf32>,
        %eq3A_563 = arith.constant 0 : i32
        %eq3A_564 = vector.broadcast %eq3A_563 : i32 to vector<16xi32>
        %eq3A_565 = arith.cmpi eq, %iota3A, %eq3A_564 : vector<16xi32>
        %select_n3A_566 = arith.select %eq3A_565, %select_n3A_546, %broadcast_in_dim3A_0 : vector<16xi1>, vector<16xf32>
        %swap3A_567 = arith.index_cast %scan3A_483 : i32 to index
        %swap3A_568 = arith.constant 64 : index
        %swap3A_569 = tpu.vector_load %arg19[%swap3A_567, %swap3A_568] {strides = array<i32>} : memref<128x80xf32, #tpu.memory_space<vmem>>, vector<16xf32>,
        tpu.vector_store %arg19[%swap3A_567, %swap3A_568], %select_n3A_566 {strides = array<i32>} : memref<128x80xf32, #tpu.memory_space<vmem>>, vector<16xf32>,
        %scan3A_570 = arith.constant 3 : i32
        %scan3A_571 = arith.addi %scan3A_315, %scan3A_570 : i32
        %add3A_572 = arith.addi %add3A_209, %scan3A_571 : i32
        %lt3A_573 = arith.constant 330000 : i32
        %lt3A_574 = arith.cmpi slt, %add3A_572, %lt3A_573 : i32
        %broadcast_in_dim3A_575 = vector.broadcast %lt3A_574 : i1 to vector<16xi1>
        %get3A_576 = arith.index_cast %scan3A_571 : i32 to index
        %get3A_577 = arith.constant 0 : index
        %get3A_578 = tpu.vector_load %arg13[%get3A_576, %get3A_577] {strides = array<i32>} : memref<128x64xf32, #tpu.memory_space<vmem>>, vector<16xf32>,
        %get3A_579 = arith.index_cast %scan3A_571 : i32 to index
        %get3A_580 = arith.constant 16 : index
        %get3A_581 = tpu.vector_load %arg13[%get3A_579, %get3A_580] {strides = array<i32>} : memref<128x64xf32, #tpu.memory_space<vmem>>, vector<16xf32>,
        %get3A_582 = arith.index_cast %scan3A_571 : i32 to index
        %get3A_583 = arith.constant 32 : index
        %get3A_584 = tpu.vector_load %arg13[%get3A_582, %get3A_583] {strides = array<i32>} : memref<128x64xf32, #tpu.memory_space<vmem>>, vector<16xf32>,
        %get3A_585 = arith.index_cast %scan3A_571 : i32 to index
        %get3A_586 = arith.constant 48 : index
        %get3A_587 = tpu.vector_load %arg13[%get3A_585, %get3A_586] {strides = array<i32>} : memref<128x64xf32, #tpu.memory_space<vmem>>, vector<16xf32>,
        %get3A_588 = arith.index_cast %scan3A_571 : i32 to index
        %get3A_589 = arith.constant 0 : index
        %get3A_590 = tpu.vector_load %arg14[%get3A_588, %get3A_589] {strides = array<i32>} : memref<128x64xf32, #tpu.memory_space<vmem>>, vector<16xf32>,
        %get3A_591 = arith.index_cast %scan3A_571 : i32 to index
        %get3A_592 = arith.constant 16 : index
        %get3A_593 = tpu.vector_load %arg14[%get3A_591, %get3A_592] {strides = array<i32>} : memref<128x64xf32, #tpu.memory_space<vmem>>, vector<16xf32>,
        %get3A_594 = arith.index_cast %scan3A_571 : i32 to index
        %get3A_595 = arith.constant 32 : index
        %get3A_596 = tpu.vector_load %arg14[%get3A_594, %get3A_595] {strides = array<i32>} : memref<128x64xf32, #tpu.memory_space<vmem>>, vector<16xf32>,
        %get3A_597 = arith.index_cast %scan3A_571 : i32 to index
        %get3A_598 = arith.constant 48 : index
        %get3A_599 = tpu.vector_load %arg14[%get3A_597, %get3A_598] {strides = array<i32>} : memref<128x64xf32, #tpu.memory_space<vmem>>, vector<16xf32>,
        %add3A_600 = arith.addf %get3A_578, %get3A_590 : vector<16xf32>
        %mul3A_601 = arith.constant 2.000000e-01 : f32
        %mul3A_602 = vector.broadcast %mul3A_601 : f32 to vector<16xf32>
        %mul3A_603 = arith.mulf %mul3A_602, %add3A_600 : vector<16xf32>
        %max3A_604 = arith.maximumf %add3A_600, %mul3A_603 : vector<16xf32>
        %mul3A_605 = arith.mulf %max3A_604, %get3A_62 : vector<16xf32>
        %add3A_606 = arith.addf %get3A_581, %get3A_593 : vector<16xf32>
        %mul3A_607 = arith.constant 2.000000e-01 : f32
        %mul3A_608 = vector.broadcast %mul3A_607 : f32 to vector<16xf32>
        %mul3A_609 = arith.mulf %mul3A_608, %add3A_606 : vector<16xf32>
        %max3A_610 = arith.maximumf %add3A_606, %mul3A_609 : vector<16xf32>
        %mul3A_611 = arith.mulf %max3A_610, %get3A_64 : vector<16xf32>
        %add3A_612 = arith.addf %get3A_584, %get3A_596 : vector<16xf32>
        %mul3A_613 = arith.constant 2.000000e-01 : f32
        %mul3A_614 = vector.broadcast %mul3A_613 : f32 to vector<16xf32>
        %mul3A_615 = arith.mulf %mul3A_614, %add3A_612 : vector<16xf32>
        %max3A_616 = arith.maximumf %add3A_612, %mul3A_615 : vector<16xf32>
        %mul3A_617 = arith.mulf %max3A_616, %get3A_66 : vector<16xf32>
        %add3A_618 = arith.addf %get3A_587, %get3A_599 : vector<16xf32>
        %mul3A_619 = arith.constant 2.000000e-01 : f32
        %mul3A_620 = vector.broadcast %mul3A_619 : f32 to vector<16xf32>
        %mul3A_621 = arith.mulf %mul3A_620, %add3A_618 : vector<16xf32>
        %max3A_622 = arith.maximumf %add3A_618, %mul3A_621 : vector<16xf32>
        %mul3A_623 = arith.mulf %max3A_622, %get3A_68 : vector<16xf32>
        %add3A_624 = arith.addf %mul3A_605, %mul3A_611 : vector<16xf32>
        %add3A_625 = arith.addf %add3A_624, %mul3A_617 : vector<16xf32>
        %add3A_626 = arith.addf %add3A_625, %mul3A_623 : vector<16xf32>
        %broadcast_in_dim3A_627 = arith.constant true
        %broadcast_in_dim3A_628 = vector.broadcast %broadcast_in_dim3A_627 : i1 to vector<16xi1>
        %masked_cumsum3A_629 = tpu.scan <sum>, %add3A_626 masked %broadcast_in_dim3A_628 : vector<16xf32>, vector<16xi1> -> vector<16xf32>
        %slice3A_630 = vector.extract_strided_slice %masked_cumsum3A_629 {offsets = [15], sizes = [1], strides = [1]} : vector<16xf32> to vector<1xf32>
        %squeeze3A_631 = vector.extract %slice3A_630[0] : f32 from vector<1xf32>
        %broadcast_in_dim3A_632 = vector.broadcast %squeeze3A_631 : f32 to vector<16xf32>
        %exp3A_633 = math.exp %broadcast_in_dim3A_632 : vector<16xf32>
        %select_n3A_634 = arith.select %broadcast_in_dim3A_575, %exp3A_633, %broadcast_in_dim3A_0 : vector<16xi1>, vector<16xf32>
        %mul3A_635 = arith.mulf %get3A_578, %select_n3A_634 : vector<16xf32>
        %swap3A_636 = arith.index_cast %scan3A_571 : i32 to index
        %swap3A_637 = arith.constant 0 : index
        %swap3A_638 = tpu.vector_load %arg19[%swap3A_636, %swap3A_637] {strides = array<i32>} : memref<128x80xf32, #tpu.memory_space<vmem>>, vector<16xf32>,
        tpu.vector_store %arg19[%swap3A_636, %swap3A_637], %mul3A_635 {strides = array<i32>} : memref<128x80xf32, #tpu.memory_space<vmem>>, vector<16xf32>,
        %mul3A_639 = arith.mulf %get3A_581, %select_n3A_634 : vector<16xf32>
        %swap3A_640 = arith.index_cast %scan3A_571 : i32 to index
        %swap3A_641 = arith.constant 16 : index
        %swap3A_642 = tpu.vector_load %arg19[%swap3A_640, %swap3A_641] {strides = array<i32>} : memref<128x80xf32, #tpu.memory_space<vmem>>, vector<16xf32>,
        tpu.vector_store %arg19[%swap3A_640, %swap3A_641], %mul3A_639 {strides = array<i32>} : memref<128x80xf32, #tpu.memory_space<vmem>>, vector<16xf32>,
        %mul3A_643 = arith.mulf %get3A_584, %select_n3A_634 : vector<16xf32>
        %swap3A_644 = arith.index_cast %scan3A_571 : i32 to index
        %swap3A_645 = arith.constant 32 : index
        %swap3A_646 = tpu.vector_load %arg19[%swap3A_644, %swap3A_645] {strides = array<i32>} : memref<128x80xf32, #tpu.memory_space<vmem>>, vector<16xf32>,
        tpu.vector_store %arg19[%swap3A_644, %swap3A_645], %mul3A_643 {strides = array<i32>} : memref<128x80xf32, #tpu.memory_space<vmem>>, vector<16xf32>,
        %mul3A_647 = arith.mulf %get3A_587, %select_n3A_634 : vector<16xf32>
        %swap3A_648 = arith.index_cast %scan3A_571 : i32 to index
        %swap3A_649 = arith.constant 48 : index
        %swap3A_650 = tpu.vector_load %arg19[%swap3A_648, %swap3A_649] {strides = array<i32>} : memref<128x80xf32, #tpu.memory_space<vmem>>, vector<16xf32>,
        tpu.vector_store %arg19[%swap3A_648, %swap3A_649], %mul3A_647 {strides = array<i32>} : memref<128x80xf32, #tpu.memory_space<vmem>>, vector<16xf32>,
        %eq3A_651 = arith.constant 0 : i32
        %eq3A_652 = vector.broadcast %eq3A_651 : i32 to vector<16xi32>
        %eq3A_653 = arith.cmpi eq, %iota3A, %eq3A_652 : vector<16xi32>
        %select_n3A_654 = arith.select %eq3A_653, %select_n3A_634, %broadcast_in_dim3A_0 : vector<16xi1>, vector<16xf32>
        %swap3A_655 = arith.index_cast %scan3A_571 : i32 to index
        %swap3A_656 = arith.constant 64 : index
        %swap3A_657 = tpu.vector_load %arg19[%swap3A_655, %swap3A_656] {strides = array<i32>} : memref<128x80xf32, #tpu.memory_space<vmem>>, vector<16xf32>,
        tpu.vector_store %arg19[%swap3A_655, %swap3A_656], %select_n3A_654 {strides = array<i32>} : memref<128x80xf32, #tpu.memory_space<vmem>>, vector<16xf32>,
      }
      %scan3A_214 = arith.constant 128 : i32
      %dma_start3A_215 = arith.constant 0 : i32
      %dma_start3A_216 = arith.constant 0 : i32
      %dma_start3A_217 = tpu.memref_slice %arg22[%dma_start3A_215, %dma_start3A_216] : memref<10000x80xf32, #tpu.memory_space<vmem_shared>> -> memref<10000x80xf32, #tpu.memory_space<vmem_shared>>
      tpu.enqueue_indirect_dma source(%arg19 : memref<128x80xf32, #tpu.memory_space<vmem>>) target(%dma_start3A_217 : memref<10000x80xf32, #tpu.memory_space<vmem_shared>>) offsets(%arg17 : memref<128xi32, #tpu.memory_space<vmem>>) semaphore(%arg27 : memref<!tpu.dma_semaphore, #tpu.memory_space<semaphore_mem>>) {add = true}
      %mul3A_218 = arith.constant 2 : i32
      %mul3A_219 = arith.muli %mul3A_218, %scan3A_120 : i32
      %add3A_220 = arith.constant 1 : i32
      %add3A_221 = arith.addi %mul3A_219, %add3A_220 : i32
      %add3A_222 = arith.addi %mul3A_73, %add3A_221 : i32
      %add3A_223 = arith.constant 1 : i32
      %add3A_224 = arith.addi %add3A_222, %add3A_223 : i32
      "tpu.region"() ({
        %run_scoped3A = tpu.sem_alloc : memref<!tpu.dma_semaphore, #tpu.memory_space<semaphore_mem>>
        %dma_start3A_315 = arith.constant 0 : i32
        %dma_start3A_316 = arith.constant 0 : i32
        %dma_start3A_317 = tpu.memref_slice %arg4[%add3A_224, %dma_start3A_315, %dma_start3A_316] : memref<2625x2x128xi32, #tpu.memory_space<hbm>> -> memref<1x2x128xi32, #tpu.memory_space<hbm>>
        %dma_start3A_318 = tpu.memref_squeeze %dma_start3A_317 : memref<1x2x128xi32, #tpu.memory_space<hbm>> -> memref<2x128xi32, #tpu.memory_space<hbm>>
        %dma_start3A_319 = arith.constant 0 : i32
        %dma_start3A_320 = arith.constant 0 : i32
        %dma_start3A_321 = tpu.memref_slice %arg4[%add3A_224, %dma_start3A_319, %dma_start3A_320] : memref<2625x2x128xi32, #tpu.memory_space<hbm>> -> memref<1x2x128xi32, #tpu.memory_space<hbm>>
        %dma_start3A_322 = tpu.memref_squeeze %dma_start3A_321 : memref<1x2x128xi32, #tpu.memory_space<hbm>> -> memref<2x128xi32, #tpu.memory_space<hbm>>
        tpu.enqueue_dma source(%dma_start3A_322 : memref<2x128xi32, #tpu.memory_space<hbm>>) target(%arg7 : memref<2x128xi32, #tpu.memory_space<vmem>>) target_semaphore(%run_scoped3A : memref<!tpu.dma_semaphore, #tpu.memory_space<semaphore_mem>>)
        %dma_wait3A_323 = arith.constant 0 : i32
        %dma_wait3A_324 = arith.constant 0 : i32
        %dma_wait3A_325 = tpu.memref_slice %arg4[%add3A_224, %dma_wait3A_323, %dma_wait3A_324] : memref<2625x2x128xi32, #tpu.memory_space<hbm>> -> memref<1x2x128xi32, #tpu.memory_space<hbm>>
        %dma_wait3A_326 = tpu.memref_squeeze %dma_wait3A_325 : memref<1x2x128xi32, #tpu.memory_space<hbm>> -> memref<2x128xi32, #tpu.memory_space<hbm>>
        %dma_wait3A_327 = arith.constant 0 : i32
        %dma_wait3A_328 = arith.constant 0 : i32
        %dma_wait3A_329 = tpu.memref_slice %arg4[%add3A_224, %dma_wait3A_327, %dma_wait3A_328] : memref<2625x2x128xi32, #tpu.memory_space<hbm>> -> memref<1x2x128xi32, #tpu.memory_space<hbm>>
        %dma_wait3A_330 = tpu.memref_squeeze %dma_wait3A_329 : memref<1x2x128xi32, #tpu.memory_space<hbm>> -> memref<2x128xi32, #tpu.memory_space<hbm>>
        tpu.wait_dma2 semaphore(%run_scoped3A : memref<!tpu.dma_semaphore, #tpu.memory_space<semaphore_mem>>) src(%dma_wait3A_330 : memref<2x128xi32, #tpu.memory_space<hbm>>) dst(%arg7 : memref<2x128xi32, #tpu.memory_space<vmem>>)
        tpu.yield
      }) : () -> ()
      %dma_start3A_225 = arith.constant 0 : i32
      %dma_start3A_226 = arith.constant 0 : i32
      %dma_start3A_227 = tpu.memref_slice %arg7[%dma_start3A_225, %dma_start3A_226] : memref<2x128xi32, #tpu.memory_space<vmem>> -> memref<1x128xi32, #tpu.memory_space<vmem>>
      %dma_start3A_228 = tpu.memref_squeeze %dma_start3A_227 : memref<1x128xi32, #tpu.memory_space<vmem>> -> memref<128xi32, #tpu.memory_space<vmem>>
      %dma_start3A_229 = arith.constant 0 : i32
      %dma_start3A_230 = arith.constant 0 : i32
      %dma_start3A_231 = tpu.memref_slice %arg2[%dma_start3A_229, %dma_start3A_230] : memref<10000x64xf32, #tpu.memory_space<hbm>> -> memref<10000x64xf32, #tpu.memory_space<hbm>>
      tpu.enqueue_indirect_dma source(%dma_start3A_231 : memref<10000x64xf32, #tpu.memory_space<hbm>>) target(%arg13 : memref<128x64xf32, #tpu.memory_space<vmem>>) offsets(%dma_start3A_228 : memref<128xi32, #tpu.memory_space<vmem>>) semaphore(%arg23 : memref<!tpu.dma_semaphore, #tpu.memory_space<semaphore_mem>>)
      %dma_start3A_232 = arith.constant 1 : i32
      %dma_start3A_233 = arith.constant 0 : i32
      %dma_start3A_234 = tpu.memref_slice %arg7[%dma_start3A_232, %dma_start3A_233] : memref<2x128xi32, #tpu.memory_space<vmem>> -> memref<1x128xi32, #tpu.memory_space<vmem>>
      %dma_start3A_235 = tpu.memref_squeeze %dma_start3A_234 : memref<1x128xi32, #tpu.memory_space<vmem>> -> memref<128xi32, #tpu.memory_space<vmem>>
      %dma_start3A_236 = arith.constant 0 : i32
      %dma_start3A_237 = arith.constant 0 : i32
      %dma_start3A_238 = tpu.memref_slice %arg3[%dma_start3A_236, %dma_start3A_237] : memref<10000x64xf32, #tpu.memory_space<hbm>> -> memref<10000x64xf32, #tpu.memory_space<hbm>>
      tpu.enqueue_indirect_dma source(%dma_start3A_238 : memref<10000x64xf32, #tpu.memory_space<hbm>>) target(%arg14 : memref<128x64xf32, #tpu.memory_space<vmem>>) offsets(%dma_start3A_235 : memref<128xi32, #tpu.memory_space<vmem>>) semaphore(%arg24 : memref<!tpu.dma_semaphore, #tpu.memory_space<semaphore_mem>>)
      %dma_wait3A_239 = arith.constant 0 : i32
      %dma_wait3A_240 = arith.constant 0 : i32
      %dma_wait3A_241 = tpu.memref_slice %arg8[%dma_wait3A_239, %dma_wait3A_240] : memref<2x128xi32, #tpu.memory_space<vmem>> -> memref<1x128xi32, #tpu.memory_space<vmem>>
      %dma_wait3A_242 = tpu.memref_squeeze %dma_wait3A_241 : memref<1x128xi32, #tpu.memory_space<vmem>> -> memref<128xi32, #tpu.memory_space<vmem>>
      %dma_wait3A_243 = arith.constant 0 : i32
      %dma_wait3A_244 = arith.constant 0 : i32
      %dma_wait3A_245 = tpu.memref_slice %arg2[%dma_wait3A_243, %dma_wait3A_244] : memref<10000x64xf32, #tpu.memory_space<hbm>> -> memref<10000x64xf32, #tpu.memory_space<hbm>>
      tpu.wait_indirect_dma semaphore(%arg25 : memref<!tpu.dma_semaphore, #tpu.memory_space<semaphore_mem>>) src(%dma_wait3A_245 : memref<10000x64xf32, #tpu.memory_space<hbm>>) dst(%arg15 : memref<128x64xf32, #tpu.memory_space<vmem>>)
      %dma_wait3A_246 = arith.constant 1 : i32
      %dma_wait3A_247 = arith.constant 0 : i32
      %dma_wait3A_248 = tpu.memref_slice %arg8[%dma_wait3A_246, %dma_wait3A_247] : memref<2x128xi32, #tpu.memory_space<vmem>> -> memref<1x128xi32, #tpu.memory_space<vmem>>
      %dma_wait3A_249 = tpu.memref_squeeze %dma_wait3A_248 : memref<1x128xi32, #tpu.memory_space<vmem>> -> memref<128xi32, #tpu.memory_space<vmem>>
      %dma_wait3A_250 = arith.constant 0 : i32
      %dma_wait3A_251 = arith.constant 0 : i32
      %dma_wait3A_252 = tpu.memref_slice %arg3[%dma_wait3A_250, %dma_wait3A_251] : memref<10000x64xf32, #tpu.memory_space<hbm>> -> memref<10000x64xf32, #tpu.memory_space<hbm>>
      tpu.wait_indirect_dma semaphore(%arg26 : memref<!tpu.dma_semaphore, #tpu.memory_space<semaphore_mem>>) src(%dma_wait3A_252 : memref<10000x64xf32, #tpu.memory_space<hbm>>) dst(%arg16 : memref<128x64xf32, #tpu.memory_space<vmem>>)
      %dma_wait3A_253 = arith.constant 0 : i32
      %dma_wait3A_254 = arith.constant 0 : i32
      %dma_wait3A_255 = tpu.memref_slice %arg22[%dma_wait3A_253, %dma_wait3A_254] : memref<10000x80xf32, #tpu.memory_space<vmem_shared>> -> memref<10000x80xf32, #tpu.memory_space<vmem_shared>>
      tpu.wait_indirect_dma semaphore(%arg28 : memref<!tpu.dma_semaphore, #tpu.memory_space<semaphore_mem>>) src(%arg20 : memref<128x80xf32, #tpu.memory_space<vmem>>) dst(%dma_wait3A_255 : memref<10000x80xf32, #tpu.memory_space<vmem_shared>>)
      %get3A_256 = arith.constant 1 : i32
      %get3A_257 = arith.index_cast %get3A_256 : i32 to index
      %get3A_258 = arith.constant 0 : index
      %get3A_259 = tpu.vector_load %arg8[%get3A_257, %get3A_258] {strides = array<i32>} : memref<2x128xi32, #tpu.memory_space<vmem>>, vector<16xi32>,
      %swap3A_260 = arith.constant 0 : index
      %swap3A_261 = tpu.vector_load %arg18[%swap3A_260] {strides = array<i32>} : memref<128xi32, #tpu.memory_space<vmem>>, vector<16xi32>,
      tpu.vector_store %arg18[%swap3A_260], %get3A_259 {strides = array<i32>} : memref<128xi32, #tpu.memory_space<vmem>>, vector<16xi32>,
      %get3A_262 = arith.constant 1 : i32
      %get3A_263 = arith.index_cast %get3A_262 : i32 to index
      %get3A_264 = arith.constant 16 : index
      %get3A_265 = tpu.vector_load %arg8[%get3A_263, %get3A_264] {strides = array<i32>} : memref<2x128xi32, #tpu.memory_space<vmem>>, vector<16xi32>,
      %swap3A_266 = arith.constant 16 : index
      %swap3A_267 = tpu.vector_load %arg18[%swap3A_266] {strides = array<i32>} : memref<128xi32, #tpu.memory_space<vmem>>, vector<16xi32>,
      tpu.vector_store %arg18[%swap3A_266], %get3A_265 {strides = array<i32>} : memref<128xi32, #tpu.memory_space<vmem>>, vector<16xi32>,
      %get3A_268 = arith.constant 1 : i32
      %get3A_269 = arith.index_cast %get3A_268 : i32 to index
      %get3A_270 = arith.constant 32 : index
      %get3A_271 = tpu.vector_load %arg8[%get3A_269, %get3A_270] {strides = array<i32>} : memref<2x128xi32, #tpu.memory_space<vmem>>, vector<16xi32>,
      %swap3A_272 = arith.constant 32 : index
      %swap3A_273 = tpu.vector_load %arg18[%swap3A_272] {strides = array<i32>} : memref<128xi32, #tpu.memory_space<vmem>>, vector<16xi32>,
      tpu.vector_store %arg18[%swap3A_272], %get3A_271 {strides = array<i32>} : memref<128xi32, #tpu.memory_space<vmem>>, vector<16xi32>,
      %get3A_274 = arith.constant 1 : i32
      %get3A_275 = arith.index_cast %get3A_274 : i32 to index
      %get3A_276 = arith.constant 48 : index
      %get3A_277 = tpu.vector_load %arg8[%get3A_275, %get3A_276] {strides = array<i32>} : memref<2x128xi32, #tpu.memory_space<vmem>>, vector<16xi32>,
      %swap3A_278 = arith.constant 48 : index
      %swap3A_279 = tpu.vector_load %arg18[%swap3A_278] {strides = array<i32>} : memref<128xi32, #tpu.memory_space<vmem>>, vector<16xi32>,
      tpu.vector_store %arg18[%swap3A_278], %get3A_277 {strides = array<i32>} : memref<128xi32, #tpu.memory_space<vmem>>, vector<16xi32>,
      %get3A_280 = arith.constant 1 : i32
      %get3A_281 = arith.index_cast %get3A_280 : i32 to index
      %get3A_282 = arith.constant 64 : index
      %get3A_283 = tpu.vector_load %arg8[%get3A_281, %get3A_282] {strides = array<i32>} : memref<2x128xi32, #tpu.memory_space<vmem>>, vector<16xi32>,
      %swap3A_284 = arith.constant 64 : index
      %swap3A_285 = tpu.vector_load %arg18[%swap3A_284] {strides = array<i32>} : memref<128xi32, #tpu.memory_space<vmem>>, vector<16xi32>,
      tpu.vector_store %arg18[%swap3A_284], %get3A_283 {strides = array<i32>} : memref<128xi32, #tpu.memory_space<vmem>>, vector<16xi32>,
      %get3A_286 = arith.constant 1 : i32
      %get3A_287 = arith.index_cast %get3A_286 : i32 to index
      %get3A_288 = arith.constant 80 : index
      %get3A_289 = tpu.vector_load %arg8[%get3A_287, %get3A_288] {strides = array<i32>} : memref<2x128xi32, #tpu.memory_space<vmem>>, vector<16xi32>,
      %swap3A_290 = arith.constant 80 : index
      %swap3A_291 = tpu.vector_load %arg18[%swap3A_290] {strides = array<i32>} : memref<128xi32, #tpu.memory_space<vmem>>, vector<16xi32>,
      tpu.vector_store %arg18[%swap3A_290], %get3A_289 {strides = array<i32>} : memref<128xi32, #tpu.memory_space<vmem>>, vector<16xi32>,
      %get3A_292 = arith.constant 1 : i32
      %get3A_293 = arith.index_cast %get3A_292 : i32 to index
      %get3A_294 = arith.constant 96 : index
      %get3A_295 = tpu.vector_load %arg8[%get3A_293, %get3A_294] {strides = array<i32>} : memref<2x128xi32, #tpu.memory_space<vmem>>, vector<16xi32>,
      %swap3A_296 = arith.constant 96 : index
      %swap3A_297 = tpu.vector_load %arg18[%swap3A_296] {strides = array<i32>} : memref<128xi32, #tpu.memory_space<vmem>>, vector<16xi32>,
      tpu.vector_store %arg18[%swap3A_296], %get3A_295 {strides = array<i32>} : memref<128xi32, #tpu.memory_space<vmem>>, vector<16xi32>,
      %get3A_298 = arith.constant 1 : i32
      %get3A_299 = arith.index_cast %get3A_298 : i32 to index
      %get3A_300 = arith.constant 112 : index
      %get3A_301 = tpu.vector_load %arg8[%get3A_299, %get3A_300] {strides = array<i32>} : memref<2x128xi32, #tpu.memory_space<vmem>>, vector<16xi32>,
      %swap3A_302 = arith.constant 112 : index
      %swap3A_303 = tpu.vector_load %arg18[%swap3A_302] {strides = array<i32>} : memref<128xi32, #tpu.memory_space<vmem>>, vector<16xi32>,
      tpu.vector_store %arg18[%swap3A_302], %get3A_301 {strides = array<i32>} : memref<128xi32, #tpu.memory_space<vmem>>, vector<16xi32>,
      %mul3A_304 = arith.constant 128 : i32
      %mul3A_305 = arith.muli %add3A_221, %mul3A_304 : i32
      %add3A_306 = arith.addi %mul3A_75, %mul3A_305 : i32
      %scan3A_307 = arith.constant 0 : i32
      %scan3A_308 = arith.constant 128 : i32
      %scan3A_309 = arith.addi %scan3A_307, %scan3A_308 : i32
      %scan3A_310 = arith.constant 4 : i32
      scf.for %scan3A_315 = %scan3A_307 to %scan3A_309 step %scan3A_310  : i32 {
        %add3A_316 = arith.addi %add3A_306, %scan3A_315 : i32
        %lt3A = arith.constant 330000 : i32
        %lt3A_317 = arith.cmpi slt, %add3A_316, %lt3A : i32
        %broadcast_in_dim3A_318 = vector.broadcast %lt3A_317 : i1 to vector<16xi1>
        %get3A_319 = arith.index_cast %scan3A_315 : i32 to index
        %get3A_320 = arith.constant 0 : index
        %get3A_321 = tpu.vector_load %arg15[%get3A_319, %get3A_320] {strides = array<i32>} : memref<128x64xf32, #tpu.memory_space<vmem>>, vector<16xf32>,
        %get3A_322 = arith.index_cast %scan3A_315 : i32 to index
        %get3A_323 = arith.constant 16 : index
        %get3A_324 = tpu.vector_load %arg15[%get3A_322, %get3A_323] {strides = array<i32>} : memref<128x64xf32, #tpu.memory_space<vmem>>, vector<16xf32>,
        %get3A_325 = arith.index_cast %scan3A_315 : i32 to index
        %get3A_326 = arith.constant 32 : index
        %get3A_327 = tpu.vector_load %arg15[%get3A_325, %get3A_326] {strides = array<i32>} : memref<128x64xf32, #tpu.memory_space<vmem>>, vector<16xf32>,
        %get3A_328 = arith.index_cast %scan3A_315 : i32 to index
        %get3A_329 = arith.constant 48 : index
        %get3A_330 = tpu.vector_load %arg15[%get3A_328, %get3A_329] {strides = array<i32>} : memref<128x64xf32, #tpu.memory_space<vmem>>, vector<16xf32>,
        %get3A_331 = arith.index_cast %scan3A_315 : i32 to index
        %get3A_332 = arith.constant 0 : index
        %get3A_333 = tpu.vector_load %arg16[%get3A_331, %get3A_332] {strides = array<i32>} : memref<128x64xf32, #tpu.memory_space<vmem>>, vector<16xf32>,
        %get3A_334 = arith.index_cast %scan3A_315 : i32 to index
        %get3A_335 = arith.constant 16 : index
        %get3A_336 = tpu.vector_load %arg16[%get3A_334, %get3A_335] {strides = array<i32>} : memref<128x64xf32, #tpu.memory_space<vmem>>, vector<16xf32>,
        %get3A_337 = arith.index_cast %scan3A_315 : i32 to index
        %get3A_338 = arith.constant 32 : index
        %get3A_339 = tpu.vector_load %arg16[%get3A_337, %get3A_338] {strides = array<i32>} : memref<128x64xf32, #tpu.memory_space<vmem>>, vector<16xf32>,
        %get3A_340 = arith.index_cast %scan3A_315 : i32 to index
        %get3A_341 = arith.constant 48 : index
        %get3A_342 = tpu.vector_load %arg16[%get3A_340, %get3A_341] {strides = array<i32>} : memref<128x64xf32, #tpu.memory_space<vmem>>, vector<16xf32>,
        %add3A_343 = arith.addf %get3A_321, %get3A_333 : vector<16xf32>
        %mul3A_344 = arith.constant 2.000000e-01 : f32
        %mul3A_345 = vector.broadcast %mul3A_344 : f32 to vector<16xf32>
        %mul3A_346 = arith.mulf %mul3A_345, %add3A_343 : vector<16xf32>
        %max3A = arith.maximumf %add3A_343, %mul3A_346 : vector<16xf32>
        %mul3A_347 = arith.mulf %max3A, %get3A_62 : vector<16xf32>
        %add3A_348 = arith.addf %get3A_324, %get3A_336 : vector<16xf32>
        %mul3A_349 = arith.constant 2.000000e-01 : f32
        %mul3A_350 = vector.broadcast %mul3A_349 : f32 to vector<16xf32>
        %mul3A_351 = arith.mulf %mul3A_350, %add3A_348 : vector<16xf32>
        %max3A_352 = arith.maximumf %add3A_348, %mul3A_351 : vector<16xf32>
        %mul3A_353 = arith.mulf %max3A_352, %get3A_64 : vector<16xf32>
        %add3A_354 = arith.addf %get3A_327, %get3A_339 : vector<16xf32>
        %mul3A_355 = arith.constant 2.000000e-01 : f32
        %mul3A_356 = vector.broadcast %mul3A_355 : f32 to vector<16xf32>
        %mul3A_357 = arith.mulf %mul3A_356, %add3A_354 : vector<16xf32>
        %max3A_358 = arith.maximumf %add3A_354, %mul3A_357 : vector<16xf32>
        %mul3A_359 = arith.mulf %max3A_358, %get3A_66 : vector<16xf32>
        %add3A_360 = arith.addf %get3A_330, %get3A_342 : vector<16xf32>
        %mul3A_361 = arith.constant 2.000000e-01 : f32
        %mul3A_362 = vector.broadcast %mul3A_361 : f32 to vector<16xf32>
        %mul3A_363 = arith.mulf %mul3A_362, %add3A_360 : vector<16xf32>
        %max3A_364 = arith.maximumf %add3A_360, %mul3A_363 : vector<16xf32>
        %mul3A_365 = arith.mulf %max3A_364, %get3A_68 : vector<16xf32>
        %add3A_366 = arith.addf %mul3A_347, %mul3A_353 : vector<16xf32>
        %add3A_367 = arith.addf %add3A_366, %mul3A_359 : vector<16xf32>
        %add3A_368 = arith.addf %add3A_367, %mul3A_365 : vector<16xf32>
        %broadcast_in_dim3A_369 = arith.constant true
        %broadcast_in_dim3A_370 = vector.broadcast %broadcast_in_dim3A_369 : i1 to vector<16xi1>
        %masked_cumsum3A = tpu.scan <sum>, %add3A_368 masked %broadcast_in_dim3A_370 : vector<16xf32>, vector<16xi1> -> vector<16xf32>
        %slice3A = vector.extract_strided_slice %masked_cumsum3A {offsets = [15], sizes = [1], strides = [1]} : vector<16xf32> to vector<1xf32>
        %squeeze3A = vector.extract %slice3A[0] : f32 from vector<1xf32>
        %broadcast_in_dim3A_371 = vector.broadcast %squeeze3A : f32 to vector<16xf32>
        %exp3A = math.exp %broadcast_in_dim3A_371 : vector<16xf32>
        %select_n3A = arith.select %broadcast_in_dim3A_318, %exp3A, %broadcast_in_dim3A_0 : vector<16xi1>, vector<16xf32>
        %mul3A_372 = arith.mulf %get3A_321, %select_n3A : vector<16xf32>
        %swap3A_373 = arith.index_cast %scan3A_315 : i32 to index
        %swap3A_374 = arith.constant 0 : index
        %swap3A_375 = tpu.vector_load %arg20[%swap3A_373, %swap3A_374] {strides = array<i32>} : memref<128x80xf32, #tpu.memory_space<vmem>>, vector<16xf32>,
        tpu.vector_store %arg20[%swap3A_373, %swap3A_374], %mul3A_372 {strides = array<i32>} : memref<128x80xf32, #tpu.memory_space<vmem>>, vector<16xf32>,
        %mul3A_376 = arith.mulf %get3A_324, %select_n3A : vector<16xf32>
        %swap3A_377 = arith.index_cast %scan3A_315 : i32 to index
        %swap3A_378 = arith.constant 16 : index
        %swap3A_379 = tpu.vector_load %arg20[%swap3A_377, %swap3A_378] {strides = array<i32>} : memref<128x80xf32, #tpu.memory_space<vmem>>, vector<16xf32>,
        tpu.vector_store %arg20[%swap3A_377, %swap3A_378], %mul3A_376 {strides = array<i32>} : memref<128x80xf32, #tpu.memory_space<vmem>>, vector<16xf32>,
        %mul3A_380 = arith.mulf %get3A_327, %select_n3A : vector<16xf32>
        %swap3A_381 = arith.index_cast %scan3A_315 : i32 to index
        %swap3A_382 = arith.constant 32 : index
        %swap3A_383 = tpu.vector_load %arg20[%swap3A_381, %swap3A_382] {strides = array<i32>} : memref<128x80xf32, #tpu.memory_space<vmem>>, vector<16xf32>,
        tpu.vector_store %arg20[%swap3A_381, %swap3A_382], %mul3A_380 {strides = array<i32>} : memref<128x80xf32, #tpu.memory_space<vmem>>, vector<16xf32>,
        %mul3A_384 = arith.mulf %get3A_330, %select_n3A : vector<16xf32>
        %swap3A_385 = arith.index_cast %scan3A_315 : i32 to index
        %swap3A_386 = arith.constant 48 : index
        %swap3A_387 = tpu.vector_load %arg20[%swap3A_385, %swap3A_386] {strides = array<i32>} : memref<128x80xf32, #tpu.memory_space<vmem>>, vector<16xf32>,
        tpu.vector_store %arg20[%swap3A_385, %swap3A_386], %mul3A_384 {strides = array<i32>} : memref<128x80xf32, #tpu.memory_space<vmem>>, vector<16xf32>,
        %eq3A = arith.constant 0 : i32
        %eq3A_388 = vector.broadcast %eq3A : i32 to vector<16xi32>
        %eq3A_389 = arith.cmpi eq, %iota3A, %eq3A_388 : vector<16xi32>
        %select_n3A_390 = arith.select %eq3A_389, %select_n3A, %broadcast_in_dim3A_0 : vector<16xi1>, vector<16xf32>
        %swap3A_391 = arith.index_cast %scan3A_315 : i32 to index
        %swap3A_392 = arith.constant 64 : index
        %swap3A_393 = tpu.vector_load %arg20[%swap3A_391, %swap3A_392] {strides = array<i32>} : memref<128x80xf32, #tpu.memory_space<vmem>>, vector<16xf32>,
        tpu.vector_store %arg20[%swap3A_391, %swap3A_392], %select_n3A_390 {strides = array<i32>} : memref<128x80xf32, #tpu.memory_space<vmem>>, vector<16xf32>,
        %scan3A_394 = arith.constant 1 : i32
        %scan3A_395 = arith.addi %scan3A_315, %scan3A_394 : i32
        %add3A_396 = arith.addi %add3A_306, %scan3A_395 : i32
        %lt3A_397 = arith.constant 330000 : i32
        %lt3A_398 = arith.cmpi slt, %add3A_396, %lt3A_397 : i32
        %broadcast_in_dim3A_399 = vector.broadcast %lt3A_398 : i1 to vector<16xi1>
        %get3A_400 = arith.index_cast %scan3A_395 : i32 to index
        %get3A_401 = arith.constant 0 : index
        %get3A_402 = tpu.vector_load %arg15[%get3A_400, %get3A_401] {strides = array<i32>} : memref<128x64xf32, #tpu.memory_space<vmem>>, vector<16xf32>,
        %get3A_403 = arith.index_cast %scan3A_395 : i32 to index
        %get3A_404 = arith.constant 16 : index
        %get3A_405 = tpu.vector_load %arg15[%get3A_403, %get3A_404] {strides = array<i32>} : memref<128x64xf32, #tpu.memory_space<vmem>>, vector<16xf32>,
        %get3A_406 = arith.index_cast %scan3A_395 : i32 to index
        %get3A_407 = arith.constant 32 : index
        %get3A_408 = tpu.vector_load %arg15[%get3A_406, %get3A_407] {strides = array<i32>} : memref<128x64xf32, #tpu.memory_space<vmem>>, vector<16xf32>,
        %get3A_409 = arith.index_cast %scan3A_395 : i32 to index
        %get3A_410 = arith.constant 48 : index
        %get3A_411 = tpu.vector_load %arg15[%get3A_409, %get3A_410] {strides = array<i32>} : memref<128x64xf32, #tpu.memory_space<vmem>>, vector<16xf32>,
        %get3A_412 = arith.index_cast %scan3A_395 : i32 to index
        %get3A_413 = arith.constant 0 : index
        %get3A_414 = tpu.vector_load %arg16[%get3A_412, %get3A_413] {strides = array<i32>} : memref<128x64xf32, #tpu.memory_space<vmem>>, vector<16xf32>,
        %get3A_415 = arith.index_cast %scan3A_395 : i32 to index
        %get3A_416 = arith.constant 16 : index
        %get3A_417 = tpu.vector_load %arg16[%get3A_415, %get3A_416] {strides = array<i32>} : memref<128x64xf32, #tpu.memory_space<vmem>>, vector<16xf32>,
        %get3A_418 = arith.index_cast %scan3A_395 : i32 to index
        %get3A_419 = arith.constant 32 : index
        %get3A_420 = tpu.vector_load %arg16[%get3A_418, %get3A_419] {strides = array<i32>} : memref<128x64xf32, #tpu.memory_space<vmem>>, vector<16xf32>,
        %get3A_421 = arith.index_cast %scan3A_395 : i32 to index
        %get3A_422 = arith.constant 48 : index
        %get3A_423 = tpu.vector_load %arg16[%get3A_421, %get3A_422] {strides = array<i32>} : memref<128x64xf32, #tpu.memory_space<vmem>>, vector<16xf32>,
        %add3A_424 = arith.addf %get3A_402, %get3A_414 : vector<16xf32>
        %mul3A_425 = arith.constant 2.000000e-01 : f32
        %mul3A_426 = vector.broadcast %mul3A_425 : f32 to vector<16xf32>
        %mul3A_427 = arith.mulf %mul3A_426, %add3A_424 : vector<16xf32>
        %max3A_428 = arith.maximumf %add3A_424, %mul3A_427 : vector<16xf32>
        %mul3A_429 = arith.mulf %max3A_428, %get3A_62 : vector<16xf32>
        %add3A_430 = arith.addf %get3A_405, %get3A_417 : vector<16xf32>
        %mul3A_431 = arith.constant 2.000000e-01 : f32
        %mul3A_432 = vector.broadcast %mul3A_431 : f32 to vector<16xf32>
        %mul3A_433 = arith.mulf %mul3A_432, %add3A_430 : vector<16xf32>
        %max3A_434 = arith.maximumf %add3A_430, %mul3A_433 : vector<16xf32>
        %mul3A_435 = arith.mulf %max3A_434, %get3A_64 : vector<16xf32>
        %add3A_436 = arith.addf %get3A_408, %get3A_420 : vector<16xf32>
        %mul3A_437 = arith.constant 2.000000e-01 : f32
        %mul3A_438 = vector.broadcast %mul3A_437 : f32 to vector<16xf32>
        %mul3A_439 = arith.mulf %mul3A_438, %add3A_436 : vector<16xf32>
        %max3A_440 = arith.maximumf %add3A_436, %mul3A_439 : vector<16xf32>
        %mul3A_441 = arith.mulf %max3A_440, %get3A_66 : vector<16xf32>
        %add3A_442 = arith.addf %get3A_411, %get3A_423 : vector<16xf32>
        %mul3A_443 = arith.constant 2.000000e-01 : f32
        %mul3A_444 = vector.broadcast %mul3A_443 : f32 to vector<16xf32>
        %mul3A_445 = arith.mulf %mul3A_444, %add3A_442 : vector<16xf32>
        %max3A_446 = arith.maximumf %add3A_442, %mul3A_445 : vector<16xf32>
        %mul3A_447 = arith.mulf %max3A_446, %get3A_68 : vector<16xf32>
        %add3A_448 = arith.addf %mul3A_429, %mul3A_435 : vector<16xf32>
        %add3A_449 = arith.addf %add3A_448, %mul3A_441 : vector<16xf32>
        %add3A_450 = arith.addf %add3A_449, %mul3A_447 : vector<16xf32>
        %broadcast_in_dim3A_451 = arith.constant true
        %broadcast_in_dim3A_452 = vector.broadcast %broadcast_in_dim3A_451 : i1 to vector<16xi1>
        %masked_cumsum3A_453 = tpu.scan <sum>, %add3A_450 masked %broadcast_in_dim3A_452 : vector<16xf32>, vector<16xi1> -> vector<16xf32>
        %slice3A_454 = vector.extract_strided_slice %masked_cumsum3A_453 {offsets = [15], sizes = [1], strides = [1]} : vector<16xf32> to vector<1xf32>
        %squeeze3A_455 = vector.extract %slice3A_454[0] : f32 from vector<1xf32>
        %broadcast_in_dim3A_456 = vector.broadcast %squeeze3A_455 : f32 to vector<16xf32>
        %exp3A_457 = math.exp %broadcast_in_dim3A_456 : vector<16xf32>
        %select_n3A_458 = arith.select %broadcast_in_dim3A_399, %exp3A_457, %broadcast_in_dim3A_0 : vector<16xi1>, vector<16xf32>
        %mul3A_459 = arith.mulf %get3A_402, %select_n3A_458 : vector<16xf32>
        %swap3A_460 = arith.index_cast %scan3A_395 : i32 to index
        %swap3A_461 = arith.constant 0 : index
        %swap3A_462 = tpu.vector_load %arg20[%swap3A_460, %swap3A_461] {strides = array<i32>} : memref<128x80xf32, #tpu.memory_space<vmem>>, vector<16xf32>,
        tpu.vector_store %arg20[%swap3A_460, %swap3A_461], %mul3A_459 {strides = array<i32>} : memref<128x80xf32, #tpu.memory_space<vmem>>, vector<16xf32>,
        %mul3A_463 = arith.mulf %get3A_405, %select_n3A_458 : vector<16xf32>
        %swap3A_464 = arith.index_cast %scan3A_395 : i32 to index
        %swap3A_465 = arith.constant 16 : index
        %swap3A_466 = tpu.vector_load %arg20[%swap3A_464, %swap3A_465] {strides = array<i32>} : memref<128x80xf32, #tpu.memory_space<vmem>>, vector<16xf32>,
        tpu.vector_store %arg20[%swap3A_464, %swap3A_465], %mul3A_463 {strides = array<i32>} : memref<128x80xf32, #tpu.memory_space<vmem>>, vector<16xf32>,
        %mul3A_467 = arith.mulf %get3A_408, %select_n3A_458 : vector<16xf32>
        %swap3A_468 = arith.index_cast %scan3A_395 : i32 to index
        %swap3A_469 = arith.constant 32 : index
        %swap3A_470 = tpu.vector_load %arg20[%swap3A_468, %swap3A_469] {strides = array<i32>} : memref<128x80xf32, #tpu.memory_space<vmem>>, vector<16xf32>,
        tpu.vector_store %arg20[%swap3A_468, %swap3A_469], %mul3A_467 {strides = array<i32>} : memref<128x80xf32, #tpu.memory_space<vmem>>, vector<16xf32>,
        %mul3A_471 = arith.mulf %get3A_411, %select_n3A_458 : vector<16xf32>
        %swap3A_472 = arith.index_cast %scan3A_395 : i32 to index
        %swap3A_473 = arith.constant 48 : index
        %swap3A_474 = tpu.vector_load %arg20[%swap3A_472, %swap3A_473] {strides = array<i32>} : memref<128x80xf32, #tpu.memory_space<vmem>>, vector<16xf32>,
        tpu.vector_store %arg20[%swap3A_472, %swap3A_473], %mul3A_471 {strides = array<i32>} : memref<128x80xf32, #tpu.memory_space<vmem>>, vector<16xf32>,
        %eq3A_475 = arith.constant 0 : i32
        %eq3A_476 = vector.broadcast %eq3A_475 : i32 to vector<16xi32>
        %eq3A_477 = arith.cmpi eq, %iota3A, %eq3A_476 : vector<16xi32>
        %select_n3A_478 = arith.select %eq3A_477, %select_n3A_458, %broadcast_in_dim3A_0 : vector<16xi1>, vector<16xf32>
        %swap3A_479 = arith.index_cast %scan3A_395 : i32 to index
        %swap3A_480 = arith.constant 64 : index
        %swap3A_481 = tpu.vector_load %arg20[%swap3A_479, %swap3A_480] {strides = array<i32>} : memref<128x80xf32, #tpu.memory_space<vmem>>, vector<16xf32>,
        tpu.vector_store %arg20[%swap3A_479, %swap3A_480], %select_n3A_478 {strides = array<i32>} : memref<128x80xf32, #tpu.memory_space<vmem>>, vector<16xf32>,
        %scan3A_482 = arith.constant 2 : i32
        %scan3A_483 = arith.addi %scan3A_315, %scan3A_482 : i32
        %add3A_484 = arith.addi %add3A_306, %scan3A_483 : i32
        %lt3A_485 = arith.constant 330000 : i32
        %lt3A_486 = arith.cmpi slt, %add3A_484, %lt3A_485 : i32
        %broadcast_in_dim3A_487 = vector.broadcast %lt3A_486 : i1 to vector<16xi1>
        %get3A_488 = arith.index_cast %scan3A_483 : i32 to index
        %get3A_489 = arith.constant 0 : index
        %get3A_490 = tpu.vector_load %arg15[%get3A_488, %get3A_489] {strides = array<i32>} : memref<128x64xf32, #tpu.memory_space<vmem>>, vector<16xf32>,
        %get3A_491 = arith.index_cast %scan3A_483 : i32 to index
        %get3A_492 = arith.constant 16 : index
        %get3A_493 = tpu.vector_load %arg15[%get3A_491, %get3A_492] {strides = array<i32>} : memref<128x64xf32, #tpu.memory_space<vmem>>, vector<16xf32>,
        %get3A_494 = arith.index_cast %scan3A_483 : i32 to index
        %get3A_495 = arith.constant 32 : index
        %get3A_496 = tpu.vector_load %arg15[%get3A_494, %get3A_495] {strides = array<i32>} : memref<128x64xf32, #tpu.memory_space<vmem>>, vector<16xf32>,
        %get3A_497 = arith.index_cast %scan3A_483 : i32 to index
        %get3A_498 = arith.constant 48 : index
        %get3A_499 = tpu.vector_load %arg15[%get3A_497, %get3A_498] {strides = array<i32>} : memref<128x64xf32, #tpu.memory_space<vmem>>, vector<16xf32>,
        %get3A_500 = arith.index_cast %scan3A_483 : i32 to index
        %get3A_501 = arith.constant 0 : index
        %get3A_502 = tpu.vector_load %arg16[%get3A_500, %get3A_501] {strides = array<i32>} : memref<128x64xf32, #tpu.memory_space<vmem>>, vector<16xf32>,
        %get3A_503 = arith.index_cast %scan3A_483 : i32 to index
        %get3A_504 = arith.constant 16 : index
        %get3A_505 = tpu.vector_load %arg16[%get3A_503, %get3A_504] {strides = array<i32>} : memref<128x64xf32, #tpu.memory_space<vmem>>, vector<16xf32>,
        %get3A_506 = arith.index_cast %scan3A_483 : i32 to index
        %get3A_507 = arith.constant 32 : index
        %get3A_508 = tpu.vector_load %arg16[%get3A_506, %get3A_507] {strides = array<i32>} : memref<128x64xf32, #tpu.memory_space<vmem>>, vector<16xf32>,
        %get3A_509 = arith.index_cast %scan3A_483 : i32 to index
        %get3A_510 = arith.constant 48 : index
        %get3A_511 = tpu.vector_load %arg16[%get3A_509, %get3A_510] {strides = array<i32>} : memref<128x64xf32, #tpu.memory_space<vmem>>, vector<16xf32>,
        %add3A_512 = arith.addf %get3A_490, %get3A_502 : vector<16xf32>
        %mul3A_513 = arith.constant 2.000000e-01 : f32
        %mul3A_514 = vector.broadcast %mul3A_513 : f32 to vector<16xf32>
        %mul3A_515 = arith.mulf %mul3A_514, %add3A_512 : vector<16xf32>
        %max3A_516 = arith.maximumf %add3A_512, %mul3A_515 : vector<16xf32>
        %mul3A_517 = arith.mulf %max3A_516, %get3A_62 : vector<16xf32>
        %add3A_518 = arith.addf %get3A_493, %get3A_505 : vector<16xf32>
        %mul3A_519 = arith.constant 2.000000e-01 : f32
        %mul3A_520 = vector.broadcast %mul3A_519 : f32 to vector<16xf32>
        %mul3A_521 = arith.mulf %mul3A_520, %add3A_518 : vector<16xf32>
        %max3A_522 = arith.maximumf %add3A_518, %mul3A_521 : vector<16xf32>
        %mul3A_523 = arith.mulf %max3A_522, %get3A_64 : vector<16xf32>
        %add3A_524 = arith.addf %get3A_496, %get3A_508 : vector<16xf32>
        %mul3A_525 = arith.constant 2.000000e-01 : f32
        %mul3A_526 = vector.broadcast %mul3A_525 : f32 to vector<16xf32>
        %mul3A_527 = arith.mulf %mul3A_526, %add3A_524 : vector<16xf32>
        %max3A_528 = arith.maximumf %add3A_524, %mul3A_527 : vector<16xf32>
        %mul3A_529 = arith.mulf %max3A_528, %get3A_66 : vector<16xf32>
        %add3A_530 = arith.addf %get3A_499, %get3A_511 : vector<16xf32>
        %mul3A_531 = arith.constant 2.000000e-01 : f32
        %mul3A_532 = vector.broadcast %mul3A_531 : f32 to vector<16xf32>
        %mul3A_533 = arith.mulf %mul3A_532, %add3A_530 : vector<16xf32>
        %max3A_534 = arith.maximumf %add3A_530, %mul3A_533 : vector<16xf32>
        %mul3A_535 = arith.mulf %max3A_534, %get3A_68 : vector<16xf32>
        %add3A_536 = arith.addf %mul3A_517, %mul3A_523 : vector<16xf32>
        %add3A_537 = arith.addf %add3A_536, %mul3A_529 : vector<16xf32>
        %add3A_538 = arith.addf %add3A_537, %mul3A_535 : vector<16xf32>
        %broadcast_in_dim3A_539 = arith.constant true
        %broadcast_in_dim3A_540 = vector.broadcast %broadcast_in_dim3A_539 : i1 to vector<16xi1>
        %masked_cumsum3A_541 = tpu.scan <sum>, %add3A_538 masked %broadcast_in_dim3A_540 : vector<16xf32>, vector<16xi1> -> vector<16xf32>
        %slice3A_542 = vector.extract_strided_slice %masked_cumsum3A_541 {offsets = [15], sizes = [1], strides = [1]} : vector<16xf32> to vector<1xf32>
        %squeeze3A_543 = vector.extract %slice3A_542[0] : f32 from vector<1xf32>
        %broadcast_in_dim3A_544 = vector.broadcast %squeeze3A_543 : f32 to vector<16xf32>
        %exp3A_545 = math.exp %broadcast_in_dim3A_544 : vector<16xf32>
        %select_n3A_546 = arith.select %broadcast_in_dim3A_487, %exp3A_545, %broadcast_in_dim3A_0 : vector<16xi1>, vector<16xf32>
        %mul3A_547 = arith.mulf %get3A_490, %select_n3A_546 : vector<16xf32>
        %swap3A_548 = arith.index_cast %scan3A_483 : i32 to index
        %swap3A_549 = arith.constant 0 : index
        %swap3A_550 = tpu.vector_load %arg20[%swap3A_548, %swap3A_549] {strides = array<i32>} : memref<128x80xf32, #tpu.memory_space<vmem>>, vector<16xf32>,
        tpu.vector_store %arg20[%swap3A_548, %swap3A_549], %mul3A_547 {strides = array<i32>} : memref<128x80xf32, #tpu.memory_space<vmem>>, vector<16xf32>,
        %mul3A_551 = arith.mulf %get3A_493, %select_n3A_546 : vector<16xf32>
        %swap3A_552 = arith.index_cast %scan3A_483 : i32 to index
        %swap3A_553 = arith.constant 16 : index
        %swap3A_554 = tpu.vector_load %arg20[%swap3A_552, %swap3A_553] {strides = array<i32>} : memref<128x80xf32, #tpu.memory_space<vmem>>, vector<16xf32>,
        tpu.vector_store %arg20[%swap3A_552, %swap3A_553], %mul3A_551 {strides = array<i32>} : memref<128x80xf32, #tpu.memory_space<vmem>>, vector<16xf32>,
        %mul3A_555 = arith.mulf %get3A_496, %select_n3A_546 : vector<16xf32>
        %swap3A_556 = arith.index_cast %scan3A_483 : i32 to index
        %swap3A_557 = arith.constant 32 : index
        %swap3A_558 = tpu.vector_load %arg20[%swap3A_556, %swap3A_557] {strides = array<i32>} : memref<128x80xf32, #tpu.memory_space<vmem>>, vector<16xf32>,
        tpu.vector_store %arg20[%swap3A_556, %swap3A_557], %mul3A_555 {strides = array<i32>} : memref<128x80xf32, #tpu.memory_space<vmem>>, vector<16xf32>,
        %mul3A_559 = arith.mulf %get3A_499, %select_n3A_546 : vector<16xf32>
        %swap3A_560 = arith.index_cast %scan3A_483 : i32 to index
        %swap3A_561 = arith.constant 48 : index
        %swap3A_562 = tpu.vector_load %arg20[%swap3A_560, %swap3A_561] {strides = array<i32>} : memref<128x80xf32, #tpu.memory_space<vmem>>, vector<16xf32>,
        tpu.vector_store %arg20[%swap3A_560, %swap3A_561], %mul3A_559 {strides = array<i32>} : memref<128x80xf32, #tpu.memory_space<vmem>>, vector<16xf32>,
        %eq3A_563 = arith.constant 0 : i32
        %eq3A_564 = vector.broadcast %eq3A_563 : i32 to vector<16xi32>
        %eq3A_565 = arith.cmpi eq, %iota3A, %eq3A_564 : vector<16xi32>
        %select_n3A_566 = arith.select %eq3A_565, %select_n3A_546, %broadcast_in_dim3A_0 : vector<16xi1>, vector<16xf32>
        %swap3A_567 = arith.index_cast %scan3A_483 : i32 to index
        %swap3A_568 = arith.constant 64 : index
        %swap3A_569 = tpu.vector_load %arg20[%swap3A_567, %swap3A_568] {strides = array<i32>} : memref<128x80xf32, #tpu.memory_space<vmem>>, vector<16xf32>,
        tpu.vector_store %arg20[%swap3A_567, %swap3A_568], %select_n3A_566 {strides = array<i32>} : memref<128x80xf32, #tpu.memory_space<vmem>>, vector<16xf32>,
        %scan3A_570 = arith.constant 3 : i32
        %scan3A_571 = arith.addi %scan3A_315, %scan3A_570 : i32
        %add3A_572 = arith.addi %add3A_306, %scan3A_571 : i32
        %lt3A_573 = arith.constant 330000 : i32
        %lt3A_574 = arith.cmpi slt, %add3A_572, %lt3A_573 : i32
        %broadcast_in_dim3A_575 = vector.broadcast %lt3A_574 : i1 to vector<16xi1>
        %get3A_576 = arith.index_cast %scan3A_571 : i32 to index
        %get3A_577 = arith.constant 0 : index
        %get3A_578 = tpu.vector_load %arg15[%get3A_576, %get3A_577] {strides = array<i32>} : memref<128x64xf32, #tpu.memory_space<vmem>>, vector<16xf32>,
        %get3A_579 = arith.index_cast %scan3A_571 : i32 to index
        %get3A_580 = arith.constant 16 : index
        %get3A_581 = tpu.vector_load %arg15[%get3A_579, %get3A_580] {strides = array<i32>} : memref<128x64xf32, #tpu.memory_space<vmem>>, vector<16xf32>,
        %get3A_582 = arith.index_cast %scan3A_571 : i32 to index
        %get3A_583 = arith.constant 32 : index
        %get3A_584 = tpu.vector_load %arg15[%get3A_582, %get3A_583] {strides = array<i32>} : memref<128x64xf32, #tpu.memory_space<vmem>>, vector<16xf32>,
        %get3A_585 = arith.index_cast %scan3A_571 : i32 to index
        %get3A_586 = arith.constant 48 : index
        %get3A_587 = tpu.vector_load %arg15[%get3A_585, %get3A_586] {strides = array<i32>} : memref<128x64xf32, #tpu.memory_space<vmem>>, vector<16xf32>,
        %get3A_588 = arith.index_cast %scan3A_571 : i32 to index
        %get3A_589 = arith.constant 0 : index
        %get3A_590 = tpu.vector_load %arg16[%get3A_588, %get3A_589] {strides = array<i32>} : memref<128x64xf32, #tpu.memory_space<vmem>>, vector<16xf32>,
        %get3A_591 = arith.index_cast %scan3A_571 : i32 to index
        %get3A_592 = arith.constant 16 : index
        %get3A_593 = tpu.vector_load %arg16[%get3A_591, %get3A_592] {strides = array<i32>} : memref<128x64xf32, #tpu.memory_space<vmem>>, vector<16xf32>,
        %get3A_594 = arith.index_cast %scan3A_571 : i32 to index
        %get3A_595 = arith.constant 32 : index
        %get3A_596 = tpu.vector_load %arg16[%get3A_594, %get3A_595] {strides = array<i32>} : memref<128x64xf32, #tpu.memory_space<vmem>>, vector<16xf32>,
        %get3A_597 = arith.index_cast %scan3A_571 : i32 to index
        %get3A_598 = arith.constant 48 : index
        %get3A_599 = tpu.vector_load %arg16[%get3A_597, %get3A_598] {strides = array<i32>} : memref<128x64xf32, #tpu.memory_space<vmem>>, vector<16xf32>,
        %add3A_600 = arith.addf %get3A_578, %get3A_590 : vector<16xf32>
        %mul3A_601 = arith.constant 2.000000e-01 : f32
        %mul3A_602 = vector.broadcast %mul3A_601 : f32 to vector<16xf32>
        %mul3A_603 = arith.mulf %mul3A_602, %add3A_600 : vector<16xf32>
        %max3A_604 = arith.maximumf %add3A_600, %mul3A_603 : vector<16xf32>
        %mul3A_605 = arith.mulf %max3A_604, %get3A_62 : vector<16xf32>
        %add3A_606 = arith.addf %get3A_581, %get3A_593 : vector<16xf32>
        %mul3A_607 = arith.constant 2.000000e-01 : f32
        %mul3A_608 = vector.broadcast %mul3A_607 : f32 to vector<16xf32>
        %mul3A_609 = arith.mulf %mul3A_608, %add3A_606 : vector<16xf32>
        %max3A_610 = arith.maximumf %add3A_606, %mul3A_609 : vector<16xf32>
        %mul3A_611 = arith.mulf %max3A_610, %get3A_64 : vector<16xf32>
        %add3A_612 = arith.addf %get3A_584, %get3A_596 : vector<16xf32>
        %mul3A_613 = arith.constant 2.000000e-01 : f32
        %mul3A_614 = vector.broadcast %mul3A_613 : f32 to vector<16xf32>
        %mul3A_615 = arith.mulf %mul3A_614, %add3A_612 : vector<16xf32>
        %max3A_616 = arith.maximumf %add3A_612, %mul3A_615 : vector<16xf32>
        %mul3A_617 = arith.mulf %max3A_616, %get3A_66 : vector<16xf32>
        %add3A_618 = arith.addf %get3A_587, %get3A_599 : vector<16xf32>
        %mul3A_619 = arith.constant 2.000000e-01 : f32
        %mul3A_620 = vector.broadcast %mul3A_619 : f32 to vector<16xf32>
        %mul3A_621 = arith.mulf %mul3A_620, %add3A_618 : vector<16xf32>
        %max3A_622 = arith.maximumf %add3A_618, %mul3A_621 : vector<16xf32>
        %mul3A_623 = arith.mulf %max3A_622, %get3A_68 : vector<16xf32>
        %add3A_624 = arith.addf %mul3A_605, %mul3A_611 : vector<16xf32>
        %add3A_625 = arith.addf %add3A_624, %mul3A_617 : vector<16xf32>
        %add3A_626 = arith.addf %add3A_625, %mul3A_623 : vector<16xf32>
        %broadcast_in_dim3A_627 = arith.constant true
        %broadcast_in_dim3A_628 = vector.broadcast %broadcast_in_dim3A_627 : i1 to vector<16xi1>
        %masked_cumsum3A_629 = tpu.scan <sum>, %add3A_626 masked %broadcast_in_dim3A_628 : vector<16xf32>, vector<16xi1> -> vector<16xf32>
        %slice3A_630 = vector.extract_strided_slice %masked_cumsum3A_629 {offsets = [15], sizes = [1], strides = [1]} : vector<16xf32> to vector<1xf32>
        %squeeze3A_631 = vector.extract %slice3A_630[0] : f32 from vector<1xf32>
        %broadcast_in_dim3A_632 = vector.broadcast %squeeze3A_631 : f32 to vector<16xf32>
        %exp3A_633 = math.exp %broadcast_in_dim3A_632 : vector<16xf32>
        %select_n3A_634 = arith.select %broadcast_in_dim3A_575, %exp3A_633, %broadcast_in_dim3A_0 : vector<16xi1>, vector<16xf32>
        %mul3A_635 = arith.mulf %get3A_578, %select_n3A_634 : vector<16xf32>
        %swap3A_636 = arith.index_cast %scan3A_571 : i32 to index
        %swap3A_637 = arith.constant 0 : index
        %swap3A_638 = tpu.vector_load %arg20[%swap3A_636, %swap3A_637] {strides = array<i32>} : memref<128x80xf32, #tpu.memory_space<vmem>>, vector<16xf32>,
        tpu.vector_store %arg20[%swap3A_636, %swap3A_637], %mul3A_635 {strides = array<i32>} : memref<128x80xf32, #tpu.memory_space<vmem>>, vector<16xf32>,
        %mul3A_639 = arith.mulf %get3A_581, %select_n3A_634 : vector<16xf32>
        %swap3A_640 = arith.index_cast %scan3A_571 : i32 to index
        %swap3A_641 = arith.constant 16 : index
        %swap3A_642 = tpu.vector_load %arg20[%swap3A_640, %swap3A_641] {strides = array<i32>} : memref<128x80xf32, #tpu.memory_space<vmem>>, vector<16xf32>,
        tpu.vector_store %arg20[%swap3A_640, %swap3A_641], %mul3A_639 {strides = array<i32>} : memref<128x80xf32, #tpu.memory_space<vmem>>, vector<16xf32>,
        %mul3A_643 = arith.mulf %get3A_584, %select_n3A_634 : vector<16xf32>
        %swap3A_644 = arith.index_cast %scan3A_571 : i32 to index
        %swap3A_645 = arith.constant 32 : index
        %swap3A_646 = tpu.vector_load %arg20[%swap3A_644, %swap3A_645] {strides = array<i32>} : memref<128x80xf32, #tpu.memory_space<vmem>>, vector<16xf32>,
        tpu.vector_store %arg20[%swap3A_644, %swap3A_645], %mul3A_643 {strides = array<i32>} : memref<128x80xf32, #tpu.memory_space<vmem>>, vector<16xf32>,
        %mul3A_647 = arith.mulf %get3A_587, %select_n3A_634 : vector<16xf32>
        %swap3A_648 = arith.index_cast %scan3A_571 : i32 to index
        %swap3A_649 = arith.constant 48 : index
        %swap3A_650 = tpu.vector_load %arg20[%swap3A_648, %swap3A_649] {strides = array<i32>} : memref<128x80xf32, #tpu.memory_space<vmem>>, vector<16xf32>,
        tpu.vector_store %arg20[%swap3A_648, %swap3A_649], %mul3A_647 {strides = array<i32>} : memref<128x80xf32, #tpu.memory_space<vmem>>, vector<16xf32>,
        %eq3A_651 = arith.constant 0 : i32
        %eq3A_652 = vector.broadcast %eq3A_651 : i32 to vector<16xi32>
        %eq3A_653 = arith.cmpi eq, %iota3A, %eq3A_652 : vector<16xi32>
        %select_n3A_654 = arith.select %eq3A_653, %select_n3A_634, %broadcast_in_dim3A_0 : vector<16xi1>, vector<16xf32>
        %swap3A_655 = arith.index_cast %scan3A_571 : i32 to index
        %swap3A_656 = arith.constant 64 : index
        %swap3A_657 = tpu.vector_load %arg20[%swap3A_655, %swap3A_656] {strides = array<i32>} : memref<128x80xf32, #tpu.memory_space<vmem>>, vector<16xf32>,
        tpu.vector_store %arg20[%swap3A_655, %swap3A_656], %select_n3A_654 {strides = array<i32>} : memref<128x80xf32, #tpu.memory_space<vmem>>, vector<16xf32>,
      }
      %scan3A_311 = arith.constant 128 : i32
      %dma_start3A_312 = arith.constant 0 : i32
      %dma_start3A_313 = arith.constant 0 : i32
      %dma_start3A_314 = tpu.memref_slice %arg22[%dma_start3A_312, %dma_start3A_313] : memref<10000x80xf32, #tpu.memory_space<vmem_shared>> -> memref<10000x80xf32, #tpu.memory_space<vmem_shared>>
      tpu.enqueue_indirect_dma source(%arg20 : memref<128x80xf32, #tpu.memory_space<vmem>>) target(%dma_start3A_314 : memref<10000x80xf32, #tpu.memory_space<vmem_shared>>) offsets(%arg18 : memref<128xi32, #tpu.memory_space<vmem>>) semaphore(%arg28 : memref<!tpu.dma_semaphore, #tpu.memory_space<semaphore_mem>>) {add = true}
    }
    %scan3A_95 = arith.constant 41 : i32
    %dma_wait3A = arith.constant 0 : i32
    %dma_wait3A_96 = arith.constant 0 : i32
    %dma_wait3A_97 = tpu.memref_slice %arg7[%dma_wait3A, %dma_wait3A_96] : memref<2x128xi32, #tpu.memory_space<vmem>> -> memref<1x128xi32, #tpu.memory_space<vmem>>
    %dma_wait3A_98 = tpu.memref_squeeze %dma_wait3A_97 : memref<1x128xi32, #tpu.memory_space<vmem>> -> memref<128xi32, #tpu.memory_space<vmem>>
    %dma_wait3A_99 = arith.constant 0 : i32
    %dma_wait3A_100 = arith.constant 0 : i32
    %dma_wait3A_101 = tpu.memref_slice %arg2[%dma_wait3A_99, %dma_wait3A_100] : memref<10000x64xf32, #tpu.memory_space<hbm>> -> memref<10000x64xf32, #tpu.memory_space<hbm>>
    tpu.wait_indirect_dma semaphore(%arg23 : memref<!tpu.dma_semaphore, #tpu.memory_space<semaphore_mem>>) src(%dma_wait3A_101 : memref<10000x64xf32, #tpu.memory_space<hbm>>) dst(%arg13 : memref<128x64xf32, #tpu.memory_space<vmem>>)
    %dma_wait3A_102 = arith.constant 1 : i32
    %dma_wait3A_103 = arith.constant 0 : i32
    %dma_wait3A_104 = tpu.memref_slice %arg7[%dma_wait3A_102, %dma_wait3A_103] : memref<2x128xi32, #tpu.memory_space<vmem>> -> memref<1x128xi32, #tpu.memory_space<vmem>>
    %dma_wait3A_105 = tpu.memref_squeeze %dma_wait3A_104 : memref<1x128xi32, #tpu.memory_space<vmem>> -> memref<128xi32, #tpu.memory_space<vmem>>
    %dma_wait3A_106 = arith.constant 0 : i32
    %dma_wait3A_107 = arith.constant 0 : i32
    %dma_wait3A_108 = tpu.memref_slice %arg3[%dma_wait3A_106, %dma_wait3A_107] : memref<10000x64xf32, #tpu.memory_space<hbm>> -> memref<10000x64xf32, #tpu.memory_space<hbm>>
    tpu.wait_indirect_dma semaphore(%arg24 : memref<!tpu.dma_semaphore, #tpu.memory_space<semaphore_mem>>) src(%dma_wait3A_108 : memref<10000x64xf32, #tpu.memory_space<hbm>>) dst(%arg14 : memref<128x64xf32, #tpu.memory_space<vmem>>)
    %dma_wait3A_109 = arith.constant 0 : i32
    %dma_wait3A_110 = arith.constant 0 : i32
    %dma_wait3A_111 = tpu.memref_slice %arg22[%dma_wait3A_109, %dma_wait3A_110] : memref<10000x80xf32, #tpu.memory_space<vmem_shared>> -> memref<10000x80xf32, #tpu.memory_space<vmem_shared>>
    tpu.wait_indirect_dma semaphore(%arg27 : memref<!tpu.dma_semaphore, #tpu.memory_space<semaphore_mem>>) src(%arg19 : memref<128x80xf32, #tpu.memory_space<vmem>>) dst(%dma_wait3A_111 : memref<10000x80xf32, #tpu.memory_space<vmem_shared>>)
    %dma_wait3A_112 = arith.constant 0 : i32
    %dma_wait3A_113 = arith.constant 0 : i32
    %dma_wait3A_114 = tpu.memref_slice %arg22[%dma_wait3A_112, %dma_wait3A_113] : memref<10000x80xf32, #tpu.memory_space<vmem_shared>> -> memref<10000x80xf32, #tpu.memory_space<vmem_shared>>
    tpu.wait_indirect_dma semaphore(%arg28 : memref<!tpu.dma_semaphore, #tpu.memory_space<semaphore_mem>>) src(%arg20 : memref<128x80xf32, #tpu.memory_space<vmem>>) dst(%dma_wait3A_114 : memref<10000x80xf32, #tpu.memory_space<vmem_shared>>)
    %barrier3A_115 = arith.constant 0 : index
    tpu.barrier barrier_id(%barrier3A_115)
    %mul3A_116 = arith.constant 625 : i32
    %mul3A_117 = arith.muli %arg1, %mul3A_116 : i32
    %mul3A_118 = arith.constant 625 : i32
    %mul3A_119 = arith.muli %arg1, %mul3A_118 : i32
    "tpu.region"() ({
      %run_scoped3A = tpu.sem_alloc : memref<!tpu.dma_semaphore, #tpu.memory_space<semaphore_mem>>
      %dma_start3A_120 = arith.constant 0 : i32
      %dma_start3A_121 = tpu.memref_slice %arg6[%arg0, %mul3A_119, %dma_start3A_120] : memref<2x10000x80xf32, #tpu.memory_space<hbm>> -> memref<1x625x80xf32, #tpu.memory_space<hbm>>
      %dma_start3A_122 = tpu.memref_squeeze %dma_start3A_121 : memref<1x625x80xf32, #tpu.memory_space<hbm>> -> memref<625x80xf32, #tpu.memory_space<hbm>>
      %dma_start3A_123 = arith.constant 0 : i32
      %dma_start3A_124 = tpu.memref_slice %arg22[%mul3A_117, %dma_start3A_123] : memref<10000x80xf32, #tpu.memory_space<vmem_shared>> -> memref<625x80xf32, #tpu.memory_space<vmem_shared>>
      tpu.enqueue_dma source(%dma_start3A_124 : memref<625x80xf32, #tpu.memory_space<vmem_shared>>) target(%dma_start3A_122 : memref<625x80xf32, #tpu.memory_space<hbm>>) target_semaphore(%run_scoped3A : memref<!tpu.dma_semaphore, #tpu.memory_space<semaphore_mem>>)
      %dma_wait3A_125 = arith.constant 0 : i32
      %dma_wait3A_126 = tpu.memref_slice %arg6[%arg0, %mul3A_119, %dma_wait3A_125] : memref<2x10000x80xf32, #tpu.memory_space<hbm>> -> memref<1x625x80xf32, #tpu.memory_space<hbm>>
      %dma_wait3A_127 = tpu.memref_squeeze %dma_wait3A_126 : memref<1x625x80xf32, #tpu.memory_space<hbm>> -> memref<625x80xf32, #tpu.memory_space<hbm>>
      %dma_wait3A_128 = arith.constant 0 : i32
      %dma_wait3A_129 = tpu.memref_slice %arg22[%mul3A_117, %dma_wait3A_128] : memref<10000x80xf32, #tpu.memory_space<vmem_shared>> -> memref<625x80xf32, #tpu.memory_space<vmem_shared>>
      tpu.wait_dma2 semaphore(%run_scoped3A : memref<!tpu.dma_semaphore, #tpu.memory_space<semaphore_mem>>) src(%dma_wait3A_129 : memref<625x80xf32, #tpu.memory_space<vmem_shared>>) dst(%dma_wait3A_127 : memref<625x80xf32, #tpu.memory_space<hbm>>)
      tpu.yield
    }) : () -> ()
    return
  }
}

module attributes {stable_mosaic.version = 14 : i64} {
  func.func @_proj_body(%arg0: i32, %arg1: memref<400x128xf32, #tpu.memory_space<vmem>>, %arg2: memref<128x128xf32, #tpu.memory_space<vmem>>, %arg3: memref<1x128xf32, #tpu.memory_space<vmem>>, %arg4: memref<128x128xf32, #tpu.memory_space<vmem>>, %arg5: memref<1x128xf32, #tpu.memory_space<vmem>>, %arg6: memref<400x128xf32, #tpu.memory_space<vmem>>, %arg7: memref<400x128xf32, #tpu.memory_space<vmem>>) attributes {dimension_semantics = [#tpu.dimension_semantics<arbitrary>], iteration_bounds = array<i64: 25>, scalar_prefetch = 0 : i64, scratch_operands = 0 : i64, tpu.core_type = #tpu.core_type<tc>, window_params = [{transform_indices = @transform_0, window_bounds = array<i64: 400, 128>}, {pipeline_mode = #tpu.pipeline_mode<synchronous>, transform_indices = @transform_1, window_bounds = array<i64: 128, 128>}, {pipeline_mode = #tpu.pipeline_mode<synchronous>, transform_indices = @transform_2, window_bounds = array<i64: 1, 128>}, {pipeline_mode = #tpu.pipeline_mode<synchronous>, transform_indices = @transform_3, window_bounds = array<i64: 128, 128>}, {pipeline_mode = #tpu.pipeline_mode<synchronous>, transform_indices = @transform_4, window_bounds = array<i64: 1, 128>}, {transform_indices = @transform_5, window_bounds = array<i64: 400, 128>}, {transform_indices = @transform_6, window_bounds = array<i64: 400, 128>}]} {
    %get3A = arith.constant 0 : index
    %get3A_0 = arith.constant 0 : index
    %get3A_1 = vector.load %arg1[%get3A, %get3A_0] : memref<400x128xf32, #tpu.memory_space<vmem>>, vector<400x128xf32>
    %get3A_2 = arith.constant 0 : index
    %get3A_3 = arith.constant 0 : index
    %get3A_4 = vector.load %arg2[%get3A_2, %get3A_3] : memref<128x128xf32, #tpu.memory_space<vmem>>, vector<128x128xf32>
    %dot_general3A = arith.constant dense<0.000000e+00> : vector<400x128xf32>
    %dot_general3A_5 = tpu.matmul %get3A_1, %get3A_4, %dot_general3A {dimension_numbers = #tpu.dot_dimension_numbers<[1], [0], [0], [1], [0, 0, 1, 1], [], []>, transpose_lhs_hint = false} : vector<400x128xf32>, vector<128x128xf32>, vector<400x128xf32> -> vector<400x128xf32>
    %get3A_6 = arith.constant 0 : index
    %get3A_7 = arith.constant 0 : index
    %get3A_8 = vector.load %arg3[%get3A_6, %get3A_7] : memref<1x128xf32, #tpu.memory_space<vmem>>, vector<1x128xf32>
    %add3A = vector.broadcast %get3A_8 : vector<1x128xf32> to vector<400x128xf32>
    %add3A_9 = arith.addf %dot_general3A_5, %add3A : vector<400x128xf32>
    %swap3A = arith.constant 0 : index
    %swap3A_10 = arith.constant 0 : index
    %swap3A_11 = vector.load %arg6[%swap3A, %swap3A_10] : memref<400x128xf32, #tpu.memory_space<vmem>>, vector<400x128xf32>
    tpu.vector_store %arg6[%swap3A, %swap3A_10], %add3A_9 {strides = array<i32>} : memref<400x128xf32, #tpu.memory_space<vmem>>, vector<400x128xf32>,
    %get3A_12 = arith.constant 0 : index
    %get3A_13 = arith.constant 0 : index
    %get3A_14 = vector.load %arg4[%get3A_12, %get3A_13] : memref<128x128xf32, #tpu.memory_space<vmem>>, vector<128x128xf32>
    %dot_general3A_15 = arith.constant dense<0.000000e+00> : vector<400x128xf32>
    %dot_general3A_16 = tpu.matmul %get3A_1, %get3A_14, %dot_general3A_15 {dimension_numbers = #tpu.dot_dimension_numbers<[1], [0], [0], [1], [0, 0, 1, 1], [], []>, transpose_lhs_hint = false} : vector<400x128xf32>, vector<128x128xf32>, vector<400x128xf32> -> vector<400x128xf32>
    %get3A_17 = arith.constant 0 : index
    %get3A_18 = arith.constant 0 : index
    %get3A_19 = vector.load %arg5[%get3A_17, %get3A_18] : memref<1x128xf32, #tpu.memory_space<vmem>>, vector<1x128xf32>
    %add3A_20 = vector.broadcast %get3A_19 : vector<1x128xf32> to vector<400x128xf32>
    %add3A_21 = arith.addf %dot_general3A_16, %add3A_20 : vector<400x128xf32>
    %swap3A_22 = arith.constant 0 : index
    %swap3A_23 = arith.constant 0 : index
    %swap3A_24 = vector.load %arg7[%swap3A_22, %swap3A_23] : memref<400x128xf32, #tpu.memory_space<vmem>>, vector<400x128xf32>
    tpu.vector_store %arg7[%swap3A_22, %swap3A_23], %add3A_21 {strides = array<i32>} : memref<400x128xf32, #tpu.memory_space<vmem>>, vector<400x128xf32>,
    return
  }
  func.func @transform_0(%arg0: i32) -> (i32, i32) {
    %c0_i32 = arith.constant 0 : i32
    %c0_i32_0 = arith.constant 0 : i32
    return %arg0, %c0_i32 : i32, i32
  }
  func.func @transform_1(%arg0: i32) -> (i32, i32) {
    %c0_i32 = arith.constant 0 : i32
    %c0_i32_0 = arith.constant 0 : i32
    %c0_i32_1 = arith.constant 0 : i32
    return %c0_i32, %c0_i32_0 : i32, i32
  }
  func.func @transform_2(%arg0: i32) -> (i32, i32) {
    %c0_i32 = arith.constant 0 : i32
    %c0_i32_0 = arith.constant 0 : i32
    %c0_i32_1 = arith.constant 0 : i32
    return %c0_i32, %c0_i32_0 : i32, i32
  }
  func.func @transform_3(%arg0: i32) -> (i32, i32) {
    %c0_i32 = arith.constant 0 : i32
    %c0_i32_0 = arith.constant 0 : i32
    %c0_i32_1 = arith.constant 0 : i32
    return %c0_i32, %c0_i32_0 : i32, i32
  }
  func.func @transform_4(%arg0: i32) -> (i32, i32) {
    %c0_i32 = arith.constant 0 : i32
    %c0_i32_0 = arith.constant 0 : i32
    %c0_i32_1 = arith.constant 0 : i32
    return %c0_i32, %c0_i32_0 : i32, i32
  }
  func.func @transform_5(%arg0: i32) -> (i32, i32) {
    %c0_i32 = arith.constant 0 : i32
    %c0_i32_0 = arith.constant 0 : i32
    return %arg0, %c0_i32 : i32, i32
  }
  func.func @transform_6(%arg0: i32) -> (i32, i32) {
    %c0_i32 = arith.constant 0 : i32
    %c0_i32_0 = arith.constant 0 : i32
    return %arg0, %c0_i32 : i32, i32
  }
}

module attributes {stable_mosaic.version = 14 : i64} {
  func.func @_mid_body(%arg0: i32, %arg1: memref<400x80xf32, #tpu.memory_space<vmem>>, %arg2: memref<400x80xf32, #tpu.memory_space<vmem>>, %arg3: memref<1x128xf32, #tpu.memory_space<vmem>>, %arg4: memref<128x64xf32, #tpu.memory_space<vmem>>, %arg5: memref<1x64xf32, #tpu.memory_space<vmem>>, %arg6: memref<128x64xf32, #tpu.memory_space<vmem>>, %arg7: memref<1x64xf32, #tpu.memory_space<vmem>>, %arg8: memref<400x64xf32, #tpu.memory_space<vmem>>, %arg9: memref<400x64xf32, #tpu.memory_space<vmem>>) attributes {dimension_semantics = [#tpu.dimension_semantics<arbitrary>], iteration_bounds = array<i64: 25>, scalar_prefetch = 0 : i64, scratch_operands = 0 : i64, tpu.core_type = #tpu.core_type<tc>, window_params = [{transform_indices = @transform_0, window_bounds = array<i64: 400, 80>}, {transform_indices = @transform_1, window_bounds = array<i64: 400, 80>}, {pipeline_mode = #tpu.pipeline_mode<synchronous>, transform_indices = @transform_2, window_bounds = array<i64: 1, 128>}, {pipeline_mode = #tpu.pipeline_mode<synchronous>, transform_indices = @transform_3, window_bounds = array<i64: 128, 64>}, {pipeline_mode = #tpu.pipeline_mode<synchronous>, transform_indices = @transform_4, window_bounds = array<i64: 1, 64>}, {pipeline_mode = #tpu.pipeline_mode<synchronous>, transform_indices = @transform_5, window_bounds = array<i64: 128, 64>}, {pipeline_mode = #tpu.pipeline_mode<synchronous>, transform_indices = @transform_6, window_bounds = array<i64: 1, 64>}, {transform_indices = @transform_7, window_bounds = array<i64: 400, 64>}, {transform_indices = @transform_8, window_bounds = array<i64: 400, 64>}]} {
    %get3A = arith.constant 0 : index
    %get3A_0 = arith.constant 0 : index
    %get3A_1 = vector.load %arg1[%get3A, %get3A_0] : memref<400x80xf32, #tpu.memory_space<vmem>>, vector<400x80xf32>
    %get3A_2 = arith.constant 0 : index
    %get3A_3 = arith.constant 0 : index
    %get3A_4 = vector.load %arg2[%get3A_2, %get3A_3] : memref<400x80xf32, #tpu.memory_space<vmem>>, vector<400x80xf32>
    %slice3A = vector.extract_strided_slice %get3A_1 {offsets = [0, 0], sizes = [400, 64], strides = [1, 1]} : vector<400x80xf32> to vector<400x64xf32>
    %slice3A_5 = vector.extract_strided_slice %get3A_1 {offsets = [0, 64], sizes = [400, 1], strides = [1, 1]} : vector<400x80xf32> to vector<400x1xf32>
    %add3A = arith.constant 1.000000e-16 : f32
    %add3A_6 = vector.broadcast %add3A : f32 to vector<400x1xf32>
    %add3A_7 = arith.addf %slice3A_5, %add3A_6 : vector<400x1xf32>
    %div3A = vector.broadcast %add3A_7 : vector<400x1xf32> to vector<400x64xf32>
    %div3A_8 = arith.divf %slice3A, %div3A : vector<400x64xf32>
    %slice3A_9 = vector.extract_strided_slice %get3A_4 {offsets = [0, 0], sizes = [400, 64], strides = [1, 1]} : vector<400x80xf32> to vector<400x64xf32>
    %slice3A_10 = vector.extract_strided_slice %get3A_4 {offsets = [0, 64], sizes = [400, 1], strides = [1, 1]} : vector<400x80xf32> to vector<400x1xf32>
    %add3A_11 = arith.constant 1.000000e-16 : f32
    %add3A_12 = vector.broadcast %add3A_11 : f32 to vector<400x1xf32>
    %add3A_13 = arith.addf %slice3A_10, %add3A_12 : vector<400x1xf32>
    %div3A_14 = vector.broadcast %add3A_13 : vector<400x1xf32> to vector<400x64xf32>
    %div3A_15 = arith.divf %slice3A_9, %div3A_14 : vector<400x64xf32>
    %concatenate3A = tpu.concatenate %div3A_8, %div3A_15 in 1 : vector<400x64xf32>, vector<400x64xf32> -> vector<400x128xf32>
    %get3A_16 = arith.constant 0 : index
    %get3A_17 = arith.constant 0 : index
    %get3A_18 = vector.load %arg3[%get3A_16, %get3A_17] : memref<1x128xf32, #tpu.memory_space<vmem>>, vector<1x128xf32>
    %add3A_19 = vector.broadcast %get3A_18 : vector<1x128xf32> to vector<400x128xf32>
    %add3A_20 = arith.addf %concatenate3A, %add3A_19 : vector<400x128xf32>
    %gt3A = arith.constant 0.000000e+00 : f32
    %gt3A_21 = vector.broadcast %gt3A : f32 to vector<400x128xf32>
    %gt3A_22 = arith.cmpf ogt, %add3A_20, %gt3A_21 : vector<400x128xf32>
    %exp3A = math.exp %add3A_20 : vector<400x128xf32>
    %sub3A = arith.constant 1.000000e+00 : f32
    %sub3A_23 = vector.broadcast %sub3A : f32 to vector<400x128xf32>
    %sub3A_24 = arith.subf %exp3A, %sub3A_23 : vector<400x128xf32>
    %select_n3A = arith.select %gt3A_22, %add3A_20, %sub3A_24 : vector<400x128xi1>, vector<400x128xf32>
    %get3A_25 = arith.constant 0 : index
    %get3A_26 = arith.constant 0 : index
    %get3A_27 = vector.load %arg4[%get3A_25, %get3A_26] : memref<128x64xf32, #tpu.memory_space<vmem>>, vector<128x64xf32>
    %dot_general3A = arith.constant dense<0.000000e+00> : vector<400x64xf32>
    %dot_general3A_28 = tpu.matmul %select_n3A, %get3A_27, %dot_general3A {dimension_numbers = #tpu.dot_dimension_numbers<[1], [0], [0], [1], [0, 0, 1, 1], [], []>, transpose_lhs_hint = false} : vector<400x128xf32>, vector<128x64xf32>, vector<400x64xf32> -> vector<400x64xf32>
    %get3A_29 = arith.constant 0 : index
    %get3A_30 = arith.constant 0 : index
    %get3A_31 = vector.load %arg5[%get3A_29, %get3A_30] : memref<1x64xf32, #tpu.memory_space<vmem>>, vector<1x64xf32>
    %add3A_32 = vector.broadcast %get3A_31 : vector<1x64xf32> to vector<400x64xf32>
    %add3A_33 = arith.addf %dot_general3A_28, %add3A_32 : vector<400x64xf32>
    %swap3A = arith.constant 0 : index
    %swap3A_34 = arith.constant 0 : index
    %swap3A_35 = vector.load %arg8[%swap3A, %swap3A_34] : memref<400x64xf32, #tpu.memory_space<vmem>>, vector<400x64xf32>
    tpu.vector_store %arg8[%swap3A, %swap3A_34], %add3A_33 {strides = array<i32>} : memref<400x64xf32, #tpu.memory_space<vmem>>, vector<400x64xf32>,
    %get3A_36 = arith.constant 0 : index
    %get3A_37 = arith.constant 0 : index
    %get3A_38 = vector.load %arg6[%get3A_36, %get3A_37] : memref<128x64xf32, #tpu.memory_space<vmem>>, vector<128x64xf32>
    %dot_general3A_39 = arith.constant dense<0.000000e+00> : vector<400x64xf32>
    %dot_general3A_40 = tpu.matmul %select_n3A, %get3A_38, %dot_general3A_39 {dimension_numbers = #tpu.dot_dimension_numbers<[1], [0], [0], [1], [0, 0, 1, 1], [], []>, transpose_lhs_hint = false} : vector<400x128xf32>, vector<128x64xf32>, vector<400x64xf32> -> vector<400x64xf32>
    %get3A_41 = arith.constant 0 : index
    %get3A_42 = arith.constant 0 : index
    %get3A_43 = vector.load %arg7[%get3A_41, %get3A_42] : memref<1x64xf32, #tpu.memory_space<vmem>>, vector<1x64xf32>
    %add3A_44 = vector.broadcast %get3A_43 : vector<1x64xf32> to vector<400x64xf32>
    %add3A_45 = arith.addf %dot_general3A_40, %add3A_44 : vector<400x64xf32>
    %swap3A_46 = arith.constant 0 : index
    %swap3A_47 = arith.constant 0 : index
    %swap3A_48 = vector.load %arg9[%swap3A_46, %swap3A_47] : memref<400x64xf32, #tpu.memory_space<vmem>>, vector<400x64xf32>
    tpu.vector_store %arg9[%swap3A_46, %swap3A_47], %add3A_45 {strides = array<i32>} : memref<400x64xf32, #tpu.memory_space<vmem>>, vector<400x64xf32>,
    return
  }
  func.func @transform_0(%arg0: i32) -> (i32, i32) {
    %c0_i32 = arith.constant 0 : i32
    %c0_i32_0 = arith.constant 0 : i32
    return %arg0, %c0_i32 : i32, i32
  }
  func.func @transform_1(%arg0: i32) -> (i32, i32) {
    %c0_i32 = arith.constant 0 : i32
    %c0_i32_0 = arith.constant 0 : i32
    return %arg0, %c0_i32 : i32, i32
  }
  func.func @transform_2(%arg0: i32) -> (i32, i32) {
    %c0_i32 = arith.constant 0 : i32
    %c0_i32_0 = arith.constant 0 : i32
    %c0_i32_1 = arith.constant 0 : i32
    return %c0_i32, %c0_i32_0 : i32, i32
  }
  func.func @transform_3(%arg0: i32) -> (i32, i32) {
    %c0_i32 = arith.constant 0 : i32
    %c0_i32_0 = arith.constant 0 : i32
    %c0_i32_1 = arith.constant 0 : i32
    return %c0_i32, %c0_i32_0 : i32, i32
  }
  func.func @transform_4(%arg0: i32) -> (i32, i32) {
    %c0_i32 = arith.constant 0 : i32
    %c0_i32_0 = arith.constant 0 : i32
    %c0_i32_1 = arith.constant 0 : i32
    return %c0_i32, %c0_i32_0 : i32, i32
  }
  func.func @transform_5(%arg0: i32) -> (i32, i32) {
    %c0_i32 = arith.constant 0 : i32
    %c0_i32_0 = arith.constant 0 : i32
    %c0_i32_1 = arith.constant 0 : i32
    return %c0_i32, %c0_i32_0 : i32, i32
  }
  func.func @transform_6(%arg0: i32) -> (i32, i32) {
    %c0_i32 = arith.constant 0 : i32
    %c0_i32_0 = arith.constant 0 : i32
    %c0_i32_1 = arith.constant 0 : i32
    return %c0_i32, %c0_i32_0 : i32, i32
  }
  func.func @transform_7(%arg0: i32) -> (i32, i32) {
    %c0_i32 = arith.constant 0 : i32
    %c0_i32_0 = arith.constant 0 : i32
    return %arg0, %c0_i32 : i32, i32
  }
  func.func @transform_8(%arg0: i32) -> (i32, i32) {
    %c0_i32 = arith.constant 0 : i32
    %c0_i32_0 = arith.constant 0 : i32
    return %arg0, %c0_i32 : i32, i32
  }
}

module attributes {stable_mosaic.version = 14 : i64} {
  func.func @_pool_body(%arg0: i32, %arg1: memref<400x80xf32, #tpu.memory_space<vmem>>, %arg2: memref<400x80xf32, #tpu.memory_space<vmem>>, %arg3: memref<1x64xf32, #tpu.memory_space<vmem>>, %arg4: memref<400x1xi32, #tpu.memory_space<vmem>>, %arg5: memref<64x2xf32, #tpu.memory_space<vmem>>, %arg6: memref<1x2xf32, #tpu.memory_space<vmem>>, %arg7: memref<64x2xf32, #tpu.memory_space<vmem>>, %arg8: memref<64x64xf32, #tpu.memory_space<vmem>>, %arg9: memref<64x1xf32, #tpu.memory_space<vmem>>) attributes {dimension_semantics = [#tpu.dimension_semantics<arbitrary>], iteration_bounds = array<i64: 25>, scalar_prefetch = 0 : i64, scratch_operands = 2 : i64, tpu.core_type = #tpu.core_type<tc>, window_params = [{transform_indices = @transform_0, window_bounds = array<i64: 400, 80>}, {transform_indices = @transform_1, window_bounds = array<i64: 400, 80>}, {pipeline_mode = #tpu.pipeline_mode<synchronous>, transform_indices = @transform_2, window_bounds = array<i64: 1, 64>}, {transform_indices = @transform_3, window_bounds = array<i64: 400, 1>}, {pipeline_mode = #tpu.pipeline_mode<synchronous>, transform_indices = @transform_4, window_bounds = array<i64: 64, 2>}, {pipeline_mode = #tpu.pipeline_mode<synchronous>, transform_indices = @transform_5, window_bounds = array<i64: 1, 2>}, {pipeline_mode = #tpu.pipeline_mode<synchronous>, transform_indices = @transform_6, window_bounds = array<i64: 64, 2>}]} {
    %get3A = arith.constant 0 : index
    %get3A_0 = arith.constant 0 : index
    %get3A_1 = vector.load %arg1[%get3A, %get3A_0] : memref<400x80xf32, #tpu.memory_space<vmem>>, vector<400x80xf32>
    %get3A_2 = arith.constant 0 : index
    %get3A_3 = arith.constant 0 : index
    %get3A_4 = vector.load %arg2[%get3A_2, %get3A_3] : memref<400x80xf32, #tpu.memory_space<vmem>>, vector<400x80xf32>
    %add3A = arith.addf %get3A_1, %get3A_4 : vector<400x80xf32>
    %slice3A = vector.extract_strided_slice %add3A {offsets = [0, 0], sizes = [400, 64], strides = [1, 1]} : vector<400x80xf32> to vector<400x64xf32>
    %slice3A_5 = vector.extract_strided_slice %add3A {offsets = [0, 64], sizes = [400, 1], strides = [1, 1]} : vector<400x80xf32> to vector<400x1xf32>
    %add3A_6 = arith.constant 1.000000e-16 : f32
    %add3A_7 = vector.broadcast %add3A_6 : f32 to vector<400x1xf32>
    %add3A_8 = arith.addf %slice3A_5, %add3A_7 : vector<400x1xf32>
    %div3A = vector.broadcast %add3A_8 : vector<400x1xf32> to vector<400x64xf32>
    %div3A_9 = arith.divf %slice3A, %div3A : vector<400x64xf32>
    %get3A_10 = arith.constant 0 : index
    %get3A_11 = arith.constant 0 : index
    %get3A_12 = vector.load %arg3[%get3A_10, %get3A_11] : memref<1x64xf32, #tpu.memory_space<vmem>>, vector<1x64xf32>
    %add3A_13 = vector.broadcast %get3A_12 : vector<1x64xf32> to vector<400x64xf32>
    %add3A_14 = arith.addf %div3A_9, %add3A_13 : vector<400x64xf32>
    %gt3A = arith.constant 0.000000e+00 : f32
    %gt3A_15 = vector.broadcast %gt3A : f32 to vector<400x64xf32>
    %gt3A_16 = arith.cmpf ogt, %add3A_14, %gt3A_15 : vector<400x64xf32>
    %exp3A = math.exp %add3A_14 : vector<400x64xf32>
    %sub3A = arith.constant 1.000000e+00 : f32
    %sub3A_17 = vector.broadcast %sub3A : f32 to vector<400x64xf32>
    %sub3A_18 = arith.subf %exp3A, %sub3A_17 : vector<400x64xf32>
    %select_n3A = arith.select %gt3A_16, %add3A_14, %sub3A_18 : vector<400x64xi1>, vector<400x64xf32>
    %iota3A = tpu.iota {dimensions = array<i32: 1>} : vector<1x64xi32>
    %get3A_19 = arith.constant 0 : index
    %get3A_20 = arith.constant 0 : index
    %get3A_21 = vector.load %arg4[%get3A_19, %get3A_20] : memref<400x1xi32, #tpu.memory_space<vmem>>, vector<400x1xi32>
    %eq3A = vector.broadcast %get3A_21 : vector<400x1xi32> to vector<400x64xi32>
    %eq3A_22 = vector.broadcast %iota3A : vector<1x64xi32> to vector<400x64xi32>
    %eq3A_23 = arith.cmpi eq, %eq3A, %eq3A_22 : vector<400x64xi32>
    %convert_element_type3A = arith.extui %eq3A_23 : vector<400x64xi1> to vector<400x64xi32>
    %convert_element_type3A_24 = arith.sitofp %convert_element_type3A : vector<400x64xi32> to vector<400x64xf32>
    %eq3A_25 = arith.constant 0 : i32
    %eq3A_26 = arith.cmpi eq, %arg0, %eq3A_25 : i32
    %convert_element_type3A_27 = arith.extui %eq3A_26 : i1 to i32
    %cond3A = arith.constant 0 : i32
    %cond3A_28 = arith.cmpi ne, %convert_element_type3A_27, %cond3A : i32
    scf.if %cond3A_28 {
      %broadcast_in_dim3A_51 = arith.constant 0.000000e+00 : f32
      %broadcast_in_dim3A_52 = vector.broadcast %broadcast_in_dim3A_51 : f32 to vector<64x64xf32>
      %swap3A_53 = arith.constant 0 : index
      %swap3A_54 = arith.constant 0 : index
      %swap3A_55 = vector.load %arg8[%swap3A_53, %swap3A_54] : memref<64x64xf32, #tpu.memory_space<vmem>>, vector<64x64xf32>
      tpu.vector_store %arg8[%swap3A_53, %swap3A_54], %broadcast_in_dim3A_52 {strides = array<i32>} : memref<64x64xf32, #tpu.memory_space<vmem>>, vector<64x64xf32>,
      %broadcast_in_dim3A_56 = arith.constant 0.000000e+00 : f32
      %broadcast_in_dim3A_57 = vector.broadcast %broadcast_in_dim3A_56 : f32 to vector<64x1xf32>
      %swap3A_58 = arith.constant 0 : index
      %swap3A_59 = arith.constant 0 : index
      %swap3A_60 = vector.load %arg9[%swap3A_58, %swap3A_59] : memref<64x1xf32, #tpu.memory_space<vmem>>, vector<64x1xf32>
      tpu.vector_store %arg9[%swap3A_58, %swap3A_59], %broadcast_in_dim3A_57 {strides = array<i32>} : memref<64x1xf32, #tpu.memory_space<vmem>>, vector<64x1xf32>,
    } else {
    }
    %get3A_29 = arith.constant 0 : index
    %get3A_30 = arith.constant 0 : index
    %get3A_31 = vector.load %arg8[%get3A_29, %get3A_30] : memref<64x64xf32, #tpu.memory_space<vmem>>, vector<64x64xf32>
    %dot_general3A = arith.constant dense<0.000000e+00> : vector<64x64xf32>
    %dot_general3A_32 = tpu.matmul %convert_element_type3A_24, %select_n3A, %dot_general3A {dimension_numbers = #tpu.dot_dimension_numbers<[0], [0], [1], [1], [0, 1, 1, 1], [], []>, transpose_lhs_hint = false} : vector<400x64xf32>, vector<400x64xf32>, vector<64x64xf32> -> vector<64x64xf32>
    %add3A_33 = arith.addf %get3A_31, %dot_general3A_32 : vector<64x64xf32>
    %swap3A = arith.constant 0 : index
    %swap3A_34 = arith.constant 0 : index
    %swap3A_35 = vector.load %arg8[%swap3A, %swap3A_34] : memref<64x64xf32, #tpu.memory_space<vmem>>, vector<64x64xf32>
    tpu.vector_store %arg8[%swap3A, %swap3A_34], %add3A_33 {strides = array<i32>} : memref<64x64xf32, #tpu.memory_space<vmem>>, vector<64x64xf32>,
    %get3A_36 = arith.constant 0 : index
    %get3A_37 = arith.constant 0 : index
    %get3A_38 = vector.load %arg9[%get3A_36, %get3A_37] : memref<64x1xf32, #tpu.memory_space<vmem>>, vector<64x1xf32>
    %broadcast_in_dim3A = arith.constant 1.000000e+00 : f32
    %broadcast_in_dim3A_39 = vector.broadcast %broadcast_in_dim3A : f32 to vector<400x1xf32>
    %dot_general3A_40 = arith.constant dense<0.000000e+00> : vector<64x1xf32>
    %dot_general3A_41 = tpu.matmul %convert_element_type3A_24, %broadcast_in_dim3A_39, %dot_general3A_40 {dimension_numbers = #tpu.dot_dimension_numbers<[0], [0], [1], [1], [0, 1, 1, 1], [], []>, transpose_lhs_hint = false} : vector<400x64xf32>, vector<400x1xf32>, vector<64x1xf32> -> vector<64x1xf32>
    %add3A_42 = arith.addf %get3A_38, %dot_general3A_41 : vector<64x1xf32>
    %swap3A_43 = arith.constant 0 : index
    %swap3A_44 = arith.constant 0 : index
    %swap3A_45 = vector.load %arg9[%swap3A_43, %swap3A_44] : memref<64x1xf32, #tpu.memory_space<vmem>>, vector<64x1xf32>
    tpu.vector_store %arg9[%swap3A_43, %swap3A_44], %add3A_42 {strides = array<i32>} : memref<64x1xf32, #tpu.memory_space<vmem>>, vector<64x1xf32>,
    %eq3A_46 = arith.constant 24 : i32
    %eq3A_47 = arith.cmpi eq, %arg0, %eq3A_46 : i32
    %convert_element_type3A_48 = arith.extui %eq3A_47 : i1 to i32
    %cond3A_49 = arith.constant 0 : i32
    %cond3A_50 = arith.cmpi ne, %convert_element_type3A_48, %cond3A_49 : i32
    scf.if %cond3A_50 {
      %get3A_51 = arith.constant 0 : index
      %get3A_52 = arith.constant 0 : index
      %get3A_53 = vector.load %arg8[%get3A_51, %get3A_52] : memref<64x64xf32, #tpu.memory_space<vmem>>, vector<64x64xf32>
      %get3A_54 = arith.constant 0 : index
      %get3A_55 = arith.constant 0 : index
      %get3A_56 = vector.load %arg9[%get3A_54, %get3A_55] : memref<64x1xf32, #tpu.memory_space<vmem>>, vector<64x1xf32>
      %max3A = arith.constant 1.000000e+00 : f32
      %max3A_57 = vector.broadcast %max3A : f32 to vector<64x1xf32>
      %max3A_58 = arith.maximumf %get3A_56, %max3A_57 : vector<64x1xf32>
      %div3A_59 = vector.broadcast %max3A_58 : vector<64x1xf32> to vector<64x64xf32>
      %div3A_60 = arith.divf %get3A_53, %div3A_59 : vector<64x64xf32>
      %get3A_61 = arith.constant 0 : index
      %get3A_62 = arith.constant 0 : index
      %get3A_63 = vector.load %arg5[%get3A_61, %get3A_62] : memref<64x2xf32, #tpu.memory_space<vmem>>, vector<64x2xf32>
      %dot_general3A_64 = arith.constant dense<0.000000e+00> : vector<64x2xf32>
      %dot_general3A_65 = tpu.matmul %div3A_60, %get3A_63, %dot_general3A_64 {dimension_numbers = #tpu.dot_dimension_numbers<[1], [0], [0], [1], [0, 0, 1, 1], [], []>, transpose_lhs_hint = false} : vector<64x64xf32>, vector<64x2xf32>, vector<64x2xf32> -> vector<64x2xf32>
      %get3A_66 = arith.constant 0 : index
      %get3A_67 = arith.constant 0 : index
      %get3A_68 = vector.load %arg6[%get3A_66, %get3A_67] : memref<1x2xf32, #tpu.memory_space<vmem>>, vector<1x2xf32>
      %add3A_69 = vector.broadcast %get3A_68 : vector<1x2xf32> to vector<64x2xf32>
      %add3A_70 = arith.addf %dot_general3A_65, %add3A_69 : vector<64x2xf32>
      %swap3A_71 = arith.constant 0 : index
      %swap3A_72 = arith.constant 0 : index
      %swap3A_73 = vector.load %arg7[%swap3A_71, %swap3A_72] : memref<64x2xf32, #tpu.memory_space<vmem>>, vector<64x2xf32>
      tpu.vector_store %arg7[%swap3A_71, %swap3A_72], %add3A_70 {strides = array<i32>} : memref<64x2xf32, #tpu.memory_space<vmem>>, vector<64x2xf32>,
    } else {
    }
    return
  }
  func.func @transform_0(%arg0: i32) -> (i32, i32) {
    %c0_i32 = arith.constant 0 : i32
    %c0_i32_0 = arith.constant 0 : i32
    return %arg0, %c0_i32 : i32, i32
  }
  func.func @transform_1(%arg0: i32) -> (i32, i32) {
    %c0_i32 = arith.constant 0 : i32
    %c0_i32_0 = arith.constant 0 : i32
    return %arg0, %c0_i32 : i32, i32
  }
  func.func @transform_2(%arg0: i32) -> (i32, i32) {
    %c0_i32 = arith.constant 0 : i32
    %c0_i32_0 = arith.constant 0 : i32
    %c0_i32_1 = arith.constant 0 : i32
    return %c0_i32, %c0_i32_0 : i32, i32
  }
  func.func @transform_3(%arg0: i32) -> (i32, i32) {
    %c0_i32 = arith.constant 0 : i32
    %c0_i32_0 = arith.constant 0 : i32
    return %arg0, %c0_i32 : i32, i32
  }
  func.func @transform_4(%arg0: i32) -> (i32, i32) {
    %c0_i32 = arith.constant 0 : i32
    %c0_i32_0 = arith.constant 0 : i32
    %c0_i32_1 = arith.constant 0 : i32
    return %c0_i32, %c0_i32_0 : i32, i32
  }
  func.func @transform_5(%arg0: i32) -> (i32, i32) {
    %c0_i32 = arith.constant 0 : i32
    %c0_i32_0 = arith.constant 0 : i32
    %c0_i32_1 = arith.constant 0 : i32
    return %c0_i32, %c0_i32_0 : i32, i32
  }
  func.func @transform_6(%arg0: i32) -> (i32, i32) {
    %c0_i32 = arith.constant 0 : i32
    %c0_i32_0 = arith.constant 0 : i32
    %c0_i32_1 = arith.constant 0 : i32
    return %c0_i32, %c0_i32_0 : i32, i32
  }
}

</mosaic_0001>

<sc_bundles>
// kernel: kernel.10.cloned.1.call-start
scs
__scs_entry_jumppad:
0x0: {  	(pc) =	sbr.rel $0x88, $3  }
0x1: {  	(tag) =	ssettag $0x0;
	lr =	simm.s32 $0x1  }
0x2: {  	[smem:$0x3F90] =	sst lr;
	_ =	strace $0xD0000000  }
0x3: {  	_ = 	snop  }
0x4: {  	_ = 	snop  }
0x5: {  	_ = 	snop  }
0x6: {  	_ = 	snop  }
0x7: {  	_ = 	snop  }
__scs_overlays_trampoline_lowered:
0x8: {  	[smem:$0x3F9F] =	sst s0  }
0x9: {  	[smem:$0x3FA0] =	sst s1  }
0xa: {  	[smem:$0x3FA1] =	sst s2  }
0xb: {  	[smem:$0x3FA2] =	sst s3  }
0xc: {  	[smem:$0x3FA3] =	sst s4  }
0xd: {  	[smem:$0x3FA4] =	sst s5  }
0xe: {  	[smem:$0x3FA5] =	sst s6  }
0xf: {  	[smem:$0x3FA6] =	sst s7  }
0x10: {  	[smem:$0x3FA7] =	sst s8  }
0x11: {  	[smem:$0x3FA8] =	sst s9;
	s0 =	simm.s32 @!p0 $0x0  }
0x12: {  	s1 =	sld [smem:$0x3F8E];
	s0 =	simm.s32 @p0 $0x1  }
0x13: {  	[smem:$0x3FA9] =	sst s0;
	s0 =	simm.s32 @!p1 $0x0  }
0x14: {  	s2 =	sld [smem:$0x3F8D];
	s0 =	simm.s32 @p1 $0x1  }
0x15: {  	[smem:$0x3FAA] =	sst s0;
	s0 =	simm.s32 @!p2 $0x0  }
0x16: {  	s3 =	sld [smem:$0x3FDB];
	s0 =	simm.s32 @p2 $0x1  }
0x17: {  	s4 =	simm.s32 $0x1BF5;
	[smem:$0x3FAC] =	sst s0  }
0x18: {  	s0 =	sld [smem:$0x3F8F];
	_ =	swait.ge [sflag:s4], $0x0  }
0x19: {  	s7 =	sld [smem:$0x3F90]  }
0x1a: {  	s8 =	sadd.s32 $0xFFFFE003, lr  }
0x1b: {  	s9 =	sadd.s32 $0xFFFFFEF7, lr;
	s5 =	simm.s32 $0xFFFFFFFF;
	p2 =	slt.u32 s8, $0xFFFFF086  }
0x1c: {  	p1 =	slt.u32 s9, $0xF7A;
	s5 =	simm.s32 @!p2 $0x0  }
0x1d: {  	s5 =	simm.s32 @p1 $0x1;
	p0 =	seq.s32 s7, s2  }
0x1e: {  	s7 =	smul.u32 @!p0 $0xF7A, s2;
	p2 =	seq.s32 @!p0 s5, $0x0  }
0x1f: {  	s9 =	smul.u32 $0xF7A, s1;
	s8 =	simm.s32 @!p0 $0x1BF5;
	p2 =	por !p2, p0  }
0x20: {  	[sflag:s8] =	ssyncset.s32 @!p0 $0xFFFFF086;
	s6 =	sadd.s32 @!p0 s3, s7;
	s7 =	simm.s32 @!p0 $0x108  }
0x21: {  	s3 =	sadd.s32 s3, s9;
	s6 =	sadd.s32 @!p0 $0x88, s6;
	s7 =	simm.s32 @p2 $0x1082  }
0x22: {  	[simem:s7], [sflag:s8] =	dma.local @!p0 [hbm:s6], $0xF7A  }
0x23: {  	s9 =	sor.u32 $0xD0000000, s2;
	s6 =	simm.s32 $0x108;
	_ =	swait.ge @!p0 [sflag:s8], $0x0  }
0x24: {  	s3 =	sadd.s32 $0x88, s3;
	s6 =	simm.s32 @!p1 $0x1082;
	[sflag:s4] =	ssyncset.s32 $0xFFFFF086  }
0x25: {  	[simem:s6], [sflag:s4] =	dma.local [hbm:s3], $0xF7A  }
0x26: {  	[smem:$0x3F90] =	sst s1;
	(tag) =	ssettag s2;
	_ =	strace s9  }
0x27: {  	s1 =	sld [smem:$0x3FA0]  }
0x28: {  	s2 =	sld [smem:$0x3FA1]  }
0x29: {  	s4 =	sld [smem:$0x3FA3]  }
0x2a: {  	p0 =	seq.s32 s5, $0x0;
	s5 =	sld [smem:$0x3FA4]  }
0x2b: {  	s6 =	sld [smem:$0x3FA5]  }
0x2c: {  	s7 =	sld [smem:$0x3FA6]  }
0x2d: {  	s3 =	simm.s32 $0x108;
	s8 =	sld [smem:$0x3FA7]  }
0x2e: {  	s3 =	simm.s32 @!p0 $0x1082;
	s9 =	sld [smem:$0x3FA8]  }
0x2f: {  	lr =	sadd.s32 s0, s3;
	s0 =	sld [smem:$0x3F9F]  }
0x30: {  	s3 =	sld [smem:$0x3FA2]  }
0x31: {  	[smem:$0x3FAB] =	sst s10  }
0x32: {  	s10 =	sld [smem:$0x3FA9];
	_ =	sdelay $0x3  }
0x33: {  	p0 =	seq.s32 s10, $0x1;
	s10 =	sld [smem:$0x3FAB];
	_ =	sdelay $0x3  }
0x34: {  	[smem:$0x3FAB] =	sst s10  }
0x35: {  	s10 =	sld [smem:$0x3FAA];
	_ =	sdelay $0x3  }
0x36: {  	p1 =	seq.s32 s10, $0x1;
	s10 =	sld [smem:$0x3FAB];
	_ =	sdelay $0x3  }
0x37: {  	[smem:$0x3FAB] =	sst s10  }
0x38: {  	s10 =	sld [smem:$0x3FAC]  }
0x39: {  	_ = 	snop;
	(pc) =	sbr.ind lr, $3  }
0x3a: {  	_ = 	snop  }
0x3b: {  	_ = 	snop  }
0x3c: {  	p2 =	seq.s32 s10, $0x1;
	s10 =	sld [smem:$0x3FAB]  }
0x3d: {  	_ =	shalt  }
0x3e: {  	_ =	shalt  }
0x3f: {  	_ =	shalt  }
0x40: {  	_ =	shalt  }
0x41: {  	_ =	shalt  }
0x42: {  	_ =	shalt  }
0x43: {  	_ =	shalt  }
0x44: {  	_ =	shalt  }
0x45: {  	_ =	shalt  }
0x46: {  	_ =	shalt  }
0x47: {  	_ =	shalt  }
0x48: {  	_ =	shalt  }
0x49: {  	_ =	shalt  }
0x4a: {  	_ =	shalt  }
0x4b: {  	_ =	shalt  }
0x4c: {  	_ =	shalt  }
0x4d: {  	_ =	shalt  }
0x4e: {  	_ =	shalt  }
0x4f: {  	_ =	shalt  }
0x50: {  	_ =	shalt  }
0x51: {  	_ =	shalt  }
0x52: {  	_ =	shalt  }
0x53: {  	_ =	shalt  }
0x54: {  	_ =	shalt  }
0x55: {  	_ =	shalt  }
0x56: {  	_ =	shalt  }
0x57: {  	_ =	shalt  }
0x58: {  	_ =	shalt  }
0x59: {  	_ =	shalt  }
0x5a: {  	_ =	shalt  }
0x5b: {  	_ =	shalt  }
0x5c: {  	_ =	shalt  }
0x5d: {  	_ =	shalt  }
0x5e: {  	_ =	shalt  }
0x5f: {  	_ =	shalt  }
0x60: {  	_ =	shalt  }
0x61: {  	_ =	shalt  }
0x62: {  	_ =	shalt  }
0x63: {  	_ =	shalt  }
0x64: {  	_ =	shalt  }
0x65: {  	_ =	shalt  }
0x66: {  	_ =	shalt  }
0x67: {  	_ =	shalt  }
0x68: {  	_ =	shalt  }
0x69: {  	_ =	shalt  }
0x6a: {  	_ =	shalt  }
0x6b: {  	_ =	shalt  }
0x6c: {  	_ =	shalt  }
0x6d: {  	_ =	shalt  }
0x6e: {  	_ =	shalt  }
0x6f: {  	_ =	shalt  }
0x70: {  	_ =	shalt  }
0x71: {  	_ =	shalt  }
0x72: {  	_ =	shalt  }
0x73: {  	_ =	shalt  }
0x74: {  	_ =	shalt  }
0x75: {  	_ =	shalt  }
0x76: {  	_ =	shalt  }
0x77: {  	_ =	shalt  }
0x78: {  	_ =	shalt  }
0x79: {  	_ =	shalt  }
0x7a: {  	_ =	shalt  }
0x7b: {  	_ =	shalt  }
0x7c: {  	_ =	shalt  }
0x7d: {  	_ =	shalt  }
0x7e: {  	_ =	shalt  }
0x7f: {  	_ =	shalt  }
0x80: {  	_ =	shalt  }
0x81: {  	_ =	shalt  }
0x82: {  	_ =	shalt  }
0x83: {  	_ =	shalt  }
0x84: {  	_ =	shalt  }
0x85: {  	_ =	shalt  }
0x86: {  	_ =	shalt  }
0x87: {  	_ =	shalt  }
.Lfunc_end0:
.L_simem_size_0:
called_computation.1_lowered:
.L_overlay_start_0:
0x88: {  	s2 =	sld [smem:$0x3FD9]  }
0x89: {  	s3 =	sld [smem:$0x3FFE];
	_ =	sdelay $0x1  }
0x8a: {  	s1 =	srdreg.scid  }
0x8b: {  	s0 =	sand.u32 $0x1, s1  }
0x8c: {  	s17 =	sshll.u32 s0, $0xA;
	s2 =	sadd.s32 s3, s2  }
0x8d: {  	s2 =	sadd.s32 s2, s17  }
0x8e: {  	[smem:$0x3FB7] =	sst s2  }
0x8f: {  	_ = 	snop  }
0x90: {  	s2 =	sld [smem:$0x3FBC];
	(tm) =	ssettm $0x1  }
0x91: {  	s18 =	sld [smem:$0x3FFB];
	_ =	sdelay $0x3  }
0x92: {  	_ =	strace s18  }
0x93: {  	s3 =	sld [smem:$0x3FFC];
	_ =	sdelay $0x3  }
0x94: {  	_ =	strace s3  }
0x95: {  	s3 =	sld [smem:$0x3FFD];
	_ =	sdelay $0x3  }
0x96: {  	_ =	strace s3  }
0x97: {  	_ =	strace $0x8FFFFFFF  }
0x98: {  	s19 =	sld [smem:$0x3FDB];
	_ =	sdelay $0x1  }
0x99: {  	s4 =	simm.s32 $_scs_section_size  }
0x9a: {  	s5 =	simm.s32 $_size__tile_overlayer_lowered;
	s6 =	simm.s32 $_tile_overlayer_lowered  }
0x9b: {  	s22 =	simm.s32 $0x1BFF;
	s21 =	sshll.u32 s6, $0x1;
	s3 =	sadd.s32 s4, s19  }
0x9c: {  	s7 =	simm.s32 $0x0;
	s20 =	sshll.u32 s5, $0x1;
	s5 =	sadd.s32 s21, s3  }
0x9d: {  	[timem:s7], [sflag:s22] =	dma.local [hbm:s5], s20  }
0x9e: {  	_ =	swait.ge [sflag:s22], s20  }
0x9f: {  	s4 =	ssub.s32 $0x0, s20;
	[sflag:s22] =	ssyncset.done $0x0  }
0xa0: {  	[sflag:s22] =	ssyncadd.s32 s4;
	_ =	sdelay $0x1  }
0xa1: {  	s23 =	simm.s32 $0x1B8B  }
0xa2: {  	_ =	swait.ge [sflag:s23], $0x1  }
0xa3: {  	[sflag:s23] =	ssyncset.done $0x0  }
0xa4: {  	s25 =	simm.s32 $0x1B8E;
	s24 =	sld [smem:$0x3FFE];
	[sflag:s23] =	ssyncadd.s32 $0xFFFFFFFF  }
0xa5: {  	s26 =	simm.s32 $execute0_lowered;
	[smem:$0x3FD2] =	sst s25  }
0xa6: {  	s5 =	sshll.u32 s26, $0x1;
	_ =	strace $0x80000049;
	[dreg:$0x1] =	wrdreg $0xFFFFFFFF  }
0xa7: {  	s28 =	simm.s32 $_size_execute0_lowered;
	s3 =	sadd.s32 s3, s5;
	[dreg:$0x0] =	wrdreg $0x0  }
0xa8: {  	s5 =	sshll.u32 s28, $0x1;
	[dreg:$0x2] =	wrdreg s3  }
0xa9: {  	[dreg:$0x3] =	wrdreg s5  }
0xaa: {  	[dreg:$0x4] =	wrdreg $0xC0  }
0xab: {  	_ =	task [dreg:s7], $0x5FFFF  }
0xac: {  	[dreg:$0x1] =	wrdreg $0xFFFFFFFF  }
0xad: {  	[dreg:$0x0] =	wrdreg $0x60  }
0xae: {  	[dreg:$0x2] =	wrdreg s24  }
0xaf: {  	[dreg:$0x3] =	wrdreg s2  }
0xb0: {  	[dreg:$0x4] =	wrdreg $0xD3400  }
0xb1: {  	[dreg:$0x5] =	wrdreg $0x9  }
0xb2: {  	_ =	task.clear_ibuf [dreg:s7], $0x6FFFF;
	_ =	strace $0x90000049  }
0xb3: {  	s29 =	simm.s32 $0x9;
	_ =	strace $0x8000004B  }
0xb4: {  	_ =	swait.ge [sflag:s29], $0x1  }
0xb5: {  	[sflag:s29] =	ssyncadd.s32 $0xFFFFFFFF  }
0xb6: {  	_ =	strace $0x9000004B  }
0xb7: {  	_ =	sfence  }
0xb8: {  	s30 =	sld [smem:$0x0];
	_ =	sdelay $0x2  }
0xb9: {  	s31 =	sshll.u32 s1, $0xD;
	s1 =	sshrl.u32 s1, $0x2  }
0xba: {  	s3 =	sand.u32 $0x4000, s31;
	s1 =	sadd.s32 s1, s30  }
0xbb: {  	s0 =	sor.u32 s3, s0;
	s1 =	sshll.u32 s1, $0x11  }
0xbc: {  	s0 =	sor.u32 s1, s0  }
0xbd: {  	s0 =	sadd.s32 $0x8F2B, s0  }
0xbe: {  	[sflag:s0] =	ssyncadd.remote.s32 $0x1  }
0xbf: {  	_ =	sfence.sel $0xFFFF  }
0xc0: {  	[dreg:$0x0] =	wrdreg $0xFFFFFFFF;
	(pc) =	sbr.abs _section_cstart, $3  }
0xc1: {  	[dreg:$0x1] =	wrdreg $0xFFFFFFFF  }
0xc2: {  	_ =	task.clear_ibuf [dreg:s7], $0x2FFFF;
	_ =	strace $0x9FFFFFFF  }
0xc3: {  	(tm) =	ssettm $0x7FFFFFFF  }
tec
execute0_lowered:
.L_overlay_start_1:
0x0: {  	(tag) =	ssettag $0x1  }
0x1: {  	s0 =	rddreg [dreg:$0x0]  }
0x2: {  	s3 =	rddreg [dreg:$0x2]  }
0x3: {  	s1 =	srdreg.scid;
	s13 =	stileid.u32;
	s4 =	simm.s32 $0x0  }
0x4: {  	s19 =	simm.s32 $0x8300;
	s20 =	simm.s32 $0x7;
	s28 =	simm.s32 $0x2200  }
0x5: {  	s29 =	simm.s32 $0x100;
	s1 =	sand.u32 $0x1, s1;
	s7 =	smul.u32 $0xC350, s13  }
0x6: {  	[smem:$0x7FF] =	sst s4;
	s5 =	sadd.s32 $0x2B400, s0;
	s10 =	smul.u32 $0x30D40, s13  }
0x7: {  	s6 =	sadd.s32 $0x17A00, s0;
	s24 =	smul.u32 $0x2900, s13;
	s14 =	sadd.s32 $0x3020, s0  }
0x8: {  	s2 =	sshll.u32 s1, $0x4;
	s8 =	smul.u32 $0xC3500, s1;
	_ =	strace $0x8000004A  }
0x9: {  	s11 =	ssub.s32 $0x2, s1;
	s1 =	smul.u32 $0x29000, s1;
	s2 =	sor.u32 s13, s2  }
0xa: {  	s12 =	sshrl.u32 s11, $0x1;
	s10 =	sshrl.u32 s10, $0x2;
	s15 =	sadd.s32 s7, s3  }
0xb: {  	s9 =	smul.u32 $0xA40, s2;
	s8 =	sadd.s32 s7, s8;
	s11 =	ssub.s32 s11, s12  }
0xc: {  	s21 =	sadd.s32 s10, s3;
	s12 =	smul.u32 $0x52, s2;
	s31 =	sadd.s32 s24, s1  }
0xd: {  	s24 =	simm.s32 $0xAB00;
	s2 =	simm.s32 $0x1;
	[dreg:$0x4] =	wrdreg s15  }
0xe: {  	s1 =	simm.s32 $0x5;
	s10 =	sadd.s32 $0x2800, s21;
	[dreg:$0xc] =	wrdreg s31  }
0xf: {  	s8 =	sshrl.u32 s8, $0x3;
	s22 =	sadd.s32 $0x5000, s21;
	[dreg:$0x5] =	wrdreg s10  }
0x10: {  	s23 =	sadd.s32 $0x7800, s21;
	s7 =	sadd.s32 $0xA000, s21;
	[dreg:$0x6] =	wrdreg s22  }
0x11: {  	s30 =	smax.u32 s11, $0x1;
	s21 =	simm.s32 $0x80;
	[dreg:$0x7] =	wrdreg s23  }
0x12: {  	s9 =	sadd.s32 s9, s0;
	s8 =	sadd.s32 s8, s0;
	[dreg:$0x8] =	wrdreg s7  }
0x13: {  	[dreg:$0xb] =	wrdreg s30;
	s0 =	sor.u32 $0x80, s31;
	s22 =	simm.s32 $0x8200  }
0x14: {  	s23 =	simm.s32 $0x8280;
	s10 =	simm.s32 $0x6;
	s7 =	simm.s32 $0x0  }
0x15: {  	s25 =	sadd.s32 $0x3000, s9;
	s26 =	sadd.s32 $0x3EE00, s8;
	[dreg:$0xd] =	wrdreg s0  }
0x16: {  	s8 =	simm.s32 $0x3;
	s9 =	simm.s32 $0x4;
	[dreg:$0x9] =	wrdreg s25  }
0x17: {  	v0 =	vimm.f32 $0.0e+00;
	v1 =	vimm.s32 $0x0;
	vm0 =	vmmov $0x1;
	[dreg:$0xa] =	wrdreg s26;
	s26 =	simm.s32 $0x200;
	s25 =	simm.s32 $0x2  }
.LBB2_1:
0x18: {  	[dreg:$0xe] =	wrdreg s7;
	s0 =	simm.s32 $0x0;
	s7 =	simm.s32 $0x140  }
.LBB2_2:
0x19: {  	p0 =	sne.s32 s7, $0x9EC0;
	[tilespmem:s0+$0xAB40] =	vst v0  }
0x1a: {  	[tilespmem:s0+$0x8300] =	vst v0  }
0x1b: {  	[tilespmem:s0+$0xAB00] =	vst v0  }
0x1c: {  	[tilespmem:s0+$0x8310] =	vst v0  }
0x1d: {  	[tilespmem:s0+$0xAB10] =	vst v0  }
.Ltmp0:
0x1e: {  	[tilespmem:s0+$0x8320] =	vst v0;
	(pc) =	sbr.rel @p0 .LBB2_2-.Ltmp0, $4  }
0x1f: {  	[tilespmem:s0+$0xAB20] =	vst v0  }
0x20: {  	[tilespmem:s0+$0x8330] =	vst v0  }
0x21: {  	[tilespmem:s0+$0xAB30] =	vst v0  }
0x22: {  	[tilespmem:s0+$0x8340] =	vst v0;
	s0 =	sshra.s32 s7, $0x2;
	s7 =	sadd.s32 $0x140, s7  }
0x23: {  	[tilespmem:s0+$0xAB40] =	vst v0  }
0x24: {  	[tilespmem:s0+$0x8300] =	vst v0  }
0x25: {  	[tilespmem:s0+$0xAB00] =	vst v0  }
0x26: {  	[tilespmem:s0+$0x8310] =	vst v0  }
0x27: {  	[tilespmem:s0+$0xAB10] =	vst v0  }
0x28: {  	[tilespmem:s0+$0x8320] =	vst v0  }
0x29: {  	[tilespmem:s0+$0xAB20] =	vst v0  }
0x2a: {  	[tilespmem:s0+$0x8330] =	vst v0  }
0x2b: {  	[tilespmem:s0+$0xAB30] =	vst v0  }
0x2c: {  	[tilespmem:s0+$0x8340] =	vst v0  }
0x2d: {  	[tilespmem:$0x8200] =	vst v1  }
0x2e: {  	[tilespmem:$0x8280] =	vst v1  }
0x2f: {  	[tilespmem:$0x8210] =	vst v1  }
0x30: {  	[tilespmem:$0x8290] =	vst v1  }
0x31: {  	[tilespmem:$0x8220] =	vst v1  }
0x32: {  	[tilespmem:$0x82A0] =	vst v1  }
0x33: {  	[tilespmem:$0x8230] =	vst v1  }
0x34: {  	[tilespmem:$0x82B0] =	vst v1  }
0x35: {  	[tilespmem:$0x8240] =	vst v1  }
0x36: {  	[tilespmem:$0x82C0] =	vst v1  }
0x37: {  	[tilespmem:$0x8250] =	vst v1  }
0x38: {  	[tilespmem:$0x82D0] =	vst v1  }
0x39: {  	[tilespmem:$0x8260] =	vst v1  }
0x3a: {  	[tilespmem:$0x82E0] =	vst v1  }
0x3b: {  	[tilespmem:$0x8270] =	vst v1  }
0x3c: {  	[tilespmem:$0x82F0] =	vst v1  }
0x3d: {  	[spmem:s15] =	stream.linear.scatter [tilespmem:s19], [sflag:$0x7], $0x2800, $0x38;
	[tilespmem:$0x19690] =	vst v63  }
0x3e: {  	_ =	swait.ge [sflag:s20], $0x2800  }
0x3f: {  	[sflag:s20] =	ssyncset.done $0x0  }
0x40: {  	s15 =	rddreg [dreg:$0x5];
	[sflag:s20] =	ssyncadd.s32 $0xFFFFD800  }
0x41: {  	[spmem:s15] =	stream.linear.scatter [tilespmem:s19], [sflag:$0x7], $0x2800, $0x38;
	[tilespmem:$0x19690] =	vst v63  }
0x42: {  	_ =	swait.ge [sflag:s20], $0x2800  }
0x43: {  	[sflag:s20] =	ssyncset.done $0x0  }
0x44: {  	s16 =	rddreg [dreg:$0x6];
	[sflag:s20] =	ssyncadd.s32 $0xFFFFD800  }
0x45: {  	[spmem:s16] =	stream.linear.scatter [tilespmem:s19], [sflag:$0x7], $0x2800, $0x38;
	[tilespmem:$0x19690] =	vst v63  }
0x46: {  	_ =	swait.ge [sflag:s20], $0x2800  }
0x47: {  	[sflag:s20] =	ssyncset.done $0x0  }
0x48: {  	s17 =	rddreg [dreg:$0x7];
	[sflag:s20] =	ssyncadd.s32 $0xFFFFD800  }
0x49: {  	[spmem:s17] =	stream.linear.scatter [tilespmem:s19], [sflag:$0x7], $0x2800, $0x38;
	[tilespmem:$0x19690] =	vst v63  }
0x4a: {  	_ =	swait.ge [sflag:s20], $0x2800  }
0x4b: {  	[sflag:s20] =	ssyncset.done $0x0  }
0x4c: {  	s18 =	rddreg [dreg:$0x8];
	[sflag:s20] =	ssyncadd.s32 $0xFFFFD800  }
0x4d: {  	[spmem:s18] =	stream.linear.scatter [tilespmem:s19], [sflag:$0x7], $0x2350, $0x38;
	[tilespmem:$0x19690] =	vst v63  }
0x4e: {  	_ =	swait.ge [sflag:s20], $0x2350  }
0x4f: {  	[sflag:s20] =	ssyncset.done $0x0  }
0x50: {  	[sflag:s20] =	ssyncadd.s32 $0xFFFFDCB0  }
0x51: {  	[bflag:$0x0] =	sbarrier.arrive $0xFFFF  }
0x52: {  	[spmem:s3] =	stream.indirect.scatter.add.f32 [tilespmem:s19], [sflag:$0x5], $0x50, s22, s21, $0xb8;
	[tilespmem:$0x19690] =	vst v63  }
0x53: {  	_ = 	snop  }
0x54: {  	[spmem:s3] =	stream.indirect.scatter.add.f32 [tilespmem:s24], [sflag:$0x6], $0x50, s23, s21, $0xb8;
	[tilespmem:$0x19690] =	vst v63  }
0x55: {  	s13 =	simm.s32 $0x0;
	s7 =	simm.s32 $0xD300;
	s30 =	rddreg [dreg:$0x1]  }
0x56: {  	[tilespmem:s7], [sflag:$0x7] =	stream.linear.gather [hbm4b:s30+s13], $0x40, $0x38;
	[tilespmem:$0x19690] =	vst v63  }
0x57: {  	_ =	swait.ge [sflag:s20], $0x40  }
0x58: {  	[sflag:s20] =	ssyncset.done $0x0  }
0x59: {  	[sflag:s20] =	ssyncadd.s32 $0xFFFFFFC0  }
0x5a: {  	v2 =	vld [tilespmem:$0xD300]  }
0x5b: {  	v3 =	vld [tilespmem:$0xD310]  }
0x5c: {  	s31 =	rddreg [dreg:$0x9];
	v4 =	vld [tilespmem:$0xD320]  }
0x5d: {  	v5 =	vld [tilespmem:$0xD330];
	[tilespmem:s13], [sflag:$0x7] =	stream.linear.gather [hbm4b:s31+s13], $0x100, $0x38  }
0x5e: {  	_ =	swait.ge [sflag:s20], $0x100  }
0x5f: {  	[sflag:s20] =	ssyncset.done $0x0  }
0x60: {  	s18 =	rddreg [dreg:$0xd];
	[sflag:s20] =	ssyncadd.s32 $0xFFFFFF00  }
0x61: {  	[tilespmem:s26], [sflag:$0x1] =	stream.indirect.gather [hbm4b:s5+s21], $0x40, s13, s21, $0xb8;
	[tilespmem:$0x19690] =	vst v63  }
0x62: {  	s17 =	rddreg [dreg:$0xc]  }
0x63: {  	[tilespmem:s28], [sflag:$0x2] =	stream.indirect.gather [hbm4b:s6+s21], $0x40, s21, s21, $0xb8;
	[tilespmem:$0x19690] =	vst v63  }
.LBB2_4:
0x64: {  	s15 =	sshll.u32 s13, $0x1  }
0x65: {  	s0 =	sadd.s32 s12, s15  }
0x66: {  	s0 =	sshll.u32 s0, $0x5  }
0x67: {  	s0 =	sadd.s32 s0, s14  }
0x68: {  	[tilespmem:s29], [sflag:$0x7] =	stream.linear.gather [hbm4b:s0+s4], $0x100, $0x38;
	[tilespmem:$0x19690] =	vst v63  }
0x69: {  	_ =	swait.ge [sflag:s20], $0x100  }
0x6a: {  	[sflag:s20] =	ssyncset.done $0x0  }
0x6b: {  	s11 =	simm.s32 $0x4200;
	[sflag:s20] =	ssyncadd.s32 $0xFFFFFF00  }
0x6c: {  	[tilespmem:s11], [sflag:$0x3] =	stream.indirect.gather [hbm4b:s5+s21], $0x40, s29, s21, $0xb8;
	[tilespmem:$0x19690] =	vst v63  }
0x6d: {  	s16 =	simm.s32 $0x180;
	s7 =	simm.s32 $0x6200  }
0x6e: {  	[tilespmem:s7], [sflag:$0x4] =	stream.indirect.gather [hbm4b:s6+s21], $0x40, s16, s21, $0xb8;
	[tilespmem:$0x19690] =	vst v63  }
0x6f: {  	_ =	swait.ge [sflag:s2], $0x2000  }
0x70: {  	[sflag:s2] =	ssyncset.done $0x0  }
0x71: {  	[sflag:s2] =	ssyncadd.s32 $0xFFFFE000  }
0x72: {  	_ =	swait.ge [sflag:s25], $0x2000  }
0x73: {  	[sflag:s25] =	ssyncset.done $0x0  }
0x74: {  	[sflag:s25] =	ssyncadd.s32 $0xFFFFE000  }
0x75: {  	_ =	swait.ge [sflag:s1], $0x2800  }
0x76: {  	[sflag:s1] =	ssyncset.done $0x0  }
0x77: {  	[sflag:s1] =	ssyncadd.s32 $0xFFFFD800  }
0x78: {  	v6 =	vld [tilespmem:$0x80]  }
0x79: {  	v7 =	vld [tilespmem:$0x90]  }
0x7a: {  	v8 =	vld [tilespmem:$0xA0]  }
0x7b: {  	v9 =	vld [tilespmem:$0xB0]  }
0x7c: {  	v10 =	vld [tilespmem:$0xC0]  }
0x7d: {  	[tilespmem:$0x8200] =	vst v6;
	v6 =	vld [tilespmem:$0xD0]  }
0x7e: {  	[tilespmem:$0x8210] =	vst v7;
	v7 =	vld [tilespmem:$0xE0]  }
0x7f: {  	[tilespmem:$0x8220] =	vst v8;
	v8 =	vld [tilespmem:$0xF0]  }
0x80: {  	[tilespmem:$0x8230] =	vst v9  }
0x81: {  	[tilespmem:$0x8240] =	vst v10  }
0x82: {  	[tilespmem:$0x8250] =	vst v6  }
0x83: {  	[tilespmem:$0x8260] =	vst v7  }
0x84: {  	s16 =	simm.s32 $0x2280;
	[tilespmem:$0x8270] =	vst v8  }
0x85: {  	v6 =	vld [tilespmem:s16+$0xFFFFFF90]  }
0x86: {  	s7 =	simm.s32 $0x280;
	v7 =	vld [tilespmem:s16+$0xFFFFFF80]  }
0x87: {  	v8 =	vld [tilespmem:s7+$0xFFFFFF90]  }
0x88: {  	v9 =	vld [tilespmem:s7+$0xFFFFFF80]  }
0x89: {  	v10 =	vld [tilespmem:s16+$0xFFFFFFA0]  }
0x8a: {  	v11 =	vld [tilespmem:s7+$0xFFFFFFA0]  }
0x8b: {  	v12 =	vld [tilespmem:s16+$0xFFFFFFB0]  }
0x8c: {  	v13 =	vld [tilespmem:s7+$0xFFFFFFB0];
	_ =	sdelay $0x1  }
0x8d: {  	v6 =	vadd.f32 v6, v8;
	v7 =	vadd.f32 v7, v9;
	_ =	sdelay $0x1  }
0x8e: {  	v10 =	vadd.f32 v10, v11;
	v14 =	vmul.f32 $2.000000030e-01, v6;
	v15 =	vmul.f32 $2.000000030e-01, v7  }
0x8f: {  	v12 =	vadd.f32 v12, v13  }
0x90: {  	v44 =	vmul.f32 $2.000000030e-01, v10;
	v6 =	vmax.f32 v6, v14;
	v7 =	vmax.f32 v7, v15  }
0x91: {  	v7 =	vmul.f32 v7, v2;
	v6 =	vmul.f32 v6, v3  }
0x92: {  	v45 =	vmul.f32 $2.000000030e-01, v12;
	v10 =	vmax.f32 v10, v44  }
0x93: {  	v10 =	vmul.f32 v10, v4;
	v6 =	vadd.f32 v6, v7  }
0x94: {  	v7 =	vmax.f32 v12, v45  }
0x95: {  	v7 =	vmul.f32 v7, v5;
	v6 =	vadd.f32 v10, v6;
	_ =	sdelay $0x1  }
0x96: {  	v6 =	vadd.f32 v7, v6;
	_ =	sdelay $0x1  }
0x97: {  	(xrf2) =	vadd.scan.msk.f32 $0xffff, v6;
	_ =	sdelay $0x9  }
0x98: {  	v6, _, _ =	vpop (xrf2)  }
0x99: {  	v6 =	vmul.f32 $1.442695020e+00, v6;
	_ =	sdelay $0x1  }
0x9a: {  	v6 =	vbroadcast v6, $0xF;
	_ =	sdelay $0x1  }
0x9b: {  	(erf) = vpow2.f32 v6;
	_ =	sdelay $0x7  }
0x9c: {  	s11 =	sadd.s32 $0x0, s17  }
0x9d: {  	p0 =	slt.u32 s11, $0x50910;
	v6 =	vpop (erf)  }
0x9e: {  	v6 =	vpsel !p0, $0x0, v6  }
0x9f: {  	s11 =	simm.s32 $0x83A0;
	v7 =	vmul.f32 v6, v13;
	v10 =	vnsel vm0, $0x0, v6  }
0xa0: {  	v9 =	vmul.f32 v6, v9;
	[tilespmem:s11+$0xFFFFFFA0] =	vst v10  }
0xa1: {  	v8 =	vmul.f32 v6, v8;
	[tilespmem:s11+$0xFFFFFF90] =	vst v7  }
0xa2: {  	v6 =	vmul.f32 v6, v11;
	[tilespmem:s11+$0xFFFFFF60] =	vst v9  }
0xa3: {  	[tilespmem:s11+$0xFFFFFF70] =	vst v8  }
0xa4: {  	[tilespmem:s11+$0xFFFFFF80] =	vst v6  }
0xa5: {  	v6 =	vld [tilespmem:s16+$0xFFFFFFC0]  }
0xa6: {  	v7 =	vld [tilespmem:s16+$0xFFFFFFD0]  }
0xa7: {  	v8 =	vld [tilespmem:s7+$0xFFFFFFD0]  }
0xa8: {  	v9 =	vld [tilespmem:s7+$0xFFFFFFC0]  }
0xa9: {  	v10 =	vld [tilespmem:s16+$0xFFFFFFE0]  }
0xaa: {  	v11 =	vld [tilespmem:s7+$0xFFFFFFE0]  }
0xab: {  	v46 =	vld [tilespmem:s16+$0xFFFFFFF0]  }
0xac: {  	v47 =	vld [tilespmem:s7+$0xFFFFFFF0];
	_ =	sdelay $0x1  }
0xad: {  	v7 =	vadd.f32 v7, v8;
	v6 =	vadd.f32 v6, v9;
	_ =	sdelay $0x1  }
0xae: {  	v10 =	vadd.f32 v10, v11;
	v48 =	vmul.f32 $2.000000030e-01, v7;
	v49 =	vmul.f32 $2.000000030e-01, v6  }
0xaf: {  	v12 =	vadd.f32 v46, v47  }
0xb0: {  	v50 =	vmul.f32 $2.000000030e-01, v10;
	v7 =	vmax.f32 v7, v48;
	v6 =	vmax.f32 v6, v49  }
0xb1: {  	v6 =	vmul.f32 v6, v2;
	v7 =	vmul.f32 v7, v3  }
0xb2: {  	v51 =	vmul.f32 $2.000000030e-01, v12;
	v10 =	vmax.f32 v10, v50  }
0xb3: {  	v10 =	vmul.f32 v10, v4;
	v6 =	vadd.f32 v7, v6  }
0xb4: {  	v7 =	vmax.f32 v12, v51  }
0xb5: {  	v7 =	vmul.f32 v7, v5;
	v6 =	vadd.f32 v10, v6;
	_ =	sdelay $0x1  }
0xb6: {  	v6 =	vadd.f32 v7, v6;
	_ =	sdelay $0x1  }
0xb7: {  	(xrf2) =	vadd.scan.msk.f32 $0xffff, v6;
	_ =	sdelay $0x9  }
0xb8: {  	v6, _, _ =	vpop (xrf2)  }
0xb9: {  	v6 =	vmul.f32 $1.442695020e+00, v6;
	_ =	sdelay $0x1  }
0xba: {  	v6 =	vbroadcast v6, $0xF;
	_ =	sdelay $0x1  }
0xbb: {  	(erf) = vpow2.f32 v6;
	_ =	sdelay $0x8  }
0xbc: {  	v6 =	vpop (erf)  }
0xbd: {  	v6 =	vpsel !p0, $0x0, v6  }
0xbe: {  	v7 =	vmul.f32 v6, v9;
	v9 =	vnsel vm0, $0x0, v6  }
0xbf: {  	v8 =	vmul.f32 v6, v8;
	[tilespmem:s11+$0xFFFFFFF0] =	vst v9  }
0xc0: {  	v9 =	vmul.f32 v6, v11;
	[tilespmem:s11+$0xFFFFFFB0] =	vst v7  }
0xc1: {  	v6 =	vmul.f32 v6, v47;
	[tilespmem:s11+$0xFFFFFFC0] =	vst v8  }
0xc2: {  	[tilespmem:s11+$0xFFFFFFD0] =	vst v9  }
0xc3: {  	[tilespmem:s11+$0xFFFFFFE0] =	vst v6  }
0xc4: {  	v6 =	vld [tilespmem:s16+$0x10]  }
0xc5: {  	v7 =	vld [tilespmem:s7+$0x0]  }
0xc6: {  	v8 =	vld [tilespmem:s16+$0x0]  }
0xc7: {  	v9 =	vld [tilespmem:s7+$0x10]  }
0xc8: {  	v10 =	vld [tilespmem:s16+$0x20]  }
0xc9: {  	v11 =	vld [tilespmem:s7+$0x20]  }
0xca: {  	v52 =	vld [tilespmem:s16+$0x30]  }
0xcb: {  	v53 =	vld [tilespmem:s7+$0x30];
	_ =	sdelay $0x1  }
0xcc: {  	v8 =	vadd.f32 v8, v7;
	v6 =	vadd.f32 v6, v9;
	_ =	sdelay $0x1  }
0xcd: {  	v10 =	vadd.f32 v10, v11;
	v54 =	vmul.f32 $2.000000030e-01, v8;
	v55 =	vmul.f32 $2.000000030e-01, v6  }
0xce: {  	v12 =	vadd.f32 v52, v53  }
0xcf: {  	v56 =	vmul.f32 $2.000000030e-01, v10;
	v8 =	vmax.f32 v8, v54;
	v6 =	vmax.f32 v6, v55  }
0xd0: {  	v8 =	vmul.f32 v8, v2;
	v6 =	vmul.f32 v6, v3  }
0xd1: {  	v57 =	vmul.f32 $2.000000030e-01, v12;
	v10 =	vmax.f32 v10, v56  }
0xd2: {  	v10 =	vmul.f32 v10, v4;
	v6 =	vadd.f32 v6, v8  }
0xd3: {  	v8 =	vmax.f32 v12, v57  }
0xd4: {  	v8 =	vmul.f32 v8, v5;
	v6 =	vadd.f32 v10, v6;
	_ =	sdelay $0x1  }
0xd5: {  	v6 =	vadd.f32 v8, v6;
	_ =	sdelay $0x1  }
0xd6: {  	(xrf2) =	vadd.scan.msk.f32 $0xffff, v6;
	_ =	sdelay $0x9  }
0xd7: {  	v6, _, _ =	vpop (xrf2)  }
0xd8: {  	v6 =	vmul.f32 $1.442695020e+00, v6;
	_ =	sdelay $0x1  }
0xd9: {  	v6 =	vbroadcast v6, $0xF;
	_ =	sdelay $0x1  }
0xda: {  	(erf) = vpow2.f32 v6;
	_ =	sdelay $0x8  }
0xdb: {  	v6 =	vpop (erf)  }
0xdc: {  	v6 =	vpsel !p0, $0x0, v6  }
0xdd: {  	v7 =	vmul.f32 v6, v7;
	v8 =	vnsel vm0, $0x0, v6  }
0xde: {  	v9 =	vmul.f32 v6, v9;
	[tilespmem:s11+$0x40] =	vst v8  }
0xdf: {  	v8 =	vmul.f32 v6, v11;
	[tilespmem:s11+$0x0] =	vst v7  }
0xe0: {  	v6 =	vmul.f32 v6, v53;
	[tilespmem:s11+$0x10] =	vst v9  }
0xe1: {  	[tilespmem:s11+$0x20] =	vst v8  }
0xe2: {  	[tilespmem:s11+$0x30] =	vst v6  }
0xe3: {  	v10 =	vld [tilespmem:s16+$0x50]  }
0xe4: {  	v6 =	vld [tilespmem:s7+$0x50]  }
0xe5: {  	v8 =	vld [tilespmem:s7+$0x40]  }
0xe6: {  	v11 =	vld [tilespmem:s16+$0x40]  }
0xe7: {  	v7 =	vld [tilespmem:s7+$0x60]  }
0xe8: {  	v58 =	vld [tilespmem:s16+$0x60]  }
0xe9: {  	v9 =	vld [tilespmem:s7+$0x70]  }
0xea: {  	v59 =	vld [tilespmem:s16+$0x70];
	_ =	sdelay $0x1  }
0xeb: {  	v10 =	vadd.f32 v10, v6;
	v11 =	vadd.f32 v11, v8;
	_ =	sdelay $0x1  }
0xec: {  	v12 =	vadd.f32 v58, v7;
	v60 =	vmul.f32 $2.000000030e-01, v10;
	v61 =	vmul.f32 $2.000000030e-01, v11  }
0xed: {  	v13 =	vadd.f32 v59, v9  }
0xee: {  	v62 =	vmul.f32 $2.000000030e-01, v12;
	v10 =	vmax.f32 v10, v60;
	v11 =	vmax.f32 v11, v61  }
0xef: {  	v10 =	vmul.f32 v10, v3;
	v11 =	vmul.f32 v11, v2  }
0xf0: {  	v63 =	vmul.f32 $2.000000030e-01, v13;
	v12 =	vmax.f32 v12, v62  }
0xf1: {  	v12 =	vmul.f32 v12, v4;
	v10 =	vadd.f32 v10, v11  }
0xf2: {  	v11 =	vmax.f32 v13, v63  }
0xf3: {  	v11 =	vmul.f32 v11, v5;
	v10 =	vadd.f32 v12, v10;
	_ =	sdelay $0x1  }
0xf4: {  	v10 =	vadd.f32 v11, v10;
	_ =	sdelay $0x1  }
0xf5: {  	(xrf2) =	vadd.scan.msk.f32 $0xffff, v10;
	_ =	sdelay $0x8  }
0xf6: {  	s30 =	simm.s32 $0x0;
	s31 =	simm.s32 $0x84E0  }
.LBB2_5:
0xf7: {  	s30 =	sadd.s32 $0x4, s30;
	s16 =	sadd.s32 $0x100, s16;
	s7 =	sadd.s32 $0x100, s7;
	v10, _, _ =	vpop (xrf2)  }
0xf8: {  	s0 =	sadd.s32 s17, s30;
	p1 =	slt.u32 s30, $0x7C;
	v10 =	vmul.f32 $1.442695020e+00, v10;
	_ =	sdelay $0x1  }
0xf9: {  	v10 =	vbroadcast v10, $0xF;
	_ =	sdelay $0x1  }
0xfa: {  	(erf) = vpow2.f32 v10;
	_ =	sdelay $0x8  }
0xfb: {  	v10 =	vpop (erf)  }
0xfc: {  	v10 =	vpsel !p0, $0x0, v10  }
0xfd: {  	v8 =	vmul.f32 v10, v8;
	v6 =	vmul.f32 v10, v6;
	v11 =	vnsel vm0, $0x0, v10  }
0xfe: {  	v7 =	vmul.f32 v10, v7;
	v9 =	vmul.f32 v10, v9;
	[tilespmem:s11+$0x90] =	vst v11  }
0xff: {  	[tilespmem:s11+$0x50] =	vst v8  }
0x100: {  	[tilespmem:s11+$0x80] =	vst v9  }
0x101: {  	[tilespmem:s11+$0x60] =	vst v6  }
0x102: {  	[tilespmem:s11+$0x70] =	vst v7;
	s11 =	smov.u32 s31;
	_ =	sdelay $0x1  }
0x103: {  	v6 =	vld [tilespmem:s16+$0xFFFFFF90]  }
0x104: {  	v7 =	vld [tilespmem:s16+$0xFFFFFF80]  }
0x105: {  	v8 =	vld [tilespmem:s7+$0xFFFFFF90]  }
0x106: {  	v9 =	vld [tilespmem:s7+$0xFFFFFF80]  }
0x107: {  	v10 =	vld [tilespmem:s16+$0xFFFFFFA0]  }
0x108: {  	v11 =	vld [tilespmem:s7+$0xFFFFFFA0]  }
0x109: {  	v12 =	vld [tilespmem:s16+$0xFFFFFFB0]  }
0x10a: {  	v13 =	vld [tilespmem:s7+$0xFFFFFFB0];
	v6 =	vadd.f32 v6, v8  }
0x10b: {  	v7 =	vadd.f32 v7, v9  }
0x10c: {  	v14 =	vmul.f32 $2.000000030e-01, v6  }
0x10d: {  	v15 =	vmul.f32 $2.000000030e-01, v7;
	v10 =	vadd.f32 v10, v11  }
0x10e: {  	v6 =	vmax.f32 v6, v14  }
0x10f: {  	v7 =	vmax.f32 v7, v15;
	v14 =	vmul.f32 $2.000000030e-01, v10;
	v12 =	vadd.f32 v12, v13  }
0x110: {  	v6 =	vmul.f32 v6, v3;
	v7 =	vmul.f32 v7, v2  }
0x111: {  	v10 =	vmax.f32 v10, v14;
	v14 =	vmul.f32 $2.000000030e-01, v12  }
0x112: {  	v10 =	vmul.f32 v10, v4;
	v6 =	vadd.f32 v6, v7  }
0x113: {  	v7 =	vmax.f32 v12, v14  }
0x114: {  	v7 =	vmul.f32 v7, v5;
	v6 =	vadd.f32 v10, v6;
	_ =	sdelay $0x1  }
0x115: {  	v6 =	vadd.f32 v7, v6;
	_ =	sdelay $0x1  }
0x116: {  	(xrf2) =	vadd.scan.msk.f32 $0xffff, v6;
	_ =	sdelay $0x9  }
0x117: {  	v6, _, _ =	vpop (xrf2)  }
0x118: {  	v6 =	vmul.f32 $1.442695020e+00, v6;
	_ =	sdelay $0x1  }
0x119: {  	v6 =	vbroadcast v6, $0xF;
	_ =	sdelay $0x1  }
0x11a: {  	(erf) = vpow2.f32 v6;
	_ =	sdelay $0x8  }
0x11b: {  	p0 =	slt.u32 s0, $0x50910;
	v6 =	vpop (erf)  }
0x11c: {  	v6 =	vpsel !p0, $0x0, v6  }
0x11d: {  	v7 =	vmul.f32 v6, v9;
	v9 =	vmul.f32 v6, v13;
	v10 =	vnsel vm0, $0x0, v6  }
0x11e: {  	v8 =	vmul.f32 v6, v8;
	v6 =	vmul.f32 v6, v11;
	[tilespmem:s31+$0xFFFFFFA0] =	vst v10  }
0x11f: {  	[tilespmem:s31+$0xFFFFFF90] =	vst v9  }
0x120: {  	[tilespmem:s31+$0xFFFFFF60] =	vst v7  }
0x121: {  	[tilespmem:s31+$0xFFFFFF70] =	vst v8  }
0x122: {  	[tilespmem:s31+$0xFFFFFF80] =	vst v6  }
0x123: {  	v6 =	vld [tilespmem:s16+$0xFFFFFFC0]  }
0x124: {  	v7 =	vld [tilespmem:s16+$0xFFFFFFD0]  }
0x125: {  	v8 =	vld [tilespmem:s7+$0xFFFFFFD0]  }
0x126: {  	v9 =	vld [tilespmem:s7+$0xFFFFFFC0]  }
0x127: {  	v10 =	vld [tilespmem:s16+$0xFFFFFFE0]  }
0x128: {  	v11 =	vld [tilespmem:s7+$0xFFFFFFE0]  }
0x129: {  	v12 =	vld [tilespmem:s16+$0xFFFFFFF0]  }
0x12a: {  	v13 =	vld [tilespmem:s7+$0xFFFFFFF0];
	v7 =	vadd.f32 v7, v8  }
0x12b: {  	v6 =	vadd.f32 v6, v9  }
0x12c: {  	v14 =	vmul.f32 $2.000000030e-01, v7  }
0x12d: {  	v15 =	vmul.f32 $2.000000030e-01, v6;
	v10 =	vadd.f32 v10, v11  }
0x12e: {  	v7 =	vmax.f32 v7, v14  }
0x12f: {  	v6 =	vmax.f32 v6, v15;
	v14 =	vmul.f32 $2.000000030e-01, v10;
	v12 =	vadd.f32 v12, v13  }
0x130: {  	v7 =	vmul.f32 v7, v3;
	v6 =	vmul.f32 v6, v2  }
0x131: {  	v10 =	vmax.f32 v10, v14;
	v14 =	vmul.f32 $2.000000030e-01, v12  }
0x132: {  	v10 =	vmul.f32 v10, v4;
	v6 =	vadd.f32 v7, v6  }
0x133: {  	v7 =	vmax.f32 v12, v14  }
0x134: {  	v7 =	vmul.f32 v7, v5;
	v6 =	vadd.f32 v10, v6;
	_ =	sdelay $0x1  }
0x135: {  	v6 =	vadd.f32 v7, v6;
	_ =	sdelay $0x1  }
0x136: {  	(xrf2) =	vadd.scan.msk.f32 $0xffff, v6;
	_ =	sdelay $0x9  }
0x137: {  	v6, _, _ =	vpop (xrf2)  }
0x138: {  	v6 =	vmul.f32 $1.442695020e+00, v6;
	_ =	sdelay $0x1  }
0x139: {  	v6 =	vbroadcast v6, $0xF;
	_ =	sdelay $0x1  }
0x13a: {  	(erf) = vpow2.f32 v6;
	_ =	sdelay $0x8  }
0x13b: {  	v6 =	vpop (erf)  }
0x13c: {  	v6 =	vpsel !p0, $0x0, v6  }
0x13d: {  	v7 =	vmul.f32 v6, v9;
	v8 =	vmul.f32 v6, v8;
	v9 =	vnsel vm0, $0x0, v6  }
0x13e: {  	v10 =	vmul.f32 v6, v11;
	v6 =	vmul.f32 v6, v13;
	[tilespmem:s31+$0xFFFFFFF0] =	vst v9  }
0x13f: {  	[tilespmem:s31+$0xFFFFFFB0] =	vst v7  }
0x140: {  	[tilespmem:s31+$0xFFFFFFC0] =	vst v8  }
0x141: {  	[tilespmem:s31+$0xFFFFFFD0] =	vst v10  }
0x142: {  	[tilespmem:s31+$0xFFFFFFE0] =	vst v6  }
0x143: {  	v6 =	vld [tilespmem:s16+$0x10]  }
0x144: {  	v7 =	vld [tilespmem:s7+$0x0]  }
0x145: {  	v8 =	vld [tilespmem:s16+$0x0]  }
0x146: {  	v9 =	vld [tilespmem:s7+$0x10]  }
0x147: {  	v10 =	vld [tilespmem:s16+$0x20]  }
0x148: {  	v11 =	vld [tilespmem:s7+$0x20]  }
0x149: {  	v12 =	vld [tilespmem:s16+$0x30]  }
0x14a: {  	v13 =	vld [tilespmem:s7+$0x30];
	v8 =	vadd.f32 v8, v7  }
0x14b: {  	v6 =	vadd.f32 v6, v9  }
0x14c: {  	v14 =	vmul.f32 $2.000000030e-01, v8  }
0x14d: {  	v15 =	vmul.f32 $2.000000030e-01, v6;
	v10 =	vadd.f32 v10, v11  }
0x14e: {  	v8 =	vmax.f32 v8, v14  }
0x14f: {  	v6 =	vmax.f32 v6, v15;
	v14 =	vmul.f32 $2.000000030e-01, v10;
	v12 =	vadd.f32 v12, v13  }
0x150: {  	v8 =	vmul.f32 v8, v2;
	v6 =	vmul.f32 v6, v3  }
0x151: {  	v10 =	vmax.f32 v10, v14;
	v14 =	vmul.f32 $2.000000030e-01, v12  }
0x152: {  	v10 =	vmul.f32 v10, v4;
	v6 =	vadd.f32 v6, v8  }
0x153: {  	v8 =	vmax.f32 v12, v14  }
0x154: {  	v8 =	vmul.f32 v8, v5;
	v6 =	vadd.f32 v10, v6;
	_ =	sdelay $0x1  }
0x155: {  	v6 =	vadd.f32 v8, v6;
	_ =	sdelay $0x1  }
0x156: {  	(xrf2) =	vadd.scan.msk.f32 $0xffff, v6;
	_ =	sdelay $0x9  }
0x157: {  	v6, _, _ =	vpop (xrf2)  }
0x158: {  	v6 =	vmul.f32 $1.442695020e+00, v6;
	_ =	sdelay $0x1  }
0x159: {  	v6 =	vbroadcast v6, $0xF;
	_ =	sdelay $0x1  }
0x15a: {  	(erf) = vpow2.f32 v6;
	_ =	sdelay $0x8  }
0x15b: {  	v6 =	vpop (erf)  }
0x15c: {  	v6 =	vpsel !p0, $0x0, v6  }
0x15d: {  	v7 =	vmul.f32 v6, v7;
	v8 =	vmul.f32 v6, v9;
	v9 =	vnsel vm0, $0x0, v6  }
0x15e: {  	v10 =	vmul.f32 v6, v11;
	v6 =	vmul.f32 v6, v13;
	[tilespmem:s31+$0x40] =	vst v9  }
0x15f: {  	[tilespmem:s31+$0x0] =	vst v7  }
0x160: {  	[tilespmem:s31+$0x10] =	vst v8  }
0x161: {  	[tilespmem:s31+$0x20] =	vst v10  }
0x162: {  	[tilespmem:s31+$0x30] =	vst v6  }
0x163: {  	v10 =	vld [tilespmem:s16+$0x50]  }
0x164: {  	v6 =	vld [tilespmem:s7+$0x50]  }
0x165: {  	v8 =	vld [tilespmem:s7+$0x40]  }
0x166: {  	v11 =	vld [tilespmem:s16+$0x40]  }
0x167: {  	v7 =	vld [tilespmem:s7+$0x60]  }
0x168: {  	v12 =	vld [tilespmem:s16+$0x60]  }
0x169: {  	v9 =	vld [tilespmem:s7+$0x70];
	v10 =	vadd.f32 v10, v6  }
0x16a: {  	v13 =	vld [tilespmem:s16+$0x70]  }
0x16b: {  	v11 =	vadd.f32 v11, v8;
	v14 =	vmul.f32 $2.000000030e-01, v10;
	_ =	sdelay $0x1  }
0x16c: {  	v15 =	vmul.f32 $2.000000030e-01, v11;
	v10 =	vmax.f32 v10, v14;
	v12 =	vadd.f32 v12, v7  }
0x16d: {  	v10 =	vmul.f32 v10, v3  }
0x16e: {  	v11 =	vmax.f32 v11, v15;
	v14 =	vmul.f32 $2.000000030e-01, v12;
	v13 =	vadd.f32 v13, v9  }
0x16f: {  	v11 =	vmul.f32 v11, v2  }
0x170: {  	v12 =	vmax.f32 v12, v14;
	v14 =	vmul.f32 $2.000000030e-01, v13  }
0x171: {  	v12 =	vmul.f32 v12, v4;
	v10 =	vadd.f32 v10, v11  }
0x172: {  	v11 =	vmax.f32 v13, v14  }
0x173: {  	v11 =	vmul.f32 v11, v5;
	v10 =	vadd.f32 v12, v10;
	_ =	sdelay $0x1  }
0x174: {  	v10 =	vadd.f32 v11, v10;
	_ =	sdelay $0x1  }
0x175: {  	(xrf2) =	vadd.scan.msk.f32 $0xffff, v10;
	_ =	sdelay $0x4  }
.Ltmp1:
0x176: {  	(pc) =	sbr.rel @p1 .LBB2_5-.Ltmp1, $2  }
0x177: {  	_ =	sdelay $0x2  }
0x178: {  	s31 =	sadd.s32 $0x140, s31  }
0x179: {  	v10, _, _ =	vpop (xrf2)  }
0x17a: {  	v10 =	vmul.f32 $1.442695020e+00, v10;
	_ =	sdelay $0x1  }
0x17b: {  	v10 =	vbroadcast v10, $0xF;
	_ =	sdelay $0x1  }
0x17c: {  	(erf) = vpow2.f32 v10;
	_ =	sdelay $0x8  }
0x17d: {  	v10 =	vpop (erf)  }
0x17e: {  	v10 =	vpsel !p0, $0x0, v10  }
0x17f: {  	v8 =	vmul.f32 v10, v8;
	v11 =	vnsel vm0, $0x0, v10  }
0x180: {  	v9 =	vmul.f32 v10, v9;
	[tilespmem:s11+$0x90] =	vst v11  }
0x181: {  	v6 =	vmul.f32 v10, v6;
	[tilespmem:s11+$0x50] =	vst v8  }
0x182: {  	s0 =	sadd.s32 s15, s12;
	v7 =	vmul.f32 v10, v7;
	[tilespmem:s11+$0x80] =	vst v9  }
0x183: {  	s0 =	sshll.u32 s0, $0x5;
	[tilespmem:s11+$0x60] =	vst v6  }
0x184: {  	s0 =	sadd.s32 s14, s0;
	[tilespmem:s11+$0x70] =	vst v7  }
0x185: {  	[spmem:s3] =	stream.indirect.scatter.add.f32 [tilespmem:s19], [sflag:$0x5], $0x50, s22, s21, $0xb8;
	[tilespmem:$0x19690] =	vst v63  }
0x186: {  	s0 =	sadd.s32 $0x20, s0  }
0x187: {  	[tilespmem:s4], [sflag:$0x7] =	stream.linear.gather [hbm4b:s0+s4], $0x100, $0x38;
	[tilespmem:$0x19690] =	vst v63  }
0x188: {  	_ =	swait.ge [sflag:s20], $0x100  }
0x189: {  	[sflag:s20] =	ssyncset.done $0x0  }
0x18a: {  	[sflag:s20] =	ssyncadd.s32 $0xFFFFFF00  }
0x18b: {  	[tilespmem:s26], [sflag:$0x1] =	stream.indirect.gather [hbm4b:s5+s21], $0x40, s4, s21, $0xb8;
	[tilespmem:$0x19690] =	vst v63  }
0x18c: {  	_ = 	snop  }
0x18d: {  	[tilespmem:s28], [sflag:$0x2] =	stream.indirect.gather [hbm4b:s6+s21], $0x40, s21, s21, $0xb8;
	[tilespmem:$0x19690] =	vst v63  }
0x18e: {  	_ =	swait.ge [sflag:s8], $0x2000  }
0x18f: {  	[sflag:s8] =	ssyncset.done $0x0  }
0x190: {  	[sflag:s8] =	ssyncadd.s32 $0xFFFFE000  }
0x191: {  	_ =	swait.ge [sflag:s9], $0x2000  }
0x192: {  	[sflag:s9] =	ssyncset.done $0x0  }
0x193: {  	[sflag:s9] =	ssyncadd.s32 $0xFFFFE000  }
0x194: {  	_ =	swait.ge [sflag:s10], $0x2800  }
0x195: {  	[sflag:s10] =	ssyncset.done $0x0  }
0x196: {  	[sflag:s10] =	ssyncadd.s32 $0xFFFFD800  }
0x197: {  	v6 =	vld [tilespmem:$0x180]  }
0x198: {  	v7 =	vld [tilespmem:$0x190]  }
0x199: {  	v8 =	vld [tilespmem:$0x1A0]  }
0x19a: {  	v9 =	vld [tilespmem:$0x1B0]  }
0x19b: {  	v10 =	vld [tilespmem:$0x1C0]  }
0x19c: {  	[tilespmem:$0x8280] =	vst v6;
	v6 =	vld [tilespmem:$0x1D0]  }
0x19d: {  	[tilespmem:$0x8290] =	vst v7;
	v7 =	vld [tilespmem:$0x1E0]  }
0x19e: {  	[tilespmem:$0x82A0] =	vst v8;
	v8 =	vld [tilespmem:$0x1F0]  }
0x19f: {  	[tilespmem:$0x82B0] =	vst v9  }
0x1a0: {  	[tilespmem:$0x82C0] =	vst v10  }
0x1a1: {  	[tilespmem:$0x82D0] =	vst v6  }
0x1a2: {  	[tilespmem:$0x82E0] =	vst v7  }
0x1a3: {  	s15 =	simm.s32 $0x6280;
	[tilespmem:$0x82F0] =	vst v8  }
0x1a4: {  	v6 =	vld [tilespmem:s15+$0xFFFFFF90]  }
0x1a5: {  	s7 =	simm.s32 $0x4280;
	v7 =	vld [tilespmem:s15+$0xFFFFFF80]  }
0x1a6: {  	v8 =	vld [tilespmem:s7+$0xFFFFFF90]  }
0x1a7: {  	v9 =	vld [tilespmem:s7+$0xFFFFFF80]  }
0x1a8: {  	v10 =	vld [tilespmem:s15+$0xFFFFFFA0]  }
0x1a9: {  	v11 =	vld [tilespmem:s7+$0xFFFFFFA0]  }
0x1aa: {  	v12 =	vld [tilespmem:s15+$0xFFFFFFB0]  }
0x1ab: {  	v13 =	vld [tilespmem:s7+$0xFFFFFFB0];
	_ =	sdelay $0x1  }
0x1ac: {  	v6 =	vadd.f32 v6, v8;
	v7 =	vadd.f32 v7, v9;
	_ =	sdelay $0x1  }
0x1ad: {  	v10 =	vadd.f32 v10, v11;
	v14 =	vmul.f32 $2.000000030e-01, v6;
	v15 =	vmul.f32 $2.000000030e-01, v7  }
0x1ae: {  	v12 =	vadd.f32 v12, v13  }
0x1af: {  	v44 =	vmul.f32 $2.000000030e-01, v10;
	v6 =	vmax.f32 v6, v14;
	v7 =	vmax.f32 v7, v15  }
0x1b0: {  	v7 =	vmul.f32 v7, v2;
	v6 =	vmul.f32 v6, v3  }
0x1b1: {  	v45 =	vmul.f32 $2.000000030e-01, v12;
	v10 =	vmax.f32 v10, v44  }
0x1b2: {  	v10 =	vmul.f32 v10, v4;
	v6 =	vadd.f32 v6, v7  }
0x1b3: {  	v7 =	vmax.f32 v12, v45  }
0x1b4: {  	v7 =	vmul.f32 v7, v5;
	v6 =	vadd.f32 v10, v6;
	_ =	sdelay $0x1  }
0x1b5: {  	v6 =	vadd.f32 v7, v6;
	_ =	sdelay $0x1  }
0x1b6: {  	(xrf2) =	vadd.scan.msk.f32 $0xffff, v6;
	_ =	sdelay $0x9  }
0x1b7: {  	v6, _, _ =	vpop (xrf2)  }
0x1b8: {  	v6 =	vmul.f32 $1.442695020e+00, v6;
	_ =	sdelay $0x1  }
0x1b9: {  	v6 =	vbroadcast v6, $0xF;
	_ =	sdelay $0x1  }
0x1ba: {  	(erf) = vpow2.f32 v6;
	_ =	sdelay $0x7  }
0x1bb: {  	s31 =	sadd.s32 $0x0, s18  }
0x1bc: {  	p0 =	slt.u32 s31, $0x50910;
	v6 =	vpop (erf)  }
0x1bd: {  	v6 =	vpsel !p0, $0x0, v6  }
0x1be: {  	s11 =	simm.s32 $0xABA0;
	v7 =	vmul.f32 v6, v13;
	v10 =	vnsel vm0, $0x0, v6  }
0x1bf: {  	v9 =	vmul.f32 v6, v9;
	[tilespmem:s11+$0xFFFFFFA0] =	vst v10  }
0x1c0: {  	v8 =	vmul.f32 v6, v8;
	[tilespmem:s11+$0xFFFFFF90] =	vst v7  }
0x1c1: {  	v6 =	vmul.f32 v6, v11;
	[tilespmem:s11+$0xFFFFFF60] =	vst v9  }
0x1c2: {  	[tilespmem:s11+$0xFFFFFF70] =	vst v8  }
0x1c3: {  	[tilespmem:s11+$0xFFFFFF80] =	vst v6  }
0x1c4: {  	v6 =	vld [tilespmem:s15+$0xFFFFFFC0]  }
0x1c5: {  	v7 =	vld [tilespmem:s15+$0xFFFFFFD0]  }
0x1c6: {  	v8 =	vld [tilespmem:s7+$0xFFFFFFD0]  }
0x1c7: {  	v9 =	vld [tilespmem:s7+$0xFFFFFFC0]  }
0x1c8: {  	v10 =	vld [tilespmem:s15+$0xFFFFFFE0]  }
0x1c9: {  	v11 =	vld [tilespmem:s7+$0xFFFFFFE0]  }
0x1ca: {  	v46 =	vld [tilespmem:s15+$0xFFFFFFF0]  }
0x1cb: {  	v47 =	vld [tilespmem:s7+$0xFFFFFFF0];
	_ =	sdelay $0x1  }
0x1cc: {  	v7 =	vadd.f32 v7, v8;
	v6 =	vadd.f32 v6, v9;
	_ =	sdelay $0x1  }
0x1cd: {  	v10 =	vadd.f32 v10, v11;
	v48 =	vmul.f32 $2.000000030e-01, v7;
	v49 =	vmul.f32 $2.000000030e-01, v6  }
0x1ce: {  	v12 =	vadd.f32 v46, v47  }
0x1cf: {  	v50 =	vmul.f32 $2.000000030e-01, v10;
	v7 =	vmax.f32 v7, v48;
	v6 =	vmax.f32 v6, v49  }
0x1d0: {  	v6 =	vmul.f32 v6, v2;
	v7 =	vmul.f32 v7, v3  }
0x1d1: {  	v51 =	vmul.f32 $2.000000030e-01, v12;
	v10 =	vmax.f32 v10, v50  }
0x1d2: {  	v10 =	vmul.f32 v10, v4;
	v6 =	vadd.f32 v7, v6  }
0x1d3: {  	v7 =	vmax.f32 v12, v51  }
0x1d4: {  	v7 =	vmul.f32 v7, v5;
	v6 =	vadd.f32 v10, v6;
	_ =	sdelay $0x1  }
0x1d5: {  	v6 =	vadd.f32 v7, v6;
	_ =	sdelay $0x1  }
0x1d6: {  	(xrf2) =	vadd.scan.msk.f32 $0xffff, v6;
	_ =	sdelay $0x9  }
0x1d7: {  	v6, _, _ =	vpop (xrf2)  }
0x1d8: {  	v6 =	vmul.f32 $1.442695020e+00, v6;
	_ =	sdelay $0x1  }
0x1d9: {  	v6 =	vbroadcast v6, $0xF;
	_ =	sdelay $0x1  }
0x1da: {  	(erf) = vpow2.f32 v6;
	_ =	sdelay $0x8  }
0x1db: {  	v6 =	vpop (erf)  }
0x1dc: {  	v6 =	vpsel !p0, $0x0, v6  }
0x1dd: {  	v7 =	vmul.f32 v6, v9;
	v9 =	vnsel vm0, $0x0, v6  }
0x1de: {  	v8 =	vmul.f32 v6, v8;
	[tilespmem:s11+$0xFFFFFFF0] =	vst v9  }
0x1df: {  	v9 =	vmul.f32 v6, v11;
	[tilespmem:s11+$0xFFFFFFB0] =	vst v7  }
0x1e0: {  	v6 =	vmul.f32 v6, v47;
	[tilespmem:s11+$0xFFFFFFC0] =	vst v8  }
0x1e1: {  	[tilespmem:s11+$0xFFFFFFD0] =	vst v9  }
0x1e2: {  	[tilespmem:s11+$0xFFFFFFE0] =	vst v6  }
0x1e3: {  	v6 =	vld [tilespmem:s15+$0x10]  }
0x1e4: {  	v7 =	vld [tilespmem:s7+$0x0]  }
0x1e5: {  	v8 =	vld [tilespmem:s15+$0x0]  }
0x1e6: {  	v9 =	vld [tilespmem:s7+$0x10]  }
0x1e7: {  	v10 =	vld [tilespmem:s15+$0x20]  }
0x1e8: {  	v11 =	vld [tilespmem:s7+$0x20]  }
0x1e9: {  	v52 =	vld [tilespmem:s15+$0x30]  }
0x1ea: {  	v53 =	vld [tilespmem:s7+$0x30];
	_ =	sdelay $0x1  }
0x1eb: {  	v8 =	vadd.f32 v8, v7;
	v6 =	vadd.f32 v6, v9;
	_ =	sdelay $0x1  }
0x1ec: {  	v10 =	vadd.f32 v10, v11;
	v54 =	vmul.f32 $2.000000030e-01, v8;
	v55 =	vmul.f32 $2.000000030e-01, v6  }
0x1ed: {  	v12 =	vadd.f32 v52, v53  }
0x1ee: {  	v56 =	vmul.f32 $2.000000030e-01, v10;
	v8 =	vmax.f32 v8, v54;
	v6 =	vmax.f32 v6, v55  }
0x1ef: {  	v8 =	vmul.f32 v8, v2;
	v6 =	vmul.f32 v6, v3  }
0x1f0: {  	v57 =	vmul.f32 $2.000000030e-01, v12;
	v10 =	vmax.f32 v10, v56  }
0x1f1: {  	v10 =	vmul.f32 v10, v4;
	v6 =	vadd.f32 v6, v8  }
0x1f2: {  	v8 =	vmax.f32 v12, v57  }
0x1f3: {  	v8 =	vmul.f32 v8, v5;
	v6 =	vadd.f32 v10, v6;
	_ =	sdelay $0x1  }
0x1f4: {  	v6 =	vadd.f32 v8, v6;
	_ =	sdelay $0x1  }
0x1f5: {  	(xrf2) =	vadd.scan.msk.f32 $0xffff, v6;
	_ =	sdelay $0x9  }
0x1f6: {  	v6, _, _ =	vpop (xrf2)  }
0x1f7: {  	v6 =	vmul.f32 $1.442695020e+00, v6;
	_ =	sdelay $0x1  }
0x1f8: {  	v6 =	vbroadcast v6, $0xF;
	_ =	sdelay $0x1  }
0x1f9: {  	(erf) = vpow2.f32 v6;
	_ =	sdelay $0x8  }
0x1fa: {  	v6 =	vpop (erf)  }
0x1fb: {  	v6 =	vpsel !p0, $0x0, v6  }
0x1fc: {  	v7 =	vmul.f32 v6, v7;
	v8 =	vnsel vm0, $0x0, v6  }
0x1fd: {  	v9 =	vmul.f32 v6, v9;
	[tilespmem:s11+$0x40] =	vst v8  }
0x1fe: {  	v8 =	vmul.f32 v6, v11;
	[tilespmem:s11+$0x0] =	vst v7  }
0x1ff: {  	v6 =	vmul.f32 v6, v53;
	[tilespmem:s11+$0x10] =	vst v9  }
0x200: {  	[tilespmem:s11+$0x20] =	vst v8  }
0x201: {  	[tilespmem:s11+$0x30] =	vst v6  }
0x202: {  	v10 =	vld [tilespmem:s15+$0x50]  }
0x203: {  	v6 =	vld [tilespmem:s7+$0x50]  }
0x204: {  	v8 =	vld [tilespmem:s7+$0x40]  }
0x205: {  	v11 =	vld [tilespmem:s15+$0x40]  }
0x206: {  	v7 =	vld [tilespmem:s7+$0x60]  }
0x207: {  	v58 =	vld [tilespmem:s15+$0x60]  }
0x208: {  	v9 =	vld [tilespmem:s7+$0x70]  }
0x209: {  	v59 =	vld [tilespmem:s15+$0x70];
	_ =	sdelay $0x1  }
0x20a: {  	v10 =	vadd.f32 v10, v6;
	v11 =	vadd.f32 v11, v8;
	_ =	sdelay $0x1  }
0x20b: {  	v12 =	vadd.f32 v58, v7;
	v60 =	vmul.f32 $2.000000030e-01, v10;
	v61 =	vmul.f32 $2.000000030e-01, v11  }
0x20c: {  	v13 =	vadd.f32 v59, v9  }
0x20d: {  	v62 =	vmul.f32 $2.000000030e-01, v12;
	v10 =	vmax.f32 v10, v60;
	v11 =	vmax.f32 v11, v61  }
0x20e: {  	v10 =	vmul.f32 v10, v3;
	v11 =	vmul.f32 v11, v2  }
0x20f: {  	v63 =	vmul.f32 $2.000000030e-01, v13;
	v12 =	vmax.f32 v12, v62  }
0x210: {  	v12 =	vmul.f32 v12, v4;
	v10 =	vadd.f32 v10, v11  }
0x211: {  	v11 =	vmax.f32 v13, v63  }
0x212: {  	v11 =	vmul.f32 v11, v5;
	v10 =	vadd.f32 v12, v10;
	_ =	sdelay $0x1  }
0x213: {  	v10 =	vadd.f32 v11, v10;
	_ =	sdelay $0x1  }
0x214: {  	(xrf2) =	vadd.scan.msk.f32 $0xffff, v10;
	_ =	sdelay $0x8  }
0x215: {  	s16 =	simm.s32 $0x0;
	s30 =	simm.s32 $0xACE0  }
.LBB2_7:
0x216: {  	s16 =	sadd.s32 $0x4, s16;
	s15 =	sadd.s32 $0x100, s15;
	s7 =	sadd.s32 $0x100, s7;
	v10, _, _ =	vpop (xrf2)  }
0x217: {  	s0 =	sadd.s32 s18, s16;
	p1 =	slt.u32 s16, $0x7C;
	v10 =	vmul.f32 $1.442695020e+00, v10;
	_ =	sdelay $0x1  }
0x218: {  	v10 =	vbroadcast v10, $0xF;
	_ =	sdelay $0x1  }
0x219: {  	(erf) = vpow2.f32 v10;
	_ =	sdelay $0x8  }
0x21a: {  	v10 =	vpop (erf)  }
0x21b: {  	v10 =	vpsel !p0, $0x0, v10  }
0x21c: {  	v8 =	vmul.f32 v10, v8;
	v6 =	vmul.f32 v10, v6;
	v11 =	vnsel vm0, $0x0, v10  }
0x21d: {  	v7 =	vmul.f32 v10, v7;
	v9 =	vmul.f32 v10, v9;
	[tilespmem:s11+$0x90] =	vst v11  }
0x21e: {  	[tilespmem:s11+$0x50] =	vst v8  }
0x21f: {  	[tilespmem:s11+$0x80] =	vst v9  }
0x220: {  	[tilespmem:s11+$0x60] =	vst v6  }
0x221: {  	[tilespmem:s11+$0x70] =	vst v7;
	s11 =	smov.u32 s30;
	_ =	sdelay $0x1  }
0x222: {  	v6 =	vld [tilespmem:s15+$0xFFFFFF90]  }
0x223: {  	v7 =	vld [tilespmem:s15+$0xFFFFFF80]  }
0x224: {  	v8 =	vld [tilespmem:s7+$0xFFFFFF90]  }
0x225: {  	v9 =	vld [tilespmem:s7+$0xFFFFFF80]  }
0x226: {  	v10 =	vld [tilespmem:s15+$0xFFFFFFA0]  }
0x227: {  	v11 =	vld [tilespmem:s7+$0xFFFFFFA0]  }
0x228: {  	v12 =	vld [tilespmem:s15+$0xFFFFFFB0]  }
0x229: {  	v13 =	vld [tilespmem:s7+$0xFFFFFFB0];
	v6 =	vadd.f32 v6, v8  }
0x22a: {  	v7 =	vadd.f32 v7, v9  }
0x22b: {  	v14 =	vmul.f32 $2.000000030e-01, v6  }
0x22c: {  	v15 =	vmul.f32 $2.000000030e-01, v7;
	v10 =	vadd.f32 v10, v11  }
0x22d: {  	v6 =	vmax.f32 v6, v14  }
0x22e: {  	v7 =	vmax.f32 v7, v15;
	v14 =	vmul.f32 $2.000000030e-01, v10;
	v12 =	vadd.f32 v12, v13  }
0x22f: {  	v6 =	vmul.f32 v6, v3;
	v7 =	vmul.f32 v7, v2  }
0x230: {  	v10 =	vmax.f32 v10, v14;
	v14 =	vmul.f32 $2.000000030e-01, v12  }
0x231: {  	v10 =	vmul.f32 v10, v4;
	v6 =	vadd.f32 v6, v7  }
0x232: {  	v7 =	vmax.f32 v12, v14  }
0x233: {  	v7 =	vmul.f32 v7, v5;
	v6 =	vadd.f32 v10, v6;
	_ =	sdelay $0x1  }
0x234: {  	v6 =	vadd.f32 v7, v6;
	_ =	sdelay $0x1  }
0x235: {  	(xrf2) =	vadd.scan.msk.f32 $0xffff, v6;
	_ =	sdelay $0x9  }
0x236: {  	v6, _, _ =	vpop (xrf2)  }
0x237: {  	v6 =	vmul.f32 $1.442695020e+00, v6;
	_ =	sdelay $0x1  }
0x238: {  	v6 =	vbroadcast v6, $0xF;
	_ =	sdelay $0x1  }
0x239: {  	(erf) = vpow2.f32 v6;
	_ =	sdelay $0x8  }
0x23a: {  	p0 =	slt.u32 s0, $0x50910;
	v6 =	vpop (erf)  }
0x23b: {  	v6 =	vpsel !p0, $0x0, v6  }
0x23c: {  	v7 =	vmul.f32 v6, v9;
	v9 =	vmul.f32 v6, v13;
	v10 =	vnsel vm0, $0x0, v6  }
0x23d: {  	v8 =	vmul.f32 v6, v8;
	v6 =	vmul.f32 v6, v11;
	[tilespmem:s30+$0xFFFFFFA0] =	vst v10  }
0x23e: {  	[tilespmem:s30+$0xFFFFFF90] =	vst v9  }
0x23f: {  	[tilespmem:s30+$0xFFFFFF60] =	vst v7  }
0x240: {  	[tilespmem:s30+$0xFFFFFF70] =	vst v8  }
0x241: {  	[tilespmem:s30+$0xFFFFFF80] =	vst v6  }
0x242: {  	v6 =	vld [tilespmem:s15+$0xFFFFFFC0]  }
0x243: {  	v7 =	vld [tilespmem:s15+$0xFFFFFFD0]  }
0x244: {  	v8 =	vld [tilespmem:s7+$0xFFFFFFD0]  }
0x245: {  	v9 =	vld [tilespmem:s7+$0xFFFFFFC0]  }
0x246: {  	v10 =	vld [tilespmem:s15+$0xFFFFFFE0]  }
0x247: {  	v11 =	vld [tilespmem:s7+$0xFFFFFFE0]  }
0x248: {  	v12 =	vld [tilespmem:s15+$0xFFFFFFF0]  }
0x249: {  	v13 =	vld [tilespmem:s7+$0xFFFFFFF0];
	v7 =	vadd.f32 v7, v8  }
0x24a: {  	v6 =	vadd.f32 v6, v9  }
0x24b: {  	v14 =	vmul.f32 $2.000000030e-01, v7  }
0x24c: {  	v15 =	vmul.f32 $2.000000030e-01, v6;
	v10 =	vadd.f32 v10, v11  }
0x24d: {  	v7 =	vmax.f32 v7, v14  }
0x24e: {  	v6 =	vmax.f32 v6, v15;
	v14 =	vmul.f32 $2.000000030e-01, v10;
	v12 =	vadd.f32 v12, v13  }
0x24f: {  	v7 =	vmul.f32 v7, v3;
	v6 =	vmul.f32 v6, v2  }
0x250: {  	v10 =	vmax.f32 v10, v14;
	v14 =	vmul.f32 $2.000000030e-01, v12  }
0x251: {  	v10 =	vmul.f32 v10, v4;
	v6 =	vadd.f32 v7, v6  }
0x252: {  	v7 =	vmax.f32 v12, v14  }
0x253: {  	v7 =	vmul.f32 v7, v5;
	v6 =	vadd.f32 v10, v6;
	_ =	sdelay $0x1  }
0x254: {  	v6 =	vadd.f32 v7, v6;
	_ =	sdelay $0x1  }
0x255: {  	(xrf2) =	vadd.scan.msk.f32 $0xffff, v6;
	_ =	sdelay $0x9  }
0x256: {  	v6, _, _ =	vpop (xrf2)  }
0x257: {  	v6 =	vmul.f32 $1.442695020e+00, v6;
	_ =	sdelay $0x1  }
0x258: {  	v6 =	vbroadcast v6, $0xF;
	_ =	sdelay $0x1  }
0x259: {  	(erf) = vpow2.f32 v6;
	_ =	sdelay $0x8  }
0x25a: {  	v6 =	vpop (erf)  }
0x25b: {  	v6 =	vpsel !p0, $0x0, v6  }
0x25c: {  	v7 =	vmul.f32 v6, v9;
	v8 =	vmul.f32 v6, v8;
	v9 =	vnsel vm0, $0x0, v6  }
0x25d: {  	v10 =	vmul.f32 v6, v11;
	v6 =	vmul.f32 v6, v13;
	[tilespmem:s30+$0xFFFFFFF0] =	vst v9  }
0x25e: {  	[tilespmem:s30+$0xFFFFFFB0] =	vst v7  }
0x25f: {  	[tilespmem:s30+$0xFFFFFFC0] =	vst v8  }
0x260: {  	[tilespmem:s30+$0xFFFFFFD0] =	vst v10  }
0x261: {  	[tilespmem:s30+$0xFFFFFFE0] =	vst v6  }
0x262: {  	v6 =	vld [tilespmem:s15+$0x10]  }
0x263: {  	v7 =	vld [tilespmem:s7+$0x0]  }
0x264: {  	v8 =	vld [tilespmem:s15+$0x0]  }
0x265: {  	v9 =	vld [tilespmem:s7+$0x10]  }
0x266: {  	v10 =	vld [tilespmem:s15+$0x20]  }
0x267: {  	v11 =	vld [tilespmem:s7+$0x20]  }
0x268: {  	v12 =	vld [tilespmem:s15+$0x30]  }
0x269: {  	v13 =	vld [tilespmem:s7+$0x30];
	v8 =	vadd.f32 v8, v7  }
0x26a: {  	v6 =	vadd.f32 v6, v9  }
0x26b: {  	v14 =	vmul.f32 $2.000000030e-01, v8  }
0x26c: {  	v15 =	vmul.f32 $2.000000030e-01, v6;
	v10 =	vadd.f32 v10, v11  }
0x26d: {  	v8 =	vmax.f32 v8, v14  }
0x26e: {  	v6 =	vmax.f32 v6, v15;
	v14 =	vmul.f32 $2.000000030e-01, v10;
	v12 =	vadd.f32 v12, v13  }
0x26f: {  	v8 =	vmul.f32 v8, v2;
	v6 =	vmul.f32 v6, v3  }
0x270: {  	v10 =	vmax.f32 v10, v14;
	v14 =	vmul.f32 $2.000000030e-01, v12  }
0x271: {  	v10 =	vmul.f32 v10, v4;
	v6 =	vadd.f32 v6, v8  }
0x272: {  	v8 =	vmax.f32 v12, v14  }
0x273: {  	v8 =	vmul.f32 v8, v5;
	v6 =	vadd.f32 v10, v6;
	_ =	sdelay $0x1  }
0x274: {  	v6 =	vadd.f32 v8, v6;
	_ =	sdelay $0x1  }
0x275: {  	(xrf2) =	vadd.scan.msk.f32 $0xffff, v6;
	_ =	sdelay $0x9  }
0x276: {  	v6, _, _ =	vpop (xrf2)  }
0x277: {  	v6 =	vmul.f32 $1.442695020e+00, v6;
	_ =	sdelay $0x1  }
0x278: {  	v6 =	vbroadcast v6, $0xF;
	_ =	sdelay $0x1  }
0x279: {  	(erf) = vpow2.f32 v6;
	_ =	sdelay $0x8  }
0x27a: {  	v6 =	vpop (erf)  }
0x27b: {  	v6 =	vpsel !p0, $0x0, v6  }
0x27c: {  	v7 =	vmul.f32 v6, v7;
	v8 =	vmul.f32 v6, v9;
	v9 =	vnsel vm0, $0x0, v6  }
0x27d: {  	v10 =	vmul.f32 v6, v11;
	v6 =	vmul.f32 v6, v13;
	[tilespmem:s30+$0x40] =	vst v9  }
0x27e: {  	[tilespmem:s30+$0x0] =	vst v7  }
0x27f: {  	[tilespmem:s30+$0x10] =	vst v8  }
0x280: {  	[tilespmem:s30+$0x20] =	vst v10  }
0x281: {  	[tilespmem:s30+$0x30] =	vst v6  }
0x282: {  	v10 =	vld [tilespmem:s15+$0x50]  }
0x283: {  	v6 =	vld [tilespmem:s7+$0x50]  }
0x284: {  	v8 =	vld [tilespmem:s7+$0x40]  }
0x285: {  	v11 =	vld [tilespmem:s15+$0x40]  }
0x286: {  	v7 =	vld [tilespmem:s7+$0x60]  }
0x287: {  	v12 =	vld [tilespmem:s15+$0x60]  }
0x288: {  	v9 =	vld [tilespmem:s7+$0x70];
	v10 =	vadd.f32 v10, v6  }
0x289: {  	v13 =	vld [tilespmem:s15+$0x70]  }
0x28a: {  	v11 =	vadd.f32 v11, v8;
	v14 =	vmul.f32 $2.000000030e-01, v10;
	_ =	sdelay $0x1  }
0x28b: {  	v15 =	vmul.f32 $2.000000030e-01, v11;
	v10 =	vmax.f32 v10, v14;
	v12 =	vadd.f32 v12, v7  }
0x28c: {  	v10 =	vmul.f32 v10, v3  }
0x28d: {  	v11 =	vmax.f32 v11, v15;
	v14 =	vmul.f32 $2.000000030e-01, v12;
	v13 =	vadd.f32 v13, v9  }
0x28e: {  	v11 =	vmul.f32 v11, v2  }
0x28f: {  	v12 =	vmax.f32 v12, v14;
	v14 =	vmul.f32 $2.000000030e-01, v13  }
0x290: {  	v12 =	vmul.f32 v12, v4;
	v10 =	vadd.f32 v10, v11  }
0x291: {  	v11 =	vmax.f32 v13, v14  }
0x292: {  	v11 =	vmul.f32 v11, v5;
	v10 =	vadd.f32 v12, v10;
	_ =	sdelay $0x1  }
0x293: {  	v10 =	vadd.f32 v11, v10;
	_ =	sdelay $0x1  }
0x294: {  	(xrf2) =	vadd.scan.msk.f32 $0xffff, v10;
	_ =	sdelay $0x4  }
.Ltmp2:
0x295: {  	(pc) =	sbr.rel @p1 .LBB2_7-.Ltmp2, $2  }
0x296: {  	_ =	sdelay $0x2  }
0x297: {  	s30 =	sadd.s32 $0x140, s30  }
0x298: {  	v10, _, _ =	vpop (xrf2)  }
0x299: {  	v10 =	vmul.f32 $1.442695020e+00, v10;
	_ =	sdelay $0x1  }
0x29a: {  	v10 =	vbroadcast v10, $0xF;
	_ =	sdelay $0x1  }
0x29b: {  	(erf) = vpow2.f32 v10;
	_ =	sdelay $0x8  }
0x29c: {  	v10 =	vpop (erf)  }
0x29d: {  	v10 =	vpsel !p0, $0x0, v10  }
0x29e: {  	s13 =	sadd.s32 $0x1, s13;
	v8 =	vmul.f32 v10, v8;
	v11 =	vnsel vm0, $0x0, v10  }
0x29f: {  	p0 =	sne.s32 s13, $0x29;
	v9 =	vmul.f32 v10, v9;
	[tilespmem:s11+$0x90] =	vst v11  }
.Ltmp3:
0x2a0: {  	v6 =	vmul.f32 v10, v6;
	[tilespmem:s11+$0x50] =	vst v8;
	(pc) =	sbr.rel @p0 .LBB2_4-.Ltmp3, $4  }
0x2a1: {  	v7 =	vmul.f32 v10, v7;
	[tilespmem:s11+$0x80] =	vst v9  }
0x2a2: {  	[tilespmem:s11+$0x60] =	vst v6  }
0x2a3: {  	s17 =	sadd.s32 $0x100, s17;
	s18 =	sadd.s32 $0x100, s18;
	[tilespmem:s11+$0x70] =	vst v7  }
0x2a4: {  	[spmem:s3] =	stream.indirect.scatter.add.f32 [tilespmem:s24], [sflag:$0x6], $0x50, s23, s21, $0xb8;
	[tilespmem:$0x19690] =	vst v63  }
0x2a5: {  	_ =	swait.ge [sflag:s2], $0x2000  }
0x2a6: {  	[sflag:s2] =	ssyncset.done $0x0  }
0x2a7: {  	[sflag:s2] =	ssyncadd.s32 $0xFFFFE000  }
0x2a8: {  	_ =	swait.ge [sflag:s25], $0x2000  }
0x2a9: {  	[sflag:s25] =	ssyncset.done $0x0  }
0x2aa: {  	[sflag:s25] =	ssyncadd.s32 $0xFFFFE000  }
0x2ab: {  	_ =	swait.ge [sflag:s1], $0x2800  }
0x2ac: {  	[sflag:s1] =	ssyncset.done $0x0  }
0x2ad: {  	[sflag:s1] =	ssyncadd.s32 $0xFFFFD800  }
0x2ae: {  	_ =	swait.ge [sflag:s10], $0x2800  }
0x2af: {  	[sflag:s10] =	ssyncset.done $0x0  }
0x2b0: {  	[sflag:s10] =	ssyncadd.s32 $0xFFFFD800  }
0x2b1: {  	s0 =	stileid.u32;
	[bflag:$0x0] =	sbarrier.arrive $0xFFFF  }
0x2b2: {  	s0 =	sshll.u32 s0, $0x6;
	s15 =	rddreg [dreg:$0x4]  }
0x2b3: {  	s0 =	sor.u32 $0x1C07, s0;
	s11 =	rddreg [dreg:$0xa];
	s7 =	sshrl.u32 s15, $0x3  }
0x2b4: {  	[hbm:s11], [sflag:s0] =	dma.local [spmem:s7], $0x186A  }
0x2b5: {  	_ =	swait.ge [sflag:s20], $0x186A  }
0x2b6: {  	s30 =	rddreg [dreg:$0xe]  }
0x2b7: {  	s31 =	rddreg [dreg:$0xb];
	s7 =	sadd.s32 $0x1, s30  }
0x2b8: {  	p0 =	sne.s32 s7, s31  }
.Ltmp4:
0x2b9: {  	_ = 	snop;
	(pc) =	sbr.rel @p0 .LBB2_1-.Ltmp4, $3  }
0x2ba: {  	_ =	sdelay $0x1  }
0x2bb: {  	[sflag:s20] =	ssyncset.done $0x0  }
0x2bc: {  	[sflag:s20] =	ssyncadd.s32 $0xFFFFE796  }
0x2bd: {  	_ =	sfence.sel $0x180000  }
0x2be: {  	[bflag:$0x0] =	sbarrier.arrive $0xFFFF  }
0x2bf: {  	_ =	strace $0x9000004A  }
0x2c0: {  	s0 =	stileid.u32;
	[bflag:$0x2] =	sbarrier.arrive $0xFFFF  }
0x2c1: {  	p0 =	sne.s32 s0, $0x0;
	s0 =	rddreg [dreg:$0x3]  }
0x2c2: {  	s0 =	sadd.s32 @!p0 $0x100000, s0  }
0x2c3: {  	[sflag:s0] =	ssyncadd.tile.s32 @!p0 $0x1;
	_ =	shalt  }
.Lfunc_end2:
_tile_overlayer_lowered:
.L_overlay_start_2:
0x2c4: {  	(tag) =	ssettag $0x2  }
0x2c5: {  	s0 =	rddreg [dreg:$0x0];
	s2 =	stileid.u32  }
0x2c6: {  	s1 =	rddreg [dreg:$0x1];
	p0 =	sne.s32 s2, $0x0  }
0x2c7: {  	s3 =	rddreg [dreg:$0x2];
	[bflag:$0x3] =	sbarrier.arrive $0xFFFF;
	s2 =	simm.s32 @!p0 $0x1C07  }
0x2c8: {  	[timem:s3], [sflag:s2] =	dma.local @!p0 [hbm:s0], s1  }
0x2c9: {  	s0 =	simm.s32 @!p0 $0x7  }
0x2ca: {  	_ =	swait.ge @!p0 [sflag:s0], s1  }
0x2cb: {  	s1 =	ssub.s32 @!p0 $0x0, s1;
	[sflag:s0] =	ssyncset.done @!p0 $0x0  }
0x2cc: {  	[sflag:s0] =	ssyncadd.s32 @!p0 s1  }
0x2cd: {  	[bflag:$0x3] =	sbarrier.arrive $0xFFFF  }
0x2ce: {  	_ =	shalt  }

// kernel: kernel.7.cloned.1.call-start
scs
__scs_entry_jumppad:
0x0: {  	(pc) =	sbr.rel $0x88, $3  }
0x1: {  	(tag) =	ssettag $0x0;
	lr =	simm.s32 $0x1  }
0x2: {  	[smem:$0x3F90] =	sst lr;
	_ =	strace $0xD0000000  }
0x3: {  	_ = 	snop  }
0x4: {  	_ = 	snop  }
0x5: {  	_ = 	snop  }
0x6: {  	_ = 	snop  }
0x7: {  	_ = 	snop  }
__scs_overlays_trampoline_lowered:
0x8: {  	[smem:$0x3F9F] =	sst s0  }
0x9: {  	[smem:$0x3FA0] =	sst s1  }
0xa: {  	[smem:$0x3FA1] =	sst s2  }
0xb: {  	[smem:$0x3FA2] =	sst s3  }
0xc: {  	[smem:$0x3FA3] =	sst s4  }
0xd: {  	[smem:$0x3FA4] =	sst s5  }
0xe: {  	[smem:$0x3FA5] =	sst s6  }
0xf: {  	[smem:$0x3FA6] =	sst s7  }
0x10: {  	[smem:$0x3FA7] =	sst s8  }
0x11: {  	[smem:$0x3FA8] =	sst s9;
	s0 =	simm.s32 @!p0 $0x0  }
0x12: {  	s1 =	sld [smem:$0x3F8E];
	s0 =	simm.s32 @p0 $0x1  }
0x13: {  	[smem:$0x3FA9] =	sst s0;
	s0 =	simm.s32 @!p1 $0x0  }
0x14: {  	s2 =	sld [smem:$0x3F8D];
	s0 =	simm.s32 @p1 $0x1  }
0x15: {  	[smem:$0x3FAA] =	sst s0;
	s0 =	simm.s32 @!p2 $0x0  }
0x16: {  	s3 =	sld [smem:$0x3FDB];
	s0 =	simm.s32 @p2 $0x1  }
0x17: {  	s4 =	simm.s32 $0x1BF5;
	[smem:$0x3FAC] =	sst s0  }
0x18: {  	s0 =	sld [smem:$0x3F8F];
	_ =	swait.ge [sflag:s4], $0x0  }
0x19: {  	s7 =	sld [smem:$0x3F90]  }
0x1a: {  	s8 =	sadd.s32 $0xFFFFE003, lr  }
0x1b: {  	s9 =	sadd.s32 $0xFFFFFEF7, lr;
	s5 =	simm.s32 $0xFFFFFFFF;
	p2 =	slt.u32 s8, $0xFFFFF086  }
0x1c: {  	p1 =	slt.u32 s9, $0xF7A;
	s5 =	simm.s32 @!p2 $0x0  }
0x1d: {  	s5 =	simm.s32 @p1 $0x1;
	p0 =	seq.s32 s7, s2  }
0x1e: {  	s7 =	smul.u32 @!p0 $0xF7A, s2;
	p2 =	seq.s32 @!p0 s5, $0x0  }
0x1f: {  	s9 =	smul.u32 $0xF7A, s1;
	s8 =	simm.s32 @!p0 $0x1BF5;
	p2 =	por !p2, p0  }
0x20: {  	[sflag:s8] =	ssyncset.s32 @!p0 $0xFFFFF086;
	s6 =	sadd.s32 @!p0 s3, s7;
	s7 =	simm.s32 @!p0 $0x108  }
0x21: {  	s3 =	sadd.s32 s3, s9;
	s6 =	sadd.s32 @!p0 $0x88, s6;
	s7 =	simm.s32 @p2 $0x1082  }
0x22: {  	[simem:s7], [sflag:s8] =	dma.local @!p0 [hbm:s6], $0xF7A  }
0x23: {  	s9 =	sor.u32 $0xD0000000, s2;
	s6 =	simm.s32 $0x108;
	_ =	swait.ge @!p0 [sflag:s8], $0x0  }
0x24: {  	s3 =	sadd.s32 $0x88, s3;
	s6 =	simm.s32 @!p1 $0x1082;
	[sflag:s4] =	ssyncset.s32 $0xFFFFF086  }
0x25: {  	[simem:s6], [sflag:s4] =	dma.local [hbm:s3], $0xF7A  }
0x26: {  	[smem:$0x3F90] =	sst s1;
	(tag) =	ssettag s2;
	_ =	strace s9  }
0x27: {  	s1 =	sld [smem:$0x3FA0]  }
0x28: {  	s2 =	sld [smem:$0x3FA1]  }
0x29: {  	s4 =	sld [smem:$0x3FA3]  }
0x2a: {  	p0 =	seq.s32 s5, $0x0;
	s5 =	sld [smem:$0x3FA4]  }
0x2b: {  	s6 =	sld [smem:$0x3FA5]  }
0x2c: {  	s7 =	sld [smem:$0x3FA6]  }
0x2d: {  	s3 =	simm.s32 $0x108;
	s8 =	sld [smem:$0x3FA7]  }
0x2e: {  	s3 =	simm.s32 @!p0 $0x1082;
	s9 =	sld [smem:$0x3FA8]  }
0x2f: {  	lr =	sadd.s32 s0, s3;
	s0 =	sld [smem:$0x3F9F]  }
0x30: {  	s3 =	sld [smem:$0x3FA2]  }
0x31: {  	[smem:$0x3FAB] =	sst s10  }
0x32: {  	s10 =	sld [smem:$0x3FA9];
	_ =	sdelay $0x3  }
0x33: {  	p0 =	seq.s32 s10, $0x1;
	s10 =	sld [smem:$0x3FAB];
	_ =	sdelay $0x3  }
0x34: {  	[smem:$0x3FAB] =	sst s10  }
0x35: {  	s10 =	sld [smem:$0x3FAA];
	_ =	sdelay $0x3  }
0x36: {  	p1 =	seq.s32 s10, $0x1;
	s10 =	sld [smem:$0x3FAB];
	_ =	sdelay $0x3  }
0x37: {  	[smem:$0x3FAB] =	sst s10  }
0x38: {  	s10 =	sld [smem:$0x3FAC]  }
0x39: {  	_ = 	snop;
	(pc) =	sbr.ind lr, $3  }
0x3a: {  	_ = 	snop  }
0x3b: {  	_ = 	snop  }
0x3c: {  	p2 =	seq.s32 s10, $0x1;
	s10 =	sld [smem:$0x3FAB]  }
0x3d: {  	_ =	shalt  }
0x3e: {  	_ =	shalt  }
0x3f: {  	_ =	shalt  }
0x40: {  	_ =	shalt  }
0x41: {  	_ =	shalt  }
0x42: {  	_ =	shalt  }
0x43: {  	_ =	shalt  }
0x44: {  	_ =	shalt  }
0x45: {  	_ =	shalt  }
0x46: {  	_ =	shalt  }
0x47: {  	_ =	shalt  }
0x48: {  	_ =	shalt  }
0x49: {  	_ =	shalt  }
0x4a: {  	_ =	shalt  }
0x4b: {  	_ =	shalt  }
0x4c: {  	_ =	shalt  }
0x4d: {  	_ =	shalt  }
0x4e: {  	_ =	shalt  }
0x4f: {  	_ =	shalt  }
0x50: {  	_ =	shalt  }
0x51: {  	_ =	shalt  }
0x52: {  	_ =	shalt  }
0x53: {  	_ =	shalt  }
0x54: {  	_ =	shalt  }
0x55: {  	_ =	shalt  }
0x56: {  	_ =	shalt  }
0x57: {  	_ =	shalt  }
0x58: {  	_ =	shalt  }
0x59: {  	_ =	shalt  }
0x5a: {  	_ =	shalt  }
0x5b: {  	_ =	shalt  }
0x5c: {  	_ =	shalt  }
0x5d: {  	_ =	shalt  }
0x5e: {  	_ =	shalt  }
0x5f: {  	_ =	shalt  }
0x60: {  	_ =	shalt  }
0x61: {  	_ =	shalt  }
0x62: {  	_ =	shalt  }
0x63: {  	_ =	shalt  }
0x64: {  	_ =	shalt  }
0x65: {  	_ =	shalt  }
0x66: {  	_ =	shalt  }
0x67: {  	_ =	shalt  }
0x68: {  	_ =	shalt  }
0x69: {  	_ =	shalt  }
0x6a: {  	_ =	shalt  }
0x6b: {  	_ =	shalt  }
0x6c: {  	_ =	shalt  }
0x6d: {  	_ =	shalt  }
0x6e: {  	_ =	shalt  }
0x6f: {  	_ =	shalt  }
0x70: {  	_ =	shalt  }
0x71: {  	_ =	shalt  }
0x72: {  	_ =	shalt  }
0x73: {  	_ =	shalt  }
0x74: {  	_ =	shalt  }
0x75: {  	_ =	shalt  }
0x76: {  	_ =	shalt  }
0x77: {  	_ =	shalt  }
0x78: {  	_ =	shalt  }
0x79: {  	_ =	shalt  }
0x7a: {  	_ =	shalt  }
0x7b: {  	_ =	shalt  }
0x7c: {  	_ =	shalt  }
0x7d: {  	_ =	shalt  }
0x7e: {  	_ =	shalt  }
0x7f: {  	_ =	shalt  }
0x80: {  	_ =	shalt  }
0x81: {  	_ =	shalt  }
0x82: {  	_ =	shalt  }
0x83: {  	_ =	shalt  }
0x84: {  	_ =	shalt  }
0x85: {  	_ =	shalt  }
0x86: {  	_ =	shalt  }
0x87: {  	_ =	shalt  }
.Lfunc_end0:
.L_simem_size_0:
called_computation_lowered:
.L_overlay_start_0:
0x88: {  	s2 =	sld [smem:$0x3FD9]  }
0x89: {  	s3 =	sld [smem:$0x3FFE];
	_ =	sdelay $0x1  }
0x8a: {  	s1 =	srdreg.scid  }
0x8b: {  	s0 =	sand.u32 $0x1, s1  }
0x8c: {  	s17 =	sshll.u32 s0, $0xA;
	s2 =	sadd.s32 s3, s2  }
0x8d: {  	s2 =	sadd.s32 s2, s17  }
0x8e: {  	[smem:$0x3FB7] =	sst s2  }
0x8f: {  	_ = 	snop  }
0x90: {  	s2 =	sld [smem:$0x3FD0];
	(tm) =	ssettm $0x1  }
0x91: {  	s18 =	sld [smem:$0x3FFB];
	_ =	sdelay $0x3  }
0x92: {  	_ =	strace s18  }
0x93: {  	s3 =	sld [smem:$0x3FFC];
	_ =	sdelay $0x3  }
0x94: {  	_ =	strace s3  }
0x95: {  	s3 =	sld [smem:$0x3FFD];
	_ =	sdelay $0x3  }
0x96: {  	_ =	strace s3  }
0x97: {  	_ =	strace $0x8FFFFFFF  }
0x98: {  	s19 =	sld [smem:$0x3FDB];
	_ =	sdelay $0x1  }
0x99: {  	s4 =	simm.s32 $_scs_section_size  }
0x9a: {  	s5 =	simm.s32 $_size__tile_overlayer_lowered;
	s6 =	simm.s32 $_tile_overlayer_lowered  }
0x9b: {  	s22 =	simm.s32 $0x1BFF;
	s21 =	sshll.u32 s6, $0x1;
	s3 =	sadd.s32 s4, s19  }
0x9c: {  	s7 =	simm.s32 $0x0;
	s20 =	sshll.u32 s5, $0x1;
	s5 =	sadd.s32 s21, s3  }
0x9d: {  	[timem:s7], [sflag:s22] =	dma.local [hbm:s5], s20  }
0x9e: {  	_ =	swait.ge [sflag:s22], s20  }
0x9f: {  	s4 =	ssub.s32 $0x0, s20;
	[sflag:s22] =	ssyncset.done $0x0  }
0xa0: {  	[sflag:s22] =	ssyncadd.s32 s4;
	_ =	sdelay $0x1  }
0xa1: {  	s23 =	simm.s32 $0x1B8B  }
0xa2: {  	_ =	swait.ge [sflag:s23], $0x1  }
0xa3: {  	[sflag:s23] =	ssyncset.done $0x0  }
0xa4: {  	s25 =	simm.s32 $0x1B8E;
	s24 =	sld [smem:$0x3FFE];
	[sflag:s23] =	ssyncadd.s32 $0xFFFFFFFF  }
0xa5: {  	s26 =	simm.s32 $execute0_lowered;
	[smem:$0x3FD2] =	sst s25  }
0xa6: {  	s5 =	sshll.u32 s26, $0x1;
	_ =	strace $0x80000046;
	[dreg:$0x1] =	wrdreg $0xFFFFFFFF  }
0xa7: {  	s28 =	simm.s32 $_size_execute0_lowered;
	s3 =	sadd.s32 s3, s5;
	[dreg:$0x0] =	wrdreg $0x0  }
0xa8: {  	s5 =	sshll.u32 s28, $0x1;
	[dreg:$0x2] =	wrdreg s3  }
0xa9: {  	[dreg:$0x3] =	wrdreg s5  }
0xaa: {  	[dreg:$0x4] =	wrdreg $0xC0  }
0xab: {  	_ =	task [dreg:s7], $0x5FFFF  }
0xac: {  	[dreg:$0x1] =	wrdreg $0xFFFFFFFF  }
0xad: {  	[dreg:$0x0] =	wrdreg $0x60  }
0xae: {  	[dreg:$0x2] =	wrdreg s24  }
0xaf: {  	[dreg:$0x3] =	wrdreg s2  }
0xb0: {  	[dreg:$0x4] =	wrdreg $0xD5800  }
0xb1: {  	[dreg:$0x5] =	wrdreg $0x9  }
0xb2: {  	_ =	task.clear_ibuf [dreg:s7], $0x6FFFF;
	_ =	strace $0x90000046  }
0xb3: {  	s29 =	simm.s32 $0x9;
	_ =	strace $0x80000048  }
0xb4: {  	_ =	swait.ge [sflag:s29], $0x1  }
0xb5: {  	[sflag:s29] =	ssyncadd.s32 $0xFFFFFFFF  }
0xb6: {  	_ =	strace $0x90000048  }
0xb7: {  	_ =	sfence  }
0xb8: {  	s30 =	sld [smem:$0x0];
	_ =	sdelay $0x2  }
0xb9: {  	s31 =	sshll.u32 s1, $0xD;
	s1 =	sshrl.u32 s1, $0x2  }
0xba: {  	s3 =	sand.u32 $0x4000, s31;
	s1 =	sadd.s32 s1, s30  }
0xbb: {  	s0 =	sor.u32 s3, s0;
	s1 =	sshll.u32 s1, $0x11  }
0xbc: {  	s0 =	sor.u32 s1, s0  }
0xbd: {  	s0 =	sadd.s32 $0x8F2B, s0  }
0xbe: {  	[sflag:s0] =	ssyncadd.remote.s32 $0x1  }
0xbf: {  	_ =	sfence.sel $0xFFFF  }
0xc0: {  	[dreg:$0x0] =	wrdreg $0xFFFFFFFF;
	(pc) =	sbr.abs _section_cstart, $3  }
0xc1: {  	[dreg:$0x1] =	wrdreg $0xFFFFFFFF  }
0xc2: {  	_ =	task.clear_ibuf [dreg:s7], $0x2FFFF;
	_ =	strace $0x9FFFFFFF  }
0xc3: {  	(tm) =	ssettm $0x7FFFFFFF  }
tec
execute0_lowered:
.L_overlay_start_1:
0x0: {  	(tag) =	ssettag $0x1  }
0x1: {  	s0 =	rddreg [dreg:$0x0]  }
0x2: {  	s3 =	rddreg [dreg:$0x2];
	s13 =	stileid.u32  }
0x3: {  	s4 =	simm.s32 $0x0;
	s2 =	srdreg.scid;
	s28 =	simm.s32 $0x200  }
0x4: {  	s29 =	simm.s32 $0x400;
	s30 =	simm.s32 $0x280;
	s1 =	smul.u32 $0x1480, s13  }
0x5: {  	s31 =	simm.s32 $0x2400;
	s15 =	simm.s32 $0x3;
	s7 =	smul.u32 $0xC350, s13  }
0x6: {  	s17 =	simm.s32 $0x4;
	s18 =	simm.s32 $0x6;
	s9 =	smul.u32 $0x30D40, s13  }
0x7: {  	[smem:$0x7FF] =	sst s4;
	s2 =	sand.u32 $0x1, s2;
	s12 =	smul.u32 $0xA4, s13  }
0x8: {  	s5 =	sadd.s32 $0x17A00, s0;
	s6 =	sadd.s32 $0x3EC00, s0;
	s23 =	smul.u32 $0x5200, s13  }
0x9: {  	s16 =	sadd.s32 $0x3020, s0;
	_ =	strace $0x80000047;
	s8 =	smul.u32 $0xC3500, s2  }
0xa: {  	s10 =	ssub.s32 $0x2, s2;
	s22 =	sshll.u32 s2, $0x6;
	s1 =	sadd.s32 s1, s0  }
0xb: {  	s11 =	sshrl.u32 s10, $0x1;
	s9 =	sshrl.u32 s9, $0x2;
	[dreg:$0x9] =	wrdreg s22  }
0xc: {  	[dreg:$0xa] =	wrdreg s23;
	s26 =	sor.u32 $0x80, s23;
	s22 =	simm.s32 $0x80  }
0xd: {  	s8 =	sadd.s32 s7, s8;
	s1 =	sadd.s32 $0x3000, s1;
	[dreg:$0xe] =	wrdreg s26  }
0xe: {  	s9 =	sadd.s32 s9, s3;
	s7 =	sadd.s32 s7, s3;
	[dreg:$0xb] =	wrdreg s1  }
0xf: {  	s10 =	ssub.s32 s10, s11;
	s19 =	sadd.s32 $0x2800, s9;
	[dreg:$0x4] =	wrdreg s7  }
0x10: {  	s11 =	simm.s32 $0x5;
	s20 =	sadd.s32 $0x5000, s9;
	[dreg:$0x5] =	wrdreg s19  }
0x11: {  	s8 =	sshrl.u32 s8, $0x3;
	s21 =	sadd.s32 $0x7800, s9;
	[dreg:$0x6] =	wrdreg s20  }
0x12: {  	s9 =	sadd.s32 $0xA000, s9;
	s25 =	smax.u32 s10, $0x1;
	[dreg:$0x7] =	wrdreg s21  }
0x13: {  	s10 =	simm.s32 $0x2;
	s1 =	simm.s32 $0x0;
	[dreg:$0x8] =	wrdreg s9  }
0x14: {  	s8 =	sadd.s32 s8, s0;
	[dreg:$0xd] =	wrdreg s25;
	s20 =	simm.s32 $0x8500  }
0x15: {  	v1 =	vimm.f32 $0.0e+00;
	s21 =	simm.s32 $0x7;
	s25 =	simm.s32 $0xAD00;
	s24 =	sadd.s32 $0x65E00, s8  }
0x16: {  	v2 =	vimm.s32 $0x0;
	vm0 =	vmmov $0x1;
	v0 =	vmov s2;
	s9 =	simm.s32 $0x1;
	[dreg:$0xc] =	wrdreg s24;
	s24 =	simm.s32 $0x8480  }
.LBB2_1:
0x17: {  	[dreg:$0xf] =	wrdreg s1;
	s0 =	simm.s32 $0x0;
	s1 =	simm.s32 $0x140  }
.LBB2_2:
0x18: {  	p0 =	sne.s32 s1, $0x9EC0;
	[tilespmem:s0+$0xAD40] =	vst v1  }
0x19: {  	[tilespmem:s0+$0x8500] =	vst v1  }
0x1a: {  	[tilespmem:s0+$0xAD00] =	vst v1  }
0x1b: {  	[tilespmem:s0+$0x8510] =	vst v1  }
0x1c: {  	[tilespmem:s0+$0xAD10] =	vst v1  }
.Ltmp0:
0x1d: {  	[tilespmem:s0+$0x8520] =	vst v1;
	(pc) =	sbr.rel @p0 .LBB2_2-.Ltmp0, $4  }
0x1e: {  	[tilespmem:s0+$0xAD20] =	vst v1  }
0x1f: {  	[tilespmem:s0+$0x8530] =	vst v1  }
0x20: {  	[tilespmem:s0+$0xAD30] =	vst v1  }
0x21: {  	[tilespmem:s0+$0x8540] =	vst v1;
	s0 =	sshra.s32 s1, $0x2;
	s1 =	sadd.s32 $0x140, s1  }
0x22: {  	[tilespmem:s0+$0xAD40] =	vst v1  }
0x23: {  	[tilespmem:s0+$0x8500] =	vst v1  }
0x24: {  	[tilespmem:s0+$0xAD00] =	vst v1  }
0x25: {  	[tilespmem:s0+$0x8510] =	vst v1  }
0x26: {  	[tilespmem:s0+$0xAD10] =	vst v1  }
0x27: {  	[tilespmem:s0+$0x8520] =	vst v1  }
0x28: {  	[tilespmem:s0+$0xAD20] =	vst v1  }
0x29: {  	[tilespmem:s0+$0x8530] =	vst v1  }
0x2a: {  	[tilespmem:s0+$0xAD30] =	vst v1  }
0x2b: {  	[tilespmem:s0+$0x8540] =	vst v1  }
0x2c: {  	[tilespmem:$0x8400] =	vst v2  }
0x2d: {  	[tilespmem:$0x8480] =	vst v2  }
0x2e: {  	[tilespmem:$0x8410] =	vst v2  }
0x2f: {  	[tilespmem:$0x8490] =	vst v2  }
0x30: {  	[tilespmem:$0x8420] =	vst v2  }
0x31: {  	[tilespmem:$0x84A0] =	vst v2  }
0x32: {  	[tilespmem:$0x8430] =	vst v2  }
0x33: {  	[tilespmem:$0x84B0] =	vst v2  }
0x34: {  	[tilespmem:$0x8440] =	vst v2  }
0x35: {  	[tilespmem:$0x84C0] =	vst v2  }
0x36: {  	[tilespmem:$0x8450] =	vst v2  }
0x37: {  	[tilespmem:$0x84D0] =	vst v2  }
0x38: {  	[tilespmem:$0x8460] =	vst v2  }
0x39: {  	[tilespmem:$0x84E0] =	vst v2  }
0x3a: {  	[tilespmem:$0x8470] =	vst v2  }
0x3b: {  	[tilespmem:$0x84F0] =	vst v2  }
0x3c: {  	[spmem:s7] =	stream.linear.scatter [tilespmem:s20], [sflag:$0x7], $0x2800, $0x38;
	[tilespmem:$0x198D0] =	vst v63  }
0x3d: {  	_ =	swait.ge [sflag:s21], $0x2800  }
0x3e: {  	[sflag:s21] =	ssyncset.done $0x0  }
0x3f: {  	s2 =	rddreg [dreg:$0x5];
	[sflag:s21] =	ssyncadd.s32 $0xFFFFD800  }
0x40: {  	[spmem:s2] =	stream.linear.scatter [tilespmem:s20], [sflag:$0x7], $0x2800, $0x38;
	[tilespmem:$0x198D0] =	vst v63  }
0x41: {  	_ =	swait.ge [sflag:s21], $0x2800  }
0x42: {  	[sflag:s21] =	ssyncset.done $0x0  }
0x43: {  	s7 =	rddreg [dreg:$0x6];
	[sflag:s21] =	ssyncadd.s32 $0xFFFFD800  }
0x44: {  	[spmem:s7] =	stream.linear.scatter [tilespmem:s20], [sflag:$0x7], $0x2800, $0x38;
	[tilespmem:$0x198D0] =	vst v63  }
0x45: {  	_ =	swait.ge [sflag:s21], $0x2800  }
0x46: {  	[sflag:s21] =	ssyncset.done $0x0  }
0x47: {  	s8 =	rddreg [dreg:$0x7];
	[sflag:s21] =	ssyncadd.s32 $0xFFFFD800  }
0x48: {  	[spmem:s8] =	stream.linear.scatter [tilespmem:s20], [sflag:$0x7], $0x2800, $0x38;
	[tilespmem:$0x198D0] =	vst v63  }
0x49: {  	_ =	swait.ge [sflag:s21], $0x2800  }
0x4a: {  	[sflag:s21] =	ssyncset.done $0x0  }
0x4b: {  	s13 =	rddreg [dreg:$0x8];
	[sflag:s21] =	ssyncadd.s32 $0xFFFFD800  }
0x4c: {  	[spmem:s13] =	stream.linear.scatter [tilespmem:s20], [sflag:$0x7], $0x2350, $0x38;
	[tilespmem:$0x198D0] =	vst v63  }
0x4d: {  	_ =	swait.ge [sflag:s21], $0x2350  }
0x4e: {  	[sflag:s21] =	ssyncset.done $0x0  }
0x4f: {  	[sflag:s21] =	ssyncadd.s32 $0xFFFFDCB0  }
0x50: {  	s14 =	simm.s32 $0x8400;
	[bflag:$0x0] =	sbarrier.arrive $0xFFFF  }
0x51: {  	[spmem:s3] =	stream.indirect.scatter.add.f32 [tilespmem:s20], [sflag:$0x5], $0x50, s14, s22, $0xb8;
	[tilespmem:$0x198D0] =	vst v63  }
0x52: {  	_ = 	snop  }
0x53: {  	[spmem:s3] =	stream.indirect.scatter.add.f32 [tilespmem:s25], [sflag:$0x6], $0x50, s24, s22, $0xb8;
	[tilespmem:$0x198D0] =	vst v63  }
0x54: {  	s1 =	simm.s32 $0xD500;
	s14 =	simm.s32 $0x0;
	s19 =	rddreg [dreg:$0x1]  }
0x55: {  	[tilespmem:s1], [sflag:$0x7] =	stream.linear.gather [hbm4b:s19+s14], $0x80, $0x38;
	[tilespmem:$0x198D0] =	vst v63  }
0x56: {  	_ =	swait.ge [sflag:s21], $0x80  }
0x57: {  	[sflag:s21] =	ssyncset.done $0x0  }
0x58: {  	s23 =	rddreg [dreg:$0x9];
	[sflag:s21] =	ssyncadd.s32 $0xFFFFFF80  }
0x59: {  	v3 =	vld [tilespmem:s23+$0xD500]  }
0x5a: {  	v4 =	vld [tilespmem:s23+$0xD510]  }
0x5b: {  	s26 =	rddreg [dreg:$0xb];
	v5 =	vld [tilespmem:s23+$0xD520]  }
0x5c: {  	v6 =	vld [tilespmem:s23+$0xD530];
	[tilespmem:s14], [sflag:$0x7] =	stream.linear.gather [hbm4b:s26+s14], $0x100, $0x38  }
0x5d: {  	_ =	swait.ge [sflag:s21], $0x100  }
0x5e: {  	[sflag:s21] =	ssyncset.done $0x0  }
0x5f: {  	[sflag:s21] =	ssyncadd.s32 $0xFFFFFF00  }
0x60: {  	v7 =	vld [tilespmem:$0x0]  }
0x61: {  	v8 =	vld [tilespmem:$0x80]  }
0x62: {  	v9 =	vld [tilespmem:$0x10]  }
0x63: {  	v10 =	vld [tilespmem:$0x90]  }
0x64: {  	v11 =	vld [tilespmem:$0x20]  }
0x65: {  	v12 =	vld [tilespmem:$0xA0];
	v7 =	vshll.u32 v7, $0x1  }
0x66: {  	v13 =	vld [tilespmem:$0x30];
	v8 =	vshll.u32 v8, $0x1;
	v7 =	vor.u32 v0, v7  }
0x67: {  	v55 =	vld [tilespmem:$0xB0];
	[tilespmem:$0x200] =	vst v7;
	v7 =	vor.u32 v0, v8;
	v8 =	vshll.u32 v9, $0x1  }
0x68: {  	v56 =	vld [tilespmem:$0x40];
	[tilespmem:$0x280] =	vst v7;
	v7 =	vor.u32 v0, v8;
	v8 =	vshll.u32 v10, $0x1  }
0x69: {  	v57 =	vld [tilespmem:$0xC0];
	[tilespmem:$0x210] =	vst v7;
	v7 =	vor.u32 v0, v8;
	v8 =	vshll.u32 v11, $0x1  }
0x6a: {  	v58 =	vld [tilespmem:$0x50];
	[tilespmem:$0x290] =	vst v7;
	v7 =	vor.u32 v0, v8;
	v8 =	vshll.u32 v12, $0x1  }
0x6b: {  	v59 =	vld [tilespmem:$0xD0];
	[tilespmem:$0x220] =	vst v7;
	v7 =	vor.u32 v0, v8;
	v8 =	vshll.u32 v13, $0x1  }
0x6c: {  	v60 =	vld [tilespmem:$0x60];
	[tilespmem:$0x2A0] =	vst v7;
	v7 =	vor.u32 v0, v8;
	v8 =	vshll.u32 v55, $0x1  }
0x6d: {  	v61 =	vld [tilespmem:$0xE0];
	[tilespmem:$0x230] =	vst v7;
	v7 =	vor.u32 v0, v8;
	v8 =	vshll.u32 v56, $0x1  }
0x6e: {  	v62 =	vld [tilespmem:$0x70];
	[tilespmem:$0x2B0] =	vst v7;
	v7 =	vor.u32 v0, v8;
	v8 =	vshll.u32 v57, $0x1  }
0x6f: {  	v63 =	vld [tilespmem:$0xF0];
	[tilespmem:$0x240] =	vst v7;
	v7 =	vor.u32 v0, v8;
	v8 =	vshll.u32 v58, $0x1  }
0x70: {  	[tilespmem:$0x2C0] =	vst v7;
	v7 =	vor.u32 v0, v8;
	v8 =	vshll.u32 v59, $0x1  }
0x71: {  	[tilespmem:$0x250] =	vst v7;
	v7 =	vor.u32 v0, v8;
	v8 =	vshll.u32 v60, $0x1  }
0x72: {  	[tilespmem:$0x2D0] =	vst v7;
	v7 =	vor.u32 v0, v8;
	v8 =	vshll.u32 v61, $0x1  }
0x73: {  	[tilespmem:$0x260] =	vst v7;
	v7 =	vor.u32 v0, v8;
	v8 =	vshll.u32 v62, $0x1  }
0x74: {  	[tilespmem:$0x2E0] =	vst v7;
	v7 =	vor.u32 v0, v8;
	v8 =	vshll.u32 v63, $0x1  }
0x75: {  	[tilespmem:$0x270] =	vst v7;
	v7 =	vor.u32 v0, v8  }
0x76: {  	s7 =	rddreg [dreg:$0xe];
	[tilespmem:$0x2F0] =	vst v7  }
0x77: {  	[tilespmem:s29], [sflag:$0x1] =	stream.indirect.gather [hbm4b:s5+s22], $0x40, s28, s22, $0xb8;
	[tilespmem:$0x198D0] =	vst v63  }
0x78: {  	s13 =	rddreg [dreg:$0xa]  }
0x79: {  	[tilespmem:s31], [sflag:$0x2] =	stream.indirect.gather [hbm4b:s6+s22], $0x40, s30, s22, $0xb8;
	[tilespmem:$0x198D0] =	vst v63  }
.LBB2_4:
0x7a: {  	s19 =	sshll.u32 s14, $0x1  }
0x7b: {  	s0 =	sadd.s32 s12, s19  }
0x7c: {  	s0 =	sshll.u32 s0, $0x5  }
0x7d: {  	s1 =	simm.s32 $0x100;
	s0 =	sadd.s32 s0, s16  }
0x7e: {  	[tilespmem:s1], [sflag:$0x7] =	stream.linear.gather [hbm4b:s0+s4], $0x100, $0x38;
	[tilespmem:$0x198D0] =	vst v63  }
0x7f: {  	_ =	swait.ge [sflag:s21], $0x100  }
0x80: {  	[sflag:s21] =	ssyncset.done $0x0  }
0x81: {  	[sflag:s21] =	ssyncadd.s32 $0xFFFFFF00  }
0x82: {  	v7 =	vld [tilespmem:$0x100]  }
0x83: {  	v8 =	vld [tilespmem:$0x180]  }
0x84: {  	v9 =	vld [tilespmem:$0x110]  }
0x85: {  	v10 =	vld [tilespmem:$0x190]  }
0x86: {  	v11 =	vld [tilespmem:$0x120]  }
0x87: {  	v12 =	vld [tilespmem:$0x1A0];
	v7 =	vshll.u32 v7, $0x1  }
0x88: {  	v13 =	vld [tilespmem:$0x130];
	v8 =	vshll.u32 v8, $0x1;
	v7 =	vor.u32 v0, v7  }
0x89: {  	[tilespmem:$0x300] =	vst v7;
	v7 =	vor.u32 v0, v8;
	v8 =	vshll.u32 v9, $0x1;
	v9 =	vld [tilespmem:$0x1B0]  }
0x8a: {  	[tilespmem:$0x380] =	vst v7;
	v7 =	vor.u32 v0, v8;
	v8 =	vshll.u32 v10, $0x1;
	v10 =	vld [tilespmem:$0x140]  }
0x8b: {  	[tilespmem:$0x310] =	vst v7;
	v7 =	vor.u32 v0, v8;
	v8 =	vshll.u32 v11, $0x1;
	v11 =	vld [tilespmem:$0x1C0]  }
0x8c: {  	v35 =	vld [tilespmem:$0x150];
	[tilespmem:$0x390] =	vst v7;
	v7 =	vor.u32 v0, v8;
	v8 =	vshll.u32 v12, $0x1  }
0x8d: {  	v36 =	vld [tilespmem:$0x1D0];
	[tilespmem:$0x320] =	vst v7;
	v7 =	vor.u32 v0, v8;
	v8 =	vshll.u32 v13, $0x1  }
0x8e: {  	[tilespmem:$0x3A0] =	vst v7;
	v7 =	vor.u32 v0, v8;
	v8 =	vshll.u32 v9, $0x1;
	v9 =	vld [tilespmem:$0x160]  }
0x8f: {  	[tilespmem:$0x330] =	vst v7;
	v7 =	vor.u32 v0, v8;
	v8 =	vshll.u32 v10, $0x1;
	v10 =	vld [tilespmem:$0x1E0]  }
0x90: {  	[tilespmem:$0x3B0] =	vst v7;
	v7 =	vor.u32 v0, v8;
	v8 =	vshll.u32 v11, $0x1;
	v11 =	vld [tilespmem:$0x170]  }
0x91: {  	v37 =	vld [tilespmem:$0x1F0];
	[tilespmem:$0x340] =	vst v7;
	v7 =	vor.u32 v0, v8;
	v8 =	vshll.u32 v35, $0x1  }
0x92: {  	[tilespmem:$0x3C0] =	vst v7;
	v7 =	vor.u32 v0, v8;
	v8 =	vshll.u32 v36, $0x1  }
0x93: {  	[tilespmem:$0x350] =	vst v7;
	v7 =	vor.u32 v0, v8;
	v8 =	vshll.u32 v9, $0x1  }
0x94: {  	[tilespmem:$0x3D0] =	vst v7;
	v7 =	vor.u32 v0, v8;
	v8 =	vshll.u32 v10, $0x1  }
0x95: {  	[tilespmem:$0x360] =	vst v7;
	v7 =	vor.u32 v0, v8;
	v8 =	vshll.u32 v11, $0x1  }
0x96: {  	[tilespmem:$0x3E0] =	vst v7;
	v7 =	vor.u32 v0, v8;
	v8 =	vshll.u32 v37, $0x1  }
0x97: {  	[tilespmem:$0x370] =	vst v7;
	v7 =	vor.u32 v0, v8  }
0x98: {  	s2 =	simm.s32 $0x4400;
	s1 =	simm.s32 $0x300;
	[tilespmem:$0x3F0] =	vst v7  }
0x99: {  	[tilespmem:s2], [sflag:$0x3] =	stream.indirect.gather [hbm4b:s5+s22], $0x40, s1, s22, $0xb8;
	[tilespmem:$0x198D0] =	vst v63  }
0x9a: {  	s8 =	simm.s32 $0x380;
	s23 =	simm.s32 $0x6400  }
0x9b: {  	[tilespmem:s23], [sflag:$0x4] =	stream.indirect.gather [hbm4b:s6+s22], $0x40, s8, s22, $0xb8;
	[tilespmem:$0x198D0] =	vst v63  }
0x9c: {  	_ =	swait.ge [sflag:s9], $0x2000  }
0x9d: {  	[sflag:s9] =	ssyncset.done $0x0  }
0x9e: {  	[sflag:s9] =	ssyncadd.s32 $0xFFFFE000  }
0x9f: {  	_ =	swait.ge [sflag:s10], $0x2000  }
0xa0: {  	[sflag:s10] =	ssyncset.done $0x0  }
0xa1: {  	[sflag:s10] =	ssyncadd.s32 $0xFFFFE000  }
0xa2: {  	_ =	swait.ge [sflag:s11], $0x2800  }
0xa3: {  	[sflag:s11] =	ssyncset.done $0x0  }
0xa4: {  	[sflag:s11] =	ssyncadd.s32 $0xFFFFD800  }
0xa5: {  	v7 =	vld [tilespmem:$0x80]  }
0xa6: {  	v8 =	vld [tilespmem:$0x90]  }
0xa7: {  	v9 =	vld [tilespmem:$0xA0]  }
0xa8: {  	v10 =	vld [tilespmem:$0xB0]  }
0xa9: {  	v11 =	vld [tilespmem:$0xC0]  }
0xaa: {  	[tilespmem:$0x8400] =	vst v7;
	v7 =	vld [tilespmem:$0xD0]  }
0xab: {  	[tilespmem:$0x8410] =	vst v8;
	v8 =	vld [tilespmem:$0xE0]  }
0xac: {  	[tilespmem:$0x8420] =	vst v9;
	v9 =	vld [tilespmem:$0xF0]  }
0xad: {  	[tilespmem:$0x8430] =	vst v10  }
0xae: {  	[tilespmem:$0x8440] =	vst v11  }
0xaf: {  	[tilespmem:$0x8450] =	vst v7  }
0xb0: {  	[tilespmem:$0x8460] =	vst v8  }
0xb1: {  	s0 =	simm.s32 $0x2480;
	[tilespmem:$0x8470] =	vst v9  }
0xb2: {  	v7 =	vld [tilespmem:s0+$0xFFFFFF90]  }
0xb3: {  	s2 =	simm.s32 $0x480;
	v8 =	vld [tilespmem:s0+$0xFFFFFF80]  }
0xb4: {  	v9 =	vld [tilespmem:s2+$0xFFFFFF90]  }
0xb5: {  	v10 =	vld [tilespmem:s2+$0xFFFFFF80]  }
0xb6: {  	v11 =	vld [tilespmem:s0+$0xFFFFFFA0]  }
0xb7: {  	v38 =	vld [tilespmem:s2+$0xFFFFFFA0]  }
0xb8: {  	v39 =	vld [tilespmem:s0+$0xFFFFFFB0]  }
0xb9: {  	v14 =	vld [tilespmem:s2+$0xFFFFFFB0];
	_ =	sdelay $0x1  }
0xba: {  	v7 =	vadd.f32 v7, v9;
	v8 =	vadd.f32 v8, v10;
	_ =	sdelay $0x1  }
0xbb: {  	v11 =	vadd.f32 v11, v38;
	v15 =	vmul.f32 $2.000000030e-01, v7;
	v16 =	vmul.f32 $2.000000030e-01, v8  }
0xbc: {  	v13 =	vadd.f32 v39, v14  }
0xbd: {  	v40 =	vmul.f32 $2.000000030e-01, v11;
	v7 =	vmax.f32 v7, v15;
	v8 =	vmax.f32 v8, v16  }
0xbe: {  	v8 =	vmul.f32 v8, v3;
	v7 =	vmul.f32 v7, v4  }
0xbf: {  	v41 =	vmul.f32 $2.000000030e-01, v13;
	v11 =	vmax.f32 v11, v40  }
0xc0: {  	v11 =	vmul.f32 v11, v5;
	v7 =	vadd.f32 v7, v8  }
0xc1: {  	v8 =	vmax.f32 v13, v41  }
0xc2: {  	v8 =	vmul.f32 v8, v6;
	v7 =	vadd.f32 v11, v7;
	_ =	sdelay $0x1  }
0xc3: {  	v7 =	vadd.f32 v8, v7;
	_ =	sdelay $0x1  }
0xc4: {  	(xrf2) =	vadd.scan.msk.f32 $0xffff, v7;
	_ =	sdelay $0x9  }
0xc5: {  	v7, _, _ =	vpop (xrf2)  }
0xc6: {  	v7 =	vmul.f32 $1.442695020e+00, v7;
	_ =	sdelay $0x1  }
0xc7: {  	v7 =	vbroadcast v7, $0xF;
	_ =	sdelay $0x1  }
0xc8: {  	(erf) = vpow2.f32 v7;
	_ =	sdelay $0x7  }
0xc9: {  	s26 =	sadd.s32 $0x0, s13  }
0xca: {  	p0 =	slt.u32 s26, $0x50910;
	v7 =	vpop (erf)  }
0xcb: {  	v7 =	vpsel !p0, $0x0, v7  }
0xcc: {  	s26 =	simm.s32 $0x85A0;
	v8 =	vmul.f32 v7, v14;
	v11 =	vnsel vm0, $0x0, v7  }
0xcd: {  	v10 =	vmul.f32 v7, v10;
	[tilespmem:s26+$0xFFFFFFA0] =	vst v11  }
0xce: {  	v9 =	vmul.f32 v7, v9;
	[tilespmem:s26+$0xFFFFFF90] =	vst v8  }
0xcf: {  	v7 =	vmul.f32 v7, v38;
	[tilespmem:s26+$0xFFFFFF60] =	vst v10  }
0xd0: {  	[tilespmem:s26+$0xFFFFFF70] =	vst v9  }
0xd1: {  	[tilespmem:s26+$0xFFFFFF80] =	vst v7  }
0xd2: {  	v7 =	vld [tilespmem:s0+$0xFFFFFFC0]  }
0xd3: {  	v8 =	vld [tilespmem:s0+$0xFFFFFFD0]  }
0xd4: {  	v9 =	vld [tilespmem:s2+$0xFFFFFFD0]  }
0xd5: {  	v10 =	vld [tilespmem:s2+$0xFFFFFFC0]  }
0xd6: {  	v11 =	vld [tilespmem:s0+$0xFFFFFFE0]  }
0xd7: {  	v42 =	vld [tilespmem:s2+$0xFFFFFFE0]  }
0xd8: {  	v43 =	vld [tilespmem:s0+$0xFFFFFFF0]  }
0xd9: {  	v44 =	vld [tilespmem:s2+$0xFFFFFFF0];
	_ =	sdelay $0x1  }
0xda: {  	v8 =	vadd.f32 v8, v9;
	v7 =	vadd.f32 v7, v10;
	_ =	sdelay $0x1  }
0xdb: {  	v11 =	vadd.f32 v11, v42;
	v45 =	vmul.f32 $2.000000030e-01, v8;
	v46 =	vmul.f32 $2.000000030e-01, v7  }
0xdc: {  	v13 =	vadd.f32 v43, v44  }
0xdd: {  	v47 =	vmul.f32 $2.000000030e-01, v11;
	v8 =	vmax.f32 v8, v45;
	v7 =	vmax.f32 v7, v46  }
0xde: {  	v7 =	vmul.f32 v7, v3;
	v8 =	vmul.f32 v8, v4  }
0xdf: {  	v48 =	vmul.f32 $2.000000030e-01, v13;
	v11 =	vmax.f32 v11, v47  }
0xe0: {  	v11 =	vmul.f32 v11, v5;
	v7 =	vadd.f32 v8, v7  }
0xe1: {  	v8 =	vmax.f32 v13, v48  }
0xe2: {  	v8 =	vmul.f32 v8, v6;
	v7 =	vadd.f32 v11, v7;
	_ =	sdelay $0x1  }
0xe3: {  	v7 =	vadd.f32 v8, v7;
	_ =	sdelay $0x1  }
0xe4: {  	(xrf2) =	vadd.scan.msk.f32 $0xffff, v7;
	_ =	sdelay $0x9  }
0xe5: {  	v7, _, _ =	vpop (xrf2)  }
0xe6: {  	v7 =	vmul.f32 $1.442695020e+00, v7;
	_ =	sdelay $0x1  }
0xe7: {  	v7 =	vbroadcast v7, $0xF;
	_ =	sdelay $0x1  }
0xe8: {  	(erf) = vpow2.f32 v7;
	_ =	sdelay $0x8  }
0xe9: {  	v7 =	vpop (erf)  }
0xea: {  	v7 =	vpsel !p0, $0x0, v7  }
0xeb: {  	v8 =	vmul.f32 v7, v10;
	v10 =	vnsel vm0, $0x0, v7  }
0xec: {  	v9 =	vmul.f32 v7, v9;
	[tilespmem:s26+$0xFFFFFFF0] =	vst v10  }
0xed: {  	v10 =	vmul.f32 v7, v42;
	[tilespmem:s26+$0xFFFFFFB0] =	vst v8  }
0xee: {  	v7 =	vmul.f32 v7, v44;
	[tilespmem:s26+$0xFFFFFFC0] =	vst v9  }
0xef: {  	[tilespmem:s26+$0xFFFFFFD0] =	vst v10  }
0xf0: {  	[tilespmem:s26+$0xFFFFFFE0] =	vst v7  }
0xf1: {  	v7 =	vld [tilespmem:s0+$0x10]  }
0xf2: {  	v8 =	vld [tilespmem:s2+$0x0]  }
0xf3: {  	v9 =	vld [tilespmem:s0+$0x0]  }
0xf4: {  	v10 =	vld [tilespmem:s2+$0x10]  }
0xf5: {  	v11 =	vld [tilespmem:s0+$0x20]  }
0xf6: {  	v49 =	vld [tilespmem:s2+$0x20]  }
0xf7: {  	v50 =	vld [tilespmem:s0+$0x30]  }
0xf8: {  	v51 =	vld [tilespmem:s2+$0x30];
	_ =	sdelay $0x1  }
0xf9: {  	v9 =	vadd.f32 v9, v8;
	v7 =	vadd.f32 v7, v10;
	_ =	sdelay $0x1  }
0xfa: {  	v11 =	vadd.f32 v11, v49;
	v52 =	vmul.f32 $2.000000030e-01, v9;
	v53 =	vmul.f32 $2.000000030e-01, v7  }
0xfb: {  	v13 =	vadd.f32 v50, v51  }
0xfc: {  	v54 =	vmul.f32 $2.000000030e-01, v11;
	v9 =	vmax.f32 v9, v52;
	v7 =	vmax.f32 v7, v53  }
0xfd: {  	v9 =	vmul.f32 v9, v3;
	v7 =	vmul.f32 v7, v4  }
0xfe: {  	v55 =	vmul.f32 $2.000000030e-01, v13;
	v11 =	vmax.f32 v11, v54  }
0xff: {  	v11 =	vmul.f32 v11, v5;
	v7 =	vadd.f32 v7, v9  }
0x100: {  	v9 =	vmax.f32 v13, v55  }
0x101: {  	v9 =	vmul.f32 v9, v6;
	v7 =	vadd.f32 v11, v7;
	_ =	sdelay $0x1  }
0x102: {  	v7 =	vadd.f32 v9, v7;
	_ =	sdelay $0x1  }
0x103: {  	(xrf2) =	vadd.scan.msk.f32 $0xffff, v7;
	_ =	sdelay $0x9  }
0x104: {  	v7, _, _ =	vpop (xrf2)  }
0x105: {  	v7 =	vmul.f32 $1.442695020e+00, v7;
	_ =	sdelay $0x1  }
0x106: {  	v7 =	vbroadcast v7, $0xF;
	_ =	sdelay $0x1  }
0x107: {  	(erf) = vpow2.f32 v7;
	_ =	sdelay $0x8  }
0x108: {  	v7 =	vpop (erf)  }
0x109: {  	v7 =	vpsel !p0, $0x0, v7  }
0x10a: {  	v8 =	vmul.f32 v7, v8;
	v9 =	vnsel vm0, $0x0, v7  }
0x10b: {  	v10 =	vmul.f32 v7, v10;
	[tilespmem:s26+$0x40] =	vst v9  }
0x10c: {  	v9 =	vmul.f32 v7, v49;
	[tilespmem:s26+$0x0] =	vst v8  }
0x10d: {  	v7 =	vmul.f32 v7, v51;
	[tilespmem:s26+$0x10] =	vst v10  }
0x10e: {  	[tilespmem:s26+$0x20] =	vst v9  }
0x10f: {  	[tilespmem:s26+$0x30] =	vst v7  }
0x110: {  	v11 =	vld [tilespmem:s0+$0x50]  }
0x111: {  	v7 =	vld [tilespmem:s2+$0x50]  }
0x112: {  	v9 =	vld [tilespmem:s2+$0x40]  }
0x113: {  	v56 =	vld [tilespmem:s0+$0x40]  }
0x114: {  	v8 =	vld [tilespmem:s2+$0x60]  }
0x115: {  	v57 =	vld [tilespmem:s0+$0x60]  }
0x116: {  	v10 =	vld [tilespmem:s2+$0x70]  }
0x117: {  	v58 =	vld [tilespmem:s0+$0x70];
	_ =	sdelay $0x1  }
0x118: {  	v11 =	vadd.f32 v11, v7;
	v12 =	vadd.f32 v56, v9;
	_ =	sdelay $0x1  }
0x119: {  	v13 =	vadd.f32 v57, v8;
	v59 =	vmul.f32 $2.000000030e-01, v11;
	v60 =	vmul.f32 $2.000000030e-01, v12  }
0x11a: {  	v14 =	vadd.f32 v58, v10  }
0x11b: {  	v61 =	vmul.f32 $2.000000030e-01, v13;
	v11 =	vmax.f32 v11, v59;
	v12 =	vmax.f32 v12, v60  }
0x11c: {  	v11 =	vmul.f32 v11, v4;
	v12 =	vmul.f32 v12, v3  }
0x11d: {  	v62 =	vmul.f32 $2.000000030e-01, v14;
	v13 =	vmax.f32 v13, v61  }
0x11e: {  	v13 =	vmul.f32 v13, v5;
	v11 =	vadd.f32 v11, v12  }
0x11f: {  	v63 =	vmax.f32 v14, v62  }
0x120: {  	v12 =	vmul.f32 v63, v6;
	v11 =	vadd.f32 v13, v11;
	_ =	sdelay $0x1  }
0x121: {  	v11 =	vadd.f32 v12, v11;
	_ =	sdelay $0x1  }
0x122: {  	(xrf2) =	vadd.scan.msk.f32 $0xffff, v11;
	_ =	sdelay $0x8  }
0x123: {  	s1 =	simm.s32 $0x0;
	s8 =	simm.s32 $0x86E0  }
.LBB2_5:
0x124: {  	s1 =	sadd.s32 $0x4, s1;
	s0 =	sadd.s32 $0x100, s0;
	s2 =	sadd.s32 $0x100, s2;
	v11, _, _ =	vpop (xrf2)  }
0x125: {  	s23 =	sadd.s32 s13, s1;
	p1 =	slt.u32 s1, $0x7C;
	v11 =	vmul.f32 $1.442695020e+00, v11;
	_ =	sdelay $0x1  }
0x126: {  	v11 =	vbroadcast v11, $0xF;
	_ =	sdelay $0x1  }
0x127: {  	(erf) = vpow2.f32 v11;
	_ =	sdelay $0x8  }
0x128: {  	v11 =	vpop (erf)  }
0x129: {  	v11 =	vpsel !p0, $0x0, v11  }
0x12a: {  	v9 =	vmul.f32 v11, v9;
	v7 =	vmul.f32 v11, v7;
	v12 =	vnsel vm0, $0x0, v11  }
0x12b: {  	v8 =	vmul.f32 v11, v8;
	v10 =	vmul.f32 v11, v10;
	[tilespmem:s26+$0x90] =	vst v12  }
0x12c: {  	[tilespmem:s26+$0x50] =	vst v9  }
0x12d: {  	[tilespmem:s26+$0x80] =	vst v10  }
0x12e: {  	[tilespmem:s26+$0x60] =	vst v7  }
0x12f: {  	[tilespmem:s26+$0x70] =	vst v8;
	s26 =	smov.u32 s8;
	_ =	sdelay $0x1  }
0x130: {  	v7 =	vld [tilespmem:s0+$0xFFFFFF90]  }
0x131: {  	v8 =	vld [tilespmem:s0+$0xFFFFFF80]  }
0x132: {  	v9 =	vld [tilespmem:s2+$0xFFFFFF90]  }
0x133: {  	v10 =	vld [tilespmem:s2+$0xFFFFFF80]  }
0x134: {  	v11 =	vld [tilespmem:s0+$0xFFFFFFA0]  }
0x135: {  	v12 =	vld [tilespmem:s2+$0xFFFFFFA0]  }
0x136: {  	v13 =	vld [tilespmem:s0+$0xFFFFFFB0]  }
0x137: {  	v14 =	vld [tilespmem:s2+$0xFFFFFFB0];
	v7 =	vadd.f32 v7, v9  }
0x138: {  	v8 =	vadd.f32 v8, v10  }
0x139: {  	v15 =	vmul.f32 $2.000000030e-01, v7  }
0x13a: {  	v16 =	vmul.f32 $2.000000030e-01, v8;
	v11 =	vadd.f32 v11, v12  }
0x13b: {  	v7 =	vmax.f32 v7, v15  }
0x13c: {  	v8 =	vmax.f32 v8, v16;
	v15 =	vmul.f32 $2.000000030e-01, v11;
	v13 =	vadd.f32 v13, v14  }
0x13d: {  	v7 =	vmul.f32 v7, v4;
	v8 =	vmul.f32 v8, v3  }
0x13e: {  	v11 =	vmax.f32 v11, v15;
	v15 =	vmul.f32 $2.000000030e-01, v13  }
0x13f: {  	v11 =	vmul.f32 v11, v5;
	v7 =	vadd.f32 v7, v8  }
0x140: {  	v8 =	vmax.f32 v13, v15  }
0x141: {  	v8 =	vmul.f32 v8, v6;
	v7 =	vadd.f32 v11, v7;
	_ =	sdelay $0x1  }
0x142: {  	v7 =	vadd.f32 v8, v7;
	_ =	sdelay $0x1  }
0x143: {  	(xrf2) =	vadd.scan.msk.f32 $0xffff, v7;
	_ =	sdelay $0x9  }
0x144: {  	v7, _, _ =	vpop (xrf2)  }
0x145: {  	v7 =	vmul.f32 $1.442695020e+00, v7;
	_ =	sdelay $0x1  }
0x146: {  	v7 =	vbroadcast v7, $0xF;
	_ =	sdelay $0x1  }
0x147: {  	(erf) = vpow2.f32 v7;
	_ =	sdelay $0x8  }
0x148: {  	p0 =	slt.u32 s23, $0x50910;
	v7 =	vpop (erf)  }
0x149: {  	v7 =	vpsel !p0, $0x0, v7  }
0x14a: {  	v8 =	vmul.f32 v7, v10;
	v10 =	vmul.f32 v7, v14;
	v11 =	vnsel vm0, $0x0, v7  }
0x14b: {  	v9 =	vmul.f32 v7, v9;
	v7 =	vmul.f32 v7, v12;
	[tilespmem:s8+$0xFFFFFFA0] =	vst v11  }
0x14c: {  	[tilespmem:s8+$0xFFFFFF90] =	vst v10  }
0x14d: {  	[tilespmem:s8+$0xFFFFFF60] =	vst v8  }
0x14e: {  	[tilespmem:s8+$0xFFFFFF70] =	vst v9  }
0x14f: {  	[tilespmem:s8+$0xFFFFFF80] =	vst v7  }
0x150: {  	v7 =	vld [tilespmem:s0+$0xFFFFFFC0]  }
0x151: {  	v8 =	vld [tilespmem:s0+$0xFFFFFFD0]  }
0x152: {  	v9 =	vld [tilespmem:s2+$0xFFFFFFD0]  }
0x153: {  	v10 =	vld [tilespmem:s2+$0xFFFFFFC0]  }
0x154: {  	v11 =	vld [tilespmem:s0+$0xFFFFFFE0]  }
0x155: {  	v12 =	vld [tilespmem:s2+$0xFFFFFFE0]  }
0x156: {  	v13 =	vld [tilespmem:s0+$0xFFFFFFF0]  }
0x157: {  	v14 =	vld [tilespmem:s2+$0xFFFFFFF0];
	v8 =	vadd.f32 v8, v9  }
0x158: {  	v7 =	vadd.f32 v7, v10  }
0x159: {  	v15 =	vmul.f32 $2.000000030e-01, v8  }
0x15a: {  	v16 =	vmul.f32 $2.000000030e-01, v7;
	v11 =	vadd.f32 v11, v12  }
0x15b: {  	v8 =	vmax.f32 v8, v15  }
0x15c: {  	v7 =	vmax.f32 v7, v16;
	v15 =	vmul.f32 $2.000000030e-01, v11;
	v13 =	vadd.f32 v13, v14  }
0x15d: {  	v8 =	vmul.f32 v8, v4;
	v7 =	vmul.f32 v7, v3  }
0x15e: {  	v11 =	vmax.f32 v11, v15;
	v15 =	vmul.f32 $2.000000030e-01, v13  }
0x15f: {  	v11 =	vmul.f32 v11, v5;
	v7 =	vadd.f32 v8, v7  }
0x160: {  	v8 =	vmax.f32 v13, v15  }
0x161: {  	v8 =	vmul.f32 v8, v6;
	v7 =	vadd.f32 v11, v7;
	_ =	sdelay $0x1  }
0x162: {  	v7 =	vadd.f32 v8, v7;
	_ =	sdelay $0x1  }
0x163: {  	(xrf2) =	vadd.scan.msk.f32 $0xffff, v7;
	_ =	sdelay $0x9  }
0x164: {  	v7, _, _ =	vpop (xrf2)  }
0x165: {  	v7 =	vmul.f32 $1.442695020e+00, v7;
	_ =	sdelay $0x1  }
0x166: {  	v7 =	vbroadcast v7, $0xF;
	_ =	sdelay $0x1  }
0x167: {  	(erf) = vpow2.f32 v7;
	_ =	sdelay $0x8  }
0x168: {  	v7 =	vpop (erf)  }
0x169: {  	v7 =	vpsel !p0, $0x0, v7  }
0x16a: {  	v8 =	vmul.f32 v7, v10;
	v9 =	vmul.f32 v7, v9;
	v10 =	vnsel vm0, $0x0, v7  }
0x16b: {  	v11 =	vmul.f32 v7, v12;
	v7 =	vmul.f32 v7, v14;
	[tilespmem:s8+$0xFFFFFFF0] =	vst v10  }
0x16c: {  	[tilespmem:s8+$0xFFFFFFB0] =	vst v8  }
0x16d: {  	[tilespmem:s8+$0xFFFFFFC0] =	vst v9  }
0x16e: {  	[tilespmem:s8+$0xFFFFFFD0] =	vst v11  }
0x16f: {  	[tilespmem:s8+$0xFFFFFFE0] =	vst v7  }
0x170: {  	v7 =	vld [tilespmem:s0+$0x10]  }
0x171: {  	v8 =	vld [tilespmem:s2+$0x0]  }
0x172: {  	v9 =	vld [tilespmem:s0+$0x0]  }
0x173: {  	v10 =	vld [tilespmem:s2+$0x10]  }
0x174: {  	v11 =	vld [tilespmem:s0+$0x20]  }
0x175: {  	v12 =	vld [tilespmem:s2+$0x20]  }
0x176: {  	v13 =	vld [tilespmem:s0+$0x30]  }
0x177: {  	v14 =	vld [tilespmem:s2+$0x30];
	v9 =	vadd.f32 v9, v8  }
0x178: {  	v7 =	vadd.f32 v7, v10  }
0x179: {  	v15 =	vmul.f32 $2.000000030e-01, v9  }
0x17a: {  	v16 =	vmul.f32 $2.000000030e-01, v7;
	v11 =	vadd.f32 v11, v12  }
0x17b: {  	v9 =	vmax.f32 v9, v15  }
0x17c: {  	v7 =	vmax.f32 v7, v16;
	v15 =	vmul.f32 $2.000000030e-01, v11;
	v13 =	vadd.f32 v13, v14  }
0x17d: {  	v9 =	vmul.f32 v9, v3;
	v7 =	vmul.f32 v7, v4  }
0x17e: {  	v11 =	vmax.f32 v11, v15;
	v15 =	vmul.f32 $2.000000030e-01, v13  }
0x17f: {  	v11 =	vmul.f32 v11, v5;
	v7 =	vadd.f32 v7, v9  }
0x180: {  	v9 =	vmax.f32 v13, v15  }
0x181: {  	v9 =	vmul.f32 v9, v6;
	v7 =	vadd.f32 v11, v7;
	_ =	sdelay $0x1  }
0x182: {  	v7 =	vadd.f32 v9, v7;
	_ =	sdelay $0x1  }
0x183: {  	(xrf2) =	vadd.scan.msk.f32 $0xffff, v7;
	_ =	sdelay $0x9  }
0x184: {  	v7, _, _ =	vpop (xrf2)  }
0x185: {  	v7 =	vmul.f32 $1.442695020e+00, v7;
	_ =	sdelay $0x1  }
0x186: {  	v7 =	vbroadcast v7, $0xF;
	_ =	sdelay $0x1  }
0x187: {  	(erf) = vpow2.f32 v7;
	_ =	sdelay $0x8  }
0x188: {  	v7 =	vpop (erf)  }
0x189: {  	v7 =	vpsel !p0, $0x0, v7  }
0x18a: {  	v8 =	vmul.f32 v7, v8;
	v9 =	vmul.f32 v7, v10;
	v10 =	vnsel vm0, $0x0, v7  }
0x18b: {  	v11 =	vmul.f32 v7, v12;
	v7 =	vmul.f32 v7, v14;
	[tilespmem:s8+$0x40] =	vst v10  }
0x18c: {  	[tilespmem:s8+$0x0] =	vst v8  }
0x18d: {  	[tilespmem:s8+$0x10] =	vst v9  }
0x18e: {  	[tilespmem:s8+$0x20] =	vst v11  }
0x18f: {  	[tilespmem:s8+$0x30] =	vst v7  }
0x190: {  	v11 =	vld [tilespmem:s0+$0x50]  }
0x191: {  	v7 =	vld [tilespmem:s2+$0x50]  }
0x192: {  	v9 =	vld [tilespmem:s2+$0x40]  }
0x193: {  	v12 =	vld [tilespmem:s0+$0x40]  }
0x194: {  	v8 =	vld [tilespmem:s2+$0x60]  }
0x195: {  	v13 =	vld [tilespmem:s0+$0x60]  }
0x196: {  	v10 =	vld [tilespmem:s2+$0x70];
	v11 =	vadd.f32 v11, v7  }
0x197: {  	v14 =	vld [tilespmem:s0+$0x70]  }
0x198: {  	v12 =	vadd.f32 v12, v9;
	v15 =	vmul.f32 $2.000000030e-01, v11;
	_ =	sdelay $0x1  }
0x199: {  	v16 =	vmul.f32 $2.000000030e-01, v12;
	v11 =	vmax.f32 v11, v15;
	v13 =	vadd.f32 v13, v8  }
0x19a: {  	v11 =	vmul.f32 v11, v4  }
0x19b: {  	v12 =	vmax.f32 v12, v16;
	v15 =	vmul.f32 $2.000000030e-01, v13;
	v14 =	vadd.f32 v14, v10  }
0x19c: {  	v12 =	vmul.f32 v12, v3  }
0x19d: {  	v13 =	vmax.f32 v13, v15;
	v15 =	vmul.f32 $2.000000030e-01, v14  }
0x19e: {  	v13 =	vmul.f32 v13, v5;
	v11 =	vadd.f32 v11, v12  }
0x19f: {  	v12 =	vmax.f32 v14, v15  }
0x1a0: {  	v12 =	vmul.f32 v12, v6;
	v11 =	vadd.f32 v13, v11;
	_ =	sdelay $0x1  }
0x1a1: {  	v11 =	vadd.f32 v12, v11;
	_ =	sdelay $0x1  }
0x1a2: {  	(xrf2) =	vadd.scan.msk.f32 $0xffff, v11;
	_ =	sdelay $0x4  }
.Ltmp1:
0x1a3: {  	(pc) =	sbr.rel @p1 .LBB2_5-.Ltmp1, $2  }
0x1a4: {  	_ =	sdelay $0x2  }
0x1a5: {  	s8 =	sadd.s32 $0x140, s8  }
0x1a6: {  	v11, _, _ =	vpop (xrf2)  }
0x1a7: {  	v11 =	vmul.f32 $1.442695020e+00, v11;
	_ =	sdelay $0x1  }
0x1a8: {  	v11 =	vbroadcast v11, $0xF;
	_ =	sdelay $0x1  }
0x1a9: {  	(erf) = vpow2.f32 v11;
	_ =	sdelay $0x8  }
0x1aa: {  	v11 =	vpop (erf)  }
0x1ab: {  	v11 =	vpsel !p0, $0x0, v11  }
0x1ac: {  	v9 =	vmul.f32 v11, v9;
	v12 =	vnsel vm0, $0x0, v11  }
0x1ad: {  	v10 =	vmul.f32 v11, v10;
	[tilespmem:s26+$0x90] =	vst v12  }
0x1ae: {  	v7 =	vmul.f32 v11, v7;
	[tilespmem:s26+$0x50] =	vst v9  }
0x1af: {  	v8 =	vmul.f32 v11, v8;
	[tilespmem:s26+$0x80] =	vst v10  }
0x1b0: {  	[tilespmem:s26+$0x60] =	vst v7  }
0x1b1: {  	s0 =	simm.s32 $0x8400;
	[tilespmem:s26+$0x70] =	vst v8;
	s26 =	sadd.s32 s19, s12  }
0x1b2: {  	[spmem:s3] =	stream.indirect.scatter.add.f32 [tilespmem:s20], [sflag:$0x5], $0x50, s0, s22, $0xb8;
	[tilespmem:$0x198D0] =	vst v63  }
0x1b3: {  	s0 =	sshll.u32 s26, $0x5  }
0x1b4: {  	s0 =	sadd.s32 s16, s0  }
0x1b5: {  	s0 =	sadd.s32 $0x20, s0  }
0x1b6: {  	[tilespmem:s4], [sflag:$0x7] =	stream.linear.gather [hbm4b:s0+s4], $0x100, $0x38;
	[tilespmem:$0x198D0] =	vst v63  }
0x1b7: {  	_ =	swait.ge [sflag:s21], $0x100  }
0x1b8: {  	[sflag:s21] =	ssyncset.done $0x0  }
0x1b9: {  	[sflag:s21] =	ssyncadd.s32 $0xFFFFFF00  }
0x1ba: {  	v7 =	vld [tilespmem:$0x0]  }
0x1bb: {  	v8 =	vld [tilespmem:$0x80]  }
0x1bc: {  	v9 =	vld [tilespmem:$0x10]  }
0x1bd: {  	v10 =	vld [tilespmem:$0x90]  }
0x1be: {  	v11 =	vld [tilespmem:$0x20]  }
0x1bf: {  	v34 =	vld [tilespmem:$0xA0];
	v7 =	vshll.u32 v7, $0x1  }
0x1c0: {  	v13 =	vld [tilespmem:$0x30];
	v8 =	vshll.u32 v8, $0x1;
	v7 =	vor.u32 v0, v7  }
0x1c1: {  	[tilespmem:$0x200] =	vst v7;
	v7 =	vor.u32 v0, v8;
	v8 =	vshll.u32 v9, $0x1;
	v9 =	vld [tilespmem:$0xB0]  }
0x1c2: {  	[tilespmem:$0x280] =	vst v7;
	v7 =	vor.u32 v0, v8;
	v8 =	vshll.u32 v10, $0x1;
	v10 =	vld [tilespmem:$0x40]  }
0x1c3: {  	[tilespmem:$0x210] =	vst v7;
	v7 =	vor.u32 v0, v8;
	v8 =	vshll.u32 v11, $0x1;
	v11 =	vld [tilespmem:$0xC0]  }
0x1c4: {  	v35 =	vld [tilespmem:$0x50];
	[tilespmem:$0x290] =	vst v7;
	v7 =	vor.u32 v0, v8;
	v8 =	vshll.u32 v34, $0x1  }
0x1c5: {  	v36 =	vld [tilespmem:$0xD0];
	[tilespmem:$0x220] =	vst v7;
	v7 =	vor.u32 v0, v8;
	v8 =	vshll.u32 v13, $0x1  }
0x1c6: {  	[tilespmem:$0x2A0] =	vst v7;
	v7 =	vor.u32 v0, v8;
	v8 =	vshll.u32 v9, $0x1;
	v9 =	vld [tilespmem:$0x60]  }
0x1c7: {  	[tilespmem:$0x230] =	vst v7;
	v7 =	vor.u32 v0, v8;
	v8 =	vshll.u32 v10, $0x1;
	v10 =	vld [tilespmem:$0xE0]  }
0x1c8: {  	[tilespmem:$0x2B0] =	vst v7;
	v7 =	vor.u32 v0, v8;
	v8 =	vshll.u32 v11, $0x1;
	v11 =	vld [tilespmem:$0x70]  }
0x1c9: {  	v37 =	vld [tilespmem:$0xF0];
	[tilespmem:$0x240] =	vst v7;
	v7 =	vor.u32 v0, v8;
	v8 =	vshll.u32 v35, $0x1  }
0x1ca: {  	[tilespmem:$0x2C0] =	vst v7;
	v7 =	vor.u32 v0, v8;
	v8 =	vshll.u32 v36, $0x1  }
0x1cb: {  	[tilespmem:$0x250] =	vst v7;
	v7 =	vor.u32 v0, v8;
	v8 =	vshll.u32 v9, $0x1  }
0x1cc: {  	[tilespmem:$0x2D0] =	vst v7;
	v7 =	vor.u32 v0, v8;
	v8 =	vshll.u32 v10, $0x1  }
0x1cd: {  	[tilespmem:$0x260] =	vst v7;
	v7 =	vor.u32 v0, v8;
	v8 =	vshll.u32 v11, $0x1  }
0x1ce: {  	[tilespmem:$0x2E0] =	vst v7;
	v7 =	vor.u32 v0, v8;
	v8 =	vshll.u32 v37, $0x1  }
0x1cf: {  	[tilespmem:$0x270] =	vst v7;
	v7 =	vor.u32 v0, v8  }
0x1d0: {  	[tilespmem:$0x2F0] =	vst v7  }
0x1d1: {  	[tilespmem:s29], [sflag:$0x1] =	stream.indirect.gather [hbm4b:s5+s22], $0x40, s28, s22, $0xb8;
	[tilespmem:$0x198D0] =	vst v63  }
0x1d2: {  	_ = 	snop  }
0x1d3: {  	[tilespmem:s31], [sflag:$0x2] =	stream.indirect.gather [hbm4b:s6+s22], $0x40, s30, s22, $0xb8;
	[tilespmem:$0x198D0] =	vst v63  }
0x1d4: {  	_ =	swait.ge [sflag:s15], $0x2000  }
0x1d5: {  	[sflag:s15] =	ssyncset.done $0x0  }
0x1d6: {  	[sflag:s15] =	ssyncadd.s32 $0xFFFFE000  }
0x1d7: {  	_ =	swait.ge [sflag:s17], $0x2000  }
0x1d8: {  	[sflag:s17] =	ssyncset.done $0x0  }
0x1d9: {  	[sflag:s17] =	ssyncadd.s32 $0xFFFFE000  }
0x1da: {  	_ =	swait.ge [sflag:s18], $0x2800  }
0x1db: {  	[sflag:s18] =	ssyncset.done $0x0  }
0x1dc: {  	[sflag:s18] =	ssyncadd.s32 $0xFFFFD800  }
0x1dd: {  	v7 =	vld [tilespmem:$0x180]  }
0x1de: {  	v8 =	vld [tilespmem:$0x190]  }
0x1df: {  	v9 =	vld [tilespmem:$0x1A0]  }
0x1e0: {  	v10 =	vld [tilespmem:$0x1B0]  }
0x1e1: {  	v11 =	vld [tilespmem:$0x1C0]  }
0x1e2: {  	[tilespmem:$0x8480] =	vst v7;
	v7 =	vld [tilespmem:$0x1D0]  }
0x1e3: {  	[tilespmem:$0x8490] =	vst v8;
	v8 =	vld [tilespmem:$0x1E0]  }
0x1e4: {  	[tilespmem:$0x84A0] =	vst v9;
	v9 =	vld [tilespmem:$0x1F0]  }
0x1e5: {  	[tilespmem:$0x84B0] =	vst v10  }
0x1e6: {  	[tilespmem:$0x84C0] =	vst v11  }
0x1e7: {  	[tilespmem:$0x84D0] =	vst v7  }
0x1e8: {  	[tilespmem:$0x84E0] =	vst v8  }
0x1e9: {  	s0 =	simm.s32 $0x6480;
	[tilespmem:$0x84F0] =	vst v9  }
0x1ea: {  	v7 =	vld [tilespmem:s0+$0xFFFFFF90]  }
0x1eb: {  	s2 =	simm.s32 $0x4480;
	v8 =	vld [tilespmem:s0+$0xFFFFFF80]  }
0x1ec: {  	v9 =	vld [tilespmem:s2+$0xFFFFFF90]  }
0x1ed: {  	v10 =	vld [tilespmem:s2+$0xFFFFFF80]  }
0x1ee: {  	v11 =	vld [tilespmem:s0+$0xFFFFFFA0]  }
0x1ef: {  	v38 =	vld [tilespmem:s2+$0xFFFFFFA0]  }
0x1f0: {  	v39 =	vld [tilespmem:s0+$0xFFFFFFB0]  }
0x1f1: {  	v14 =	vld [tilespmem:s2+$0xFFFFFFB0];
	_ =	sdelay $0x1  }
0x1f2: {  	v7 =	vadd.f32 v7, v9;
	v8 =	vadd.f32 v8, v10;
	_ =	sdelay $0x1  }
0x1f3: {  	v11 =	vadd.f32 v11, v38;
	v15 =	vmul.f32 $2.000000030e-01, v7;
	v16 =	vmul.f32 $2.000000030e-01, v8  }
0x1f4: {  	v13 =	vadd.f32 v39, v14  }
0x1f5: {  	v40 =	vmul.f32 $2.000000030e-01, v11;
	v7 =	vmax.f32 v7, v15;
	v8 =	vmax.f32 v8, v16  }
0x1f6: {  	v8 =	vmul.f32 v8, v3;
	v7 =	vmul.f32 v7, v4  }
0x1f7: {  	v41 =	vmul.f32 $2.000000030e-01, v13;
	v11 =	vmax.f32 v11, v40  }
0x1f8: {  	v11 =	vmul.f32 v11, v5;
	v7 =	vadd.f32 v7, v8  }
0x1f9: {  	v8 =	vmax.f32 v13, v41  }
0x1fa: {  	v8 =	vmul.f32 v8, v6;
	v7 =	vadd.f32 v11, v7;
	_ =	sdelay $0x1  }
0x1fb: {  	v7 =	vadd.f32 v8, v7;
	_ =	sdelay $0x1  }
0x1fc: {  	(xrf2) =	vadd.scan.msk.f32 $0xffff, v7;
	_ =	sdelay $0x9  }
0x1fd: {  	v7, _, _ =	vpop (xrf2)  }
0x1fe: {  	v7 =	vmul.f32 $1.442695020e+00, v7;
	_ =	sdelay $0x1  }
0x1ff: {  	v7 =	vbroadcast v7, $0xF;
	_ =	sdelay $0x1  }
0x200: {  	(erf) = vpow2.f32 v7;
	_ =	sdelay $0x7  }
0x201: {  	s1 =	sadd.s32 $0x0, s7  }
0x202: {  	p0 =	slt.u32 s1, $0x50910;
	v7 =	vpop (erf)  }
0x203: {  	v7 =	vpsel !p0, $0x0, v7  }
0x204: {  	s19 =	simm.s32 $0xADA0;
	v8 =	vmul.f32 v7, v14;
	v11 =	vnsel vm0, $0x0, v7  }
0x205: {  	v10 =	vmul.f32 v7, v10;
	[tilespmem:s19+$0xFFFFFFA0] =	vst v11  }
0x206: {  	v9 =	vmul.f32 v7, v9;
	[tilespmem:s19+$0xFFFFFF90] =	vst v8  }
0x207: {  	v7 =	vmul.f32 v7, v38;
	[tilespmem:s19+$0xFFFFFF60] =	vst v10  }
0x208: {  	[tilespmem:s19+$0xFFFFFF70] =	vst v9  }
0x209: {  	[tilespmem:s19+$0xFFFFFF80] =	vst v7  }
0x20a: {  	v7 =	vld [tilespmem:s0+$0xFFFFFFC0]  }
0x20b: {  	v8 =	vld [tilespmem:s0+$0xFFFFFFD0]  }
0x20c: {  	v9 =	vld [tilespmem:s2+$0xFFFFFFD0]  }
0x20d: {  	v10 =	vld [tilespmem:s2+$0xFFFFFFC0]  }
0x20e: {  	v11 =	vld [tilespmem:s0+$0xFFFFFFE0]  }
0x20f: {  	v42 =	vld [tilespmem:s2+$0xFFFFFFE0]  }
0x210: {  	v43 =	vld [tilespmem:s0+$0xFFFFFFF0]  }
0x211: {  	v44 =	vld [tilespmem:s2+$0xFFFFFFF0];
	_ =	sdelay $0x1  }
0x212: {  	v8 =	vadd.f32 v8, v9;
	v7 =	vadd.f32 v7, v10;
	_ =	sdelay $0x1  }
0x213: {  	v11 =	vadd.f32 v11, v42;
	v45 =	vmul.f32 $2.000000030e-01, v8;
	v46 =	vmul.f32 $2.000000030e-01, v7  }
0x214: {  	v13 =	vadd.f32 v43, v44  }
0x215: {  	v47 =	vmul.f32 $2.000000030e-01, v11;
	v8 =	vmax.f32 v8, v45;
	v7 =	vmax.f32 v7, v46  }
0x216: {  	v7 =	vmul.f32 v7, v3;
	v8 =	vmul.f32 v8, v4  }
0x217: {  	v48 =	vmul.f32 $2.000000030e-01, v13;
	v11 =	vmax.f32 v11, v47  }
0x218: {  	v11 =	vmul.f32 v11, v5;
	v7 =	vadd.f32 v8, v7  }
0x219: {  	v8 =	vmax.f32 v13, v48  }
0x21a: {  	v8 =	vmul.f32 v8, v6;
	v7 =	vadd.f32 v11, v7;
	_ =	sdelay $0x1  }
0x21b: {  	v7 =	vadd.f32 v8, v7;
	_ =	sdelay $0x1  }
0x21c: {  	(xrf2) =	vadd.scan.msk.f32 $0xffff, v7;
	_ =	sdelay $0x9  }
0x21d: {  	v7, _, _ =	vpop (xrf2)  }
0x21e: {  	v7 =	vmul.f32 $1.442695020e+00, v7;
	_ =	sdelay $0x1  }
0x21f: {  	v7 =	vbroadcast v7, $0xF;
	_ =	sdelay $0x1  }
0x220: {  	(erf) = vpow2.f32 v7;
	_ =	sdelay $0x8  }
0x221: {  	v7 =	vpop (erf)  }
0x222: {  	v7 =	vpsel !p0, $0x0, v7  }
0x223: {  	v8 =	vmul.f32 v7, v10;
	v10 =	vnsel vm0, $0x0, v7  }
0x224: {  	v9 =	vmul.f32 v7, v9;
	[tilespmem:s19+$0xFFFFFFF0] =	vst v10  }
0x225: {  	v10 =	vmul.f32 v7, v42;
	[tilespmem:s19+$0xFFFFFFB0] =	vst v8  }
0x226: {  	v7 =	vmul.f32 v7, v44;
	[tilespmem:s19+$0xFFFFFFC0] =	vst v9  }
0x227: {  	[tilespmem:s19+$0xFFFFFFD0] =	vst v10  }
0x228: {  	[tilespmem:s19+$0xFFFFFFE0] =	vst v7  }
0x229: {  	v7 =	vld [tilespmem:s0+$0x10]  }
0x22a: {  	v8 =	vld [tilespmem:s2+$0x0]  }
0x22b: {  	v9 =	vld [tilespmem:s0+$0x0]  }
0x22c: {  	v10 =	vld [tilespmem:s2+$0x10]  }
0x22d: {  	v11 =	vld [tilespmem:s0+$0x20]  }
0x22e: {  	v49 =	vld [tilespmem:s2+$0x20]  }
0x22f: {  	v50 =	vld [tilespmem:s0+$0x30]  }
0x230: {  	v51 =	vld [tilespmem:s2+$0x30];
	_ =	sdelay $0x1  }
0x231: {  	v9 =	vadd.f32 v9, v8;
	v7 =	vadd.f32 v7, v10;
	_ =	sdelay $0x1  }
0x232: {  	v11 =	vadd.f32 v11, v49;
	v52 =	vmul.f32 $2.000000030e-01, v9;
	v53 =	vmul.f32 $2.000000030e-01, v7  }
0x233: {  	v13 =	vadd.f32 v50, v51  }
0x234: {  	v54 =	vmul.f32 $2.000000030e-01, v11;
	v9 =	vmax.f32 v9, v52;
	v7 =	vmax.f32 v7, v53  }
0x235: {  	v9 =	vmul.f32 v9, v3;
	v7 =	vmul.f32 v7, v4  }
0x236: {  	v55 =	vmul.f32 $2.000000030e-01, v13;
	v11 =	vmax.f32 v11, v54  }
0x237: {  	v11 =	vmul.f32 v11, v5;
	v7 =	vadd.f32 v7, v9  }
0x238: {  	v9 =	vmax.f32 v13, v55  }
0x239: {  	v9 =	vmul.f32 v9, v6;
	v7 =	vadd.f32 v11, v7;
	_ =	sdelay $0x1  }
0x23a: {  	v7 =	vadd.f32 v9, v7;
	_ =	sdelay $0x1  }
0x23b: {  	(xrf2) =	vadd.scan.msk.f32 $0xffff, v7;
	_ =	sdelay $0x9  }
0x23c: {  	v7, _, _ =	vpop (xrf2)  }
0x23d: {  	v7 =	vmul.f32 $1.442695020e+00, v7;
	_ =	sdelay $0x1  }
0x23e: {  	v7 =	vbroadcast v7, $0xF;
	_ =	sdelay $0x1  }
0x23f: {  	(erf) = vpow2.f32 v7;
	_ =	sdelay $0x8  }
0x240: {  	v7 =	vpop (erf)  }
0x241: {  	v7 =	vpsel !p0, $0x0, v7  }
0x242: {  	v8 =	vmul.f32 v7, v8;
	v9 =	vnsel vm0, $0x0, v7  }
0x243: {  	v10 =	vmul.f32 v7, v10;
	[tilespmem:s19+$0x40] =	vst v9  }
0x244: {  	v9 =	vmul.f32 v7, v49;
	[tilespmem:s19+$0x0] =	vst v8  }
0x245: {  	v7 =	vmul.f32 v7, v51;
	[tilespmem:s19+$0x10] =	vst v10  }
0x246: {  	[tilespmem:s19+$0x20] =	vst v9  }
0x247: {  	[tilespmem:s19+$0x30] =	vst v7  }
0x248: {  	v11 =	vld [tilespmem:s0+$0x50]  }
0x249: {  	v7 =	vld [tilespmem:s2+$0x50]  }
0x24a: {  	v9 =	vld [tilespmem:s2+$0x40]  }
0x24b: {  	v56 =	vld [tilespmem:s0+$0x40]  }
0x24c: {  	v8 =	vld [tilespmem:s2+$0x60]  }
0x24d: {  	v57 =	vld [tilespmem:s0+$0x60]  }
0x24e: {  	v10 =	vld [tilespmem:s2+$0x70]  }
0x24f: {  	v58 =	vld [tilespmem:s0+$0x70];
	_ =	sdelay $0x1  }
0x250: {  	v11 =	vadd.f32 v11, v7;
	v12 =	vadd.f32 v56, v9;
	_ =	sdelay $0x1  }
0x251: {  	v13 =	vadd.f32 v57, v8;
	v59 =	vmul.f32 $2.000000030e-01, v11;
	v60 =	vmul.f32 $2.000000030e-01, v12  }
0x252: {  	v14 =	vadd.f32 v58, v10  }
0x253: {  	v61 =	vmul.f32 $2.000000030e-01, v13;
	v11 =	vmax.f32 v11, v59;
	v12 =	vmax.f32 v12, v60  }
0x254: {  	v11 =	vmul.f32 v11, v4;
	v12 =	vmul.f32 v12, v3  }
0x255: {  	v62 =	vmul.f32 $2.000000030e-01, v14;
	v13 =	vmax.f32 v13, v61  }
0x256: {  	v13 =	vmul.f32 v13, v5;
	v11 =	vadd.f32 v11, v12  }
0x257: {  	v63 =	vmax.f32 v14, v62  }
0x258: {  	v12 =	vmul.f32 v63, v6;
	v11 =	vadd.f32 v13, v11;
	_ =	sdelay $0x1  }
0x259: {  	v11 =	vadd.f32 v12, v11;
	_ =	sdelay $0x1  }
0x25a: {  	(xrf2) =	vadd.scan.msk.f32 $0xffff, v11;
	_ =	sdelay $0x8  }
0x25b: {  	s8 =	simm.s32 $0xAEE0;
	s1 =	simm.s32 $0x0  }
.LBB2_7:
0x25c: {  	s1 =	sadd.s32 $0x4, s1;
	s0 =	sadd.s32 $0x100, s0;
	s2 =	sadd.s32 $0x100, s2;
	v11, _, _ =	vpop (xrf2)  }
0x25d: {  	s23 =	sadd.s32 s7, s1;
	p1 =	slt.u32 s1, $0x7C;
	v11 =	vmul.f32 $1.442695020e+00, v11;
	_ =	sdelay $0x1  }
0x25e: {  	v11 =	vbroadcast v11, $0xF;
	_ =	sdelay $0x1  }
0x25f: {  	(erf) = vpow2.f32 v11;
	_ =	sdelay $0x8  }
0x260: {  	v11 =	vpop (erf)  }
0x261: {  	v11 =	vpsel !p0, $0x0, v11  }
0x262: {  	v9 =	vmul.f32 v11, v9;
	v7 =	vmul.f32 v11, v7;
	v12 =	vnsel vm0, $0x0, v11  }
0x263: {  	v8 =	vmul.f32 v11, v8;
	v10 =	vmul.f32 v11, v10;
	[tilespmem:s19+$0x90] =	vst v12  }
0x264: {  	[tilespmem:s19+$0x50] =	vst v9  }
0x265: {  	[tilespmem:s19+$0x80] =	vst v10  }
0x266: {  	[tilespmem:s19+$0x60] =	vst v7  }
0x267: {  	[tilespmem:s19+$0x70] =	vst v8;
	s19 =	smov.u32 s8;
	_ =	sdelay $0x1  }
0x268: {  	v7 =	vld [tilespmem:s0+$0xFFFFFF90]  }
0x269: {  	v8 =	vld [tilespmem:s0+$0xFFFFFF80]  }
0x26a: {  	v9 =	vld [tilespmem:s2+$0xFFFFFF90]  }
0x26b: {  	v10 =	vld [tilespmem:s2+$0xFFFFFF80]  }
0x26c: {  	v11 =	vld [tilespmem:s0+$0xFFFFFFA0]  }
0x26d: {  	v12 =	vld [tilespmem:s2+$0xFFFFFFA0]  }
0x26e: {  	v13 =	vld [tilespmem:s0+$0xFFFFFFB0]  }
0x26f: {  	v14 =	vld [tilespmem:s2+$0xFFFFFFB0];
	v7 =	vadd.f32 v7, v9  }
0x270: {  	v8 =	vadd.f32 v8, v10  }
0x271: {  	v15 =	vmul.f32 $2.000000030e-01, v7  }
0x272: {  	v16 =	vmul.f32 $2.000000030e-01, v8;
	v11 =	vadd.f32 v11, v12  }
0x273: {  	v7 =	vmax.f32 v7, v15  }
0x274: {  	v8 =	vmax.f32 v8, v16;
	v15 =	vmul.f32 $2.000000030e-01, v11;
	v13 =	vadd.f32 v13, v14  }
0x275: {  	v7 =	vmul.f32 v7, v4;
	v8 =	vmul.f32 v8, v3  }
0x276: {  	v11 =	vmax.f32 v11, v15;
	v15 =	vmul.f32 $2.000000030e-01, v13  }
0x277: {  	v11 =	vmul.f32 v11, v5;
	v7 =	vadd.f32 v7, v8  }
0x278: {  	v8 =	vmax.f32 v13, v15  }
0x279: {  	v8 =	vmul.f32 v8, v6;
	v7 =	vadd.f32 v11, v7;
	_ =	sdelay $0x1  }
0x27a: {  	v7 =	vadd.f32 v8, v7;
	_ =	sdelay $0x1  }
0x27b: {  	(xrf2) =	vadd.scan.msk.f32 $0xffff, v7;
	_ =	sdelay $0x9  }
0x27c: {  	v7, _, _ =	vpop (xrf2)  }
0x27d: {  	v7 =	vmul.f32 $1.442695020e+00, v7;
	_ =	sdelay $0x1  }
0x27e: {  	v7 =	vbroadcast v7, $0xF;
	_ =	sdelay $0x1  }
0x27f: {  	(erf) = vpow2.f32 v7;
	_ =	sdelay $0x8  }
0x280: {  	p0 =	slt.u32 s23, $0x50910;
	v7 =	vpop (erf)  }
0x281: {  	v7 =	vpsel !p0, $0x0, v7  }
0x282: {  	v8 =	vmul.f32 v7, v10;
	v10 =	vmul.f32 v7, v14;
	v11 =	vnsel vm0, $0x0, v7  }
0x283: {  	v9 =	vmul.f32 v7, v9;
	v7 =	vmul.f32 v7, v12;
	[tilespmem:s8+$0xFFFFFFA0] =	vst v11  }
0x284: {  	[tilespmem:s8+$0xFFFFFF90] =	vst v10  }
0x285: {  	[tilespmem:s8+$0xFFFFFF60] =	vst v8  }
0x286: {  	[tilespmem:s8+$0xFFFFFF70] =	vst v9  }
0x287: {  	[tilespmem:s8+$0xFFFFFF80] =	vst v7  }
0x288: {  	v7 =	vld [tilespmem:s0+$0xFFFFFFC0]  }
0x289: {  	v8 =	vld [tilespmem:s0+$0xFFFFFFD0]  }
0x28a: {  	v9 =	vld [tilespmem:s2+$0xFFFFFFD0]  }
0x28b: {  	v10 =	vld [tilespmem:s2+$0xFFFFFFC0]  }
0x28c: {  	v11 =	vld [tilespmem:s0+$0xFFFFFFE0]  }
0x28d: {  	v12 =	vld [tilespmem:s2+$0xFFFFFFE0]  }
0x28e: {  	v13 =	vld [tilespmem:s0+$0xFFFFFFF0]  }
0x28f: {  	v14 =	vld [tilespmem:s2+$0xFFFFFFF0];
	v8 =	vadd.f32 v8, v9  }
0x290: {  	v7 =	vadd.f32 v7, v10  }
0x291: {  	v15 =	vmul.f32 $2.000000030e-01, v8  }
0x292: {  	v16 =	vmul.f32 $2.000000030e-01, v7;
	v11 =	vadd.f32 v11, v12  }
0x293: {  	v8 =	vmax.f32 v8, v15  }
0x294: {  	v7 =	vmax.f32 v7, v16;
	v15 =	vmul.f32 $2.000000030e-01, v11;
	v13 =	vadd.f32 v13, v14  }
0x295: {  	v8 =	vmul.f32 v8, v4;
	v7 =	vmul.f32 v7, v3  }
0x296: {  	v11 =	vmax.f32 v11, v15;
	v15 =	vmul.f32 $2.000000030e-01, v13  }
0x297: {  	v11 =	vmul.f32 v11, v5;
	v7 =	vadd.f32 v8, v7  }
0x298: {  	v8 =	vmax.f32 v13, v15  }
0x299: {  	v8 =	vmul.f32 v8, v6;
	v7 =	vadd.f32 v11, v7;
	_ =	sdelay $0x1  }
0x29a: {  	v7 =	vadd.f32 v8, v7;
	_ =	sdelay $0x1  }
0x29b: {  	(xrf2) =	vadd.scan.msk.f32 $0xffff, v7;
	_ =	sdelay $0x9  }
0x29c: {  	v7, _, _ =	vpop (xrf2)  }
0x29d: {  	v7 =	vmul.f32 $1.442695020e+00, v7;
	_ =	sdelay $0x1  }
0x29e: {  	v7 =	vbroadcast v7, $0xF;
	_ =	sdelay $0x1  }
0x29f: {  	(erf) = vpow2.f32 v7;
	_ =	sdelay $0x8  }
0x2a0: {  	v7 =	vpop (erf)  }
0x2a1: {  	v7 =	vpsel !p0, $0x0, v7  }
0x2a2: {  	v8 =	vmul.f32 v7, v10;
	v9 =	vmul.f32 v7, v9;
	v10 =	vnsel vm0, $0x0, v7  }
0x2a3: {  	v11 =	vmul.f32 v7, v12;
	v7 =	vmul.f32 v7, v14;
	[tilespmem:s8+$0xFFFFFFF0] =	vst v10  }
0x2a4: {  	[tilespmem:s8+$0xFFFFFFB0] =	vst v8  }
0x2a5: {  	[tilespmem:s8+$0xFFFFFFC0] =	vst v9  }
0x2a6: {  	[tilespmem:s8+$0xFFFFFFD0] =	vst v11  }
0x2a7: {  	[tilespmem:s8+$0xFFFFFFE0] =	vst v7  }
0x2a8: {  	v7 =	vld [tilespmem:s0+$0x10]  }
0x2a9: {  	v8 =	vld [tilespmem:s2+$0x0]  }
0x2aa: {  	v9 =	vld [tilespmem:s0+$0x0]  }
0x2ab: {  	v10 =	vld [tilespmem:s2+$0x10]  }
0x2ac: {  	v11 =	vld [tilespmem:s0+$0x20]  }
0x2ad: {  	v12 =	vld [tilespmem:s2+$0x20]  }
0x2ae: {  	v13 =	vld [tilespmem:s0+$0x30]  }
0x2af: {  	v14 =	vld [tilespmem:s2+$0x30];
	v9 =	vadd.f32 v9, v8  }
0x2b0: {  	v7 =	vadd.f32 v7, v10  }
0x2b1: {  	v15 =	vmul.f32 $2.000000030e-01, v9  }
0x2b2: {  	v16 =	vmul.f32 $2.000000030e-01, v7;
	v11 =	vadd.f32 v11, v12  }
0x2b3: {  	v9 =	vmax.f32 v9, v15  }
0x2b4: {  	v7 =	vmax.f32 v7, v16;
	v15 =	vmul.f32 $2.000000030e-01, v11;
	v13 =	vadd.f32 v13, v14  }
0x2b5: {  	v9 =	vmul.f32 v9, v3;
	v7 =	vmul.f32 v7, v4  }
0x2b6: {  	v11 =	vmax.f32 v11, v15;
	v15 =	vmul.f32 $2.000000030e-01, v13  }
0x2b7: {  	v11 =	vmul.f32 v11, v5;
	v7 =	vadd.f32 v7, v9  }
0x2b8: {  	v9 =	vmax.f32 v13, v15  }
0x2b9: {  	v9 =	vmul.f32 v9, v6;
	v7 =	vadd.f32 v11, v7;
	_ =	sdelay $0x1  }
0x2ba: {  	v7 =	vadd.f32 v9, v7;
	_ =	sdelay $0x1  }
0x2bb: {  	(xrf2) =	vadd.scan.msk.f32 $0xffff, v7;
	_ =	sdelay $0x9  }
0x2bc: {  	v7, _, _ =	vpop (xrf2)  }
0x2bd: {  	v7 =	vmul.f32 $1.442695020e+00, v7;
	_ =	sdelay $0x1  }
0x2be: {  	v7 =	vbroadcast v7, $0xF;
	_ =	sdelay $0x1  }
0x2bf: {  	(erf) = vpow2.f32 v7;
	_ =	sdelay $0x8  }
0x2c0: {  	v7 =	vpop (erf)  }
0x2c1: {  	v7 =	vpsel !p0, $0x0, v7  }
0x2c2: {  	v8 =	vmul.f32 v7, v8;
	v9 =	vmul.f32 v7, v10;
	v10 =	vnsel vm0, $0x0, v7  }
0x2c3: {  	v11 =	vmul.f32 v7, v12;
	v7 =	vmul.f32 v7, v14;
	[tilespmem:s8+$0x40] =	vst v10  }
0x2c4: {  	[tilespmem:s8+$0x0] =	vst v8  }
0x2c5: {  	[tilespmem:s8+$0x10] =	vst v9  }
0x2c6: {  	[tilespmem:s8+$0x20] =	vst v11  }
0x2c7: {  	[tilespmem:s8+$0x30] =	vst v7  }
0x2c8: {  	v11 =	vld [tilespmem:s0+$0x50]  }
0x2c9: {  	v7 =	vld [tilespmem:s2+$0x50]  }
0x2ca: {  	v9 =	vld [tilespmem:s2+$0x40]  }
0x2cb: {  	v12 =	vld [tilespmem:s0+$0x40]  }
0x2cc: {  	v8 =	vld [tilespmem:s2+$0x60]  }
0x2cd: {  	v13 =	vld [tilespmem:s0+$0x60]  }
0x2ce: {  	v10 =	vld [tilespmem:s2+$0x70];
	v11 =	vadd.f32 v11, v7  }
0x2cf: {  	v14 =	vld [tilespmem:s0+$0x70]  }
0x2d0: {  	v12 =	vadd.f32 v12, v9;
	v15 =	vmul.f32 $2.000000030e-01, v11;
	_ =	sdelay $0x1  }
0x2d1: {  	v16 =	vmul.f32 $2.000000030e-01, v12;
	v11 =	vmax.f32 v11, v15;
	v13 =	vadd.f32 v13, v8  }
0x2d2: {  	v11 =	vmul.f32 v11, v4  }
0x2d3: {  	v12 =	vmax.f32 v12, v16;
	v15 =	vmul.f32 $2.000000030e-01, v13;
	v14 =	vadd.f32 v14, v10  }
0x2d4: {  	v12 =	vmul.f32 v12, v3  }
0x2d5: {  	v13 =	vmax.f32 v13, v15;
	v15 =	vmul.f32 $2.000000030e-01, v14  }
0x2d6: {  	v13 =	vmul.f32 v13, v5;
	v11 =	vadd.f32 v11, v12  }
0x2d7: {  	v12 =	vmax.f32 v14, v15  }
0x2d8: {  	v12 =	vmul.f32 v12, v6;
	v11 =	vadd.f32 v13, v11;
	_ =	sdelay $0x1  }
0x2d9: {  	v11 =	vadd.f32 v12, v11;
	_ =	sdelay $0x1  }
0x2da: {  	(xrf2) =	vadd.scan.msk.f32 $0xffff, v11;
	_ =	sdelay $0x4  }
.Ltmp2:
0x2db: {  	(pc) =	sbr.rel @p1 .LBB2_7-.Ltmp2, $2  }
0x2dc: {  	_ =	sdelay $0x2  }
0x2dd: {  	s8 =	sadd.s32 $0x140, s8  }
0x2de: {  	v11, _, _ =	vpop (xrf2)  }
0x2df: {  	v11 =	vmul.f32 $1.442695020e+00, v11;
	_ =	sdelay $0x1  }
0x2e0: {  	v11 =	vbroadcast v11, $0xF;
	_ =	sdelay $0x1  }
0x2e1: {  	(erf) = vpow2.f32 v11;
	_ =	sdelay $0x8  }
0x2e2: {  	v11 =	vpop (erf)  }
0x2e3: {  	v11 =	vpsel !p0, $0x0, v11  }
0x2e4: {  	s14 =	sadd.s32 $0x1, s14;
	v9 =	vmul.f32 v11, v9;
	v12 =	vnsel vm0, $0x0, v11  }
0x2e5: {  	p0 =	sne.s32 s14, $0x52;
	v10 =	vmul.f32 v11, v10;
	[tilespmem:s19+$0x90] =	vst v12  }
.Ltmp3:
0x2e6: {  	v7 =	vmul.f32 v11, v7;
	[tilespmem:s19+$0x50] =	vst v9;
	(pc) =	sbr.rel @p0 .LBB2_4-.Ltmp3, $4  }
0x2e7: {  	v8 =	vmul.f32 v11, v8;
	[tilespmem:s19+$0x80] =	vst v10  }
0x2e8: {  	[tilespmem:s19+$0x60] =	vst v7  }
0x2e9: {  	s13 =	sadd.s32 $0x100, s13;
	s7 =	sadd.s32 $0x100, s7;
	[tilespmem:s19+$0x70] =	vst v8  }
0x2ea: {  	[spmem:s3] =	stream.indirect.scatter.add.f32 [tilespmem:s25], [sflag:$0x6], $0x50, s24, s22, $0xb8;
	[tilespmem:$0x198D0] =	vst v63  }
0x2eb: {  	_ =	swait.ge [sflag:s9], $0x2000  }
0x2ec: {  	[sflag:s9] =	ssyncset.done $0x0  }
0x2ed: {  	[sflag:s9] =	ssyncadd.s32 $0xFFFFE000  }
0x2ee: {  	_ =	swait.ge [sflag:s10], $0x2000  }
0x2ef: {  	[sflag:s10] =	ssyncset.done $0x0  }
0x2f0: {  	[sflag:s10] =	ssyncadd.s32 $0xFFFFE000  }
0x2f1: {  	_ =	swait.ge [sflag:s11], $0x2800  }
0x2f2: {  	[sflag:s11] =	ssyncset.done $0x0  }
0x2f3: {  	[sflag:s11] =	ssyncadd.s32 $0xFFFFD800  }
0x2f4: {  	_ =	swait.ge [sflag:s18], $0x2800  }
0x2f5: {  	[sflag:s18] =	ssyncset.done $0x0  }
0x2f6: {  	[sflag:s18] =	ssyncadd.s32 $0xFFFFD800  }
0x2f7: {  	s0 =	stileid.u32;
	[bflag:$0x0] =	sbarrier.arrive $0xFFFF  }
0x2f8: {  	s0 =	sshll.u32 s0, $0x6;
	s7 =	rddreg [dreg:$0x4]  }
0x2f9: {  	s0 =	sor.u32 $0x1C07, s0;
	s2 =	rddreg [dreg:$0xc];
	s1 =	sshrl.u32 s7, $0x3  }
0x2fa: {  	[hbm:s2], [sflag:s0] =	dma.local [spmem:s1], $0x186A  }
0x2fb: {  	_ =	swait.ge [sflag:s21], $0x186A  }
0x2fc: {  	s23 =	rddreg [dreg:$0xf]  }
0x2fd: {  	s26 =	rddreg [dreg:$0xd];
	s1 =	sadd.s32 $0x1, s23  }
0x2fe: {  	p0 =	sne.s32 s1, s26  }
.Ltmp4:
0x2ff: {  	_ = 	snop;
	(pc) =	sbr.rel @p0 .LBB2_1-.Ltmp4, $3  }
0x300: {  	_ =	sdelay $0x1  }
0x301: {  	[sflag:s21] =	ssyncset.done $0x0  }
0x302: {  	[sflag:s21] =	ssyncadd.s32 $0xFFFFE796  }
0x303: {  	_ =	sfence.sel $0x180000  }
0x304: {  	[bflag:$0x0] =	sbarrier.arrive $0xFFFF  }
0x305: {  	_ =	strace $0x90000047  }
0x306: {  	s0 =	stileid.u32;
	[bflag:$0x2] =	sbarrier.arrive $0xFFFF  }
0x307: {  	p0 =	sne.s32 s0, $0x0;
	s0 =	rddreg [dreg:$0x3]  }
0x308: {  	s0 =	sadd.s32 @!p0 $0x100000, s0  }
0x309: {  	[sflag:s0] =	ssyncadd.tile.s32 @!p0 $0x1;
	_ =	shalt  }
.Lfunc_end2:
_tile_overlayer_lowered:
.L_overlay_start_2:
0x30a: {  	(tag) =	ssettag $0x2  }
0x30b: {  	s0 =	rddreg [dreg:$0x0];
	s2 =	stileid.u32  }
0x30c: {  	s1 =	rddreg [dreg:$0x1];
	p0 =	sne.s32 s2, $0x0  }
0x30d: {  	s3 =	rddreg [dreg:$0x2];
	[bflag:$0x3] =	sbarrier.arrive $0xFFFF;
	s2 =	simm.s32 @!p0 $0x1C07  }
0x30e: {  	[timem:s3], [sflag:s2] =	dma.local @!p0 [hbm:s0], s1  }
0x30f: {  	s0 =	simm.s32 @!p0 $0x7  }
0x310: {  	_ =	swait.ge @!p0 [sflag:s0], s1  }
0x311: {  	s1 =	ssub.s32 @!p0 $0x0, s1;
	[sflag:s0] =	ssyncset.done @!p0 $0x0  }
0x312: {  	[sflag:s0] =	ssyncadd.s32 @!p0 s1  }
0x313: {  	[bflag:$0x3] =	sbarrier.arrive $0xFFFF  }
0x314: {  	_ =	shalt  }

</sc_bundles>
